<compile_context>
chip_gen: v7x
topology: tpu7x:2x2x1
jax: 0.10.2.dev20260603
libtpu: 0.0.44.dev20260713+nightly
codegen_flags: <defaults>
</compile_context>

<pallas_src>
import functools

import jax
import jax.numpy as jnp
from jax import lax
from jax.experimental import pallas as pl
from jax.experimental.pallas import tpu as pltpu
from jax.experimental.pallas import tpu_sc as plsc

N = 10000
E = 320000
DF = 128
C = 32
L = 6

NC = 2
NS = 16
NW = NC * NS
B = 256
EPW = 10240
CH = EPW // B
MEGA = 2
NMEGA = CH // MEGA
NH = CH // 4
E_PAD = NW * EPW
N_P = N + 112
RPT = N_P // NS

@functools.lru_cache(maxsize=None)
def _sc_kernels():
    mesh = plsc.VectorSubcoreMesh(core_axis_name="c", subcore_axis_name="s")

    @functools.partial(
        pl.kernel,
        out_type=jax.ShapeDtypeStruct((NC, N_P, C), jnp.float32),
        mesh=mesh,
        scratch_types=[
            pltpu.VMEM((CH, B), jnp.int32),
            pltpu.VMEM((CH, B), jnp.int32),
            pltpu.VMEM((MEGA * B, C), jnp.float32),
            pltpu.VMEM((MEGA * B, C), jnp.float32),
            pltpu.VMEM_SHARED((N_P, C), jnp.float32),
            pltpu.VMEM_SHARED((N_P, C), jnp.float32),
            pltpu.SemaphoreType.DMA,
            pltpu.SemaphoreType.DMA,
            pltpu.SemaphoreType.DMA,
            pltpu.SemaphoreType.DMA,
        ],
        compiler_params=pltpu.CompilerParams(use_tc_tiling_on_sc=False),
    )
    def _sc_edge_sum(g_hbm, src_hbm, dst_hbm, out_hbm, src_v, dst_v, rows_a, rows_b,
                     g_sp, acc, gsem_a, gsem_b, ssem_a, ssem_b):
        c = lax.axis_index("c")
        s = lax.axis_index("s")
        w = c * NS + s

        st1 = pltpu.async_copy(src_hbm.at[w], src_v, gsem_a)
        st2 = pltpu.async_copy(dst_hbm.at[w], dst_v, gsem_a)
        st3 = pltpu.async_copy(
            g_hbm.at[pl.ds(s * RPT, RPT)], g_sp.at[pl.ds(s * RPT, RPT)], gsem_b
        )

        zero16 = jnp.zeros((16,), jnp.float32)
        ZA = MEGA * B
        ZB = RPT - ZA

        def _zrow_a(i, _):
            rows_a[i, pl.ds(0, 16)] = zero16
            rows_a[i, pl.ds(16, 16)] = zero16
            return 0

        def _zrow_b(i, _):
            rows_b[i, pl.ds(0, 16)] = zero16
            rows_b[i, pl.ds(16, 16)] = zero16
            return 0

        lax.fori_loop(0, ZA, _zrow_a, 0)
        lax.fori_loop(0, ZB, _zrow_b, 0)
        pltpu.sync_copy(rows_a, acc.at[pl.ds(s * RPT, ZA)])
        pltpu.sync_copy(rows_b.at[pl.ds(0, ZB)], acc.at[pl.ds(s * RPT + ZA, ZB)])
        st1.wait()
        st2.wait()
        st3.wait()
        plsc.subcore_barrier()

        bufs = [
            rows_a.at[pl.ds(0, B)],
            rows_a.at[pl.ds(B, B)],
            rows_b.at[pl.ds(0, B)],
            rows_b.at[pl.ds(B, B)],
        ]
        sems = [gsem_a, gsem_b, ssem_a, ssem_b]

        def _scatter(buf, chunk, sem):
            return pltpu.async_copy(buf, acc.at[dst_v.at[chunk]], sem, add=True)

        def _quad(i, _):
            ch = [i, NH + 3 * i, NH + 3 * i + 1, NH + 3 * i + 2]
            srcs = [g_hbm, g_sp, g_sp, g_sp]
            gathers = [
                pltpu.async_copy(src.at[src_v.at[cc]], buf, sem)
                for src, cc, buf, sem in zip(srcs, ch, bufs, sems)
            ]
            order = [1, 2, 3, 0]
            scatters = []
            for j in order:
                gathers[j].wait()
                scatters.append(_scatter(bufs[j], ch[j], sems[j]))
            for d in scatters:
                d.wait()
            return 0

        lax.fori_loop(0, NH, _quad, 0)
        plsc.subcore_barrier()
        pltpu.sync_copy(acc.at[pl.ds(s * RPT, RPT)], out_hbm.at[c, pl.ds(s * RPT, RPT)])

    @functools.partial(
        pl.kernel,
        out_type=jax.ShapeDtypeStruct((NC, N_P, 16), jnp.float32),
        mesh=mesh,
        scratch_types=[
            pltpu.VMEM((CH, B), jnp.int32),
            pltpu.VMEM((B, 16), jnp.float32),
            pltpu.VMEM((RPT, 16), jnp.float32),
            pltpu.VMEM_SHARED((N_P, 16), jnp.float32),
            pltpu.SemaphoreType.DMA,
        ],
        compiler_params=pltpu.CompilerParams(use_tc_tiling_on_sc=False),
    )
    def _sc_deg(dst_hbm, out_hbm, dst_v, ones_v, z_v, acc, sem):
        c = lax.axis_index("c")
        s = lax.axis_index("s")
        w = c * NS + s

        pltpu.sync_copy(dst_hbm.at[w], dst_v)

        one16 = jnp.ones((16,), jnp.float32)
        zero16 = jnp.zeros((16,), jnp.float32)

        def _orow(i, _):
            ones_v[i, pl.ds(0, 16)] = one16
            return 0

        lax.fori_loop(0, B, _orow, 0)

        def _zrow(i, _):
            z_v[i, pl.ds(0, 16)] = zero16
            return 0

        lax.fori_loop(0, RPT, _zrow, 0)
        pltpu.sync_copy(z_v, acc.at[pl.ds(s * RPT, RPT)])
        plsc.subcore_barrier()

        def _mega(m, _):
            base = m * MEGA
            scatters = [
                pltpu.async_copy(ones_v, acc.at[dst_v.at[base + k]], sem, add=True)
                for k in range(MEGA)
            ]
            for sc in scatters:
                sc.wait()
            return 0

        lax.fori_loop(0, NMEGA, _mega, 0)
        plsc.subcore_barrier()
        pltpu.sync_copy(acc.at[pl.ds(s * RPT, RPT)], out_hbm.at[c, pl.ds(s * RPT, RPT)])

    return _sc_edge_sum, _sc_deg


def _relu(v):
    return jnp.maximum(v, 0.0)


def _dot(a, b):
    return jnp.dot(a, b, preferred_element_type=jnp.float32)


def _tc_pre_body(x_ref, d0_ref, d1_ref, wp_ref, bp_ref, w1_ref, b1_ref,
                 w2_ref, b2_ref, wg_ref, nid_ref, g_ref, dinv_ref):
    deg = d0_ref[:, 0:1] + d1_ref[:, 0:1] + 1.0
    dinv = lax.rsqrt(deg)
    h = _relu(_dot(x_ref[...], wp_ref[...]) + bp_ref[...])
    nid_ref[...] = _relu(_dot(h, w1_ref[...]) + b1_ref[...])
    h2 = _relu(_dot(h, w2_ref[...]) + b2_ref[...])
    g_ref[...] = _dot(h2, wg_ref[...]) * dinv
    dinv_ref[...] = jnp.broadcast_to(dinv, dinv_ref.shape)


def _tc_mid_body(p_ref, g_ref, dinv_ref, nid_ref, bg_ref, wfa_ref, wfb_ref,
                 bf_ref, wg_ref, out_ref):
    dinv = dinv_ref[:, 0:1]
    agg = (p_ref[0] + p_ref[1] + g_ref[...]) * dinv
    h = _relu(agg + bg_ref[...])
    hf = _relu(_dot(nid_ref[...], wfa_ref[...]) + _dot(h, wfb_ref[...]) + bf_ref[...])
    out_ref[...] = _dot(hf, wg_ref[...]) * dinv


def _tc_fin_body(p_ref, g_ref, dinv_ref, nid_ref, bg_ref, wfa_ref, wfb_ref,
                 bf_ref, wla_ref, wlb_ref, bl_ref, w2_ref, b2_ref, out_ref):
    dinv = dinv_ref[:, 0:1]
    agg = (p_ref[0] + p_ref[1] + g_ref[...]) * dinv
    h = _relu(agg + bg_ref[...])
    hf = _relu(_dot(nid_ref[...], wfa_ref[...]) + _dot(h, wfb_ref[...]) + bf_ref[...])
    hl = _relu(_dot(nid_ref[...], wla_ref[...]) + _dot(hf, wlb_ref[...]) + bl_ref[...])
    logits = _dot(hl, w2_ref[...]) + b2_ref[...]
    m = jnp.max(logits, axis=-1, keepdims=True)
    e = jnp.exp(logits - m)
    out_ref[...] = e / jnp.sum(e, axis=-1, keepdims=True)


def kernel(x, edge_index, W_pre, b_pre, W_in1, b_in1, W_in2, b_in2,
           W_gcn, b_gcn, W_fc, b_fc, W_l1, b_l1, W_l2, b_l2):
    src = edge_index[0].astype(jnp.int32)
    dst = edge_index[1].astype(jnp.int32)
    pad = jnp.full((E_PAD - E,), N, jnp.int32)
    src3 = jnp.concatenate([src, pad]).reshape(NW, CH, B)
    dst3 = jnp.concatenate([dst, pad]).reshape(NW, CH, B)

    x_p = jnp.zeros((N_P, DF), jnp.float32).at[:N].set(x)

    sc_edge_sum, sc_deg = _sc_kernels()
    degp = sc_deg(dst3)

    pre = pl.pallas_call(
        _tc_pre_body,
        out_shape=[
            jax.ShapeDtypeStruct((N_P, C), jnp.float32),
            jax.ShapeDtypeStruct((N_P, C), jnp.float32),
            jax.ShapeDtypeStruct((N_P, 8), jnp.float32),
        ],
    )
    nid, g, dinv8 = pre(
        x_p, degp[0], degp[1],
        W_pre, b_pre.reshape(1, C), W_in1, b_in1.reshape(1, C),
        W_in2, b_in2.reshape(1, C), W_gcn[0],
    )

    mid = pl.pallas_call(
        _tc_mid_body,
        out_shape=jax.ShapeDtypeStruct((N_P, C), jnp.float32),
    )
    fin = pl.pallas_call(
        _tc_fin_body,
        out_shape=jax.ShapeDtypeStruct((N_P, 2), jnp.float32),
    )

    for i in range(L):
        p = sc_edge_sum(g, src3, dst3)
        if i < L - 1:
            g = mid(
                p, g, dinv8, nid,
                b_gcn[i].reshape(1, C), W_fc[i][:C], W_fc[i][C:],
                b_fc[i].reshape(1, C), W_gcn[i + 1],
            )
        else:
            out = fin(
                p, g, dinv8, nid,
                b_gcn[i].reshape(1, C), W_fc[i][:C], W_fc[i][C:],
                b_fc[i].reshape(1, C), W_l1[:C], W_l1[C:],
                b_l1.reshape(1, C), W_l2, b_l2.reshape(1, 2),
            )
    return out[:N]

# --- scband reference (transcript-rebuilt; emitter-appended) ---
"""Pipeline reference for scband-plasgraph-9191230013449 (READ-ONLY COPY).

The authoritative reference and input builder live on the scoring server;
editing this copy changes nothing except your own understanding.
"""

import jax, jax.numpy as jnp
import numpy as np

N = 10000
E = 320000
D_FEAT = 128
C_PRE = 32
C = 32
L = 6
N_LABELS = 2


def _glorot(k, shape):
    lim = np.sqrt(6.0 / (shape[-2] + shape[-1]))
    return jax.random.uniform(k, shape, jnp.float32, -lim, lim)


def setup_inputs(seed: int = 0) -> dict:
    key = jax.random.key(seed)
    ks = jax.random.split(key, 12)
    inp = {}
    inp["x"] = jax.random.normal(ks[0], (N, D_FEAT), jnp.float32)
    inp["edge_index"] = jax.random.randint(ks[1], (2, E), 0, N)
    inp["W_pre"] = _glorot(ks[2], (D_FEAT, C_PRE))
    inp["b_pre"] = jnp.zeros((C_PRE,), jnp.float32)
    inp["W_in1"] = _glorot(ks[3], (C_PRE, C))
    inp["b_in1"] = jnp.zeros((C,), jnp.float32)
    inp["W_in2"] = _glorot(ks[4], (C_PRE, C))
    inp["b_in2"] = jnp.zeros((C,), jnp.float32)
    inp["W_gcn"] = _glorot(ks[5], (L, C, C))
    inp["b_gcn"] = jnp.zeros((L, C), jnp.float32)
    inp["W_fc"] = _glorot(ks[6], (L, 2 * C, C))
    inp["b_fc"] = jnp.zeros((L, C), jnp.float32)
    inp["W_l1"] = _glorot(ks[7], (2 * C, C))
    inp["b_l1"] = jnp.zeros((C,), jnp.float32)
    inp["W_l2"] = _glorot(ks[8], (C, N_LABELS))
    inp["b_l2"] = jnp.zeros((N_LABELS,), jnp.float32)
    return inp


def _gcn(x, src, dst, ew, W, b):
    # GCNConv: symmetric-normalized adjacency (with self loops) @ x @ W + b, then relu
    h = x @ W
    msg = h[src] * ew[:, None]
    agg = jnp.zeros_like(h).at[dst].add(msg)
    return jax.nn.relu(agg + b)


def reference(x, edge_index, W_pre, b_pre, W_in1, b_in1, W_in2, b_in2, W_gcn, b_gcn, W_fc, b_fc, W_l1, b_l1, W_l2, b_l2):
    src = edge_index[0]
    dst = edge_index[1]
    loop = jnp.arange(N, dtype=src.dtype)
    src = jnp.concatenate([src, loop])
    dst = jnp.concatenate([dst, loop])
    deg = jnp.zeros((N,), x.dtype).at[dst].add(1.0)
    dinv = jax.lax.rsqrt(deg)
    ew = dinv[src] * dinv[dst]

    h = jax.nn.relu(x @ W_pre + b_pre)                 # preproc
    node_id = jax.nn.relu(h @ W_in1 + b_in1)           # fully_connected_input_1
    h = jax.nn.relu(h @ W_in2 + b_in2)                 # fully_connected_input_2
    for i in range(L):
        # dropout layers are identity at inference
        h = _gcn(h, src, dst, ew, W_gcn[i], b_gcn[i])
        merged = jnp.concatenate([node_id, h], axis=-1)
        h = jax.nn.relu(merged @ W_fc[i] + b_fc[i])
    merged = jnp.concatenate([node_id, h], axis=-1)
    h = jax.nn.relu(merged @ W_l1 + b_l1)
    out = jax.nn.softmax(h @ W_l2 + b_l2, axis=-1)
    return out

if __name__ == "__main__":
    import jax
    _d = setup_inputs()
    print(jax.jit(kernel)(*tuple(_d.values())))

</pallas_src>

<mosaic_0001>
#map = affine_map<(d0, d1) -> (0, 0, 0)>
module attributes {stable_mosaic.version = 14 : i64} {
  func.func @_sc_deg(%arg0: i32, %arg1: i32, %arg2: memref<32x40x256xi32, #tpu.memory_space<hbm>>, %arg3: memref<2x10112x16xf32, #tpu.memory_space<hbm>>, %arg4: memref<40x256xi32, #tpu.memory_space<vmem>>, %arg5: memref<256x16xf32, #tpu.memory_space<vmem>>, %arg6: memref<632x16xf32, #tpu.memory_space<vmem>>, %arg7: memref<10112x16xf32, #tpu.memory_space<vmem_shared>>, %arg8: memref<!tpu.dma_semaphore, #tpu.memory_space<semaphore_mem>>) attributes {dimension_semantics = [#tpu.dimension_semantics<core_parallel>, #tpu.dimension_semantics<subcore_parallel>], iteration_bounds = array<i64: 2, 16>, scalar_prefetch = 0 : i64, scratch_operands = 5 : i64, tpu.core_type = #tpu.core_type<sc_vector_subcore>, window_params = [{transform_indices = #map}, {transform_indices = #map}]} {
    %mul3A = arith.constant 16 : i32
    %mul3A_0 = arith.muli %arg0, %mul3A : i32
    %add3A = arith.addi %mul3A_0, %arg1 : i32
    "tpu.region"() ({
      %run_scoped3A = tpu.sem_alloc : memref<!tpu.dma_semaphore, #tpu.memory_space<semaphore_mem>>
      %dma_start3A = arith.constant 0 : i32
      %dma_start3A_31 = arith.constant 0 : i32
      %dma_start3A_32 = tpu.memref_slice %arg2[%add3A, %dma_start3A, %dma_start3A_31] : memref<32x40x256xi32, #tpu.memory_space<hbm>> -> memref<1x40x256xi32, #tpu.memory_space<hbm>>
      %dma_start3A_33 = tpu.memref_squeeze %dma_start3A_32 : memref<1x40x256xi32, #tpu.memory_space<hbm>> -> memref<40x256xi32, #tpu.memory_space<hbm>>
      %dma_start3A_34 = arith.constant 0 : i32
      %dma_start3A_35 = arith.constant 0 : i32
      %dma_start3A_36 = tpu.memref_slice %arg2[%add3A, %dma_start3A_34, %dma_start3A_35] : memref<32x40x256xi32, #tpu.memory_space<hbm>> -> memref<1x40x256xi32, #tpu.memory_space<hbm>>
      %dma_start3A_37 = tpu.memref_squeeze %dma_start3A_36 : memref<1x40x256xi32, #tpu.memory_space<hbm>> -> memref<40x256xi32, #tpu.memory_space<hbm>>
      tpu.enqueue_dma source(%dma_start3A_37 : memref<40x256xi32, #tpu.memory_space<hbm>>) target(%arg4 : memref<40x256xi32, #tpu.memory_space<vmem>>) target_semaphore(%run_scoped3A : memref<!tpu.dma_semaphore, #tpu.memory_space<semaphore_mem>>)
      %dma_wait3A = arith.constant 0 : i32
      %dma_wait3A_38 = arith.constant 0 : i32
      %dma_wait3A_39 = tpu.memref_slice %arg2[%add3A, %dma_wait3A, %dma_wait3A_38] : memref<32x40x256xi32, #tpu.memory_space<hbm>> -> memref<1x40x256xi32, #tpu.memory_space<hbm>>
      %dma_wait3A_40 = tpu.memref_squeeze %dma_wait3A_39 : memref<1x40x256xi32, #tpu.memory_space<hbm>> -> memref<40x256xi32, #tpu.memory_space<hbm>>
      %dma_wait3A_41 = arith.constant 0 : i32
      %dma_wait3A_42 = arith.constant 0 : i32
      %dma_wait3A_43 = tpu.memref_slice %arg2[%add3A, %dma_wait3A_41, %dma_wait3A_42] : memref<32x40x256xi32, #tpu.memory_space<hbm>> -> memref<1x40x256xi32, #tpu.memory_space<hbm>>
      %dma_wait3A_44 = tpu.memref_squeeze %dma_wait3A_43 : memref<1x40x256xi32, #tpu.memory_space<hbm>> -> memref<40x256xi32, #tpu.memory_space<hbm>>
      tpu.wait_dma2 semaphore(%run_scoped3A : memref<!tpu.dma_semaphore, #tpu.memory_space<semaphore_mem>>) src(%dma_wait3A_44 : memref<40x256xi32, #tpu.memory_space<hbm>>) dst(%arg4 : memref<40x256xi32, #tpu.memory_space<vmem>>)
      tpu.yield
    }) : () -> ()
    %broadcast_in_dim3A = arith.constant 1.000000e+00 : f32
    %broadcast_in_dim3A_1 = vector.broadcast %broadcast_in_dim3A : f32 to vector<16xf32>
    %broadcast_in_dim3A_2 = arith.constant 0.000000e+00 : f32
    %broadcast_in_dim3A_3 = vector.broadcast %broadcast_in_dim3A_2 : f32 to vector<16xf32>
    %scan3A = arith.constant 0 : i32
    %scan3A_4 = arith.constant 0 : i32
    %scan3A_5 = arith.constant 256 : i32
    %scan3A_6 = arith.addi %scan3A_4, %scan3A_5 : i32
    %scan3A_7 = arith.constant 1 : i32
    %scan3A_8 = scf.for %scan3A_31 = %scan3A_4 to %scan3A_6 step %scan3A_7 iter_args(%scan3A_32 = %scan3A) -> (i32)  : i32 {
      %swap3A = arith.index_cast %scan3A_31 : i32 to index
      %swap3A_33 = arith.constant 0 : index
      %swap3A_34 = tpu.vector_load %arg5[%swap3A, %swap3A_33] {strides = array<i32>} : memref<256x16xf32, #tpu.memory_space<vmem>>, vector<1x16xf32>,
      %swap3A_35 = vector.shape_cast %swap3A_34 : vector<1x16xf32> to vector<16xf32>
      %swap3A_36 = vector.shape_cast %broadcast_in_dim3A_1 : vector<16xf32> to vector<1x16xf32>
      tpu.vector_store %arg5[%swap3A, %swap3A_33], %swap3A_36 {strides = array<i32>} : memref<256x16xf32, #tpu.memory_space<vmem>>, vector<1x16xf32>,
      %scan3A_37 = arith.constant 0 : i32
      scf.yield %scan3A_37 : i32
    }
    %scan3A_9 = arith.constant 256 : i32
    %scan3A_10 = arith.constant 0 : i32
    %scan3A_11 = arith.constant 0 : i32
    %scan3A_12 = arith.constant 632 : i32
    %scan3A_13 = arith.addi %scan3A_11, %scan3A_12 : i32
    %scan3A_14 = arith.constant 1 : i32
    %scan3A_15 = scf.for %scan3A_31 = %scan3A_11 to %scan3A_13 step %scan3A_14 iter_args(%scan3A_32 = %scan3A_10) -> (i32)  : i32 {
      %swap3A = arith.index_cast %scan3A_31 : i32 to index
      %swap3A_33 = arith.constant 0 : index
      %swap3A_34 = tpu.vector_load %arg6[%swap3A, %swap3A_33] {strides = array<i32>} : memref<632x16xf32, #tpu.memory_space<vmem>>, vector<1x16xf32>,
      %swap3A_35 = vector.shape_cast %swap3A_34 : vector<1x16xf32> to vector<16xf32>
      %swap3A_36 = vector.shape_cast %broadcast_in_dim3A_3 : vector<16xf32> to vector<1x16xf32>
      tpu.vector_store %arg6[%swap3A, %swap3A_33], %swap3A_36 {strides = array<i32>} : memref<632x16xf32, #tpu.memory_space<vmem>>, vector<1x16xf32>,
      %scan3A_37 = arith.constant 0 : i32
      scf.yield %scan3A_37 : i32
    }
    %scan3A_16 = arith.constant 632 : i32
    %mul3A_17 = arith.constant 632 : i32
    %mul3A_18 = arith.muli %arg1, %mul3A_17 : i32
    "tpu.region"() ({
      %run_scoped3A = tpu.sem_alloc : memref<!tpu.dma_semaphore, #tpu.memory_space<semaphore_mem>>
      %dma_start3A = arith.constant 0 : i32
      %dma_start3A_31 = tpu.memref_slice %arg7[%mul3A_18, %dma_start3A] : memref<10112x16xf32, #tpu.memory_space<vmem_shared>> -> memref<632x16xf32, #tpu.memory_space<vmem_shared>>
      %dma_start3A_32 = arith.constant 0 : i32
      %dma_start3A_33 = tpu.memref_slice %arg7[%mul3A_18, %dma_start3A_32] : memref<10112x16xf32, #tpu.memory_space<vmem_shared>> -> memref<632x16xf32, #tpu.memory_space<vmem_shared>>
      tpu.enqueue_dma source(%arg6 : memref<632x16xf32, #tpu.memory_space<vmem>>) target(%dma_start3A_33 : memref<632x16xf32, #tpu.memory_space<vmem_shared>>) target_semaphore(%run_scoped3A : memref<!tpu.dma_semaphore, #tpu.memory_space<semaphore_mem>>)
      %dma_wait3A = arith.constant 0 : i32
      %dma_wait3A_34 = tpu.memref_slice %arg7[%mul3A_18, %dma_wait3A] : memref<10112x16xf32, #tpu.memory_space<vmem_shared>> -> memref<632x16xf32, #tpu.memory_space<vmem_shared>>
      %dma_wait3A_35 = arith.constant 0 : i32
      %dma_wait3A_36 = tpu.memref_slice %arg7[%mul3A_18, %dma_wait3A_35] : memref<10112x16xf32, #tpu.memory_space<vmem_shared>> -> memref<632x16xf32, #tpu.memory_space<vmem_shared>>
      tpu.wait_dma2 semaphore(%run_scoped3A : memref<!tpu.dma_semaphore, #tpu.memory_space<semaphore_mem>>) src(%arg6 : memref<632x16xf32, #tpu.memory_space<vmem>>) dst(%dma_wait3A_36 : memref<632x16xf32, #tpu.memory_space<vmem_shared>>)
      tpu.yield
    }) : () -> ()
    %barrier3A = arith.constant 0 : index
    tpu.barrier barrier_id(%barrier3A)
    %scan3A_19 = arith.constant 0 : i32
    %scan3A_20 = arith.constant 0 : i32
    %scan3A_21 = arith.constant 20 : i32
    %scan3A_22 = arith.addi %scan3A_20, %scan3A_21 : i32
    %scan3A_23 = arith.constant 1 : i32
    %scan3A_24 = scf.for %scan3A_31 = %scan3A_20 to %scan3A_22 step %scan3A_23 iter_args(%scan3A_32 = %scan3A_19) -> (i32)  : i32 {
      %mul3A_33 = arith.constant 2 : i32
      %mul3A_34 = arith.muli %scan3A_31, %mul3A_33 : i32
      %add3A_35 = arith.constant 0 : i32
      %add3A_36 = arith.addi %mul3A_34, %add3A_35 : i32
      %dma_start3A = arith.constant 0 : i32
      %dma_start3A_37 = tpu.memref_slice %arg4[%add3A_36, %dma_start3A] : memref<40x256xi32, #tpu.memory_space<vmem>> -> memref<1x256xi32, #tpu.memory_space<vmem>>
      %dma_start3A_38 = tpu.memref_squeeze %dma_start3A_37 : memref<1x256xi32, #tpu.memory_space<vmem>> -> memref<256xi32, #tpu.memory_space<vmem>>
      %dma_start3A_39 = arith.constant 0 : i32
      %dma_start3A_40 = arith.constant 0 : i32
      %dma_start3A_41 = tpu.memref_slice %arg7[%dma_start3A_39, %dma_start3A_40] : memref<10112x16xf32, #tpu.memory_space<vmem_shared>> -> memref<10112x16xf32, #tpu.memory_space<vmem_shared>>
      tpu.enqueue_indirect_dma source(%arg5 : memref<256x16xf32, #tpu.memory_space<vmem>>) target(%dma_start3A_41 : memref<10112x16xf32, #tpu.memory_space<vmem_shared>>) offsets(%dma_start3A_38 : memref<256xi32, #tpu.memory_space<vmem>>) semaphore(%arg8 : memref<!tpu.dma_semaphore, #tpu.memory_space<semaphore_mem>>) {add = true}
      %add3A_42 = arith.constant 1 : i32
      %add3A_43 = arith.addi %mul3A_34, %add3A_42 : i32
      %dma_start3A_44 = arith.constant 0 : i32
      %dma_start3A_45 = tpu.memref_slice %arg4[%add3A_43, %dma_start3A_44] : memref<40x256xi32, #tpu.memory_space<vmem>> -> memref<1x256xi32, #tpu.memory_space<vmem>>
      %dma_start3A_46 = tpu.memref_squeeze %dma_start3A_45 : memref<1x256xi32, #tpu.memory_space<vmem>> -> memref<256xi32, #tpu.memory_space<vmem>>
      %dma_start3A_47 = arith.constant 0 : i32
      %dma_start3A_48 = arith.constant 0 : i32
      %dma_start3A_49 = tpu.memref_slice %arg7[%dma_start3A_47, %dma_start3A_48] : memref<10112x16xf32, #tpu.memory_space<vmem_shared>> -> memref<10112x16xf32, #tpu.memory_space<vmem_shared>>
      tpu.enqueue_indirect_dma source(%arg5 : memref<256x16xf32, #tpu.memory_space<vmem>>) target(%dma_start3A_49 : memref<10112x16xf32, #tpu.memory_space<vmem_shared>>) offsets(%dma_start3A_46 : memref<256xi32, #tpu.memory_space<vmem>>) semaphore(%arg8 : memref<!tpu.dma_semaphore, #tpu.memory_space<semaphore_mem>>) {add = true}
      %dma_wait3A = arith.constant 0 : i32
      %dma_wait3A_50 = tpu.memref_slice %arg4[%add3A_36, %dma_wait3A] : memref<40x256xi32, #tpu.memory_space<vmem>> -> memref<1x256xi32, #tpu.memory_space<vmem>>
      %dma_wait3A_51 = tpu.memref_squeeze %dma_wait3A_50 : memref<1x256xi32, #tpu.memory_space<vmem>> -> memref<256xi32, #tpu.memory_space<vmem>>
      %dma_wait3A_52 = arith.constant 0 : i32
      %dma_wait3A_53 = arith.constant 0 : i32
      %dma_wait3A_54 = tpu.memref_slice %arg7[%dma_wait3A_52, %dma_wait3A_53] : memref<10112x16xf32, #tpu.memory_space<vmem_shared>> -> memref<10112x16xf32, #tpu.memory_space<vmem_shared>>
      tpu.wait_indirect_dma semaphore(%arg8 : memref<!tpu.dma_semaphore, #tpu.memory_space<semaphore_mem>>) src(%arg5 : memref<256x16xf32, #tpu.memory_space<vmem>>) dst(%dma_wait3A_54 : memref<10112x16xf32, #tpu.memory_space<vmem_shared>>)
      %dma_wait3A_55 = arith.constant 0 : i32
      %dma_wait3A_56 = tpu.memref_slice %arg4[%add3A_43, %dma_wait3A_55] : memref<40x256xi32, #tpu.memory_space<vmem>> -> memref<1x256xi32, #tpu.memory_space<vmem>>
      %dma_wait3A_57 = tpu.memref_squeeze %dma_wait3A_56 : memref<1x256xi32, #tpu.memory_space<vmem>> -> memref<256xi32, #tpu.memory_space<vmem>>
      %dma_wait3A_58 = arith.constant 0 : i32
      %dma_wait3A_59 = arith.constant 0 : i32
      %dma_wait3A_60 = tpu.memref_slice %arg7[%dma_wait3A_58, %dma_wait3A_59] : memref<10112x16xf32, #tpu.memory_space<vmem_shared>> -> memref<10112x16xf32, #tpu.memory_space<vmem_shared>>
      tpu.wait_indirect_dma semaphore(%arg8 : memref<!tpu.dma_semaphore, #tpu.memory_space<semaphore_mem>>) src(%arg5 : memref<256x16xf32, #tpu.memory_space<vmem>>) dst(%dma_wait3A_60 : memref<10112x16xf32, #tpu.memory_space<vmem_shared>>)
      %scan3A_61 = arith.constant 0 : i32
      scf.yield %scan3A_61 : i32
    }
    %scan3A_25 = arith.constant 20 : i32
    %barrier3A_26 = arith.constant 0 : index
    tpu.barrier barrier_id(%barrier3A_26)
    %mul3A_27 = arith.constant 632 : i32
    %mul3A_28 = arith.muli %arg1, %mul3A_27 : i32
    %mul3A_29 = arith.constant 632 : i32
    %mul3A_30 = arith.muli %arg1, %mul3A_29 : i32
    "tpu.region"() ({
      %run_scoped3A = tpu.sem_alloc : memref<!tpu.dma_semaphore, #tpu.memory_space<semaphore_mem>>
      %dma_start3A = arith.constant 0 : i32
      %dma_start3A_31 = tpu.memref_slice %arg3[%arg0, %mul3A_30, %dma_start3A] : memref<2x10112x16xf32, #tpu.memory_space<hbm>> -> memref<1x632x16xf32, #tpu.memory_space<hbm>>
      %dma_start3A_32 = tpu.memref_squeeze %dma_start3A_31 : memref<1x632x16xf32, #tpu.memory_space<hbm>> -> memref<632x16xf32, #tpu.memory_space<hbm>>
      %dma_start3A_33 = arith.constant 0 : i32
      %dma_start3A_34 = tpu.memref_slice %arg7[%mul3A_28, %dma_start3A_33] : memref<10112x16xf32, #tpu.memory_space<vmem_shared>> -> memref<632x16xf32, #tpu.memory_space<vmem_shared>>
      tpu.enqueue_dma source(%dma_start3A_34 : memref<632x16xf32, #tpu.memory_space<vmem_shared>>) target(%dma_start3A_32 : memref<632x16xf32, #tpu.memory_space<hbm>>) target_semaphore(%run_scoped3A : memref<!tpu.dma_semaphore, #tpu.memory_space<semaphore_mem>>)
      %dma_wait3A = arith.constant 0 : i32
      %dma_wait3A_35 = tpu.memref_slice %arg3[%arg0, %mul3A_30, %dma_wait3A] : memref<2x10112x16xf32, #tpu.memory_space<hbm>> -> memref<1x632x16xf32, #tpu.memory_space<hbm>>
      %dma_wait3A_36 = tpu.memref_squeeze %dma_wait3A_35 : memref<1x632x16xf32, #tpu.memory_space<hbm>> -> memref<632x16xf32, #tpu.memory_space<hbm>>
      %dma_wait3A_37 = arith.constant 0 : i32
      %dma_wait3A_38 = tpu.memref_slice %arg7[%mul3A_28, %dma_wait3A_37] : memref<10112x16xf32, #tpu.memory_space<vmem_shared>> -> memref<632x16xf32, #tpu.memory_space<vmem_shared>>
      tpu.wait_dma2 semaphore(%run_scoped3A : memref<!tpu.dma_semaphore, #tpu.memory_space<semaphore_mem>>) src(%dma_wait3A_38 : memref<632x16xf32, #tpu.memory_space<vmem_shared>>) dst(%dma_wait3A_36 : memref<632x16xf32, #tpu.memory_space<hbm>>)
      tpu.yield
    }) : () -> ()
    return
  }
}

#map = affine_map<(d0, d1) -> (0, 0)>
#map1 = affine_map<(d0, d1) -> (0, 0, 0)>
module attributes {stable_mosaic.version = 14 : i64} {
  func.func @_sc_edge_sum(%arg0: i32, %arg1: i32, %arg2: memref<10112x32xf32, #tpu.memory_space<hbm>>, %arg3: memref<32x40x256xi32, #tpu.memory_space<hbm>>, %arg4: memref<32x40x256xi32, #tpu.memory_space<hbm>>, %arg5: memref<2x10112x32xf32, #tpu.memory_space<hbm>>, %arg6: memref<40x256xi32, #tpu.memory_space<vmem>>, %arg7: memref<40x256xi32, #tpu.memory_space<vmem>>, %arg8: memref<512x32xf32, #tpu.memory_space<vmem>>, %arg9: memref<512x32xf32, #tpu.memory_space<vmem>>, %arg10: memref<10112x32xf32, #tpu.memory_space<vmem_shared>>, %arg11: memref<10112x32xf32, #tpu.memory_space<vmem_shared>>, %arg12: memref<!tpu.dma_semaphore, #tpu.memory_space<semaphore_mem>>, %arg13: memref<!tpu.dma_semaphore, #tpu.memory_space<semaphore_mem>>, %arg14: memref<!tpu.dma_semaphore, #tpu.memory_space<semaphore_mem>>, %arg15: memref<!tpu.dma_semaphore, #tpu.memory_space<semaphore_mem>>) attributes {dimension_semantics = [#tpu.dimension_semantics<core_parallel>, #tpu.dimension_semantics<subcore_parallel>], iteration_bounds = array<i64: 2, 16>, scalar_prefetch = 0 : i64, scratch_operands = 10 : i64, tpu.core_type = #tpu.core_type<sc_vector_subcore>, window_params = [{transform_indices = #map}, {transform_indices = #map1}, {transform_indices = #map1}, {transform_indices = #map1}]} {
    %mul3A = arith.constant 16 : i32
    %mul3A_0 = arith.muli %arg0, %mul3A : i32
    %add3A = arith.addi %mul3A_0, %arg1 : i32
    %dma_start3A = arith.constant 0 : i32
    %dma_start3A_1 = arith.constant 0 : i32
    %dma_start3A_2 = tpu.memref_slice %arg3[%add3A, %dma_start3A, %dma_start3A_1] : memref<32x40x256xi32, #tpu.memory_space<hbm>> -> memref<1x40x256xi32, #tpu.memory_space<hbm>>
    %dma_start3A_3 = tpu.memref_squeeze %dma_start3A_2 : memref<1x40x256xi32, #tpu.memory_space<hbm>> -> memref<40x256xi32, #tpu.memory_space<hbm>>
    %dma_start3A_4 = arith.constant 0 : i32
    %dma_start3A_5 = arith.constant 0 : i32
    %dma_start3A_6 = tpu.memref_slice %arg3[%add3A, %dma_start3A_4, %dma_start3A_5] : memref<32x40x256xi32, #tpu.memory_space<hbm>> -> memref<1x40x256xi32, #tpu.memory_space<hbm>>
    %dma_start3A_7 = tpu.memref_squeeze %dma_start3A_6 : memref<1x40x256xi32, #tpu.memory_space<hbm>> -> memref<40x256xi32, #tpu.memory_space<hbm>>
    tpu.enqueue_dma source(%dma_start3A_7 : memref<40x256xi32, #tpu.memory_space<hbm>>) target(%arg6 : memref<40x256xi32, #tpu.memory_space<vmem>>) target_semaphore(%arg12 : memref<!tpu.dma_semaphore, #tpu.memory_space<semaphore_mem>>)
    %dma_start3A_8 = arith.constant 0 : i32
    %dma_start3A_9 = arith.constant 0 : i32
    %dma_start3A_10 = tpu.memref_slice %arg4[%add3A, %dma_start3A_8, %dma_start3A_9] : memref<32x40x256xi32, #tpu.memory_space<hbm>> -> memref<1x40x256xi32, #tpu.memory_space<hbm>>
    %dma_start3A_11 = tpu.memref_squeeze %dma_start3A_10 : memref<1x40x256xi32, #tpu.memory_space<hbm>> -> memref<40x256xi32, #tpu.memory_space<hbm>>
    %dma_start3A_12 = arith.constant 0 : i32
    %dma_start3A_13 = arith.constant 0 : i32
    %dma_start3A_14 = tpu.memref_slice %arg4[%add3A, %dma_start3A_12, %dma_start3A_13] : memref<32x40x256xi32, #tpu.memory_space<hbm>> -> memref<1x40x256xi32, #tpu.memory_space<hbm>>
    %dma_start3A_15 = tpu.memref_squeeze %dma_start3A_14 : memref<1x40x256xi32, #tpu.memory_space<hbm>> -> memref<40x256xi32, #tpu.memory_space<hbm>>
    tpu.enqueue_dma source(%dma_start3A_15 : memref<40x256xi32, #tpu.memory_space<hbm>>) target(%arg7 : memref<40x256xi32, #tpu.memory_space<vmem>>) target_semaphore(%arg12 : memref<!tpu.dma_semaphore, #tpu.memory_space<semaphore_mem>>)
    %mul3A_16 = arith.constant 632 : i32
    %mul3A_17 = arith.muli %arg1, %mul3A_16 : i32
    %mul3A_18 = arith.constant 632 : i32
    %mul3A_19 = arith.muli %arg1, %mul3A_18 : i32
    %dma_start3A_20 = arith.constant 0 : i32
    %dma_start3A_21 = tpu.memref_slice %arg10[%mul3A_19, %dma_start3A_20] : memref<10112x32xf32, #tpu.memory_space<vmem_shared>> -> memref<632x32xf32, #tpu.memory_space<vmem_shared>>
    %dma_start3A_22 = arith.constant 0 : i32
    %dma_start3A_23 = tpu.memref_slice %arg2[%mul3A_17, %dma_start3A_22] : memref<10112x32xf32, #tpu.memory_space<hbm>> -> memref<632x32xf32, #tpu.memory_space<hbm>>
    tpu.enqueue_dma source(%dma_start3A_23 : memref<632x32xf32, #tpu.memory_space<hbm>>) target(%dma_start3A_21 : memref<632x32xf32, #tpu.memory_space<vmem_shared>>) target_semaphore(%arg13 : memref<!tpu.dma_semaphore, #tpu.memory_space<semaphore_mem>>)
    %broadcast_in_dim3A = arith.constant 0.000000e+00 : f32
    %broadcast_in_dim3A_24 = vector.broadcast %broadcast_in_dim3A : f32 to vector<16xf32>
    %scan3A = arith.constant 0 : i32
    %scan3A_25 = arith.constant 0 : i32
    %scan3A_26 = arith.constant 512 : i32
    %scan3A_27 = arith.addi %scan3A_25, %scan3A_26 : i32
    %scan3A_28 = arith.constant 1 : i32
    %scan3A_29 = scf.for %scan3A_75 = %scan3A_25 to %scan3A_27 step %scan3A_28 iter_args(%scan3A_76 = %scan3A) -> (i32)  : i32 {
      %swap3A = arith.index_cast %scan3A_75 : i32 to index
      %swap3A_77 = arith.constant 0 : index
      %swap3A_78 = tpu.vector_load %arg8[%swap3A, %swap3A_77] {strides = array<i32>} : memref<512x32xf32, #tpu.memory_space<vmem>>, vector<1x16xf32>,
      %swap3A_79 = vector.shape_cast %swap3A_78 : vector<1x16xf32> to vector<16xf32>
      %swap3A_80 = vector.shape_cast %broadcast_in_dim3A_24 : vector<16xf32> to vector<1x16xf32>
      tpu.vector_store %arg8[%swap3A, %swap3A_77], %swap3A_80 {strides = array<i32>} : memref<512x32xf32, #tpu.memory_space<vmem>>, vector<1x16xf32>,
      %swap3A_81 = arith.index_cast %scan3A_75 : i32 to index
      %swap3A_82 = arith.constant 16 : index
      %swap3A_83 = tpu.vector_load %arg8[%swap3A_81, %swap3A_82] {strides = array<i32>} : memref<512x32xf32, #tpu.memory_space<vmem>>, vector<1x16xf32>,
      %swap3A_84 = vector.shape_cast %swap3A_83 : vector<1x16xf32> to vector<16xf32>
      %swap3A_85 = vector.shape_cast %broadcast_in_dim3A_24 : vector<16xf32> to vector<1x16xf32>
      tpu.vector_store %arg8[%swap3A_81, %swap3A_82], %swap3A_85 {strides = array<i32>} : memref<512x32xf32, #tpu.memory_space<vmem>>, vector<1x16xf32>,
      %scan3A_86 = arith.constant 0 : i32
      scf.yield %scan3A_86 : i32
    }
    %scan3A_30 = arith.constant 512 : i32
    %scan3A_31 = arith.constant 0 : i32
    %scan3A_32 = arith.constant 0 : i32
    %scan3A_33 = arith.constant 120 : i32
    %scan3A_34 = arith.addi %scan3A_32, %scan3A_33 : i32
    %scan3A_35 = arith.constant 1 : i32
    %scan3A_36 = scf.for %scan3A_75 = %scan3A_32 to %scan3A_34 step %scan3A_35 iter_args(%scan3A_76 = %scan3A_31) -> (i32)  : i32 {
      %swap3A = arith.index_cast %scan3A_75 : i32 to index
      %swap3A_77 = arith.constant 0 : index
      %swap3A_78 = tpu.vector_load %arg9[%swap3A, %swap3A_77] {strides = array<i32>} : memref<512x32xf32, #tpu.memory_space<vmem>>, vector<1x16xf32>,
      %swap3A_79 = vector.shape_cast %swap3A_78 : vector<1x16xf32> to vector<16xf32>
      %swap3A_80 = vector.shape_cast %broadcast_in_dim3A_24 : vector<16xf32> to vector<1x16xf32>
      tpu.vector_store %arg9[%swap3A, %swap3A_77], %swap3A_80 {strides = array<i32>} : memref<512x32xf32, #tpu.memory_space<vmem>>, vector<1x16xf32>,
      %swap3A_81 = arith.index_cast %scan3A_75 : i32 to index
      %swap3A_82 = arith.constant 16 : index
      %swap3A_83 = tpu.vector_load %arg9[%swap3A_81, %swap3A_82] {strides = array<i32>} : memref<512x32xf32, #tpu.memory_space<vmem>>, vector<1x16xf32>,
      %swap3A_84 = vector.shape_cast %swap3A_83 : vector<1x16xf32> to vector<16xf32>
      %swap3A_85 = vector.shape_cast %broadcast_in_dim3A_24 : vector<16xf32> to vector<1x16xf32>
      tpu.vector_store %arg9[%swap3A_81, %swap3A_82], %swap3A_85 {strides = array<i32>} : memref<512x32xf32, #tpu.memory_space<vmem>>, vector<1x16xf32>,
      %scan3A_86 = arith.constant 0 : i32
      scf.yield %scan3A_86 : i32
    }
    %scan3A_37 = arith.constant 120 : i32
    %mul3A_38 = arith.constant 632 : i32
    %mul3A_39 = arith.muli %arg1, %mul3A_38 : i32
    "tpu.region"() ({
      %run_scoped3A = tpu.sem_alloc : memref<!tpu.dma_semaphore, #tpu.memory_space<semaphore_mem>>
      %dma_start3A_75 = arith.constant 0 : i32
      %dma_start3A_76 = tpu.memref_slice %arg11[%mul3A_39, %dma_start3A_75] : memref<10112x32xf32, #tpu.memory_space<vmem_shared>> -> memref<512x32xf32, #tpu.memory_space<vmem_shared>>
      %dma_start3A_77 = arith.constant 0 : i32
      %dma_start3A_78 = tpu.memref_slice %arg11[%mul3A_39, %dma_start3A_77] : memref<10112x32xf32, #tpu.memory_space<vmem_shared>> -> memref<512x32xf32, #tpu.memory_space<vmem_shared>>
      tpu.enqueue_dma source(%arg8 : memref<512x32xf32, #tpu.memory_space<vmem>>) target(%dma_start3A_78 : memref<512x32xf32, #tpu.memory_space<vmem_shared>>) target_semaphore(%run_scoped3A : memref<!tpu.dma_semaphore, #tpu.memory_space<semaphore_mem>>)
      %dma_wait3A_79 = arith.constant 0 : i32
      %dma_wait3A_80 = tpu.memref_slice %arg11[%mul3A_39, %dma_wait3A_79] : memref<10112x32xf32, #tpu.memory_space<vmem_shared>> -> memref<512x32xf32, #tpu.memory_space<vmem_shared>>
      %dma_wait3A_81 = arith.constant 0 : i32
      %dma_wait3A_82 = tpu.memref_slice %arg11[%mul3A_39, %dma_wait3A_81] : memref<10112x32xf32, #tpu.memory_space<vmem_shared>> -> memref<512x32xf32, #tpu.memory_space<vmem_shared>>
      tpu.wait_dma2 semaphore(%run_scoped3A : memref<!tpu.dma_semaphore, #tpu.memory_space<semaphore_mem>>) src(%arg8 : memref<512x32xf32, #tpu.memory_space<vmem>>) dst(%dma_wait3A_82 : memref<512x32xf32, #tpu.memory_space<vmem_shared>>)
      tpu.yield
    }) : () -> ()
    %mul3A_40 = arith.constant 632 : i32
    %mul3A_41 = arith.muli %arg1, %mul3A_40 : i32
    %add3A_42 = arith.constant 512 : i32
    %add3A_43 = arith.addi %mul3A_41, %add3A_42 : i32
    "tpu.region"() ({
      %run_scoped3A = tpu.sem_alloc : memref<!tpu.dma_semaphore, #tpu.memory_space<semaphore_mem>>
      %dma_start3A_75 = arith.constant 0 : i32
      %dma_start3A_76 = arith.constant 0 : i32
      %dma_start3A_77 = tpu.memref_slice %arg9[%dma_start3A_75, %dma_start3A_76] : memref<512x32xf32, #tpu.memory_space<vmem>> -> memref<120x32xf32, #tpu.memory_space<vmem>>
      %dma_start3A_78 = arith.constant 0 : i32
      %dma_start3A_79 = tpu.memref_slice %arg11[%add3A_43, %dma_start3A_78] : memref<10112x32xf32, #tpu.memory_space<vmem_shared>> -> memref<120x32xf32, #tpu.memory_space<vmem_shared>>
      %dma_start3A_80 = arith.constant 0 : i32
      %dma_start3A_81 = tpu.memref_slice %arg11[%add3A_43, %dma_start3A_80] : memref<10112x32xf32, #tpu.memory_space<vmem_shared>> -> memref<120x32xf32, #tpu.memory_space<vmem_shared>>
      %dma_start3A_82 = arith.constant 0 : i32
      %dma_start3A_83 = arith.constant 0 : i32
      %dma_start3A_84 = tpu.memref_slice %arg9[%dma_start3A_82, %dma_start3A_83] : memref<512x32xf32, #tpu.memory_space<vmem>> -> memref<120x32xf32, #tpu.memory_space<vmem>>
      tpu.enqueue_dma source(%dma_start3A_84 : memref<120x32xf32, #tpu.memory_space<vmem>>) target(%dma_start3A_81 : memref<120x32xf32, #tpu.memory_space<vmem_shared>>) target_semaphore(%run_scoped3A : memref<!tpu.dma_semaphore, #tpu.memory_space<semaphore_mem>>)
      %dma_wait3A_85 = arith.constant 0 : i32
      %dma_wait3A_86 = arith.constant 0 : i32
      %dma_wait3A_87 = tpu.memref_slice %arg9[%dma_wait3A_85, %dma_wait3A_86] : memref<512x32xf32, #tpu.memory_space<vmem>> -> memref<120x32xf32, #tpu.memory_space<vmem>>
      %dma_wait3A_88 = arith.constant 0 : i32
      %dma_wait3A_89 = tpu.memref_slice %arg11[%add3A_43, %dma_wait3A_88] : memref<10112x32xf32, #tpu.memory_space<vmem_shared>> -> memref<120x32xf32, #tpu.memory_space<vmem_shared>>
      %dma_wait3A_90 = arith.constant 0 : i32
      %dma_wait3A_91 = tpu.memref_slice %arg11[%add3A_43, %dma_wait3A_90] : memref<10112x32xf32, #tpu.memory_space<vmem_shared>> -> memref<120x32xf32, #tpu.memory_space<vmem_shared>>
      %dma_wait3A_92 = arith.constant 0 : i32
      %dma_wait3A_93 = arith.constant 0 : i32
      %dma_wait3A_94 = tpu.memref_slice %arg9[%dma_wait3A_92, %dma_wait3A_93] : memref<512x32xf32, #tpu.memory_space<vmem>> -> memref<120x32xf32, #tpu.memory_space<vmem>>
      tpu.wait_dma2 semaphore(%run_scoped3A : memref<!tpu.dma_semaphore, #tpu.memory_space<semaphore_mem>>) src(%dma_wait3A_94 : memref<120x32xf32, #tpu.memory_space<vmem>>) dst(%dma_wait3A_91 : memref<120x32xf32, #tpu.memory_space<vmem_shared>>)
      tpu.yield
    }) : () -> ()
    %dma_wait3A = arith.constant 0 : i32
    %dma_wait3A_44 = arith.constant 0 : i32
    %dma_wait3A_45 = tpu.memref_slice %arg3[%add3A, %dma_wait3A, %dma_wait3A_44] : memref<32x40x256xi32, #tpu.memory_space<hbm>> -> memref<1x40x256xi32, #tpu.memory_space<hbm>>
    %dma_wait3A_46 = tpu.memref_squeeze %dma_wait3A_45 : memref<1x40x256xi32, #tpu.memory_space<hbm>> -> memref<40x256xi32, #tpu.memory_space<hbm>>
    %dma_wait3A_47 = arith.constant 0 : i32
    %dma_wait3A_48 = arith.constant 0 : i32
    %dma_wait3A_49 = tpu.memref_slice %arg3[%add3A, %dma_wait3A_47, %dma_wait3A_48] : memref<32x40x256xi32, #tpu.memory_space<hbm>> -> memref<1x40x256xi32, #tpu.memory_space<hbm>>
    %dma_wait3A_50 = tpu.memref_squeeze %dma_wait3A_49 : memref<1x40x256xi32, #tpu.memory_space<hbm>> -> memref<40x256xi32, #tpu.memory_space<hbm>>
    tpu.wait_dma2 semaphore(%arg12 : memref<!tpu.dma_semaphore, #tpu.memory_space<semaphore_mem>>) src(%dma_wait3A_50 : memref<40x256xi32, #tpu.memory_space<hbm>>) dst(%arg6 : memref<40x256xi32, #tpu.memory_space<vmem>>)
    %dma_wait3A_51 = arith.constant 0 : i32
    %dma_wait3A_52 = arith.constant 0 : i32
    %dma_wait3A_53 = tpu.memref_slice %arg4[%add3A, %dma_wait3A_51, %dma_wait3A_52] : memref<32x40x256xi32, #tpu.memory_space<hbm>> -> memref<1x40x256xi32, #tpu.memory_space<hbm>>
    %dma_wait3A_54 = tpu.memref_squeeze %dma_wait3A_53 : memref<1x40x256xi32, #tpu.memory_space<hbm>> -> memref<40x256xi32, #tpu.memory_space<hbm>>
    %dma_wait3A_55 = arith.constant 0 : i32
    %dma_wait3A_56 = arith.constant 0 : i32
    %dma_wait3A_57 = tpu.memref_slice %arg4[%add3A, %dma_wait3A_55, %dma_wait3A_56] : memref<32x40x256xi32, #tpu.memory_space<hbm>> -> memref<1x40x256xi32, #tpu.memory_space<hbm>>
    %dma_wait3A_58 = tpu.memref_squeeze %dma_wait3A_57 : memref<1x40x256xi32, #tpu.memory_space<hbm>> -> memref<40x256xi32, #tpu.memory_space<hbm>>
    tpu.wait_dma2 semaphore(%arg12 : memref<!tpu.dma_semaphore, #tpu.memory_space<semaphore_mem>>) src(%dma_wait3A_58 : memref<40x256xi32, #tpu.memory_space<hbm>>) dst(%arg7 : memref<40x256xi32, #tpu.memory_space<vmem>>)
    %dma_wait3A_59 = arith.constant 0 : i32
    %dma_wait3A_60 = tpu.memref_slice %arg10[%mul3A_19, %dma_wait3A_59] : memref<10112x32xf32, #tpu.memory_space<vmem_shared>> -> memref<632x32xf32, #tpu.memory_space<vmem_shared>>
    %dma_wait3A_61 = arith.constant 0 : i32
    %dma_wait3A_62 = tpu.memref_slice %arg2[%mul3A_17, %dma_wait3A_61] : memref<10112x32xf32, #tpu.memory_space<hbm>> -> memref<632x32xf32, #tpu.memory_space<hbm>>
    tpu.wait_dma2 semaphore(%arg13 : memref<!tpu.dma_semaphore, #tpu.memory_space<semaphore_mem>>) src(%dma_wait3A_62 : memref<632x32xf32, #tpu.memory_space<hbm>>) dst(%dma_wait3A_60 : memref<632x32xf32, #tpu.memory_space<vmem_shared>>)
    %barrier3A = arith.constant 0 : index
    tpu.barrier barrier_id(%barrier3A)
    %scan3A_63 = arith.constant 0 : i32
    %scan3A_64 = arith.constant 0 : i32
    %scan3A_65 = arith.constant 10 : i32
    %scan3A_66 = arith.addi %scan3A_64, %scan3A_65 : i32
    %scan3A_67 = arith.constant 1 : i32
    %scan3A_68 = scf.for %scan3A_75 = %scan3A_64 to %scan3A_66 step %scan3A_67 iter_args(%scan3A_76 = %scan3A_63) -> (i32)  : i32 {
      %mul3A_77 = arith.constant 3 : i32
      %mul3A_78 = arith.muli %mul3A_77, %scan3A_75 : i32
      %add3A_79 = arith.constant 10 : i32
      %add3A_80 = arith.addi %add3A_79, %mul3A_78 : i32
      %mul3A_81 = arith.constant 3 : i32
      %mul3A_82 = arith.muli %mul3A_81, %scan3A_75 : i32
      %add3A_83 = arith.constant 10 : i32
      %add3A_84 = arith.addi %add3A_83, %mul3A_82 : i32
      %add3A_85 = arith.constant 1 : i32
      %add3A_86 = arith.addi %add3A_84, %add3A_85 : i32
      %mul3A_87 = arith.constant 3 : i32
      %mul3A_88 = arith.muli %mul3A_87, %scan3A_75 : i32
      %add3A_89 = arith.constant 10 : i32
      %add3A_90 = arith.addi %add3A_89, %mul3A_88 : i32
      %add3A_91 = arith.constant 2 : i32
      %add3A_92 = arith.addi %add3A_90, %add3A_91 : i32
      %dma_start3A_93 = arith.constant 0 : i32
      %dma_start3A_94 = arith.constant 0 : i32
      %dma_start3A_95 = tpu.memref_slice %arg8[%dma_start3A_93, %dma_start3A_94] : memref<512x32xf32, #tpu.memory_space<vmem>> -> memref<256x32xf32, #tpu.memory_space<vmem>>
      %dma_start3A_96 = arith.constant 0 : i32
      %dma_start3A_97 = tpu.memref_slice %arg6[%scan3A_75, %dma_start3A_96] : memref<40x256xi32, #tpu.memory_space<vmem>> -> memref<1x256xi32, #tpu.memory_space<vmem>>
      %dma_start3A_98 = tpu.memref_squeeze %dma_start3A_97 : memref<1x256xi32, #tpu.memory_space<vmem>> -> memref<256xi32, #tpu.memory_space<vmem>>
      %dma_start3A_99 = arith.constant 0 : i32
      %dma_start3A_100 = arith.constant 0 : i32
      %dma_start3A_101 = tpu.memref_slice %arg2[%dma_start3A_99, %dma_start3A_100] : memref<10112x32xf32, #tpu.memory_space<hbm>> -> memref<10112x32xf32, #tpu.memory_space<hbm>>
      tpu.enqueue_indirect_dma source(%dma_start3A_101 : memref<10112x32xf32, #tpu.memory_space<hbm>>) target(%dma_start3A_95 : memref<256x32xf32, #tpu.memory_space<vmem>>) offsets(%dma_start3A_98 : memref<256xi32, #tpu.memory_space<vmem>>) semaphore(%arg12 : memref<!tpu.dma_semaphore, #tpu.memory_space<semaphore_mem>>)
      %dma_start3A_102 = arith.constant 256 : i32
      %dma_start3A_103 = arith.constant 0 : i32
      %dma_start3A_104 = tpu.memref_slice %arg8[%dma_start3A_102, %dma_start3A_103] : memref<512x32xf32, #tpu.memory_space<vmem>> -> memref<256x32xf32, #tpu.memory_space<vmem>>
      %dma_start3A_105 = arith.constant 0 : i32
      %dma_start3A_106 = tpu.memref_slice %arg6[%add3A_80, %dma_start3A_105] : memref<40x256xi32, #tpu.memory_space<vmem>> -> memref<1x256xi32, #tpu.memory_space<vmem>>
      %dma_start3A_107 = tpu.memref_squeeze %dma_start3A_106 : memref<1x256xi32, #tpu.memory_space<vmem>> -> memref<256xi32, #tpu.memory_space<vmem>>
      %dma_start3A_108 = arith.constant 0 : i32
      %dma_start3A_109 = arith.constant 0 : i32
      %dma_start3A_110 = tpu.memref_slice %arg10[%dma_start3A_108, %dma_start3A_109] : memref<10112x32xf32, #tpu.memory_space<vmem_shared>> -> memref<10112x32xf32, #tpu.memory_space<vmem_shared>>
      tpu.enqueue_indirect_dma source(%dma_start3A_110 : memref<10112x32xf32, #tpu.memory_space<vmem_shared>>) target(%dma_start3A_104 : memref<256x32xf32, #tpu.memory_space<vmem>>) offsets(%dma_start3A_107 : memref<256xi32, #tpu.memory_space<vmem>>) semaphore(%arg13 : memref<!tpu.dma_semaphore, #tpu.memory_space<semaphore_mem>>)
      %dma_start3A_111 = arith.constant 0 : i32
      %dma_start3A_112 = arith.constant 0 : i32
      %dma_start3A_113 = tpu.memref_slice %arg9[%dma_start3A_111, %dma_start3A_112] : memref<512x32xf32, #tpu.memory_space<vmem>> -> memref<256x32xf32, #tpu.memory_space<vmem>>
      %dma_start3A_114 = arith.constant 0 : i32
      %dma_start3A_115 = tpu.memref_slice %arg6[%add3A_86, %dma_start3A_114] : memref<40x256xi32, #tpu.memory_space<vmem>> -> memref<1x256xi32, #tpu.memory_space<vmem>>
      %dma_start3A_116 = tpu.memref_squeeze %dma_start3A_115 : memref<1x256xi32, #tpu.memory_space<vmem>> -> memref<256xi32, #tpu.memory_space<vmem>>
      %dma_start3A_117 = arith.constant 0 : i32
      %dma_start3A_118 = arith.constant 0 : i32
      %dma_start3A_119 = tpu.memref_slice %arg10[%dma_start3A_117, %dma_start3A_118] : memref<10112x32xf32, #tpu.memory_space<vmem_shared>> -> memref<10112x32xf32, #tpu.memory_space<vmem_shared>>
      tpu.enqueue_indirect_dma source(%dma_start3A_119 : memref<10112x32xf32, #tpu.memory_space<vmem_shared>>) target(%dma_start3A_113 : memref<256x32xf32, #tpu.memory_space<vmem>>) offsets(%dma_start3A_116 : memref<256xi32, #tpu.memory_space<vmem>>) semaphore(%arg14 : memref<!tpu.dma_semaphore, #tpu.memory_space<semaphore_mem>>)
      %dma_start3A_120 = arith.constant 256 : i32
      %dma_start3A_121 = arith.constant 0 : i32
      %dma_start3A_122 = tpu.memref_slice %arg9[%dma_start3A_120, %dma_start3A_121] : memref<512x32xf32, #tpu.memory_space<vmem>> -> memref<256x32xf32, #tpu.memory_space<vmem>>
      %dma_start3A_123 = arith.constant 0 : i32
      %dma_start3A_124 = tpu.memref_slice %arg6[%add3A_92, %dma_start3A_123] : memref<40x256xi32, #tpu.memory_space<vmem>> -> memref<1x256xi32, #tpu.memory_space<vmem>>
      %dma_start3A_125 = tpu.memref_squeeze %dma_start3A_124 : memref<1x256xi32, #tpu.memory_space<vmem>> -> memref<256xi32, #tpu.memory_space<vmem>>
      %dma_start3A_126 = arith.constant 0 : i32
      %dma_start3A_127 = arith.constant 0 : i32
      %dma_start3A_128 = tpu.memref_slice %arg10[%dma_start3A_126, %dma_start3A_127] : memref<10112x32xf32, #tpu.memory_space<vmem_shared>> -> memref<10112x32xf32, #tpu.memory_space<vmem_shared>>
      tpu.enqueue_indirect_dma source(%dma_start3A_128 : memref<10112x32xf32, #tpu.memory_space<vmem_shared>>) target(%dma_start3A_122 : memref<256x32xf32, #tpu.memory_space<vmem>>) offsets(%dma_start3A_125 : memref<256xi32, #tpu.memory_space<vmem>>) semaphore(%arg15 : memref<!tpu.dma_semaphore, #tpu.memory_space<semaphore_mem>>)
      %dma_wait3A_129 = arith.constant 256 : i32
      %dma_wait3A_130 = arith.constant 0 : i32
      %dma_wait3A_131 = tpu.memref_slice %arg8[%dma_wait3A_129, %dma_wait3A_130] : memref<512x32xf32, #tpu.memory_space<vmem>> -> memref<256x32xf32, #tpu.memory_space<vmem>>
      %dma_wait3A_132 = arith.constant 0 : i32
      %dma_wait3A_133 = tpu.memref_slice %arg6[%add3A_80, %dma_wait3A_132] : memref<40x256xi32, #tpu.memory_space<vmem>> -> memref<1x256xi32, #tpu.memory_space<vmem>>
      %dma_wait3A_134 = tpu.memref_squeeze %dma_wait3A_133 : memref<1x256xi32, #tpu.memory_space<vmem>> -> memref<256xi32, #tpu.memory_space<vmem>>
      %dma_wait3A_135 = arith.constant 0 : i32
      %dma_wait3A_136 = arith.constant 0 : i32
      %dma_wait3A_137 = tpu.memref_slice %arg10[%dma_wait3A_135, %dma_wait3A_136] : memref<10112x32xf32, #tpu.memory_space<vmem_shared>> -> memref<10112x32xf32, #tpu.memory_space<vmem_shared>>
      tpu.wait_indirect_dma semaphore(%arg13 : memref<!tpu.dma_semaphore, #tpu.memory_space<semaphore_mem>>) src(%dma_wait3A_137 : memref<10112x32xf32, #tpu.memory_space<vmem_shared>>) dst(%dma_wait3A_131 : memref<256x32xf32, #tpu.memory_space<vmem>>)
      %dma_start3A_138 = arith.constant 256 : i32
      %dma_start3A_139 = arith.constant 0 : i32
      %dma_start3A_140 = tpu.memref_slice %arg8[%dma_start3A_138, %dma_start3A_139] : memref<512x32xf32, #tpu.memory_space<vmem>> -> memref<256x32xf32, #tpu.memory_space<vmem>>
      %dma_start3A_141 = arith.constant 0 : i32
      %dma_start3A_142 = tpu.memref_slice %arg7[%add3A_80, %dma_start3A_141] : memref<40x256xi32, #tpu.memory_space<vmem>> -> memref<1x256xi32, #tpu.memory_space<vmem>>
      %dma_start3A_143 = tpu.memref_squeeze %dma_start3A_142 : memref<1x256xi32, #tpu.memory_space<vmem>> -> memref<256xi32, #tpu.memory_space<vmem>>
      %dma_start3A_144 = arith.constant 0 : i32
      %dma_start3A_145 = arith.constant 0 : i32
      %dma_start3A_146 = tpu.memref_slice %arg11[%dma_start3A_144, %dma_start3A_145] : memref<10112x32xf32, #tpu.memory_space<vmem_shared>> -> memref<10112x32xf32, #tpu.memory_space<vmem_shared>>
      tpu.enqueue_indirect_dma source(%dma_start3A_140 : memref<256x32xf32, #tpu.memory_space<vmem>>) target(%dma_start3A_146 : memref<10112x32xf32, #tpu.memory_space<vmem_shared>>) offsets(%dma_start3A_143 : memref<256xi32, #tpu.memory_space<vmem>>) semaphore(%arg13 : memref<!tpu.dma_semaphore, #tpu.memory_space<semaphore_mem>>) {add = true}
      %dma_wait3A_147 = arith.constant 0 : i32
      %dma_wait3A_148 = arith.constant 0 : i32
      %dma_wait3A_149 = tpu.memref_slice %arg9[%dma_wait3A_147, %dma_wait3A_148] : memref<512x32xf32, #tpu.memory_space<vmem>> -> memref<256x32xf32, #tpu.memory_space<vmem>>
      %dma_wait3A_150 = arith.constant 0 : i32
      %dma_wait3A_151 = tpu.memref_slice %arg6[%add3A_86, %dma_wait3A_150] : memref<40x256xi32, #tpu.memory_space<vmem>> -> memref<1x256xi32, #tpu.memory_space<vmem>>
      %dma_wait3A_152 = tpu.memref_squeeze %dma_wait3A_151 : memref<1x256xi32, #tpu.memory_space<vmem>> -> memref<256xi32, #tpu.memory_space<vmem>>
      %dma_wait3A_153 = arith.constant 0 : i32
      %dma_wait3A_154 = arith.constant 0 : i32
      %dma_wait3A_155 = tpu.memref_slice %arg10[%dma_wait3A_153, %dma_wait3A_154] : memref<10112x32xf32, #tpu.memory_space<vmem_shared>> -> memref<10112x32xf32, #tpu.memory_space<vmem_shared>>
      tpu.wait_indirect_dma semaphore(%arg14 : memref<!tpu.dma_semaphore, #tpu.memory_space<semaphore_mem>>) src(%dma_wait3A_155 : memref<10112x32xf32, #tpu.memory_space<vmem_shared>>) dst(%dma_wait3A_149 : memref<256x32xf32, #tpu.memory_space<vmem>>)
      %dma_start3A_156 = arith.constant 0 : i32
      %dma_start3A_157 = arith.constant 0 : i32
      %dma_start3A_158 = tpu.memref_slice %arg9[%dma_start3A_156, %dma_start3A_157] : memref<512x32xf32, #tpu.memory_space<vmem>> -> memref<256x32xf32, #tpu.memory_space<vmem>>
      %dma_start3A_159 = arith.constant 0 : i32
      %dma_start3A_160 = tpu.memref_slice %arg7[%add3A_86, %dma_start3A_159] : memref<40x256xi32, #tpu.memory_space<vmem>> -> memref<1x256xi32, #tpu.memory_space<vmem>>
      %dma_start3A_161 = tpu.memref_squeeze %dma_start3A_160 : memref<1x256xi32, #tpu.memory_space<vmem>> -> memref<256xi32, #tpu.memory_space<vmem>>
      %dma_start3A_162 = arith.constant 0 : i32
      %dma_start3A_163 = arith.constant 0 : i32
      %dma_start3A_164 = tpu.memref_slice %arg11[%dma_start3A_162, %dma_start3A_163] : memref<10112x32xf32, #tpu.memory_space<vmem_shared>> -> memref<10112x32xf32, #tpu.memory_space<vmem_shared>>
      tpu.enqueue_indirect_dma source(%dma_start3A_158 : memref<256x32xf32, #tpu.memory_space<vmem>>) target(%dma_start3A_164 : memref<10112x32xf32, #tpu.memory_space<vmem_shared>>) offsets(%dma_start3A_161 : memref<256xi32, #tpu.memory_space<vmem>>) semaphore(%arg14 : memref<!tpu.dma_semaphore, #tpu.memory_space<semaphore_mem>>) {add = true}
      %dma_wait3A_165 = arith.constant 256 : i32
      %dma_wait3A_166 = arith.constant 0 : i32
      %dma_wait3A_167 = tpu.memref_slice %arg9[%dma_wait3A_165, %dma_wait3A_166] : memref<512x32xf32, #tpu.memory_space<vmem>> -> memref<256x32xf32, #tpu.memory_space<vmem>>
      %dma_wait3A_168 = arith.constant 0 : i32
      %dma_wait3A_169 = tpu.memref_slice %arg6[%add3A_92, %dma_wait3A_168] : memref<40x256xi32, #tpu.memory_space<vmem>> -> memref<1x256xi32, #tpu.memory_space<vmem>>
      %dma_wait3A_170 = tpu.memref_squeeze %dma_wait3A_169 : memref<1x256xi32, #tpu.memory_space<vmem>> -> memref<256xi32, #tpu.memory_space<vmem>>
      %dma_wait3A_171 = arith.constant 0 : i32
      %dma_wait3A_172 = arith.constant 0 : i32
      %dma_wait3A_173 = tpu.memref_slice %arg10[%dma_wait3A_171, %dma_wait3A_172] : memref<10112x32xf32, #tpu.memory_space<vmem_shared>> -> memref<10112x32xf32, #tpu.memory_space<vmem_shared>>
      tpu.wait_indirect_dma semaphore(%arg15 : memref<!tpu.dma_semaphore, #tpu.memory_space<semaphore_mem>>) src(%dma_wait3A_173 : memref<10112x32xf32, #tpu.memory_space<vmem_shared>>) dst(%dma_wait3A_167 : memref<256x32xf32, #tpu.memory_space<vmem>>)
      %dma_start3A_174 = arith.constant 256 : i32
      %dma_start3A_175 = arith.constant 0 : i32
      %dma_start3A_176 = tpu.memref_slice %arg9[%dma_start3A_174, %dma_start3A_175] : memref<512x32xf32, #tpu.memory_space<vmem>> -> memref<256x32xf32, #tpu.memory_space<vmem>>
      %dma_start3A_177 = arith.constant 0 : i32
      %dma_start3A_178 = tpu.memref_slice %arg7[%add3A_92, %dma_start3A_177] : memref<40x256xi32, #tpu.memory_space<vmem>> -> memref<1x256xi32, #tpu.memory_space<vmem>>
      %dma_start3A_179 = tpu.memref_squeeze %dma_start3A_178 : memref<1x256xi32, #tpu.memory_space<vmem>> -> memref<256xi32, #tpu.memory_space<vmem>>
      %dma_start3A_180 = arith.constant 0 : i32
      %dma_start3A_181 = arith.constant 0 : i32
      %dma_start3A_182 = tpu.memref_slice %arg11[%dma_start3A_180, %dma_start3A_181] : memref<10112x32xf32, #tpu.memory_space<vmem_shared>> -> memref<10112x32xf32, #tpu.memory_space<vmem_shared>>
      tpu.enqueue_indirect_dma source(%dma_start3A_176 : memref<256x32xf32, #tpu.memory_space<vmem>>) target(%dma_start3A_182 : memref<10112x32xf32, #tpu.memory_space<vmem_shared>>) offsets(%dma_start3A_179 : memref<256xi32, #tpu.memory_space<vmem>>) semaphore(%arg15 : memref<!tpu.dma_semaphore, #tpu.memory_space<semaphore_mem>>) {add = true}
      %dma_wait3A_183 = arith.constant 0 : i32
      %dma_wait3A_184 = arith.constant 0 : i32
      %dma_wait3A_185 = tpu.memref_slice %arg8[%dma_wait3A_183, %dma_wait3A_184] : memref<512x32xf32, #tpu.memory_space<vmem>> -> memref<256x32xf32, #tpu.memory_space<vmem>>
      %dma_wait3A_186 = arith.constant 0 : i32
      %dma_wait3A_187 = tpu.memref_slice %arg6[%scan3A_75, %dma_wait3A_186] : memref<40x256xi32, #tpu.memory_space<vmem>> -> memref<1x256xi32, #tpu.memory_space<vmem>>
      %dma_wait3A_188 = tpu.memref_squeeze %dma_wait3A_187 : memref<1x256xi32, #tpu.memory_space<vmem>> -> memref<256xi32, #tpu.memory_space<vmem>>
      %dma_wait3A_189 = arith.constant 0 : i32
      %dma_wait3A_190 = arith.constant 0 : i32
      %dma_wait3A_191 = tpu.memref_slice %arg2[%dma_wait3A_189, %dma_wait3A_190] : memref<10112x32xf32, #tpu.memory_space<hbm>> -> memref<10112x32xf32, #tpu.memory_space<hbm>>
      tpu.wait_indirect_dma semaphore(%arg12 : memref<!tpu.dma_semaphore, #tpu.memory_space<semaphore_mem>>) src(%dma_wait3A_191 : memref<10112x32xf32, #tpu.memory_space<hbm>>) dst(%dma_wait3A_185 : memref<256x32xf32, #tpu.memory_space<vmem>>)
      %dma_start3A_192 = arith.constant 0 : i32
      %dma_start3A_193 = arith.constant 0 : i32
      %dma_start3A_194 = tpu.memref_slice %arg8[%dma_start3A_192, %dma_start3A_193] : memref<512x32xf32, #tpu.memory_space<vmem>> -> memref<256x32xf32, #tpu.memory_space<vmem>>
      %dma_start3A_195 = arith.constant 0 : i32
      %dma_start3A_196 = tpu.memref_slice %arg7[%scan3A_75, %dma_start3A_195] : memref<40x256xi32, #tpu.memory_space<vmem>> -> memref<1x256xi32, #tpu.memory_space<vmem>>
      %dma_start3A_197 = tpu.memref_squeeze %dma_start3A_196 : memref<1x256xi32, #tpu.memory_space<vmem>> -> memref<256xi32, #tpu.memory_space<vmem>>
      %dma_start3A_198 = arith.constant 0 : i32
      %dma_start3A_199 = arith.constant 0 : i32
      %dma_start3A_200 = tpu.memref_slice %arg11[%dma_start3A_198, %dma_start3A_199] : memref<10112x32xf32, #tpu.memory_space<vmem_shared>> -> memref<10112x32xf32, #tpu.memory_space<vmem_shared>>
      tpu.enqueue_indirect_dma source(%dma_start3A_194 : memref<256x32xf32, #tpu.memory_space<vmem>>) target(%dma_start3A_200 : memref<10112x32xf32, #tpu.memory_space<vmem_shared>>) offsets(%dma_start3A_197 : memref<256xi32, #tpu.memory_space<vmem>>) semaphore(%arg12 : memref<!tpu.dma_semaphore, #tpu.memory_space<semaphore_mem>>) {add = true}
      %dma_wait3A_201 = arith.constant 256 : i32
      %dma_wait3A_202 = arith.constant 0 : i32
      %dma_wait3A_203 = tpu.memref_slice %arg8[%dma_wait3A_201, %dma_wait3A_202] : memref<512x32xf32, #tpu.memory_space<vmem>> -> memref<256x32xf32, #tpu.memory_space<vmem>>
      %dma_wait3A_204 = arith.constant 0 : i32
      %dma_wait3A_205 = tpu.memref_slice %arg7[%add3A_80, %dma_wait3A_204] : memref<40x256xi32, #tpu.memory_space<vmem>> -> memref<1x256xi32, #tpu.memory_space<vmem>>
      %dma_wait3A_206 = tpu.memref_squeeze %dma_wait3A_205 : memref<1x256xi32, #tpu.memory_space<vmem>> -> memref<256xi32, #tpu.memory_space<vmem>>
      %dma_wait3A_207 = arith.constant 0 : i32
      %dma_wait3A_208 = arith.constant 0 : i32
      %dma_wait3A_209 = tpu.memref_slice %arg11[%dma_wait3A_207, %dma_wait3A_208] : memref<10112x32xf32, #tpu.memory_space<vmem_shared>> -> memref<10112x32xf32, #tpu.memory_space<vmem_shared>>
      tpu.wait_indirect_dma semaphore(%arg13 : memref<!tpu.dma_semaphore, #tpu.memory_space<semaphore_mem>>) src(%dma_wait3A_203 : memref<256x32xf32, #tpu.memory_space<vmem>>) dst(%dma_wait3A_209 : memref<10112x32xf32, #tpu.memory_space<vmem_shared>>)
      %dma_wait3A_210 = arith.constant 0 : i32
      %dma_wait3A_211 = arith.constant 0 : i32
      %dma_wait3A_212 = tpu.memref_slice %arg9[%dma_wait3A_210, %dma_wait3A_211] : memref<512x32xf32, #tpu.memory_space<vmem>> -> memref<256x32xf32, #tpu.memory_space<vmem>>
      %dma_wait3A_213 = arith.constant 0 : i32
      %dma_wait3A_214 = tpu.memref_slice %arg7[%add3A_86, %dma_wait3A_213] : memref<40x256xi32, #tpu.memory_space<vmem>> -> memref<1x256xi32, #tpu.memory_space<vmem>>
      %dma_wait3A_215 = tpu.memref_squeeze %dma_wait3A_214 : memref<1x256xi32, #tpu.memory_space<vmem>> -> memref<256xi32, #tpu.memory_space<vmem>>
      %dma_wait3A_216 = arith.constant 0 : i32
      %dma_wait3A_217 = arith.constant 0 : i32
      %dma_wait3A_218 = tpu.memref_slice %arg11[%dma_wait3A_216, %dma_wait3A_217] : memref<10112x32xf32, #tpu.memory_space<vmem_shared>> -> memref<10112x32xf32, #tpu.memory_space<vmem_shared>>
      tpu.wait_indirect_dma semaphore(%arg14 : memref<!tpu.dma_semaphore, #tpu.memory_space<semaphore_mem>>) src(%dma_wait3A_212 : memref<256x32xf32, #tpu.memory_space<vmem>>) dst(%dma_wait3A_218 : memref<10112x32xf32, #tpu.memory_space<vmem_shared>>)
      %dma_wait3A_219 = arith.constant 256 : i32
      %dma_wait3A_220 = arith.constant 0 : i32
      %dma_wait3A_221 = tpu.memref_slice %arg9[%dma_wait3A_219, %dma_wait3A_220] : memref<512x32xf32, #tpu.memory_space<vmem>> -> memref<256x32xf32, #tpu.memory_space<vmem>>
      %dma_wait3A_222 = arith.constant 0 : i32
      %dma_wait3A_223 = tpu.memref_slice %arg7[%add3A_92, %dma_wait3A_222] : memref<40x256xi32, #tpu.memory_space<vmem>> -> memref<1x256xi32, #tpu.memory_space<vmem>>
      %dma_wait3A_224 = tpu.memref_squeeze %dma_wait3A_223 : memref<1x256xi32, #tpu.memory_space<vmem>> -> memref<256xi32, #tpu.memory_space<vmem>>
      %dma_wait3A_225 = arith.constant 0 : i32
      %dma_wait3A_226 = arith.constant 0 : i32
      %dma_wait3A_227 = tpu.memref_slice %arg11[%dma_wait3A_225, %dma_wait3A_226] : memref<10112x32xf32, #tpu.memory_space<vmem_shared>> -> memref<10112x32xf32, #tpu.memory_space<vmem_shared>>
      tpu.wait_indirect_dma semaphore(%arg15 : memref<!tpu.dma_semaphore, #tpu.memory_space<semaphore_mem>>) src(%dma_wait3A_221 : memref<256x32xf32, #tpu.memory_space<vmem>>) dst(%dma_wait3A_227 : memref<10112x32xf32, #tpu.memory_space<vmem_shared>>)
      %dma_wait3A_228 = arith.constant 0 : i32
      %dma_wait3A_229 = arith.constant 0 : i32
      %dma_wait3A_230 = tpu.memref_slice %arg8[%dma_wait3A_228, %dma_wait3A_229] : memref<512x32xf32, #tpu.memory_space<vmem>> -> memref<256x32xf32, #tpu.memory_space<vmem>>
      %dma_wait3A_231 = arith.constant 0 : i32
      %dma_wait3A_232 = tpu.memref_slice %arg7[%scan3A_75, %dma_wait3A_231] : memref<40x256xi32, #tpu.memory_space<vmem>> -> memref<1x256xi32, #tpu.memory_space<vmem>>
      %dma_wait3A_233 = tpu.memref_squeeze %dma_wait3A_232 : memref<1x256xi32, #tpu.memory_space<vmem>> -> memref<256xi32, #tpu.memory_space<vmem>>
      %dma_wait3A_234 = arith.constant 0 : i32
      %dma_wait3A_235 = arith.constant 0 : i32
      %dma_wait3A_236 = tpu.memref_slice %arg11[%dma_wait3A_234, %dma_wait3A_235] : memref<10112x32xf32, #tpu.memory_space<vmem_shared>> -> memref<10112x32xf32, #tpu.memory_space<vmem_shared>>
      tpu.wait_indirect_dma semaphore(%arg12 : memref<!tpu.dma_semaphore, #tpu.memory_space<semaphore_mem>>) src(%dma_wait3A_230 : memref<256x32xf32, #tpu.memory_space<vmem>>) dst(%dma_wait3A_236 : memref<10112x32xf32, #tpu.memory_space<vmem_shared>>)
      %scan3A_237 = arith.constant 0 : i32
      scf.yield %scan3A_237 : i32
    }
    %scan3A_69 = arith.constant 10 : i32
    %barrier3A_70 = arith.constant 0 : index
    tpu.barrier barrier_id(%barrier3A_70)
    %mul3A_71 = arith.constant 632 : i32
    %mul3A_72 = arith.muli %arg1, %mul3A_71 : i32
    %mul3A_73 = arith.constant 632 : i32
    %mul3A_74 = arith.muli %arg1, %mul3A_73 : i32
    "tpu.region"() ({
      %run_scoped3A = tpu.sem_alloc : memref<!tpu.dma_semaphore, #tpu.memory_space<semaphore_mem>>
      %dma_start3A_75 = arith.constant 0 : i32
      %dma_start3A_76 = tpu.memref_slice %arg5[%arg0, %mul3A_74, %dma_start3A_75] : memref<2x10112x32xf32, #tpu.memory_space<hbm>> -> memref<1x632x32xf32, #tpu.memory_space<hbm>>
      %dma_start3A_77 = tpu.memref_squeeze %dma_start3A_76 : memref<1x632x32xf32, #tpu.memory_space<hbm>> -> memref<632x32xf32, #tpu.memory_space<hbm>>
      %dma_start3A_78 = arith.constant 0 : i32
      %dma_start3A_79 = tpu.memref_slice %arg11[%mul3A_72, %dma_start3A_78] : memref<10112x32xf32, #tpu.memory_space<vmem_shared>> -> memref<632x32xf32, #tpu.memory_space<vmem_shared>>
      tpu.enqueue_dma source(%dma_start3A_79 : memref<632x32xf32, #tpu.memory_space<vmem_shared>>) target(%dma_start3A_77 : memref<632x32xf32, #tpu.memory_space<hbm>>) target_semaphore(%run_scoped3A : memref<!tpu.dma_semaphore, #tpu.memory_space<semaphore_mem>>)
      %dma_wait3A_80 = arith.constant 0 : i32
      %dma_wait3A_81 = tpu.memref_slice %arg5[%arg0, %mul3A_74, %dma_wait3A_80] : memref<2x10112x32xf32, #tpu.memory_space<hbm>> -> memref<1x632x32xf32, #tpu.memory_space<hbm>>
      %dma_wait3A_82 = tpu.memref_squeeze %dma_wait3A_81 : memref<1x632x32xf32, #tpu.memory_space<hbm>> -> memref<632x32xf32, #tpu.memory_space<hbm>>
      %dma_wait3A_83 = arith.constant 0 : i32
      %dma_wait3A_84 = tpu.memref_slice %arg11[%mul3A_72, %dma_wait3A_83] : memref<10112x32xf32, #tpu.memory_space<vmem_shared>> -> memref<632x32xf32, #tpu.memory_space<vmem_shared>>
      tpu.wait_dma2 semaphore(%run_scoped3A : memref<!tpu.dma_semaphore, #tpu.memory_space<semaphore_mem>>) src(%dma_wait3A_84 : memref<632x32xf32, #tpu.memory_space<vmem_shared>>) dst(%dma_wait3A_82 : memref<632x32xf32, #tpu.memory_space<hbm>>)
      tpu.yield
    }) : () -> ()
    return
  }
}

#map = affine_map<(d0, d1) -> (0, 0)>
#map1 = affine_map<(d0, d1) -> (0, 0, 0)>
module attributes {stable_mosaic.version = 14 : i64} {
  func.func @_sc_edge_sum(%arg0: i32, %arg1: i32, %arg2: memref<10112x32xf32, #tpu.memory_space<hbm>>, %arg3: memref<32x40x256xi32, #tpu.memory_space<hbm>>, %arg4: memref<32x40x256xi32, #tpu.memory_space<hbm>>, %arg5: memref<2x10112x32xf32, #tpu.memory_space<hbm>>, %arg6: memref<40x256xi32, #tpu.memory_space<vmem>>, %arg7: memref<40x256xi32, #tpu.memory_space<vmem>>, %arg8: memref<512x32xf32, #tpu.memory_space<vmem>>, %arg9: memref<512x32xf32, #tpu.memory_space<vmem>>, %arg10: memref<10112x32xf32, #tpu.memory_space<vmem_shared>>, %arg11: memref<10112x32xf32, #tpu.memory_space<vmem_shared>>, %arg12: memref<!tpu.dma_semaphore, #tpu.memory_space<semaphore_mem>>, %arg13: memref<!tpu.dma_semaphore, #tpu.memory_space<semaphore_mem>>, %arg14: memref<!tpu.dma_semaphore, #tpu.memory_space<semaphore_mem>>, %arg15: memref<!tpu.dma_semaphore, #tpu.memory_space<semaphore_mem>>) attributes {dimension_semantics = [#tpu.dimension_semantics<core_parallel>, #tpu.dimension_semantics<subcore_parallel>], iteration_bounds = array<i64: 2, 16>, scalar_prefetch = 0 : i64, scratch_operands = 10 : i64, tpu.core_type = #tpu.core_type<sc_vector_subcore>, window_params = [{transform_indices = #map}, {transform_indices = #map1}, {transform_indices = #map1}, {transform_indices = #map1}]} {
    %mul3A = arith.constant 16 : i32
    %mul3A_0 = arith.muli %arg0, %mul3A : i32
    %add3A = arith.addi %mul3A_0, %arg1 : i32
    %dma_start3A = arith.constant 0 : i32
    %dma_start3A_1 = arith.constant 0 : i32
    %dma_start3A_2 = tpu.memref_slice %arg3[%add3A, %dma_start3A, %dma_start3A_1] : memref<32x40x256xi32, #tpu.memory_space<hbm>> -> memref<1x40x256xi32, #tpu.memory_space<hbm>>
    %dma_start3A_3 = tpu.memref_squeeze %dma_start3A_2 : memref<1x40x256xi32, #tpu.memory_space<hbm>> -> memref<40x256xi32, #tpu.memory_space<hbm>>
    %dma_start3A_4 = arith.constant 0 : i32
    %dma_start3A_5 = arith.constant 0 : i32
    %dma_start3A_6 = tpu.memref_slice %arg3[%add3A, %dma_start3A_4, %dma_start3A_5] : memref<32x40x256xi32, #tpu.memory_space<hbm>> -> memref<1x40x256xi32, #tpu.memory_space<hbm>>
    %dma_start3A_7 = tpu.memref_squeeze %dma_start3A_6 : memref<1x40x256xi32, #tpu.memory_space<hbm>> -> memref<40x256xi32, #tpu.memory_space<hbm>>
    tpu.enqueue_dma source(%dma_start3A_7 : memref<40x256xi32, #tpu.memory_space<hbm>>) target(%arg6 : memref<40x256xi32, #tpu.memory_space<vmem>>) target_semaphore(%arg12 : memref<!tpu.dma_semaphore, #tpu.memory_space<semaphore_mem>>)
    %dma_start3A_8 = arith.constant 0 : i32
    %dma_start3A_9 = arith.constant 0 : i32
    %dma_start3A_10 = tpu.memref_slice %arg4[%add3A, %dma_start3A_8, %dma_start3A_9] : memref<32x40x256xi32, #tpu.memory_space<hbm>> -> memref<1x40x256xi32, #tpu.memory_space<hbm>>
    %dma_start3A_11 = tpu.memref_squeeze %dma_start3A_10 : memref<1x40x256xi32, #tpu.memory_space<hbm>> -> memref<40x256xi32, #tpu.memory_space<hbm>>
    %dma_start3A_12 = arith.constant 0 : i32
    %dma_start3A_13 = arith.constant 0 : i32
    %dma_start3A_14 = tpu.memref_slice %arg4[%add3A, %dma_start3A_12, %dma_start3A_13] : memref<32x40x256xi32, #tpu.memory_space<hbm>> -> memref<1x40x256xi32, #tpu.memory_space<hbm>>
    %dma_start3A_15 = tpu.memref_squeeze %dma_start3A_14 : memref<1x40x256xi32, #tpu.memory_space<hbm>> -> memref<40x256xi32, #tpu.memory_space<hbm>>
    tpu.enqueue_dma source(%dma_start3A_15 : memref<40x256xi32, #tpu.memory_space<hbm>>) target(%arg7 : memref<40x256xi32, #tpu.memory_space<vmem>>) target_semaphore(%arg12 : memref<!tpu.dma_semaphore, #tpu.memory_space<semaphore_mem>>)
    %mul3A_16 = arith.constant 632 : i32
    %mul3A_17 = arith.muli %arg1, %mul3A_16 : i32
    %mul3A_18 = arith.constant 632 : i32
    %mul3A_19 = arith.muli %arg1, %mul3A_18 : i32
    %dma_start3A_20 = arith.constant 0 : i32
    %dma_start3A_21 = tpu.memref_slice %arg10[%mul3A_19, %dma_start3A_20] : memref<10112x32xf32, #tpu.memory_space<vmem_shared>> -> memref<632x32xf32, #tpu.memory_space<vmem_shared>>
    %dma_start3A_22 = arith.constant 0 : i32
    %dma_start3A_23 = tpu.memref_slice %arg2[%mul3A_17, %dma_start3A_22] : memref<10112x32xf32, #tpu.memory_space<hbm>> -> memref<632x32xf32, #tpu.memory_space<hbm>>
    tpu.enqueue_dma source(%dma_start3A_23 : memref<632x32xf32, #tpu.memory_space<hbm>>) target(%dma_start3A_21 : memref<632x32xf32, #tpu.memory_space<vmem_shared>>) target_semaphore(%arg13 : memref<!tpu.dma_semaphore, #tpu.memory_space<semaphore_mem>>)
    %broadcast_in_dim3A = arith.constant 0.000000e+00 : f32
    %broadcast_in_dim3A_24 = vector.broadcast %broadcast_in_dim3A : f32 to vector<16xf32>
    %scan3A = arith.constant 0 : i32
    %scan3A_25 = arith.constant 0 : i32
    %scan3A_26 = arith.constant 512 : i32
    %scan3A_27 = arith.addi %scan3A_25, %scan3A_26 : i32
    %scan3A_28 = arith.constant 1 : i32
    %scan3A_29 = scf.for %scan3A_75 = %scan3A_25 to %scan3A_27 step %scan3A_28 iter_args(%scan3A_76 = %scan3A) -> (i32)  : i32 {
      %swap3A = arith.index_cast %scan3A_75 : i32 to index
      %swap3A_77 = arith.constant 0 : index
      %swap3A_78 = tpu.vector_load %arg8[%swap3A, %swap3A_77] {strides = array<i32>} : memref<512x32xf32, #tpu.memory_space<vmem>>, vector<1x16xf32>,
      %swap3A_79 = vector.shape_cast %swap3A_78 : vector<1x16xf32> to vector<16xf32>
      %swap3A_80 = vector.shape_cast %broadcast_in_dim3A_24 : vector<16xf32> to vector<1x16xf32>
      tpu.vector_store %arg8[%swap3A, %swap3A_77], %swap3A_80 {strides = array<i32>} : memref<512x32xf32, #tpu.memory_space<vmem>>, vector<1x16xf32>,
      %swap3A_81 = arith.index_cast %scan3A_75 : i32 to index
      %swap3A_82 = arith.constant 16 : index
      %swap3A_83 = tpu.vector_load %arg8[%swap3A_81, %swap3A_82] {strides = array<i32>} : memref<512x32xf32, #tpu.memory_space<vmem>>, vector<1x16xf32>,
      %swap3A_84 = vector.shape_cast %swap3A_83 : vector<1x16xf32> to vector<16xf32>
      %swap3A_85 = vector.shape_cast %broadcast_in_dim3A_24 : vector<16xf32> to vector<1x16xf32>
      tpu.vector_store %arg8[%swap3A_81, %swap3A_82], %swap3A_85 {strides = array<i32>} : memref<512x32xf32, #tpu.memory_space<vmem>>, vector<1x16xf32>,
      %scan3A_86 = arith.constant 0 : i32
      scf.yield %scan3A_86 : i32
    }
    %scan3A_30 = arith.constant 512 : i32
    %scan3A_31 = arith.constant 0 : i32
    %scan3A_32 = arith.constant 0 : i32
    %scan3A_33 = arith.constant 120 : i32
    %scan3A_34 = arith.addi %scan3A_32, %scan3A_33 : i32
    %scan3A_35 = arith.constant 1 : i32
    %scan3A_36 = scf.for %scan3A_75 = %scan3A_32 to %scan3A_34 step %scan3A_35 iter_args(%scan3A_76 = %scan3A_31) -> (i32)  : i32 {
      %swap3A = arith.index_cast %scan3A_75 : i32 to index
      %swap3A_77 = arith.constant 0 : index
      %swap3A_78 = tpu.vector_load %arg9[%swap3A, %swap3A_77] {strides = array<i32>} : memref<512x32xf32, #tpu.memory_space<vmem>>, vector<1x16xf32>,
      %swap3A_79 = vector.shape_cast %swap3A_78 : vector<1x16xf32> to vector<16xf32>
      %swap3A_80 = vector.shape_cast %broadcast_in_dim3A_24 : vector<16xf32> to vector<1x16xf32>
      tpu.vector_store %arg9[%swap3A, %swap3A_77], %swap3A_80 {strides = array<i32>} : memref<512x32xf32, #tpu.memory_space<vmem>>, vector<1x16xf32>,
      %swap3A_81 = arith.index_cast %scan3A_75 : i32 to index
      %swap3A_82 = arith.constant 16 : index
      %swap3A_83 = tpu.vector_load %arg9[%swap3A_81, %swap3A_82] {strides = array<i32>} : memref<512x32xf32, #tpu.memory_space<vmem>>, vector<1x16xf32>,
      %swap3A_84 = vector.shape_cast %swap3A_83 : vector<1x16xf32> to vector<16xf32>
      %swap3A_85 = vector.shape_cast %broadcast_in_dim3A_24 : vector<16xf32> to vector<1x16xf32>
      tpu.vector_store %arg9[%swap3A_81, %swap3A_82], %swap3A_85 {strides = array<i32>} : memref<512x32xf32, #tpu.memory_space<vmem>>, vector<1x16xf32>,
      %scan3A_86 = arith.constant 0 : i32
      scf.yield %scan3A_86 : i32
    }
    %scan3A_37 = arith.constant 120 : i32
    %mul3A_38 = arith.constant 632 : i32
    %mul3A_39 = arith.muli %arg1, %mul3A_38 : i32
    "tpu.region"() ({
      %run_scoped3A = tpu.sem_alloc : memref<!tpu.dma_semaphore, #tpu.memory_space<semaphore_mem>>
      %dma_start3A_75 = arith.constant 0 : i32
      %dma_start3A_76 = tpu.memref_slice %arg11[%mul3A_39, %dma_start3A_75] : memref<10112x32xf32, #tpu.memory_space<vmem_shared>> -> memref<512x32xf32, #tpu.memory_space<vmem_shared>>
      %dma_start3A_77 = arith.constant 0 : i32
      %dma_start3A_78 = tpu.memref_slice %arg11[%mul3A_39, %dma_start3A_77] : memref<10112x32xf32, #tpu.memory_space<vmem_shared>> -> memref<512x32xf32, #tpu.memory_space<vmem_shared>>
      tpu.enqueue_dma source(%arg8 : memref<512x32xf32, #tpu.memory_space<vmem>>) target(%dma_start3A_78 : memref<512x32xf32, #tpu.memory_space<vmem_shared>>) target_semaphore(%run_scoped3A : memref<!tpu.dma_semaphore, #tpu.memory_space<semaphore_mem>>)
      %dma_wait3A_79 = arith.constant 0 : i32
      %dma_wait3A_80 = tpu.memref_slice %arg11[%mul3A_39, %dma_wait3A_79] : memref<10112x32xf32, #tpu.memory_space<vmem_shared>> -> memref<512x32xf32, #tpu.memory_space<vmem_shared>>
      %dma_wait3A_81 = arith.constant 0 : i32
      %dma_wait3A_82 = tpu.memref_slice %arg11[%mul3A_39, %dma_wait3A_81] : memref<10112x32xf32, #tpu.memory_space<vmem_shared>> -> memref<512x32xf32, #tpu.memory_space<vmem_shared>>
      tpu.wait_dma2 semaphore(%run_scoped3A : memref<!tpu.dma_semaphore, #tpu.memory_space<semaphore_mem>>) src(%arg8 : memref<512x32xf32, #tpu.memory_space<vmem>>) dst(%dma_wait3A_82 : memref<512x32xf32, #tpu.memory_space<vmem_shared>>)
      tpu.yield
    }) : () -> ()
    %mul3A_40 = arith.constant 632 : i32
    %mul3A_41 = arith.muli %arg1, %mul3A_40 : i32
    %add3A_42 = arith.constant 512 : i32
    %add3A_43 = arith.addi %mul3A_41, %add3A_42 : i32
    "tpu.region"() ({
      %run_scoped3A = tpu.sem_alloc : memref<!tpu.dma_semaphore, #tpu.memory_space<semaphore_mem>>
      %dma_start3A_75 = arith.constant 0 : i32
      %dma_start3A_76 = arith.constant 0 : i32
      %dma_start3A_77 = tpu.memref_slice %arg9[%dma_start3A_75, %dma_start3A_76] : memref<512x32xf32, #tpu.memory_space<vmem>> -> memref<120x32xf32, #tpu.memory_space<vmem>>
      %dma_start3A_78 = arith.constant 0 : i32
      %dma_start3A_79 = tpu.memref_slice %arg11[%add3A_43, %dma_start3A_78] : memref<10112x32xf32, #tpu.memory_space<vmem_shared>> -> memref<120x32xf32, #tpu.memory_space<vmem_shared>>
      %dma_start3A_80 = arith.constant 0 : i32
      %dma_start3A_81 = tpu.memref_slice %arg11[%add3A_43, %dma_start3A_80] : memref<10112x32xf32, #tpu.memory_space<vmem_shared>> -> memref<120x32xf32, #tpu.memory_space<vmem_shared>>
      %dma_start3A_82 = arith.constant 0 : i32
      %dma_start3A_83 = arith.constant 0 : i32
      %dma_start3A_84 = tpu.memref_slice %arg9[%dma_start3A_82, %dma_start3A_83] : memref<512x32xf32, #tpu.memory_space<vmem>> -> memref<120x32xf32, #tpu.memory_space<vmem>>
      tpu.enqueue_dma source(%dma_start3A_84 : memref<120x32xf32, #tpu.memory_space<vmem>>) target(%dma_start3A_81 : memref<120x32xf32, #tpu.memory_space<vmem_shared>>) target_semaphore(%run_scoped3A : memref<!tpu.dma_semaphore, #tpu.memory_space<semaphore_mem>>)
      %dma_wait3A_85 = arith.constant 0 : i32
      %dma_wait3A_86 = arith.constant 0 : i32
      %dma_wait3A_87 = tpu.memref_slice %arg9[%dma_wait3A_85, %dma_wait3A_86] : memref<512x32xf32, #tpu.memory_space<vmem>> -> memref<120x32xf32, #tpu.memory_space<vmem>>
      %dma_wait3A_88 = arith.constant 0 : i32
      %dma_wait3A_89 = tpu.memref_slice %arg11[%add3A_43, %dma_wait3A_88] : memref<10112x32xf32, #tpu.memory_space<vmem_shared>> -> memref<120x32xf32, #tpu.memory_space<vmem_shared>>
      %dma_wait3A_90 = arith.constant 0 : i32
      %dma_wait3A_91 = tpu.memref_slice %arg11[%add3A_43, %dma_wait3A_90] : memref<10112x32xf32, #tpu.memory_space<vmem_shared>> -> memref<120x32xf32, #tpu.memory_space<vmem_shared>>
      %dma_wait3A_92 = arith.constant 0 : i32
      %dma_wait3A_93 = arith.constant 0 : i32
      %dma_wait3A_94 = tpu.memref_slice %arg9[%dma_wait3A_92, %dma_wait3A_93] : memref<512x32xf32, #tpu.memory_space<vmem>> -> memref<120x32xf32, #tpu.memory_space<vmem>>
      tpu.wait_dma2 semaphore(%run_scoped3A : memref<!tpu.dma_semaphore, #tpu.memory_space<semaphore_mem>>) src(%dma_wait3A_94 : memref<120x32xf32, #tpu.memory_space<vmem>>) dst(%dma_wait3A_91 : memref<120x32xf32, #tpu.memory_space<vmem_shared>>)
      tpu.yield
    }) : () -> ()
    %dma_wait3A = arith.constant 0 : i32
    %dma_wait3A_44 = arith.constant 0 : i32
    %dma_wait3A_45 = tpu.memref_slice %arg3[%add3A, %dma_wait3A, %dma_wait3A_44] : memref<32x40x256xi32, #tpu.memory_space<hbm>> -> memref<1x40x256xi32, #tpu.memory_space<hbm>>
    %dma_wait3A_46 = tpu.memref_squeeze %dma_wait3A_45 : memref<1x40x256xi32, #tpu.memory_space<hbm>> -> memref<40x256xi32, #tpu.memory_space<hbm>>
    %dma_wait3A_47 = arith.constant 0 : i32
    %dma_wait3A_48 = arith.constant 0 : i32
    %dma_wait3A_49 = tpu.memref_slice %arg3[%add3A, %dma_wait3A_47, %dma_wait3A_48] : memref<32x40x256xi32, #tpu.memory_space<hbm>> -> memref<1x40x256xi32, #tpu.memory_space<hbm>>
    %dma_wait3A_50 = tpu.memref_squeeze %dma_wait3A_49 : memref<1x40x256xi32, #tpu.memory_space<hbm>> -> memref<40x256xi32, #tpu.memory_space<hbm>>
    tpu.wait_dma2 semaphore(%arg12 : memref<!tpu.dma_semaphore, #tpu.memory_space<semaphore_mem>>) src(%dma_wait3A_50 : memref<40x256xi32, #tpu.memory_space<hbm>>) dst(%arg6 : memref<40x256xi32, #tpu.memory_space<vmem>>)
    %dma_wait3A_51 = arith.constant 0 : i32
    %dma_wait3A_52 = arith.constant 0 : i32
    %dma_wait3A_53 = tpu.memref_slice %arg4[%add3A, %dma_wait3A_51, %dma_wait3A_52] : memref<32x40x256xi32, #tpu.memory_space<hbm>> -> memref<1x40x256xi32, #tpu.memory_space<hbm>>
    %dma_wait3A_54 = tpu.memref_squeeze %dma_wait3A_53 : memref<1x40x256xi32, #tpu.memory_space<hbm>> -> memref<40x256xi32, #tpu.memory_space<hbm>>
    %dma_wait3A_55 = arith.constant 0 : i32
    %dma_wait3A_56 = arith.constant 0 : i32
    %dma_wait3A_57 = tpu.memref_slice %arg4[%add3A, %dma_wait3A_55, %dma_wait3A_56] : memref<32x40x256xi32, #tpu.memory_space<hbm>> -> memref<1x40x256xi32, #tpu.memory_space<hbm>>
    %dma_wait3A_58 = tpu.memref_squeeze %dma_wait3A_57 : memref<1x40x256xi32, #tpu.memory_space<hbm>> -> memref<40x256xi32, #tpu.memory_space<hbm>>
    tpu.wait_dma2 semaphore(%arg12 : memref<!tpu.dma_semaphore, #tpu.memory_space<semaphore_mem>>) src(%dma_wait3A_58 : memref<40x256xi32, #tpu.memory_space<hbm>>) dst(%arg7 : memref<40x256xi32, #tpu.memory_space<vmem>>)
    %dma_wait3A_59 = arith.constant 0 : i32
    %dma_wait3A_60 = tpu.memref_slice %arg10[%mul3A_19, %dma_wait3A_59] : memref<10112x32xf32, #tpu.memory_space<vmem_shared>> -> memref<632x32xf32, #tpu.memory_space<vmem_shared>>
    %dma_wait3A_61 = arith.constant 0 : i32
    %dma_wait3A_62 = tpu.memref_slice %arg2[%mul3A_17, %dma_wait3A_61] : memref<10112x32xf32, #tpu.memory_space<hbm>> -> memref<632x32xf32, #tpu.memory_space<hbm>>
    tpu.wait_dma2 semaphore(%arg13 : memref<!tpu.dma_semaphore, #tpu.memory_space<semaphore_mem>>) src(%dma_wait3A_62 : memref<632x32xf32, #tpu.memory_space<hbm>>) dst(%dma_wait3A_60 : memref<632x32xf32, #tpu.memory_space<vmem_shared>>)
    %barrier3A = arith.constant 0 : index
    tpu.barrier barrier_id(%barrier3A)
    %scan3A_63 = arith.constant 0 : i32
    %scan3A_64 = arith.constant 0 : i32
    %scan3A_65 = arith.constant 10 : i32
    %scan3A_66 = arith.addi %scan3A_64, %scan3A_65 : i32
    %scan3A_67 = arith.constant 1 : i32
    %scan3A_68 = scf.for %scan3A_75 = %scan3A_64 to %scan3A_66 step %scan3A_67 iter_args(%scan3A_76 = %scan3A_63) -> (i32)  : i32 {
      %mul3A_77 = arith.constant 3 : i32
      %mul3A_78 = arith.muli %mul3A_77, %scan3A_75 : i32
      %add3A_79 = arith.constant 10 : i32
      %add3A_80 = arith.addi %add3A_79, %mul3A_78 : i32
      %mul3A_81 = arith.constant 3 : i32
      %mul3A_82 = arith.muli %mul3A_81, %scan3A_75 : i32
      %add3A_83 = arith.constant 10 : i32
      %add3A_84 = arith.addi %add3A_83, %mul3A_82 : i32
      %add3A_85 = arith.constant 1 : i32
      %add3A_86 = arith.addi %add3A_84, %add3A_85 : i32
      %mul3A_87 = arith.constant 3 : i32
      %mul3A_88 = arith.muli %mul3A_87, %scan3A_75 : i32
      %add3A_89 = arith.constant 10 : i32
      %add3A_90 = arith.addi %add3A_89, %mul3A_88 : i32
      %add3A_91 = arith.constant 2 : i32
      %add3A_92 = arith.addi %add3A_90, %add3A_91 : i32
      %dma_start3A_93 = arith.constant 0 : i32
      %dma_start3A_94 = arith.constant 0 : i32
      %dma_start3A_95 = tpu.memref_slice %arg8[%dma_start3A_93, %dma_start3A_94] : memref<512x32xf32, #tpu.memory_space<vmem>> -> memref<256x32xf32, #tpu.memory_space<vmem>>
      %dma_start3A_96 = arith.constant 0 : i32
      %dma_start3A_97 = tpu.memref_slice %arg6[%scan3A_75, %dma_start3A_96] : memref<40x256xi32, #tpu.memory_space<vmem>> -> memref<1x256xi32, #tpu.memory_space<vmem>>
      %dma_start3A_98 = tpu.memref_squeeze %dma_start3A_97 : memref<1x256xi32, #tpu.memory_space<vmem>> -> memref<256xi32, #tpu.memory_space<vmem>>
      %dma_start3A_99 = arith.constant 0 : i32
      %dma_start3A_100 = arith.constant 0 : i32
      %dma_start3A_101 = tpu.memref_slice %arg2[%dma_start3A_99, %dma_start3A_100] : memref<10112x32xf32, #tpu.memory_space<hbm>> -> memref<10112x32xf32, #tpu.memory_space<hbm>>
      tpu.enqueue_indirect_dma source(%dma_start3A_101 : memref<10112x32xf32, #tpu.memory_space<hbm>>) target(%dma_start3A_95 : memref<256x32xf32, #tpu.memory_space<vmem>>) offsets(%dma_start3A_98 : memref<256xi32, #tpu.memory_space<vmem>>) semaphore(%arg12 : memref<!tpu.dma_semaphore, #tpu.memory_space<semaphore_mem>>)
      %dma_start3A_102 = arith.constant 256 : i32
      %dma_start3A_103 = arith.constant 0 : i32
      %dma_start3A_104 = tpu.memref_slice %arg8[%dma_start3A_102, %dma_start3A_103] : memref<512x32xf32, #tpu.memory_space<vmem>> -> memref<256x32xf32, #tpu.memory_space<vmem>>
      %dma_start3A_105 = arith.constant 0 : i32
      %dma_start3A_106 = tpu.memref_slice %arg6[%add3A_80, %dma_start3A_105] : memref<40x256xi32, #tpu.memory_space<vmem>> -> memref<1x256xi32, #tpu.memory_space<vmem>>
      %dma_start3A_107 = tpu.memref_squeeze %dma_start3A_106 : memref<1x256xi32, #tpu.memory_space<vmem>> -> memref<256xi32, #tpu.memory_space<vmem>>
      %dma_start3A_108 = arith.constant 0 : i32
      %dma_start3A_109 = arith.constant 0 : i32
      %dma_start3A_110 = tpu.memref_slice %arg10[%dma_start3A_108, %dma_start3A_109] : memref<10112x32xf32, #tpu.memory_space<vmem_shared>> -> memref<10112x32xf32, #tpu.memory_space<vmem_shared>>
      tpu.enqueue_indirect_dma source(%dma_start3A_110 : memref<10112x32xf32, #tpu.memory_space<vmem_shared>>) target(%dma_start3A_104 : memref<256x32xf32, #tpu.memory_space<vmem>>) offsets(%dma_start3A_107 : memref<256xi32, #tpu.memory_space<vmem>>) semaphore(%arg13 : memref<!tpu.dma_semaphore, #tpu.memory_space<semaphore_mem>>)
      %dma_start3A_111 = arith.constant 0 : i32
      %dma_start3A_112 = arith.constant 0 : i32
      %dma_start3A_113 = tpu.memref_slice %arg9[%dma_start3A_111, %dma_start3A_112] : memref<512x32xf32, #tpu.memory_space<vmem>> -> memref<256x32xf32, #tpu.memory_space<vmem>>
      %dma_start3A_114 = arith.constant 0 : i32
      %dma_start3A_115 = tpu.memref_slice %arg6[%add3A_86, %dma_start3A_114] : memref<40x256xi32, #tpu.memory_space<vmem>> -> memref<1x256xi32, #tpu.memory_space<vmem>>
      %dma_start3A_116 = tpu.memref_squeeze %dma_start3A_115 : memref<1x256xi32, #tpu.memory_space<vmem>> -> memref<256xi32, #tpu.memory_space<vmem>>
      %dma_start3A_117 = arith.constant 0 : i32
      %dma_start3A_118 = arith.constant 0 : i32
      %dma_start3A_119 = tpu.memref_slice %arg10[%dma_start3A_117, %dma_start3A_118] : memref<10112x32xf32, #tpu.memory_space<vmem_shared>> -> memref<10112x32xf32, #tpu.memory_space<vmem_shared>>
      tpu.enqueue_indirect_dma source(%dma_start3A_119 : memref<10112x32xf32, #tpu.memory_space<vmem_shared>>) target(%dma_start3A_113 : memref<256x32xf32, #tpu.memory_space<vmem>>) offsets(%dma_start3A_116 : memref<256xi32, #tpu.memory_space<vmem>>) semaphore(%arg14 : memref<!tpu.dma_semaphore, #tpu.memory_space<semaphore_mem>>)
      %dma_start3A_120 = arith.constant 256 : i32
      %dma_start3A_121 = arith.constant 0 : i32
      %dma_start3A_122 = tpu.memref_slice %arg9[%dma_start3A_120, %dma_start3A_121] : memref<512x32xf32, #tpu.memory_space<vmem>> -> memref<256x32xf32, #tpu.memory_space<vmem>>
      %dma_start3A_123 = arith.constant 0 : i32
      %dma_start3A_124 = tpu.memref_slice %arg6[%add3A_92, %dma_start3A_123] : memref<40x256xi32, #tpu.memory_space<vmem>> -> memref<1x256xi32, #tpu.memory_space<vmem>>
      %dma_start3A_125 = tpu.memref_squeeze %dma_start3A_124 : memref<1x256xi32, #tpu.memory_space<vmem>> -> memref<256xi32, #tpu.memory_space<vmem>>
      %dma_start3A_126 = arith.constant 0 : i32
      %dma_start3A_127 = arith.constant 0 : i32
      %dma_start3A_128 = tpu.memref_slice %arg10[%dma_start3A_126, %dma_start3A_127] : memref<10112x32xf32, #tpu.memory_space<vmem_shared>> -> memref<10112x32xf32, #tpu.memory_space<vmem_shared>>
      tpu.enqueue_indirect_dma source(%dma_start3A_128 : memref<10112x32xf32, #tpu.memory_space<vmem_shared>>) target(%dma_start3A_122 : memref<256x32xf32, #tpu.memory_space<vmem>>) offsets(%dma_start3A_125 : memref<256xi32, #tpu.memory_space<vmem>>) semaphore(%arg15 : memref<!tpu.dma_semaphore, #tpu.memory_space<semaphore_mem>>)
      %dma_wait3A_129 = arith.constant 256 : i32
      %dma_wait3A_130 = arith.constant 0 : i32
      %dma_wait3A_131 = tpu.memref_slice %arg8[%dma_wait3A_129, %dma_wait3A_130] : memref<512x32xf32, #tpu.memory_space<vmem>> -> memref<256x32xf32, #tpu.memory_space<vmem>>
      %dma_wait3A_132 = arith.constant 0 : i32
      %dma_wait3A_133 = tpu.memref_slice %arg6[%add3A_80, %dma_wait3A_132] : memref<40x256xi32, #tpu.memory_space<vmem>> -> memref<1x256xi32, #tpu.memory_space<vmem>>
      %dma_wait3A_134 = tpu.memref_squeeze %dma_wait3A_133 : memref<1x256xi32, #tpu.memory_space<vmem>> -> memref<256xi32, #tpu.memory_space<vmem>>
      %dma_wait3A_135 = arith.constant 0 : i32
      %dma_wait3A_136 = arith.constant 0 : i32
      %dma_wait3A_137 = tpu.memref_slice %arg10[%dma_wait3A_135, %dma_wait3A_136] : memref<10112x32xf32, #tpu.memory_space<vmem_shared>> -> memref<10112x32xf32, #tpu.memory_space<vmem_shared>>
      tpu.wait_indirect_dma semaphore(%arg13 : memref<!tpu.dma_semaphore, #tpu.memory_space<semaphore_mem>>) src(%dma_wait3A_137 : memref<10112x32xf32, #tpu.memory_space<vmem_shared>>) dst(%dma_wait3A_131 : memref<256x32xf32, #tpu.memory_space<vmem>>)
      %dma_start3A_138 = arith.constant 256 : i32
      %dma_start3A_139 = arith.constant 0 : i32
      %dma_start3A_140 = tpu.memref_slice %arg8[%dma_start3A_138, %dma_start3A_139] : memref<512x32xf32, #tpu.memory_space<vmem>> -> memref<256x32xf32, #tpu.memory_space<vmem>>
      %dma_start3A_141 = arith.constant 0 : i32
      %dma_start3A_142 = tpu.memref_slice %arg7[%add3A_80, %dma_start3A_141] : memref<40x256xi32, #tpu.memory_space<vmem>> -> memref<1x256xi32, #tpu.memory_space<vmem>>
      %dma_start3A_143 = tpu.memref_squeeze %dma_start3A_142 : memref<1x256xi32, #tpu.memory_space<vmem>> -> memref<256xi32, #tpu.memory_space<vmem>>
      %dma_start3A_144 = arith.constant 0 : i32
      %dma_start3A_145 = arith.constant 0 : i32
      %dma_start3A_146 = tpu.memref_slice %arg11[%dma_start3A_144, %dma_start3A_145] : memref<10112x32xf32, #tpu.memory_space<vmem_shared>> -> memref<10112x32xf32, #tpu.memory_space<vmem_shared>>
      tpu.enqueue_indirect_dma source(%dma_start3A_140 : memref<256x32xf32, #tpu.memory_space<vmem>>) target(%dma_start3A_146 : memref<10112x32xf32, #tpu.memory_space<vmem_shared>>) offsets(%dma_start3A_143 : memref<256xi32, #tpu.memory_space<vmem>>) semaphore(%arg13 : memref<!tpu.dma_semaphore, #tpu.memory_space<semaphore_mem>>) {add = true}
      %dma_wait3A_147 = arith.constant 0 : i32
      %dma_wait3A_148 = arith.constant 0 : i32
      %dma_wait3A_149 = tpu.memref_slice %arg9[%dma_wait3A_147, %dma_wait3A_148] : memref<512x32xf32, #tpu.memory_space<vmem>> -> memref<256x32xf32, #tpu.memory_space<vmem>>
      %dma_wait3A_150 = arith.constant 0 : i32
      %dma_wait3A_151 = tpu.memref_slice %arg6[%add3A_86, %dma_wait3A_150] : memref<40x256xi32, #tpu.memory_space<vmem>> -> memref<1x256xi32, #tpu.memory_space<vmem>>
      %dma_wait3A_152 = tpu.memref_squeeze %dma_wait3A_151 : memref<1x256xi32, #tpu.memory_space<vmem>> -> memref<256xi32, #tpu.memory_space<vmem>>
      %dma_wait3A_153 = arith.constant 0 : i32
      %dma_wait3A_154 = arith.constant 0 : i32
      %dma_wait3A_155 = tpu.memref_slice %arg10[%dma_wait3A_153, %dma_wait3A_154] : memref<10112x32xf32, #tpu.memory_space<vmem_shared>> -> memref<10112x32xf32, #tpu.memory_space<vmem_shared>>
      tpu.wait_indirect_dma semaphore(%arg14 : memref<!tpu.dma_semaphore, #tpu.memory_space<semaphore_mem>>) src(%dma_wait3A_155 : memref<10112x32xf32, #tpu.memory_space<vmem_shared>>) dst(%dma_wait3A_149 : memref<256x32xf32, #tpu.memory_space<vmem>>)
      %dma_start3A_156 = arith.constant 0 : i32
      %dma_start3A_157 = arith.constant 0 : i32
      %dma_start3A_158 = tpu.memref_slice %arg9[%dma_start3A_156, %dma_start3A_157] : memref<512x32xf32, #tpu.memory_space<vmem>> -> memref<256x32xf32, #tpu.memory_space<vmem>>
      %dma_start3A_159 = arith.constant 0 : i32
      %dma_start3A_160 = tpu.memref_slice %arg7[%add3A_86, %dma_start3A_159] : memref<40x256xi32, #tpu.memory_space<vmem>> -> memref<1x256xi32, #tpu.memory_space<vmem>>
      %dma_start3A_161 = tpu.memref_squeeze %dma_start3A_160 : memref<1x256xi32, #tpu.memory_space<vmem>> -> memref<256xi32, #tpu.memory_space<vmem>>
      %dma_start3A_162 = arith.constant 0 : i32
      %dma_start3A_163 = arith.constant 0 : i32
      %dma_start3A_164 = tpu.memref_slice %arg11[%dma_start3A_162, %dma_start3A_163] : memref<10112x32xf32, #tpu.memory_space<vmem_shared>> -> memref<10112x32xf32, #tpu.memory_space<vmem_shared>>
      tpu.enqueue_indirect_dma source(%dma_start3A_158 : memref<256x32xf32, #tpu.memory_space<vmem>>) target(%dma_start3A_164 : memref<10112x32xf32, #tpu.memory_space<vmem_shared>>) offsets(%dma_start3A_161 : memref<256xi32, #tpu.memory_space<vmem>>) semaphore(%arg14 : memref<!tpu.dma_semaphore, #tpu.memory_space<semaphore_mem>>) {add = true}
      %dma_wait3A_165 = arith.constant 256 : i32
      %dma_wait3A_166 = arith.constant 0 : i32
      %dma_wait3A_167 = tpu.memref_slice %arg9[%dma_wait3A_165, %dma_wait3A_166] : memref<512x32xf32, #tpu.memory_space<vmem>> -> memref<256x32xf32, #tpu.memory_space<vmem>>
      %dma_wait3A_168 = arith.constant 0 : i32
      %dma_wait3A_169 = tpu.memref_slice %arg6[%add3A_92, %dma_wait3A_168] : memref<40x256xi32, #tpu.memory_space<vmem>> -> memref<1x256xi32, #tpu.memory_space<vmem>>
      %dma_wait3A_170 = tpu.memref_squeeze %dma_wait3A_169 : memref<1x256xi32, #tpu.memory_space<vmem>> -> memref<256xi32, #tpu.memory_space<vmem>>
      %dma_wait3A_171 = arith.constant 0 : i32
      %dma_wait3A_172 = arith.constant 0 : i32
      %dma_wait3A_173 = tpu.memref_slice %arg10[%dma_wait3A_171, %dma_wait3A_172] : memref<10112x32xf32, #tpu.memory_space<vmem_shared>> -> memref<10112x32xf32, #tpu.memory_space<vmem_shared>>
      tpu.wait_indirect_dma semaphore(%arg15 : memref<!tpu.dma_semaphore, #tpu.memory_space<semaphore_mem>>) src(%dma_wait3A_173 : memref<10112x32xf32, #tpu.memory_space<vmem_shared>>) dst(%dma_wait3A_167 : memref<256x32xf32, #tpu.memory_space<vmem>>)
      %dma_start3A_174 = arith.constant 256 : i32
      %dma_start3A_175 = arith.constant 0 : i32
      %dma_start3A_176 = tpu.memref_slice %arg9[%dma_start3A_174, %dma_start3A_175] : memref<512x32xf32, #tpu.memory_space<vmem>> -> memref<256x32xf32, #tpu.memory_space<vmem>>
      %dma_start3A_177 = arith.constant 0 : i32
      %dma_start3A_178 = tpu.memref_slice %arg7[%add3A_92, %dma_start3A_177] : memref<40x256xi32, #tpu.memory_space<vmem>> -> memref<1x256xi32, #tpu.memory_space<vmem>>
      %dma_start3A_179 = tpu.memref_squeeze %dma_start3A_178 : memref<1x256xi32, #tpu.memory_space<vmem>> -> memref<256xi32, #tpu.memory_space<vmem>>
      %dma_start3A_180 = arith.constant 0 : i32
      %dma_start3A_181 = arith.constant 0 : i32
      %dma_start3A_182 = tpu.memref_slice %arg11[%dma_start3A_180, %dma_start3A_181] : memref<10112x32xf32, #tpu.memory_space<vmem_shared>> -> memref<10112x32xf32, #tpu.memory_space<vmem_shared>>
      tpu.enqueue_indirect_dma source(%dma_start3A_176 : memref<256x32xf32, #tpu.memory_space<vmem>>) target(%dma_start3A_182 : memref<10112x32xf32, #tpu.memory_space<vmem_shared>>) offsets(%dma_start3A_179 : memref<256xi32, #tpu.memory_space<vmem>>) semaphore(%arg15 : memref<!tpu.dma_semaphore, #tpu.memory_space<semaphore_mem>>) {add = true}
      %dma_wait3A_183 = arith.constant 0 : i32
      %dma_wait3A_184 = arith.constant 0 : i32
      %dma_wait3A_185 = tpu.memref_slice %arg8[%dma_wait3A_183, %dma_wait3A_184] : memref<512x32xf32, #tpu.memory_space<vmem>> -> memref<256x32xf32, #tpu.memory_space<vmem>>
      %dma_wait3A_186 = arith.constant 0 : i32
      %dma_wait3A_187 = tpu.memref_slice %arg6[%scan3A_75, %dma_wait3A_186] : memref<40x256xi32, #tpu.memory_space<vmem>> -> memref<1x256xi32, #tpu.memory_space<vmem>>
      %dma_wait3A_188 = tpu.memref_squeeze %dma_wait3A_187 : memref<1x256xi32, #tpu.memory_space<vmem>> -> memref<256xi32, #tpu.memory_space<vmem>>
      %dma_wait3A_189 = arith.constant 0 : i32
      %dma_wait3A_190 = arith.constant 0 : i32
      %dma_wait3A_191 = tpu.memref_slice %arg2[%dma_wait3A_189, %dma_wait3A_190] : memref<10112x32xf32, #tpu.memory_space<hbm>> -> memref<10112x32xf32, #tpu.memory_space<hbm>>
      tpu.wait_indirect_dma semaphore(%arg12 : memref<!tpu.dma_semaphore, #tpu.memory_space<semaphore_mem>>) src(%dma_wait3A_191 : memref<10112x32xf32, #tpu.memory_space<hbm>>) dst(%dma_wait3A_185 : memref<256x32xf32, #tpu.memory_space<vmem>>)
      %dma_start3A_192 = arith.constant 0 : i32
      %dma_start3A_193 = arith.constant 0 : i32
      %dma_start3A_194 = tpu.memref_slice %arg8[%dma_start3A_192, %dma_start3A_193] : memref<512x32xf32, #tpu.memory_space<vmem>> -> memref<256x32xf32, #tpu.memory_space<vmem>>
      %dma_start3A_195 = arith.constant 0 : i32
      %dma_start3A_196 = tpu.memref_slice %arg7[%scan3A_75, %dma_start3A_195] : memref<40x256xi32, #tpu.memory_space<vmem>> -> memref<1x256xi32, #tpu.memory_space<vmem>>
      %dma_start3A_197 = tpu.memref_squeeze %dma_start3A_196 : memref<1x256xi32, #tpu.memory_space<vmem>> -> memref<256xi32, #tpu.memory_space<vmem>>
      %dma_start3A_198 = arith.constant 0 : i32
      %dma_start3A_199 = arith.constant 0 : i32
      %dma_start3A_200 = tpu.memref_slice %arg11[%dma_start3A_198, %dma_start3A_199] : memref<10112x32xf32, #tpu.memory_space<vmem_shared>> -> memref<10112x32xf32, #tpu.memory_space<vmem_shared>>
      tpu.enqueue_indirect_dma source(%dma_start3A_194 : memref<256x32xf32, #tpu.memory_space<vmem>>) target(%dma_start3A_200 : memref<10112x32xf32, #tpu.memory_space<vmem_shared>>) offsets(%dma_start3A_197 : memref<256xi32, #tpu.memory_space<vmem>>) semaphore(%arg12 : memref<!tpu.dma_semaphore, #tpu.memory_space<semaphore_mem>>) {add = true}
      %dma_wait3A_201 = arith.constant 256 : i32
      %dma_wait3A_202 = arith.constant 0 : i32
      %dma_wait3A_203 = tpu.memref_slice %arg8[%dma_wait3A_201, %dma_wait3A_202] : memref<512x32xf32, #tpu.memory_space<vmem>> -> memref<256x32xf32, #tpu.memory_space<vmem>>
      %dma_wait3A_204 = arith.constant 0 : i32
      %dma_wait3A_205 = tpu.memref_slice %arg7[%add3A_80, %dma_wait3A_204] : memref<40x256xi32, #tpu.memory_space<vmem>> -> memref<1x256xi32, #tpu.memory_space<vmem>>
      %dma_wait3A_206 = tpu.memref_squeeze %dma_wait3A_205 : memref<1x256xi32, #tpu.memory_space<vmem>> -> memref<256xi32, #tpu.memory_space<vmem>>
      %dma_wait3A_207 = arith.constant 0 : i32
      %dma_wait3A_208 = arith.constant 0 : i32
      %dma_wait3A_209 = tpu.memref_slice %arg11[%dma_wait3A_207, %dma_wait3A_208] : memref<10112x32xf32, #tpu.memory_space<vmem_shared>> -> memref<10112x32xf32, #tpu.memory_space<vmem_shared>>
      tpu.wait_indirect_dma semaphore(%arg13 : memref<!tpu.dma_semaphore, #tpu.memory_space<semaphore_mem>>) src(%dma_wait3A_203 : memref<256x32xf32, #tpu.memory_space<vmem>>) dst(%dma_wait3A_209 : memref<10112x32xf32, #tpu.memory_space<vmem_shared>>)
      %dma_wait3A_210 = arith.constant 0 : i32
      %dma_wait3A_211 = arith.constant 0 : i32
      %dma_wait3A_212 = tpu.memref_slice %arg9[%dma_wait3A_210, %dma_wait3A_211] : memref<512x32xf32, #tpu.memory_space<vmem>> -> memref<256x32xf32, #tpu.memory_space<vmem>>
      %dma_wait3A_213 = arith.constant 0 : i32
      %dma_wait3A_214 = tpu.memref_slice %arg7[%add3A_86, %dma_wait3A_213] : memref<40x256xi32, #tpu.memory_space<vmem>> -> memref<1x256xi32, #tpu.memory_space<vmem>>
      %dma_wait3A_215 = tpu.memref_squeeze %dma_wait3A_214 : memref<1x256xi32, #tpu.memory_space<vmem>> -> memref<256xi32, #tpu.memory_space<vmem>>
      %dma_wait3A_216 = arith.constant 0 : i32
      %dma_wait3A_217 = arith.constant 0 : i32
      %dma_wait3A_218 = tpu.memref_slice %arg11[%dma_wait3A_216, %dma_wait3A_217] : memref<10112x32xf32, #tpu.memory_space<vmem_shared>> -> memref<10112x32xf32, #tpu.memory_space<vmem_shared>>
      tpu.wait_indirect_dma semaphore(%arg14 : memref<!tpu.dma_semaphore, #tpu.memory_space<semaphore_mem>>) src(%dma_wait3A_212 : memref<256x32xf32, #tpu.memory_space<vmem>>) dst(%dma_wait3A_218 : memref<10112x32xf32, #tpu.memory_space<vmem_shared>>)
      %dma_wait3A_219 = arith.constant 256 : i32
      %dma_wait3A_220 = arith.constant 0 : i32
      %dma_wait3A_221 = tpu.memref_slice %arg9[%dma_wait3A_219, %dma_wait3A_220] : memref<512x32xf32, #tpu.memory_space<vmem>> -> memref<256x32xf32, #tpu.memory_space<vmem>>
      %dma_wait3A_222 = arith.constant 0 : i32
      %dma_wait3A_223 = tpu.memref_slice %arg7[%add3A_92, %dma_wait3A_222] : memref<40x256xi32, #tpu.memory_space<vmem>> -> memref<1x256xi32, #tpu.memory_space<vmem>>
      %dma_wait3A_224 = tpu.memref_squeeze %dma_wait3A_223 : memref<1x256xi32, #tpu.memory_space<vmem>> -> memref<256xi32, #tpu.memory_space<vmem>>
      %dma_wait3A_225 = arith.constant 0 : i32
      %dma_wait3A_226 = arith.constant 0 : i32
      %dma_wait3A_227 = tpu.memref_slice %arg11[%dma_wait3A_225, %dma_wait3A_226] : memref<10112x32xf32, #tpu.memory_space<vmem_shared>> -> memref<10112x32xf32, #tpu.memory_space<vmem_shared>>
      tpu.wait_indirect_dma semaphore(%arg15 : memref<!tpu.dma_semaphore, #tpu.memory_space<semaphore_mem>>) src(%dma_wait3A_221 : memref<256x32xf32, #tpu.memory_space<vmem>>) dst(%dma_wait3A_227 : memref<10112x32xf32, #tpu.memory_space<vmem_shared>>)
      %dma_wait3A_228 = arith.constant 0 : i32
      %dma_wait3A_229 = arith.constant 0 : i32
      %dma_wait3A_230 = tpu.memref_slice %arg8[%dma_wait3A_228, %dma_wait3A_229] : memref<512x32xf32, #tpu.memory_space<vmem>> -> memref<256x32xf32, #tpu.memory_space<vmem>>
      %dma_wait3A_231 = arith.constant 0 : i32
      %dma_wait3A_232 = tpu.memref_slice %arg7[%scan3A_75, %dma_wait3A_231] : memref<40x256xi32, #tpu.memory_space<vmem>> -> memref<1x256xi32, #tpu.memory_space<vmem>>
      %dma_wait3A_233 = tpu.memref_squeeze %dma_wait3A_232 : memref<1x256xi32, #tpu.memory_space<vmem>> -> memref<256xi32, #tpu.memory_space<vmem>>
      %dma_wait3A_234 = arith.constant 0 : i32
      %dma_wait3A_235 = arith.constant 0 : i32
      %dma_wait3A_236 = tpu.memref_slice %arg11[%dma_wait3A_234, %dma_wait3A_235] : memref<10112x32xf32, #tpu.memory_space<vmem_shared>> -> memref<10112x32xf32, #tpu.memory_space<vmem_shared>>
      tpu.wait_indirect_dma semaphore(%arg12 : memref<!tpu.dma_semaphore, #tpu.memory_space<semaphore_mem>>) src(%dma_wait3A_230 : memref<256x32xf32, #tpu.memory_space<vmem>>) dst(%dma_wait3A_236 : memref<10112x32xf32, #tpu.memory_space<vmem_shared>>)
      %scan3A_237 = arith.constant 0 : i32
      scf.yield %scan3A_237 : i32
    }
    %scan3A_69 = arith.constant 10 : i32
    %barrier3A_70 = arith.constant 0 : index
    tpu.barrier barrier_id(%barrier3A_70)
    %mul3A_71 = arith.constant 632 : i32
    %mul3A_72 = arith.muli %arg1, %mul3A_71 : i32
    %mul3A_73 = arith.constant 632 : i32
    %mul3A_74 = arith.muli %arg1, %mul3A_73 : i32
    "tpu.region"() ({
      %run_scoped3A = tpu.sem_alloc : memref<!tpu.dma_semaphore, #tpu.memory_space<semaphore_mem>>
      %dma_start3A_75 = arith.constant 0 : i32
      %dma_start3A_76 = tpu.memref_slice %arg5[%arg0, %mul3A_74, %dma_start3A_75] : memref<2x10112x32xf32, #tpu.memory_space<hbm>> -> memref<1x632x32xf32, #tpu.memory_space<hbm>>
      %dma_start3A_77 = tpu.memref_squeeze %dma_start3A_76 : memref<1x632x32xf32, #tpu.memory_space<hbm>> -> memref<632x32xf32, #tpu.memory_space<hbm>>
      %dma_start3A_78 = arith.constant 0 : i32
      %dma_start3A_79 = tpu.memref_slice %arg11[%mul3A_72, %dma_start3A_78] : memref<10112x32xf32, #tpu.memory_space<vmem_shared>> -> memref<632x32xf32, #tpu.memory_space<vmem_shared>>
      tpu.enqueue_dma source(%dma_start3A_79 : memref<632x32xf32, #tpu.memory_space<vmem_shared>>) target(%dma_start3A_77 : memref<632x32xf32, #tpu.memory_space<hbm>>) target_semaphore(%run_scoped3A : memref<!tpu.dma_semaphore, #tpu.memory_space<semaphore_mem>>)
      %dma_wait3A_80 = arith.constant 0 : i32
      %dma_wait3A_81 = tpu.memref_slice %arg5[%arg0, %mul3A_74, %dma_wait3A_80] : memref<2x10112x32xf32, #tpu.memory_space<hbm>> -> memref<1x632x32xf32, #tpu.memory_space<hbm>>
      %dma_wait3A_82 = tpu.memref_squeeze %dma_wait3A_81 : memref<1x632x32xf32, #tpu.memory_space<hbm>> -> memref<632x32xf32, #tpu.memory_space<hbm>>
      %dma_wait3A_83 = arith.constant 0 : i32
      %dma_wait3A_84 = tpu.memref_slice %arg11[%mul3A_72, %dma_wait3A_83] : memref<10112x32xf32, #tpu.memory_space<vmem_shared>> -> memref<632x32xf32, #tpu.memory_space<vmem_shared>>
      tpu.wait_dma2 semaphore(%run_scoped3A : memref<!tpu.dma_semaphore, #tpu.memory_space<semaphore_mem>>) src(%dma_wait3A_84 : memref<632x32xf32, #tpu.memory_space<vmem_shared>>) dst(%dma_wait3A_82 : memref<632x32xf32, #tpu.memory_space<hbm>>)
      tpu.yield
    }) : () -> ()
    return
  }
}

#map = affine_map<(d0, d1) -> (0, 0)>
#map1 = affine_map<(d0, d1) -> (0, 0, 0)>
module attributes {stable_mosaic.version = 14 : i64} {
  func.func @_sc_edge_sum(%arg0: i32, %arg1: i32, %arg2: memref<10112x32xf32, #tpu.memory_space<hbm>>, %arg3: memref<32x40x256xi32, #tpu.memory_space<hbm>>, %arg4: memref<32x40x256xi32, #tpu.memory_space<hbm>>, %arg5: memref<2x10112x32xf32, #tpu.memory_space<hbm>>, %arg6: memref<40x256xi32, #tpu.memory_space<vmem>>, %arg7: memref<40x256xi32, #tpu.memory_space<vmem>>, %arg8: memref<512x32xf32, #tpu.memory_space<vmem>>, %arg9: memref<512x32xf32, #tpu.memory_space<vmem>>, %arg10: memref<10112x32xf32, #tpu.memory_space<vmem_shared>>, %arg11: memref<10112x32xf32, #tpu.memory_space<vmem_shared>>, %arg12: memref<!tpu.dma_semaphore, #tpu.memory_space<semaphore_mem>>, %arg13: memref<!tpu.dma_semaphore, #tpu.memory_space<semaphore_mem>>, %arg14: memref<!tpu.dma_semaphore, #tpu.memory_space<semaphore_mem>>, %arg15: memref<!tpu.dma_semaphore, #tpu.memory_space<semaphore_mem>>) attributes {dimension_semantics = [#tpu.dimension_semantics<core_parallel>, #tpu.dimension_semantics<subcore_parallel>], iteration_bounds = array<i64: 2, 16>, scalar_prefetch = 0 : i64, scratch_operands = 10 : i64, tpu.core_type = #tpu.core_type<sc_vector_subcore>, window_params = [{transform_indices = #map}, {transform_indices = #map1}, {transform_indices = #map1}, {transform_indices = #map1}]} {
    %mul3A = arith.constant 16 : i32
    %mul3A_0 = arith.muli %arg0, %mul3A : i32
    %add3A = arith.addi %mul3A_0, %arg1 : i32
    %dma_start3A = arith.constant 0 : i32
    %dma_start3A_1 = arith.constant 0 : i32
    %dma_start3A_2 = tpu.memref_slice %arg3[%add3A, %dma_start3A, %dma_start3A_1] : memref<32x40x256xi32, #tpu.memory_space<hbm>> -> memref<1x40x256xi32, #tpu.memory_space<hbm>>
    %dma_start3A_3 = tpu.memref_squeeze %dma_start3A_2 : memref<1x40x256xi32, #tpu.memory_space<hbm>> -> memref<40x256xi32, #tpu.memory_space<hbm>>
    %dma_start3A_4 = arith.constant 0 : i32
    %dma_start3A_5 = arith.constant 0 : i32
    %dma_start3A_6 = tpu.memref_slice %arg3[%add3A, %dma_start3A_4, %dma_start3A_5] : memref<32x40x256xi32, #tpu.memory_space<hbm>> -> memref<1x40x256xi32, #tpu.memory_space<hbm>>
    %dma_start3A_7 = tpu.memref_squeeze %dma_start3A_6 : memref<1x40x256xi32, #tpu.memory_space<hbm>> -> memref<40x256xi32, #tpu.memory_space<hbm>>
    tpu.enqueue_dma source(%dma_start3A_7 : memref<40x256xi32, #tpu.memory_space<hbm>>) target(%arg6 : memref<40x256xi32, #tpu.memory_space<vmem>>) target_semaphore(%arg12 : memref<!tpu.dma_semaphore, #tpu.memory_space<semaphore_mem>>)
    %dma_start3A_8 = arith.constant 0 : i32
    %dma_start3A_9 = arith.constant 0 : i32
    %dma_start3A_10 = tpu.memref_slice %arg4[%add3A, %dma_start3A_8, %dma_start3A_9] : memref<32x40x256xi32, #tpu.memory_space<hbm>> -> memref<1x40x256xi32, #tpu.memory_space<hbm>>
    %dma_start3A_11 = tpu.memref_squeeze %dma_start3A_10 : memref<1x40x256xi32, #tpu.memory_space<hbm>> -> memref<40x256xi32, #tpu.memory_space<hbm>>
    %dma_start3A_12 = arith.constant 0 : i32
    %dma_start3A_13 = arith.constant 0 : i32
    %dma_start3A_14 = tpu.memref_slice %arg4[%add3A, %dma_start3A_12, %dma_start3A_13] : memref<32x40x256xi32, #tpu.memory_space<hbm>> -> memref<1x40x256xi32, #tpu.memory_space<hbm>>
    %dma_start3A_15 = tpu.memref_squeeze %dma_start3A_14 : memref<1x40x256xi32, #tpu.memory_space<hbm>> -> memref<40x256xi32, #tpu.memory_space<hbm>>
    tpu.enqueue_dma source(%dma_start3A_15 : memref<40x256xi32, #tpu.memory_space<hbm>>) target(%arg7 : memref<40x256xi32, #tpu.memory_space<vmem>>) target_semaphore(%arg12 : memref<!tpu.dma_semaphore, #tpu.memory_space<semaphore_mem>>)
    %mul3A_16 = arith.constant 632 : i32
    %mul3A_17 = arith.muli %arg1, %mul3A_16 : i32
    %mul3A_18 = arith.constant 632 : i32
    %mul3A_19 = arith.muli %arg1, %mul3A_18 : i32
    %dma_start3A_20 = arith.constant 0 : i32
    %dma_start3A_21 = tpu.memref_slice %arg10[%mul3A_19, %dma_start3A_20] : memref<10112x32xf32, #tpu.memory_space<vmem_shared>> -> memref<632x32xf32, #tpu.memory_space<vmem_shared>>
    %dma_start3A_22 = arith.constant 0 : i32
    %dma_start3A_23 = tpu.memref_slice %arg2[%mul3A_17, %dma_start3A_22] : memref<10112x32xf32, #tpu.memory_space<hbm>> -> memref<632x32xf32, #tpu.memory_space<hbm>>
    tpu.enqueue_dma source(%dma_start3A_23 : memref<632x32xf32, #tpu.memory_space<hbm>>) target(%dma_start3A_21 : memref<632x32xf32, #tpu.memory_space<vmem_shared>>) target_semaphore(%arg13 : memref<!tpu.dma_semaphore, #tpu.memory_space<semaphore_mem>>)
    %broadcast_in_dim3A = arith.constant 0.000000e+00 : f32
    %broadcast_in_dim3A_24 = vector.broadcast %broadcast_in_dim3A : f32 to vector<16xf32>
    %scan3A = arith.constant 0 : i32
    %scan3A_25 = arith.constant 0 : i32
    %scan3A_26 = arith.constant 512 : i32
    %scan3A_27 = arith.addi %scan3A_25, %scan3A_26 : i32
    %scan3A_28 = arith.constant 1 : i32
    %scan3A_29 = scf.for %scan3A_75 = %scan3A_25 to %scan3A_27 step %scan3A_28 iter_args(%scan3A_76 = %scan3A) -> (i32)  : i32 {
      %swap3A = arith.index_cast %scan3A_75 : i32 to index
      %swap3A_77 = arith.constant 0 : index
      %swap3A_78 = tpu.vector_load %arg8[%swap3A, %swap3A_77] {strides = array<i32>} : memref<512x32xf32, #tpu.memory_space<vmem>>, vector<1x16xf32>,
      %swap3A_79 = vector.shape_cast %swap3A_78 : vector<1x16xf32> to vector<16xf32>
      %swap3A_80 = vector.shape_cast %broadcast_in_dim3A_24 : vector<16xf32> to vector<1x16xf32>
      tpu.vector_store %arg8[%swap3A, %swap3A_77], %swap3A_80 {strides = array<i32>} : memref<512x32xf32, #tpu.memory_space<vmem>>, vector<1x16xf32>,
      %swap3A_81 = arith.index_cast %scan3A_75 : i32 to index
      %swap3A_82 = arith.constant 16 : index
      %swap3A_83 = tpu.vector_load %arg8[%swap3A_81, %swap3A_82] {strides = array<i32>} : memref<512x32xf32, #tpu.memory_space<vmem>>, vector<1x16xf32>,
      %swap3A_84 = vector.shape_cast %swap3A_83 : vector<1x16xf32> to vector<16xf32>
      %swap3A_85 = vector.shape_cast %broadcast_in_dim3A_24 : vector<16xf32> to vector<1x16xf32>
      tpu.vector_store %arg8[%swap3A_81, %swap3A_82], %swap3A_85 {strides = array<i32>} : memref<512x32xf32, #tpu.memory_space<vmem>>, vector<1x16xf32>,
      %scan3A_86 = arith.constant 0 : i32
      scf.yield %scan3A_86 : i32
    }
    %scan3A_30 = arith.constant 512 : i32
    %scan3A_31 = arith.constant 0 : i32
    %scan3A_32 = arith.constant 0 : i32
    %scan3A_33 = arith.constant 120 : i32
    %scan3A_34 = arith.addi %scan3A_32, %scan3A_33 : i32
    %scan3A_35 = arith.constant 1 : i32
    %scan3A_36 = scf.for %scan3A_75 = %scan3A_32 to %scan3A_34 step %scan3A_35 iter_args(%scan3A_76 = %scan3A_31) -> (i32)  : i32 {
      %swap3A = arith.index_cast %scan3A_75 : i32 to index
      %swap3A_77 = arith.constant 0 : index
      %swap3A_78 = tpu.vector_load %arg9[%swap3A, %swap3A_77] {strides = array<i32>} : memref<512x32xf32, #tpu.memory_space<vmem>>, vector<1x16xf32>,
      %swap3A_79 = vector.shape_cast %swap3A_78 : vector<1x16xf32> to vector<16xf32>
      %swap3A_80 = vector.shape_cast %broadcast_in_dim3A_24 : vector<16xf32> to vector<1x16xf32>
      tpu.vector_store %arg9[%swap3A, %swap3A_77], %swap3A_80 {strides = array<i32>} : memref<512x32xf32, #tpu.memory_space<vmem>>, vector<1x16xf32>,
      %swap3A_81 = arith.index_cast %scan3A_75 : i32 to index
      %swap3A_82 = arith.constant 16 : index
      %swap3A_83 = tpu.vector_load %arg9[%swap3A_81, %swap3A_82] {strides = array<i32>} : memref<512x32xf32, #tpu.memory_space<vmem>>, vector<1x16xf32>,
      %swap3A_84 = vector.shape_cast %swap3A_83 : vector<1x16xf32> to vector<16xf32>
      %swap3A_85 = vector.shape_cast %broadcast_in_dim3A_24 : vector<16xf32> to vector<1x16xf32>
      tpu.vector_store %arg9[%swap3A_81, %swap3A_82], %swap3A_85 {strides = array<i32>} : memref<512x32xf32, #tpu.memory_space<vmem>>, vector<1x16xf32>,
      %scan3A_86 = arith.constant 0 : i32
      scf.yield %scan3A_86 : i32
    }
    %scan3A_37 = arith.constant 120 : i32
    %mul3A_38 = arith.constant 632 : i32
    %mul3A_39 = arith.muli %arg1, %mul3A_38 : i32
    "tpu.region"() ({
      %run_scoped3A = tpu.sem_alloc : memref<!tpu.dma_semaphore, #tpu.memory_space<semaphore_mem>>
      %dma_start3A_75 = arith.constant 0 : i32
      %dma_start3A_76 = tpu.memref_slice %arg11[%mul3A_39, %dma_start3A_75] : memref<10112x32xf32, #tpu.memory_space<vmem_shared>> -> memref<512x32xf32, #tpu.memory_space<vmem_shared>>
      %dma_start3A_77 = arith.constant 0 : i32
      %dma_start3A_78 = tpu.memref_slice %arg11[%mul3A_39, %dma_start3A_77] : memref<10112x32xf32, #tpu.memory_space<vmem_shared>> -> memref<512x32xf32, #tpu.memory_space<vmem_shared>>
      tpu.enqueue_dma source(%arg8 : memref<512x32xf32, #tpu.memory_space<vmem>>) target(%dma_start3A_78 : memref<512x32xf32, #tpu.memory_space<vmem_shared>>) target_semaphore(%run_scoped3A : memref<!tpu.dma_semaphore, #tpu.memory_space<semaphore_mem>>)
      %dma_wait3A_79 = arith.constant 0 : i32
      %dma_wait3A_80 = tpu.memref_slice %arg11[%mul3A_39, %dma_wait3A_79] : memref<10112x32xf32, #tpu.memory_space<vmem_shared>> -> memref<512x32xf32, #tpu.memory_space<vmem_shared>>
      %dma_wait3A_81 = arith.constant 0 : i32
      %dma_wait3A_82 = tpu.memref_slice %arg11[%mul3A_39, %dma_wait3A_81] : memref<10112x32xf32, #tpu.memory_space<vmem_shared>> -> memref<512x32xf32, #tpu.memory_space<vmem_shared>>
      tpu.wait_dma2 semaphore(%run_scoped3A : memref<!tpu.dma_semaphore, #tpu.memory_space<semaphore_mem>>) src(%arg8 : memref<512x32xf32, #tpu.memory_space<vmem>>) dst(%dma_wait3A_82 : memref<512x32xf32, #tpu.memory_space<vmem_shared>>)
      tpu.yield
    }) : () -> ()
    %mul3A_40 = arith.constant 632 : i32
    %mul3A_41 = arith.muli %arg1, %mul3A_40 : i32
    %add3A_42 = arith.constant 512 : i32
    %add3A_43 = arith.addi %mul3A_41, %add3A_42 : i32
    "tpu.region"() ({
      %run_scoped3A = tpu.sem_alloc : memref<!tpu.dma_semaphore, #tpu.memory_space<semaphore_mem>>
      %dma_start3A_75 = arith.constant 0 : i32
      %dma_start3A_76 = arith.constant 0 : i32
      %dma_start3A_77 = tpu.memref_slice %arg9[%dma_start3A_75, %dma_start3A_76] : memref<512x32xf32, #tpu.memory_space<vmem>> -> memref<120x32xf32, #tpu.memory_space<vmem>>
      %dma_start3A_78 = arith.constant 0 : i32
      %dma_start3A_79 = tpu.memref_slice %arg11[%add3A_43, %dma_start3A_78] : memref<10112x32xf32, #tpu.memory_space<vmem_shared>> -> memref<120x32xf32, #tpu.memory_space<vmem_shared>>
      %dma_start3A_80 = arith.constant 0 : i32
      %dma_start3A_81 = tpu.memref_slice %arg11[%add3A_43, %dma_start3A_80] : memref<10112x32xf32, #tpu.memory_space<vmem_shared>> -> memref<120x32xf32, #tpu.memory_space<vmem_shared>>
      %dma_start3A_82 = arith.constant 0 : i32
      %dma_start3A_83 = arith.constant 0 : i32
      %dma_start3A_84 = tpu.memref_slice %arg9[%dma_start3A_82, %dma_start3A_83] : memref<512x32xf32, #tpu.memory_space<vmem>> -> memref<120x32xf32, #tpu.memory_space<vmem>>
      tpu.enqueue_dma source(%dma_start3A_84 : memref<120x32xf32, #tpu.memory_space<vmem>>) target(%dma_start3A_81 : memref<120x32xf32, #tpu.memory_space<vmem_shared>>) target_semaphore(%run_scoped3A : memref<!tpu.dma_semaphore, #tpu.memory_space<semaphore_mem>>)
      %dma_wait3A_85 = arith.constant 0 : i32
      %dma_wait3A_86 = arith.constant 0 : i32
      %dma_wait3A_87 = tpu.memref_slice %arg9[%dma_wait3A_85, %dma_wait3A_86] : memref<512x32xf32, #tpu.memory_space<vmem>> -> memref<120x32xf32, #tpu.memory_space<vmem>>
      %dma_wait3A_88 = arith.constant 0 : i32
      %dma_wait3A_89 = tpu.memref_slice %arg11[%add3A_43, %dma_wait3A_88] : memref<10112x32xf32, #tpu.memory_space<vmem_shared>> -> memref<120x32xf32, #tpu.memory_space<vmem_shared>>
      %dma_wait3A_90 = arith.constant 0 : i32
      %dma_wait3A_91 = tpu.memref_slice %arg11[%add3A_43, %dma_wait3A_90] : memref<10112x32xf32, #tpu.memory_space<vmem_shared>> -> memref<120x32xf32, #tpu.memory_space<vmem_shared>>
      %dma_wait3A_92 = arith.constant 0 : i32
      %dma_wait3A_93 = arith.constant 0 : i32
      %dma_wait3A_94 = tpu.memref_slice %arg9[%dma_wait3A_92, %dma_wait3A_93] : memref<512x32xf32, #tpu.memory_space<vmem>> -> memref<120x32xf32, #tpu.memory_space<vmem>>
      tpu.wait_dma2 semaphore(%run_scoped3A : memref<!tpu.dma_semaphore, #tpu.memory_space<semaphore_mem>>) src(%dma_wait3A_94 : memref<120x32xf32, #tpu.memory_space<vmem>>) dst(%dma_wait3A_91 : memref<120x32xf32, #tpu.memory_space<vmem_shared>>)
      tpu.yield
    }) : () -> ()
    %dma_wait3A = arith.constant 0 : i32
    %dma_wait3A_44 = arith.constant 0 : i32
    %dma_wait3A_45 = tpu.memref_slice %arg3[%add3A, %dma_wait3A, %dma_wait3A_44] : memref<32x40x256xi32, #tpu.memory_space<hbm>> -> memref<1x40x256xi32, #tpu.memory_space<hbm>>
    %dma_wait3A_46 = tpu.memref_squeeze %dma_wait3A_45 : memref<1x40x256xi32, #tpu.memory_space<hbm>> -> memref<40x256xi32, #tpu.memory_space<hbm>>
    %dma_wait3A_47 = arith.constant 0 : i32
    %dma_wait3A_48 = arith.constant 0 : i32
    %dma_wait3A_49 = tpu.memref_slice %arg3[%add3A, %dma_wait3A_47, %dma_wait3A_48] : memref<32x40x256xi32, #tpu.memory_space<hbm>> -> memref<1x40x256xi32, #tpu.memory_space<hbm>>
    %dma_wait3A_50 = tpu.memref_squeeze %dma_wait3A_49 : memref<1x40x256xi32, #tpu.memory_space<hbm>> -> memref<40x256xi32, #tpu.memory_space<hbm>>
    tpu.wait_dma2 semaphore(%arg12 : memref<!tpu.dma_semaphore, #tpu.memory_space<semaphore_mem>>) src(%dma_wait3A_50 : memref<40x256xi32, #tpu.memory_space<hbm>>) dst(%arg6 : memref<40x256xi32, #tpu.memory_space<vmem>>)
    %dma_wait3A_51 = arith.constant 0 : i32
    %dma_wait3A_52 = arith.constant 0 : i32
    %dma_wait3A_53 = tpu.memref_slice %arg4[%add3A, %dma_wait3A_51, %dma_wait3A_52] : memref<32x40x256xi32, #tpu.memory_space<hbm>> -> memref<1x40x256xi32, #tpu.memory_space<hbm>>
    %dma_wait3A_54 = tpu.memref_squeeze %dma_wait3A_53 : memref<1x40x256xi32, #tpu.memory_space<hbm>> -> memref<40x256xi32, #tpu.memory_space<hbm>>
    %dma_wait3A_55 = arith.constant 0 : i32
    %dma_wait3A_56 = arith.constant 0 : i32
    %dma_wait3A_57 = tpu.memref_slice %arg4[%add3A, %dma_wait3A_55, %dma_wait3A_56] : memref<32x40x256xi32, #tpu.memory_space<hbm>> -> memref<1x40x256xi32, #tpu.memory_space<hbm>>
    %dma_wait3A_58 = tpu.memref_squeeze %dma_wait3A_57 : memref<1x40x256xi32, #tpu.memory_space<hbm>> -> memref<40x256xi32, #tpu.memory_space<hbm>>
    tpu.wait_dma2 semaphore(%arg12 : memref<!tpu.dma_semaphore, #tpu.memory_space<semaphore_mem>>) src(%dma_wait3A_58 : memref<40x256xi32, #tpu.memory_space<hbm>>) dst(%arg7 : memref<40x256xi32, #tpu.memory_space<vmem>>)
    %dma_wait3A_59 = arith.constant 0 : i32
    %dma_wait3A_60 = tpu.memref_slice %arg10[%mul3A_19, %dma_wait3A_59] : memref<10112x32xf32, #tpu.memory_space<vmem_shared>> -> memref<632x32xf32, #tpu.memory_space<vmem_shared>>
    %dma_wait3A_61 = arith.constant 0 : i32
    %dma_wait3A_62 = tpu.memref_slice %arg2[%mul3A_17, %dma_wait3A_61] : memref<10112x32xf32, #tpu.memory_space<hbm>> -> memref<632x32xf32, #tpu.memory_space<hbm>>
    tpu.wait_dma2 semaphore(%arg13 : memref<!tpu.dma_semaphore, #tpu.memory_space<semaphore_mem>>) src(%dma_wait3A_62 : memref<632x32xf32, #tpu.memory_space<hbm>>) dst(%dma_wait3A_60 : memref<632x32xf32, #tpu.memory_space<vmem_shared>>)
    %barrier3A = arith.constant 0 : index
    tpu.barrier barrier_id(%barrier3A)
    %scan3A_63 = arith.constant 0 : i32
    %scan3A_64 = arith.constant 0 : i32
    %scan3A_65 = arith.constant 10 : i32
    %scan3A_66 = arith.addi %scan3A_64, %scan3A_65 : i32
    %scan3A_67 = arith.constant 1 : i32
    %scan3A_68 = scf.for %scan3A_75 = %scan3A_64 to %scan3A_66 step %scan3A_67 iter_args(%scan3A_76 = %scan3A_63) -> (i32)  : i32 {
      %mul3A_77 = arith.constant 3 : i32
      %mul3A_78 = arith.muli %mul3A_77, %scan3A_75 : i32
      %add3A_79 = arith.constant 10 : i32
      %add3A_80 = arith.addi %add3A_79, %mul3A_78 : i32
      %mul3A_81 = arith.constant 3 : i32
      %mul3A_82 = arith.muli %mul3A_81, %scan3A_75 : i32
      %add3A_83 = arith.constant 10 : i32
      %add3A_84 = arith.addi %add3A_83, %mul3A_82 : i32
      %add3A_85 = arith.constant 1 : i32
      %add3A_86 = arith.addi %add3A_84, %add3A_85 : i32
      %mul3A_87 = arith.constant 3 : i32
      %mul3A_88 = arith.muli %mul3A_87, %scan3A_75 : i32
      %add3A_89 = arith.constant 10 : i32
      %add3A_90 = arith.addi %add3A_89, %mul3A_88 : i32
      %add3A_91 = arith.constant 2 : i32
      %add3A_92 = arith.addi %add3A_90, %add3A_91 : i32
      %dma_start3A_93 = arith.constant 0 : i32
      %dma_start3A_94 = arith.constant 0 : i32
      %dma_start3A_95 = tpu.memref_slice %arg8[%dma_start3A_93, %dma_start3A_94] : memref<512x32xf32, #tpu.memory_space<vmem>> -> memref<256x32xf32, #tpu.memory_space<vmem>>
      %dma_start3A_96 = arith.constant 0 : i32
      %dma_start3A_97 = tpu.memref_slice %arg6[%scan3A_75, %dma_start3A_96] : memref<40x256xi32, #tpu.memory_space<vmem>> -> memref<1x256xi32, #tpu.memory_space<vmem>>
      %dma_start3A_98 = tpu.memref_squeeze %dma_start3A_97 : memref<1x256xi32, #tpu.memory_space<vmem>> -> memref<256xi32, #tpu.memory_space<vmem>>
      %dma_start3A_99 = arith.constant 0 : i32
      %dma_start3A_100 = arith.constant 0 : i32
      %dma_start3A_101 = tpu.memref_slice %arg2[%dma_start3A_99, %dma_start3A_100] : memref<10112x32xf32, #tpu.memory_space<hbm>> -> memref<10112x32xf32, #tpu.memory_space<hbm>>
      tpu.enqueue_indirect_dma source(%dma_start3A_101 : memref<10112x32xf32, #tpu.memory_space<hbm>>) target(%dma_start3A_95 : memref<256x32xf32, #tpu.memory_space<vmem>>) offsets(%dma_start3A_98 : memref<256xi32, #tpu.memory_space<vmem>>) semaphore(%arg12 : memref<!tpu.dma_semaphore, #tpu.memory_space<semaphore_mem>>)
      %dma_start3A_102 = arith.constant 256 : i32
      %dma_start3A_103 = arith.constant 0 : i32
      %dma_start3A_104 = tpu.memref_slice %arg8[%dma_start3A_102, %dma_start3A_103] : memref<512x32xf32, #tpu.memory_space<vmem>> -> memref<256x32xf32, #tpu.memory_space<vmem>>
      %dma_start3A_105 = arith.constant 0 : i32
      %dma_start3A_106 = tpu.memref_slice %arg6[%add3A_80, %dma_start3A_105] : memref<40x256xi32, #tpu.memory_space<vmem>> -> memref<1x256xi32, #tpu.memory_space<vmem>>
      %dma_start3A_107 = tpu.memref_squeeze %dma_start3A_106 : memref<1x256xi32, #tpu.memory_space<vmem>> -> memref<256xi32, #tpu.memory_space<vmem>>
      %dma_start3A_108 = arith.constant 0 : i32
      %dma_start3A_109 = arith.constant 0 : i32
      %dma_start3A_110 = tpu.memref_slice %arg10[%dma_start3A_108, %dma_start3A_109] : memref<10112x32xf32, #tpu.memory_space<vmem_shared>> -> memref<10112x32xf32, #tpu.memory_space<vmem_shared>>
      tpu.enqueue_indirect_dma source(%dma_start3A_110 : memref<10112x32xf32, #tpu.memory_space<vmem_shared>>) target(%dma_start3A_104 : memref<256x32xf32, #tpu.memory_space<vmem>>) offsets(%dma_start3A_107 : memref<256xi32, #tpu.memory_space<vmem>>) semaphore(%arg13 : memref<!tpu.dma_semaphore, #tpu.memory_space<semaphore_mem>>)
      %dma_start3A_111 = arith.constant 0 : i32
      %dma_start3A_112 = arith.constant 0 : i32
      %dma_start3A_113 = tpu.memref_slice %arg9[%dma_start3A_111, %dma_start3A_112] : memref<512x32xf32, #tpu.memory_space<vmem>> -> memref<256x32xf32, #tpu.memory_space<vmem>>
      %dma_start3A_114 = arith.constant 0 : i32
      %dma_start3A_115 = tpu.memref_slice %arg6[%add3A_86, %dma_start3A_114] : memref<40x256xi32, #tpu.memory_space<vmem>> -> memref<1x256xi32, #tpu.memory_space<vmem>>
      %dma_start3A_116 = tpu.memref_squeeze %dma_start3A_115 : memref<1x256xi32, #tpu.memory_space<vmem>> -> memref<256xi32, #tpu.memory_space<vmem>>
      %dma_start3A_117 = arith.constant 0 : i32
      %dma_start3A_118 = arith.constant 0 : i32
      %dma_start3A_119 = tpu.memref_slice %arg10[%dma_start3A_117, %dma_start3A_118] : memref<10112x32xf32, #tpu.memory_space<vmem_shared>> -> memref<10112x32xf32, #tpu.memory_space<vmem_shared>>
      tpu.enqueue_indirect_dma source(%dma_start3A_119 : memref<10112x32xf32, #tpu.memory_space<vmem_shared>>) target(%dma_start3A_113 : memref<256x32xf32, #tpu.memory_space<vmem>>) offsets(%dma_start3A_116 : memref<256xi32, #tpu.memory_space<vmem>>) semaphore(%arg14 : memref<!tpu.dma_semaphore, #tpu.memory_space<semaphore_mem>>)
      %dma_start3A_120 = arith.constant 256 : i32
      %dma_start3A_121 = arith.constant 0 : i32
      %dma_start3A_122 = tpu.memref_slice %arg9[%dma_start3A_120, %dma_start3A_121] : memref<512x32xf32, #tpu.memory_space<vmem>> -> memref<256x32xf32, #tpu.memory_space<vmem>>
      %dma_start3A_123 = arith.constant 0 : i32
      %dma_start3A_124 = tpu.memref_slice %arg6[%add3A_92, %dma_start3A_123] : memref<40x256xi32, #tpu.memory_space<vmem>> -> memref<1x256xi32, #tpu.memory_space<vmem>>
      %dma_start3A_125 = tpu.memref_squeeze %dma_start3A_124 : memref<1x256xi32, #tpu.memory_space<vmem>> -> memref<256xi32, #tpu.memory_space<vmem>>
      %dma_start3A_126 = arith.constant 0 : i32
      %dma_start3A_127 = arith.constant 0 : i32
      %dma_start3A_128 = tpu.memref_slice %arg10[%dma_start3A_126, %dma_start3A_127] : memref<10112x32xf32, #tpu.memory_space<vmem_shared>> -> memref<10112x32xf32, #tpu.memory_space<vmem_shared>>
      tpu.enqueue_indirect_dma source(%dma_start3A_128 : memref<10112x32xf32, #tpu.memory_space<vmem_shared>>) target(%dma_start3A_122 : memref<256x32xf32, #tpu.memory_space<vmem>>) offsets(%dma_start3A_125 : memref<256xi32, #tpu.memory_space<vmem>>) semaphore(%arg15 : memref<!tpu.dma_semaphore, #tpu.memory_space<semaphore_mem>>)
      %dma_wait3A_129 = arith.constant 256 : i32
      %dma_wait3A_130 = arith.constant 0 : i32
      %dma_wait3A_131 = tpu.memref_slice %arg8[%dma_wait3A_129, %dma_wait3A_130] : memref<512x32xf32, #tpu.memory_space<vmem>> -> memref<256x32xf32, #tpu.memory_space<vmem>>
      %dma_wait3A_132 = arith.constant 0 : i32
      %dma_wait3A_133 = tpu.memref_slice %arg6[%add3A_80, %dma_wait3A_132] : memref<40x256xi32, #tpu.memory_space<vmem>> -> memref<1x256xi32, #tpu.memory_space<vmem>>
      %dma_wait3A_134 = tpu.memref_squeeze %dma_wait3A_133 : memref<1x256xi32, #tpu.memory_space<vmem>> -> memref<256xi32, #tpu.memory_space<vmem>>
      %dma_wait3A_135 = arith.constant 0 : i32
      %dma_wait3A_136 = arith.constant 0 : i32
      %dma_wait3A_137 = tpu.memref_slice %arg10[%dma_wait3A_135, %dma_wait3A_136] : memref<10112x32xf32, #tpu.memory_space<vmem_shared>> -> memref<10112x32xf32, #tpu.memory_space<vmem_shared>>
      tpu.wait_indirect_dma semaphore(%arg13 : memref<!tpu.dma_semaphore, #tpu.memory_space<semaphore_mem>>) src(%dma_wait3A_137 : memref<10112x32xf32, #tpu.memory_space<vmem_shared>>) dst(%dma_wait3A_131 : memref<256x32xf32, #tpu.memory_space<vmem>>)
      %dma_start3A_138 = arith.constant 256 : i32
      %dma_start3A_139 = arith.constant 0 : i32
      %dma_start3A_140 = tpu.memref_slice %arg8[%dma_start3A_138, %dma_start3A_139] : memref<512x32xf32, #tpu.memory_space<vmem>> -> memref<256x32xf32, #tpu.memory_space<vmem>>
      %dma_start3A_141 = arith.constant 0 : i32
      %dma_start3A_142 = tpu.memref_slice %arg7[%add3A_80, %dma_start3A_141] : memref<40x256xi32, #tpu.memory_space<vmem>> -> memref<1x256xi32, #tpu.memory_space<vmem>>
      %dma_start3A_143 = tpu.memref_squeeze %dma_start3A_142 : memref<1x256xi32, #tpu.memory_space<vmem>> -> memref<256xi32, #tpu.memory_space<vmem>>
      %dma_start3A_144 = arith.constant 0 : i32
      %dma_start3A_145 = arith.constant 0 : i32
      %dma_start3A_146 = tpu.memref_slice %arg11[%dma_start3A_144, %dma_start3A_145] : memref<10112x32xf32, #tpu.memory_space<vmem_shared>> -> memref<10112x32xf32, #tpu.memory_space<vmem_shared>>
      tpu.enqueue_indirect_dma source(%dma_start3A_140 : memref<256x32xf32, #tpu.memory_space<vmem>>) target(%dma_start3A_146 : memref<10112x32xf32, #tpu.memory_space<vmem_shared>>) offsets(%dma_start3A_143 : memref<256xi32, #tpu.memory_space<vmem>>) semaphore(%arg13 : memref<!tpu.dma_semaphore, #tpu.memory_space<semaphore_mem>>) {add = true}
      %dma_wait3A_147 = arith.constant 0 : i32
      %dma_wait3A_148 = arith.constant 0 : i32
      %dma_wait3A_149 = tpu.memref_slice %arg9[%dma_wait3A_147, %dma_wait3A_148] : memref<512x32xf32, #tpu.memory_space<vmem>> -> memref<256x32xf32, #tpu.memory_space<vmem>>
      %dma_wait3A_150 = arith.constant 0 : i32
      %dma_wait3A_151 = tpu.memref_slice %arg6[%add3A_86, %dma_wait3A_150] : memref<40x256xi32, #tpu.memory_space<vmem>> -> memref<1x256xi32, #tpu.memory_space<vmem>>
      %dma_wait3A_152 = tpu.memref_squeeze %dma_wait3A_151 : memref<1x256xi32, #tpu.memory_space<vmem>> -> memref<256xi32, #tpu.memory_space<vmem>>
      %dma_wait3A_153 = arith.constant 0 : i32
      %dma_wait3A_154 = arith.constant 0 : i32
      %dma_wait3A_155 = tpu.memref_slice %arg10[%dma_wait3A_153, %dma_wait3A_154] : memref<10112x32xf32, #tpu.memory_space<vmem_shared>> -> memref<10112x32xf32, #tpu.memory_space<vmem_shared>>
      tpu.wait_indirect_dma semaphore(%arg14 : memref<!tpu.dma_semaphore, #tpu.memory_space<semaphore_mem>>) src(%dma_wait3A_155 : memref<10112x32xf32, #tpu.memory_space<vmem_shared>>) dst(%dma_wait3A_149 : memref<256x32xf32, #tpu.memory_space<vmem>>)
      %dma_start3A_156 = arith.constant 0 : i32
      %dma_start3A_157 = arith.constant 0 : i32
      %dma_start3A_158 = tpu.memref_slice %arg9[%dma_start3A_156, %dma_start3A_157] : memref<512x32xf32, #tpu.memory_space<vmem>> -> memref<256x32xf32, #tpu.memory_space<vmem>>
      %dma_start3A_159 = arith.constant 0 : i32
      %dma_start3A_160 = tpu.memref_slice %arg7[%add3A_86, %dma_start3A_159] : memref<40x256xi32, #tpu.memory_space<vmem>> -> memref<1x256xi32, #tpu.memory_space<vmem>>
      %dma_start3A_161 = tpu.memref_squeeze %dma_start3A_160 : memref<1x256xi32, #tpu.memory_space<vmem>> -> memref<256xi32, #tpu.memory_space<vmem>>
      %dma_start3A_162 = arith.constant 0 : i32
      %dma_start3A_163 = arith.constant 0 : i32
      %dma_start3A_164 = tpu.memref_slice %arg11[%dma_start3A_162, %dma_start3A_163] : memref<10112x32xf32, #tpu.memory_space<vmem_shared>> -> memref<10112x32xf32, #tpu.memory_space<vmem_shared>>
      tpu.enqueue_indirect_dma source(%dma_start3A_158 : memref<256x32xf32, #tpu.memory_space<vmem>>) target(%dma_start3A_164 : memref<10112x32xf32, #tpu.memory_space<vmem_shared>>) offsets(%dma_start3A_161 : memref<256xi32, #tpu.memory_space<vmem>>) semaphore(%arg14 : memref<!tpu.dma_semaphore, #tpu.memory_space<semaphore_mem>>) {add = true}
      %dma_wait3A_165 = arith.constant 256 : i32
      %dma_wait3A_166 = arith.constant 0 : i32
      %dma_wait3A_167 = tpu.memref_slice %arg9[%dma_wait3A_165, %dma_wait3A_166] : memref<512x32xf32, #tpu.memory_space<vmem>> -> memref<256x32xf32, #tpu.memory_space<vmem>>
      %dma_wait3A_168 = arith.constant 0 : i32
      %dma_wait3A_169 = tpu.memref_slice %arg6[%add3A_92, %dma_wait3A_168] : memref<40x256xi32, #tpu.memory_space<vmem>> -> memref<1x256xi32, #tpu.memory_space<vmem>>
      %dma_wait3A_170 = tpu.memref_squeeze %dma_wait3A_169 : memref<1x256xi32, #tpu.memory_space<vmem>> -> memref<256xi32, #tpu.memory_space<vmem>>
      %dma_wait3A_171 = arith.constant 0 : i32
      %dma_wait3A_172 = arith.constant 0 : i32
      %dma_wait3A_173 = tpu.memref_slice %arg10[%dma_wait3A_171, %dma_wait3A_172] : memref<10112x32xf32, #tpu.memory_space<vmem_shared>> -> memref<10112x32xf32, #tpu.memory_space<vmem_shared>>
      tpu.wait_indirect_dma semaphore(%arg15 : memref<!tpu.dma_semaphore, #tpu.memory_space<semaphore_mem>>) src(%dma_wait3A_173 : memref<10112x32xf32, #tpu.memory_space<vmem_shared>>) dst(%dma_wait3A_167 : memref<256x32xf32, #tpu.memory_space<vmem>>)
      %dma_start3A_174 = arith.constant 256 : i32
      %dma_start3A_175 = arith.constant 0 : i32
      %dma_start3A_176 = tpu.memref_slice %arg9[%dma_start3A_174, %dma_start3A_175] : memref<512x32xf32, #tpu.memory_space<vmem>> -> memref<256x32xf32, #tpu.memory_space<vmem>>
      %dma_start3A_177 = arith.constant 0 : i32
      %dma_start3A_178 = tpu.memref_slice %arg7[%add3A_92, %dma_start3A_177] : memref<40x256xi32, #tpu.memory_space<vmem>> -> memref<1x256xi32, #tpu.memory_space<vmem>>
      %dma_start3A_179 = tpu.memref_squeeze %dma_start3A_178 : memref<1x256xi32, #tpu.memory_space<vmem>> -> memref<256xi32, #tpu.memory_space<vmem>>
      %dma_start3A_180 = arith.constant 0 : i32
      %dma_start3A_181 = arith.constant 0 : i32
      %dma_start3A_182 = tpu.memref_slice %arg11[%dma_start3A_180, %dma_start3A_181] : memref<10112x32xf32, #tpu.memory_space<vmem_shared>> -> memref<10112x32xf32, #tpu.memory_space<vmem_shared>>
      tpu.enqueue_indirect_dma source(%dma_start3A_176 : memref<256x32xf32, #tpu.memory_space<vmem>>) target(%dma_start3A_182 : memref<10112x32xf32, #tpu.memory_space<vmem_shared>>) offsets(%dma_start3A_179 : memref<256xi32, #tpu.memory_space<vmem>>) semaphore(%arg15 : memref<!tpu.dma_semaphore, #tpu.memory_space<semaphore_mem>>) {add = true}
      %dma_wait3A_183 = arith.constant 0 : i32
      %dma_wait3A_184 = arith.constant 0 : i32
      %dma_wait3A_185 = tpu.memref_slice %arg8[%dma_wait3A_183, %dma_wait3A_184] : memref<512x32xf32, #tpu.memory_space<vmem>> -> memref<256x32xf32, #tpu.memory_space<vmem>>
      %dma_wait3A_186 = arith.constant 0 : i32
      %dma_wait3A_187 = tpu.memref_slice %arg6[%scan3A_75, %dma_wait3A_186] : memref<40x256xi32, #tpu.memory_space<vmem>> -> memref<1x256xi32, #tpu.memory_space<vmem>>
      %dma_wait3A_188 = tpu.memref_squeeze %dma_wait3A_187 : memref<1x256xi32, #tpu.memory_space<vmem>> -> memref<256xi32, #tpu.memory_space<vmem>>
      %dma_wait3A_189 = arith.constant 0 : i32
      %dma_wait3A_190 = arith.constant 0 : i32
      %dma_wait3A_191 = tpu.memref_slice %arg2[%dma_wait3A_189, %dma_wait3A_190] : memref<10112x32xf32, #tpu.memory_space<hbm>> -> memref<10112x32xf32, #tpu.memory_space<hbm>>
      tpu.wait_indirect_dma semaphore(%arg12 : memref<!tpu.dma_semaphore, #tpu.memory_space<semaphore_mem>>) src(%dma_wait3A_191 : memref<10112x32xf32, #tpu.memory_space<hbm>>) dst(%dma_wait3A_185 : memref<256x32xf32, #tpu.memory_space<vmem>>)
      %dma_start3A_192 = arith.constant 0 : i32
      %dma_start3A_193 = arith.constant 0 : i32
      %dma_start3A_194 = tpu.memref_slice %arg8[%dma_start3A_192, %dma_start3A_193] : memref<512x32xf32, #tpu.memory_space<vmem>> -> memref<256x32xf32, #tpu.memory_space<vmem>>
      %dma_start3A_195 = arith.constant 0 : i32
      %dma_start3A_196 = tpu.memref_slice %arg7[%scan3A_75, %dma_start3A_195] : memref<40x256xi32, #tpu.memory_space<vmem>> -> memref<1x256xi32, #tpu.memory_space<vmem>>
      %dma_start3A_197 = tpu.memref_squeeze %dma_start3A_196 : memref<1x256xi32, #tpu.memory_space<vmem>> -> memref<256xi32, #tpu.memory_space<vmem>>
      %dma_start3A_198 = arith.constant 0 : i32
      %dma_start3A_199 = arith.constant 0 : i32
      %dma_start3A_200 = tpu.memref_slice %arg11[%dma_start3A_198, %dma_start3A_199] : memref<10112x32xf32, #tpu.memory_space<vmem_shared>> -> memref<10112x32xf32, #tpu.memory_space<vmem_shared>>
      tpu.enqueue_indirect_dma source(%dma_start3A_194 : memref<256x32xf32, #tpu.memory_space<vmem>>) target(%dma_start3A_200 : memref<10112x32xf32, #tpu.memory_space<vmem_shared>>) offsets(%dma_start3A_197 : memref<256xi32, #tpu.memory_space<vmem>>) semaphore(%arg12 : memref<!tpu.dma_semaphore, #tpu.memory_space<semaphore_mem>>) {add = true}
      %dma_wait3A_201 = arith.constant 256 : i32
      %dma_wait3A_202 = arith.constant 0 : i32
      %dma_wait3A_203 = tpu.memref_slice %arg8[%dma_wait3A_201, %dma_wait3A_202] : memref<512x32xf32, #tpu.memory_space<vmem>> -> memref<256x32xf32, #tpu.memory_space<vmem>>
      %dma_wait3A_204 = arith.constant 0 : i32
      %dma_wait3A_205 = tpu.memref_slice %arg7[%add3A_80, %dma_wait3A_204] : memref<40x256xi32, #tpu.memory_space<vmem>> -> memref<1x256xi32, #tpu.memory_space<vmem>>
      %dma_wait3A_206 = tpu.memref_squeeze %dma_wait3A_205 : memref<1x256xi32, #tpu.memory_space<vmem>> -> memref<256xi32, #tpu.memory_space<vmem>>
      %dma_wait3A_207 = arith.constant 0 : i32
      %dma_wait3A_208 = arith.constant 0 : i32
      %dma_wait3A_209 = tpu.memref_slice %arg11[%dma_wait3A_207, %dma_wait3A_208] : memref<10112x32xf32, #tpu.memory_space<vmem_shared>> -> memref<10112x32xf32, #tpu.memory_space<vmem_shared>>
      tpu.wait_indirect_dma semaphore(%arg13 : memref<!tpu.dma_semaphore, #tpu.memory_space<semaphore_mem>>) src(%dma_wait3A_203 : memref<256x32xf32, #tpu.memory_space<vmem>>) dst(%dma_wait3A_209 : memref<10112x32xf32, #tpu.memory_space<vmem_shared>>)
      %dma_wait3A_210 = arith.constant 0 : i32
      %dma_wait3A_211 = arith.constant 0 : i32
      %dma_wait3A_212 = tpu.memref_slice %arg9[%dma_wait3A_210, %dma_wait3A_211] : memref<512x32xf32, #tpu.memory_space<vmem>> -> memref<256x32xf32, #tpu.memory_space<vmem>>
      %dma_wait3A_213 = arith.constant 0 : i32
      %dma_wait3A_214 = tpu.memref_slice %arg7[%add3A_86, %dma_wait3A_213] : memref<40x256xi32, #tpu.memory_space<vmem>> -> memref<1x256xi32, #tpu.memory_space<vmem>>
      %dma_wait3A_215 = tpu.memref_squeeze %dma_wait3A_214 : memref<1x256xi32, #tpu.memory_space<vmem>> -> memref<256xi32, #tpu.memory_space<vmem>>
      %dma_wait3A_216 = arith.constant 0 : i32
      %dma_wait3A_217 = arith.constant 0 : i32
      %dma_wait3A_218 = tpu.memref_slice %arg11[%dma_wait3A_216, %dma_wait3A_217] : memref<10112x32xf32, #tpu.memory_space<vmem_shared>> -> memref<10112x32xf32, #tpu.memory_space<vmem_shared>>
      tpu.wait_indirect_dma semaphore(%arg14 : memref<!tpu.dma_semaphore, #tpu.memory_space<semaphore_mem>>) src(%dma_wait3A_212 : memref<256x32xf32, #tpu.memory_space<vmem>>) dst(%dma_wait3A_218 : memref<10112x32xf32, #tpu.memory_space<vmem_shared>>)
      %dma_wait3A_219 = arith.constant 256 : i32
      %dma_wait3A_220 = arith.constant 0 : i32
      %dma_wait3A_221 = tpu.memref_slice %arg9[%dma_wait3A_219, %dma_wait3A_220] : memref<512x32xf32, #tpu.memory_space<vmem>> -> memref<256x32xf32, #tpu.memory_space<vmem>>
      %dma_wait3A_222 = arith.constant 0 : i32
      %dma_wait3A_223 = tpu.memref_slice %arg7[%add3A_92, %dma_wait3A_222] : memref<40x256xi32, #tpu.memory_space<vmem>> -> memref<1x256xi32, #tpu.memory_space<vmem>>
      %dma_wait3A_224 = tpu.memref_squeeze %dma_wait3A_223 : memref<1x256xi32, #tpu.memory_space<vmem>> -> memref<256xi32, #tpu.memory_space<vmem>>
      %dma_wait3A_225 = arith.constant 0 : i32
      %dma_wait3A_226 = arith.constant 0 : i32
      %dma_wait3A_227 = tpu.memref_slice %arg11[%dma_wait3A_225, %dma_wait3A_226] : memref<10112x32xf32, #tpu.memory_space<vmem_shared>> -> memref<10112x32xf32, #tpu.memory_space<vmem_shared>>
      tpu.wait_indirect_dma semaphore(%arg15 : memref<!tpu.dma_semaphore, #tpu.memory_space<semaphore_mem>>) src(%dma_wait3A_221 : memref<256x32xf32, #tpu.memory_space<vmem>>) dst(%dma_wait3A_227 : memref<10112x32xf32, #tpu.memory_space<vmem_shared>>)
      %dma_wait3A_228 = arith.constant 0 : i32
      %dma_wait3A_229 = arith.constant 0 : i32
      %dma_wait3A_230 = tpu.memref_slice %arg8[%dma_wait3A_228, %dma_wait3A_229] : memref<512x32xf32, #tpu.memory_space<vmem>> -> memref<256x32xf32, #tpu.memory_space<vmem>>
      %dma_wait3A_231 = arith.constant 0 : i32
      %dma_wait3A_232 = tpu.memref_slice %arg7[%scan3A_75, %dma_wait3A_231] : memref<40x256xi32, #tpu.memory_space<vmem>> -> memref<1x256xi32, #tpu.memory_space<vmem>>
      %dma_wait3A_233 = tpu.memref_squeeze %dma_wait3A_232 : memref<1x256xi32, #tpu.memory_space<vmem>> -> memref<256xi32, #tpu.memory_space<vmem>>
      %dma_wait3A_234 = arith.constant 0 : i32
      %dma_wait3A_235 = arith.constant 0 : i32
      %dma_wait3A_236 = tpu.memref_slice %arg11[%dma_wait3A_234, %dma_wait3A_235] : memref<10112x32xf32, #tpu.memory_space<vmem_shared>> -> memref<10112x32xf32, #tpu.memory_space<vmem_shared>>
      tpu.wait_indirect_dma semaphore(%arg12 : memref<!tpu.dma_semaphore, #tpu.memory_space<semaphore_mem>>) src(%dma_wait3A_230 : memref<256x32xf32, #tpu.memory_space<vmem>>) dst(%dma_wait3A_236 : memref<10112x32xf32, #tpu.memory_space<vmem_shared>>)
      %scan3A_237 = arith.constant 0 : i32
      scf.yield %scan3A_237 : i32
    }
    %scan3A_69 = arith.constant 10 : i32
    %barrier3A_70 = arith.constant 0 : index
    tpu.barrier barrier_id(%barrier3A_70)
    %mul3A_71 = arith.constant 632 : i32
    %mul3A_72 = arith.muli %arg1, %mul3A_71 : i32
    %mul3A_73 = arith.constant 632 : i32
    %mul3A_74 = arith.muli %arg1, %mul3A_73 : i32
    "tpu.region"() ({
      %run_scoped3A = tpu.sem_alloc : memref<!tpu.dma_semaphore, #tpu.memory_space<semaphore_mem>>
      %dma_start3A_75 = arith.constant 0 : i32
      %dma_start3A_76 = tpu.memref_slice %arg5[%arg0, %mul3A_74, %dma_start3A_75] : memref<2x10112x32xf32, #tpu.memory_space<hbm>> -> memref<1x632x32xf32, #tpu.memory_space<hbm>>
      %dma_start3A_77 = tpu.memref_squeeze %dma_start3A_76 : memref<1x632x32xf32, #tpu.memory_space<hbm>> -> memref<632x32xf32, #tpu.memory_space<hbm>>
      %dma_start3A_78 = arith.constant 0 : i32
      %dma_start3A_79 = tpu.memref_slice %arg11[%mul3A_72, %dma_start3A_78] : memref<10112x32xf32, #tpu.memory_space<vmem_shared>> -> memref<632x32xf32, #tpu.memory_space<vmem_shared>>
      tpu.enqueue_dma source(%dma_start3A_79 : memref<632x32xf32, #tpu.memory_space<vmem_shared>>) target(%dma_start3A_77 : memref<632x32xf32, #tpu.memory_space<hbm>>) target_semaphore(%run_scoped3A : memref<!tpu.dma_semaphore, #tpu.memory_space<semaphore_mem>>)
      %dma_wait3A_80 = arith.constant 0 : i32
      %dma_wait3A_81 = tpu.memref_slice %arg5[%arg0, %mul3A_74, %dma_wait3A_80] : memref<2x10112x32xf32, #tpu.memory_space<hbm>> -> memref<1x632x32xf32, #tpu.memory_space<hbm>>
      %dma_wait3A_82 = tpu.memref_squeeze %dma_wait3A_81 : memref<1x632x32xf32, #tpu.memory_space<hbm>> -> memref<632x32xf32, #tpu.memory_space<hbm>>
      %dma_wait3A_83 = arith.constant 0 : i32
      %dma_wait3A_84 = tpu.memref_slice %arg11[%mul3A_72, %dma_wait3A_83] : memref<10112x32xf32, #tpu.memory_space<vmem_shared>> -> memref<632x32xf32, #tpu.memory_space<vmem_shared>>
      tpu.wait_dma2 semaphore(%run_scoped3A : memref<!tpu.dma_semaphore, #tpu.memory_space<semaphore_mem>>) src(%dma_wait3A_84 : memref<632x32xf32, #tpu.memory_space<vmem_shared>>) dst(%dma_wait3A_82 : memref<632x32xf32, #tpu.memory_space<hbm>>)
      tpu.yield
    }) : () -> ()
    return
  }
}

#map = affine_map<(d0, d1) -> (0, 0)>
#map1 = affine_map<(d0, d1) -> (0, 0, 0)>
module attributes {stable_mosaic.version = 14 : i64} {
  func.func @_sc_edge_sum(%arg0: i32, %arg1: i32, %arg2: memref<10112x32xf32, #tpu.memory_space<hbm>>, %arg3: memref<32x40x256xi32, #tpu.memory_space<hbm>>, %arg4: memref<32x40x256xi32, #tpu.memory_space<hbm>>, %arg5: memref<2x10112x32xf32, #tpu.memory_space<hbm>>, %arg6: memref<40x256xi32, #tpu.memory_space<vmem>>, %arg7: memref<40x256xi32, #tpu.memory_space<vmem>>, %arg8: memref<512x32xf32, #tpu.memory_space<vmem>>, %arg9: memref<512x32xf32, #tpu.memory_space<vmem>>, %arg10: memref<10112x32xf32, #tpu.memory_space<vmem_shared>>, %arg11: memref<10112x32xf32, #tpu.memory_space<vmem_shared>>, %arg12: memref<!tpu.dma_semaphore, #tpu.memory_space<semaphore_mem>>, %arg13: memref<!tpu.dma_semaphore, #tpu.memory_space<semaphore_mem>>, %arg14: memref<!tpu.dma_semaphore, #tpu.memory_space<semaphore_mem>>, %arg15: memref<!tpu.dma_semaphore, #tpu.memory_space<semaphore_mem>>) attributes {dimension_semantics = [#tpu.dimension_semantics<core_parallel>, #tpu.dimension_semantics<subcore_parallel>], iteration_bounds = array<i64: 2, 16>, scalar_prefetch = 0 : i64, scratch_operands = 10 : i64, tpu.core_type = #tpu.core_type<sc_vector_subcore>, window_params = [{transform_indices = #map}, {transform_indices = #map1}, {transform_indices = #map1}, {transform_indices = #map1}]} {
    %mul3A = arith.constant 16 : i32
    %mul3A_0 = arith.muli %arg0, %mul3A : i32
    %add3A = arith.addi %mul3A_0, %arg1 : i32
    %dma_start3A = arith.constant 0 : i32
    %dma_start3A_1 = arith.constant 0 : i32
    %dma_start3A_2 = tpu.memref_slice %arg3[%add3A, %dma_start3A, %dma_start3A_1] : memref<32x40x256xi32, #tpu.memory_space<hbm>> -> memref<1x40x256xi32, #tpu.memory_space<hbm>>
    %dma_start3A_3 = tpu.memref_squeeze %dma_start3A_2 : memref<1x40x256xi32, #tpu.memory_space<hbm>> -> memref<40x256xi32, #tpu.memory_space<hbm>>
    %dma_start3A_4 = arith.constant 0 : i32
    %dma_start3A_5 = arith.constant 0 : i32
    %dma_start3A_6 = tpu.memref_slice %arg3[%add3A, %dma_start3A_4, %dma_start3A_5] : memref<32x40x256xi32, #tpu.memory_space<hbm>> -> memref<1x40x256xi32, #tpu.memory_space<hbm>>
    %dma_start3A_7 = tpu.memref_squeeze %dma_start3A_6 : memref<1x40x256xi32, #tpu.memory_space<hbm>> -> memref<40x256xi32, #tpu.memory_space<hbm>>
    tpu.enqueue_dma source(%dma_start3A_7 : memref<40x256xi32, #tpu.memory_space<hbm>>) target(%arg6 : memref<40x256xi32, #tpu.memory_space<vmem>>) target_semaphore(%arg12 : memref<!tpu.dma_semaphore, #tpu.memory_space<semaphore_mem>>)
    %dma_start3A_8 = arith.constant 0 : i32
    %dma_start3A_9 = arith.constant 0 : i32
    %dma_start3A_10 = tpu.memref_slice %arg4[%add3A, %dma_start3A_8, %dma_start3A_9] : memref<32x40x256xi32, #tpu.memory_space<hbm>> -> memref<1x40x256xi32, #tpu.memory_space<hbm>>
    %dma_start3A_11 = tpu.memref_squeeze %dma_start3A_10 : memref<1x40x256xi32, #tpu.memory_space<hbm>> -> memref<40x256xi32, #tpu.memory_space<hbm>>
    %dma_start3A_12 = arith.constant 0 : i32
    %dma_start3A_13 = arith.constant 0 : i32
    %dma_start3A_14 = tpu.memref_slice %arg4[%add3A, %dma_start3A_12, %dma_start3A_13] : memref<32x40x256xi32, #tpu.memory_space<hbm>> -> memref<1x40x256xi32, #tpu.memory_space<hbm>>
    %dma_start3A_15 = tpu.memref_squeeze %dma_start3A_14 : memref<1x40x256xi32, #tpu.memory_space<hbm>> -> memref<40x256xi32, #tpu.memory_space<hbm>>
    tpu.enqueue_dma source(%dma_start3A_15 : memref<40x256xi32, #tpu.memory_space<hbm>>) target(%arg7 : memref<40x256xi32, #tpu.memory_space<vmem>>) target_semaphore(%arg12 : memref<!tpu.dma_semaphore, #tpu.memory_space<semaphore_mem>>)
    %mul3A_16 = arith.constant 632 : i32
    %mul3A_17 = arith.muli %arg1, %mul3A_16 : i32
    %mul3A_18 = arith.constant 632 : i32
    %mul3A_19 = arith.muli %arg1, %mul3A_18 : i32
    %dma_start3A_20 = arith.constant 0 : i32
    %dma_start3A_21 = tpu.memref_slice %arg10[%mul3A_19, %dma_start3A_20] : memref<10112x32xf32, #tpu.memory_space<vmem_shared>> -> memref<632x32xf32, #tpu.memory_space<vmem_shared>>
    %dma_start3A_22 = arith.constant 0 : i32
    %dma_start3A_23 = tpu.memref_slice %arg2[%mul3A_17, %dma_start3A_22] : memref<10112x32xf32, #tpu.memory_space<hbm>> -> memref<632x32xf32, #tpu.memory_space<hbm>>
    tpu.enqueue_dma source(%dma_start3A_23 : memref<632x32xf32, #tpu.memory_space<hbm>>) target(%dma_start3A_21 : memref<632x32xf32, #tpu.memory_space<vmem_shared>>) target_semaphore(%arg13 : memref<!tpu.dma_semaphore, #tpu.memory_space<semaphore_mem>>)
    %broadcast_in_dim3A = arith.constant 0.000000e+00 : f32
    %broadcast_in_dim3A_24 = vector.broadcast %broadcast_in_dim3A : f32 to vector<16xf32>
    %scan3A = arith.constant 0 : i32
    %scan3A_25 = arith.constant 0 : i32
    %scan3A_26 = arith.constant 512 : i32
    %scan3A_27 = arith.addi %scan3A_25, %scan3A_26 : i32
    %scan3A_28 = arith.constant 1 : i32
    %scan3A_29 = scf.for %scan3A_75 = %scan3A_25 to %scan3A_27 step %scan3A_28 iter_args(%scan3A_76 = %scan3A) -> (i32)  : i32 {
      %swap3A = arith.index_cast %scan3A_75 : i32 to index
      %swap3A_77 = arith.constant 0 : index
      %swap3A_78 = tpu.vector_load %arg8[%swap3A, %swap3A_77] {strides = array<i32>} : memref<512x32xf32, #tpu.memory_space<vmem>>, vector<1x16xf32>,
      %swap3A_79 = vector.shape_cast %swap3A_78 : vector<1x16xf32> to vector<16xf32>
      %swap3A_80 = vector.shape_cast %broadcast_in_dim3A_24 : vector<16xf32> to vector<1x16xf32>
      tpu.vector_store %arg8[%swap3A, %swap3A_77], %swap3A_80 {strides = array<i32>} : memref<512x32xf32, #tpu.memory_space<vmem>>, vector<1x16xf32>,
      %swap3A_81 = arith.index_cast %scan3A_75 : i32 to index
      %swap3A_82 = arith.constant 16 : index
      %swap3A_83 = tpu.vector_load %arg8[%swap3A_81, %swap3A_82] {strides = array<i32>} : memref<512x32xf32, #tpu.memory_space<vmem>>, vector<1x16xf32>,
      %swap3A_84 = vector.shape_cast %swap3A_83 : vector<1x16xf32> to vector<16xf32>
      %swap3A_85 = vector.shape_cast %broadcast_in_dim3A_24 : vector<16xf32> to vector<1x16xf32>
      tpu.vector_store %arg8[%swap3A_81, %swap3A_82], %swap3A_85 {strides = array<i32>} : memref<512x32xf32, #tpu.memory_space<vmem>>, vector<1x16xf32>,
      %scan3A_86 = arith.constant 0 : i32
      scf.yield %scan3A_86 : i32
    }
    %scan3A_30 = arith.constant 512 : i32
    %scan3A_31 = arith.constant 0 : i32
    %scan3A_32 = arith.constant 0 : i32
    %scan3A_33 = arith.constant 120 : i32
    %scan3A_34 = arith.addi %scan3A_32, %scan3A_33 : i32
    %scan3A_35 = arith.constant 1 : i32
    %scan3A_36 = scf.for %scan3A_75 = %scan3A_32 to %scan3A_34 step %scan3A_35 iter_args(%scan3A_76 = %scan3A_31) -> (i32)  : i32 {
      %swap3A = arith.index_cast %scan3A_75 : i32 to index
      %swap3A_77 = arith.constant 0 : index
      %swap3A_78 = tpu.vector_load %arg9[%swap3A, %swap3A_77] {strides = array<i32>} : memref<512x32xf32, #tpu.memory_space<vmem>>, vector<1x16xf32>,
      %swap3A_79 = vector.shape_cast %swap3A_78 : vector<1x16xf32> to vector<16xf32>
      %swap3A_80 = vector.shape_cast %broadcast_in_dim3A_24 : vector<16xf32> to vector<1x16xf32>
      tpu.vector_store %arg9[%swap3A, %swap3A_77], %swap3A_80 {strides = array<i32>} : memref<512x32xf32, #tpu.memory_space<vmem>>, vector<1x16xf32>,
      %swap3A_81 = arith.index_cast %scan3A_75 : i32 to index
      %swap3A_82 = arith.constant 16 : index
      %swap3A_83 = tpu.vector_load %arg9[%swap3A_81, %swap3A_82] {strides = array<i32>} : memref<512x32xf32, #tpu.memory_space<vmem>>, vector<1x16xf32>,
      %swap3A_84 = vector.shape_cast %swap3A_83 : vector<1x16xf32> to vector<16xf32>
      %swap3A_85 = vector.shape_cast %broadcast_in_dim3A_24 : vector<16xf32> to vector<1x16xf32>
      tpu.vector_store %arg9[%swap3A_81, %swap3A_82], %swap3A_85 {strides = array<i32>} : memref<512x32xf32, #tpu.memory_space<vmem>>, vector<1x16xf32>,
      %scan3A_86 = arith.constant 0 : i32
      scf.yield %scan3A_86 : i32
    }
    %scan3A_37 = arith.constant 120 : i32
    %mul3A_38 = arith.constant 632 : i32
    %mul3A_39 = arith.muli %arg1, %mul3A_38 : i32
    "tpu.region"() ({
      %run_scoped3A = tpu.sem_alloc : memref<!tpu.dma_semaphore, #tpu.memory_space<semaphore_mem>>
      %dma_start3A_75 = arith.constant 0 : i32
      %dma_start3A_76 = tpu.memref_slice %arg11[%mul3A_39, %dma_start3A_75] : memref<10112x32xf32, #tpu.memory_space<vmem_shared>> -> memref<512x32xf32, #tpu.memory_space<vmem_shared>>
      %dma_start3A_77 = arith.constant 0 : i32
      %dma_start3A_78 = tpu.memref_slice %arg11[%mul3A_39, %dma_start3A_77] : memref<10112x32xf32, #tpu.memory_space<vmem_shared>> -> memref<512x32xf32, #tpu.memory_space<vmem_shared>>
      tpu.enqueue_dma source(%arg8 : memref<512x32xf32, #tpu.memory_space<vmem>>) target(%dma_start3A_78 : memref<512x32xf32, #tpu.memory_space<vmem_shared>>) target_semaphore(%run_scoped3A : memref<!tpu.dma_semaphore, #tpu.memory_space<semaphore_mem>>)
      %dma_wait3A_79 = arith.constant 0 : i32
      %dma_wait3A_80 = tpu.memref_slice %arg11[%mul3A_39, %dma_wait3A_79] : memref<10112x32xf32, #tpu.memory_space<vmem_shared>> -> memref<512x32xf32, #tpu.memory_space<vmem_shared>>
      %dma_wait3A_81 = arith.constant 0 : i32
      %dma_wait3A_82 = tpu.memref_slice %arg11[%mul3A_39, %dma_wait3A_81] : memref<10112x32xf32, #tpu.memory_space<vmem_shared>> -> memref<512x32xf32, #tpu.memory_space<vmem_shared>>
      tpu.wait_dma2 semaphore(%run_scoped3A : memref<!tpu.dma_semaphore, #tpu.memory_space<semaphore_mem>>) src(%arg8 : memref<512x32xf32, #tpu.memory_space<vmem>>) dst(%dma_wait3A_82 : memref<512x32xf32, #tpu.memory_space<vmem_shared>>)
      tpu.yield
    }) : () -> ()
    %mul3A_40 = arith.constant 632 : i32
    %mul3A_41 = arith.muli %arg1, %mul3A_40 : i32
    %add3A_42 = arith.constant 512 : i32
    %add3A_43 = arith.addi %mul3A_41, %add3A_42 : i32
    "tpu.region"() ({
      %run_scoped3A = tpu.sem_alloc : memref<!tpu.dma_semaphore, #tpu.memory_space<semaphore_mem>>
      %dma_start3A_75 = arith.constant 0 : i32
      %dma_start3A_76 = arith.constant 0 : i32
      %dma_start3A_77 = tpu.memref_slice %arg9[%dma_start3A_75, %dma_start3A_76] : memref<512x32xf32, #tpu.memory_space<vmem>> -> memref<120x32xf32, #tpu.memory_space<vmem>>
      %dma_start3A_78 = arith.constant 0 : i32
      %dma_start3A_79 = tpu.memref_slice %arg11[%add3A_43, %dma_start3A_78] : memref<10112x32xf32, #tpu.memory_space<vmem_shared>> -> memref<120x32xf32, #tpu.memory_space<vmem_shared>>
      %dma_start3A_80 = arith.constant 0 : i32
      %dma_start3A_81 = tpu.memref_slice %arg11[%add3A_43, %dma_start3A_80] : memref<10112x32xf32, #tpu.memory_space<vmem_shared>> -> memref<120x32xf32, #tpu.memory_space<vmem_shared>>
      %dma_start3A_82 = arith.constant 0 : i32
      %dma_start3A_83 = arith.constant 0 : i32
      %dma_start3A_84 = tpu.memref_slice %arg9[%dma_start3A_82, %dma_start3A_83] : memref<512x32xf32, #tpu.memory_space<vmem>> -> memref<120x32xf32, #tpu.memory_space<vmem>>
      tpu.enqueue_dma source(%dma_start3A_84 : memref<120x32xf32, #tpu.memory_space<vmem>>) target(%dma_start3A_81 : memref<120x32xf32, #tpu.memory_space<vmem_shared>>) target_semaphore(%run_scoped3A : memref<!tpu.dma_semaphore, #tpu.memory_space<semaphore_mem>>)
      %dma_wait3A_85 = arith.constant 0 : i32
      %dma_wait3A_86 = arith.constant 0 : i32
      %dma_wait3A_87 = tpu.memref_slice %arg9[%dma_wait3A_85, %dma_wait3A_86] : memref<512x32xf32, #tpu.memory_space<vmem>> -> memref<120x32xf32, #tpu.memory_space<vmem>>
      %dma_wait3A_88 = arith.constant 0 : i32
      %dma_wait3A_89 = tpu.memref_slice %arg11[%add3A_43, %dma_wait3A_88] : memref<10112x32xf32, #tpu.memory_space<vmem_shared>> -> memref<120x32xf32, #tpu.memory_space<vmem_shared>>
      %dma_wait3A_90 = arith.constant 0 : i32
      %dma_wait3A_91 = tpu.memref_slice %arg11[%add3A_43, %dma_wait3A_90] : memref<10112x32xf32, #tpu.memory_space<vmem_shared>> -> memref<120x32xf32, #tpu.memory_space<vmem_shared>>
      %dma_wait3A_92 = arith.constant 0 : i32
      %dma_wait3A_93 = arith.constant 0 : i32
      %dma_wait3A_94 = tpu.memref_slice %arg9[%dma_wait3A_92, %dma_wait3A_93] : memref<512x32xf32, #tpu.memory_space<vmem>> -> memref<120x32xf32, #tpu.memory_space<vmem>>
      tpu.wait_dma2 semaphore(%run_scoped3A : memref<!tpu.dma_semaphore, #tpu.memory_space<semaphore_mem>>) src(%dma_wait3A_94 : memref<120x32xf32, #tpu.memory_space<vmem>>) dst(%dma_wait3A_91 : memref<120x32xf32, #tpu.memory_space<vmem_shared>>)
      tpu.yield
    }) : () -> ()
    %dma_wait3A = arith.constant 0 : i32
    %dma_wait3A_44 = arith.constant 0 : i32
    %dma_wait3A_45 = tpu.memref_slice %arg3[%add3A, %dma_wait3A, %dma_wait3A_44] : memref<32x40x256xi32, #tpu.memory_space<hbm>> -> memref<1x40x256xi32, #tpu.memory_space<hbm>>
    %dma_wait3A_46 = tpu.memref_squeeze %dma_wait3A_45 : memref<1x40x256xi32, #tpu.memory_space<hbm>> -> memref<40x256xi32, #tpu.memory_space<hbm>>
    %dma_wait3A_47 = arith.constant 0 : i32
    %dma_wait3A_48 = arith.constant 0 : i32
    %dma_wait3A_49 = tpu.memref_slice %arg3[%add3A, %dma_wait3A_47, %dma_wait3A_48] : memref<32x40x256xi32, #tpu.memory_space<hbm>> -> memref<1x40x256xi32, #tpu.memory_space<hbm>>
    %dma_wait3A_50 = tpu.memref_squeeze %dma_wait3A_49 : memref<1x40x256xi32, #tpu.memory_space<hbm>> -> memref<40x256xi32, #tpu.memory_space<hbm>>
    tpu.wait_dma2 semaphore(%arg12 : memref<!tpu.dma_semaphore, #tpu.memory_space<semaphore_mem>>) src(%dma_wait3A_50 : memref<40x256xi32, #tpu.memory_space<hbm>>) dst(%arg6 : memref<40x256xi32, #tpu.memory_space<vmem>>)
    %dma_wait3A_51 = arith.constant 0 : i32
    %dma_wait3A_52 = arith.constant 0 : i32
    %dma_wait3A_53 = tpu.memref_slice %arg4[%add3A, %dma_wait3A_51, %dma_wait3A_52] : memref<32x40x256xi32, #tpu.memory_space<hbm>> -> memref<1x40x256xi32, #tpu.memory_space<hbm>>
    %dma_wait3A_54 = tpu.memref_squeeze %dma_wait3A_53 : memref<1x40x256xi32, #tpu.memory_space<hbm>> -> memref<40x256xi32, #tpu.memory_space<hbm>>
    %dma_wait3A_55 = arith.constant 0 : i32
    %dma_wait3A_56 = arith.constant 0 : i32
    %dma_wait3A_57 = tpu.memref_slice %arg4[%add3A, %dma_wait3A_55, %dma_wait3A_56] : memref<32x40x256xi32, #tpu.memory_space<hbm>> -> memref<1x40x256xi32, #tpu.memory_space<hbm>>
    %dma_wait3A_58 = tpu.memref_squeeze %dma_wait3A_57 : memref<1x40x256xi32, #tpu.memory_space<hbm>> -> memref<40x256xi32, #tpu.memory_space<hbm>>
    tpu.wait_dma2 semaphore(%arg12 : memref<!tpu.dma_semaphore, #tpu.memory_space<semaphore_mem>>) src(%dma_wait3A_58 : memref<40x256xi32, #tpu.memory_space<hbm>>) dst(%arg7 : memref<40x256xi32, #tpu.memory_space<vmem>>)
    %dma_wait3A_59 = arith.constant 0 : i32
    %dma_wait3A_60 = tpu.memref_slice %arg10[%mul3A_19, %dma_wait3A_59] : memref<10112x32xf32, #tpu.memory_space<vmem_shared>> -> memref<632x32xf32, #tpu.memory_space<vmem_shared>>
    %dma_wait3A_61 = arith.constant 0 : i32
    %dma_wait3A_62 = tpu.memref_slice %arg2[%mul3A_17, %dma_wait3A_61] : memref<10112x32xf32, #tpu.memory_space<hbm>> -> memref<632x32xf32, #tpu.memory_space<hbm>>
    tpu.wait_dma2 semaphore(%arg13 : memref<!tpu.dma_semaphore, #tpu.memory_space<semaphore_mem>>) src(%dma_wait3A_62 : memref<632x32xf32, #tpu.memory_space<hbm>>) dst(%dma_wait3A_60 : memref<632x32xf32, #tpu.memory_space<vmem_shared>>)
    %barrier3A = arith.constant 0 : index
    tpu.barrier barrier_id(%barrier3A)
    %scan3A_63 = arith.constant 0 : i32
    %scan3A_64 = arith.constant 0 : i32
    %scan3A_65 = arith.constant 10 : i32
    %scan3A_66 = arith.addi %scan3A_64, %scan3A_65 : i32
    %scan3A_67 = arith.constant 1 : i32
    %scan3A_68 = scf.for %scan3A_75 = %scan3A_64 to %scan3A_66 step %scan3A_67 iter_args(%scan3A_76 = %scan3A_63) -> (i32)  : i32 {
      %mul3A_77 = arith.constant 3 : i32
      %mul3A_78 = arith.muli %mul3A_77, %scan3A_75 : i32
      %add3A_79 = arith.constant 10 : i32
      %add3A_80 = arith.addi %add3A_79, %mul3A_78 : i32
      %mul3A_81 = arith.constant 3 : i32
      %mul3A_82 = arith.muli %mul3A_81, %scan3A_75 : i32
      %add3A_83 = arith.constant 10 : i32
      %add3A_84 = arith.addi %add3A_83, %mul3A_82 : i32
      %add3A_85 = arith.constant 1 : i32
      %add3A_86 = arith.addi %add3A_84, %add3A_85 : i32
      %mul3A_87 = arith.constant 3 : i32
      %mul3A_88 = arith.muli %mul3A_87, %scan3A_75 : i32
      %add3A_89 = arith.constant 10 : i32
      %add3A_90 = arith.addi %add3A_89, %mul3A_88 : i32
      %add3A_91 = arith.constant 2 : i32
      %add3A_92 = arith.addi %add3A_90, %add3A_91 : i32
      %dma_start3A_93 = arith.constant 0 : i32
      %dma_start3A_94 = arith.constant 0 : i32
      %dma_start3A_95 = tpu.memref_slice %arg8[%dma_start3A_93, %dma_start3A_94] : memref<512x32xf32, #tpu.memory_space<vmem>> -> memref<256x32xf32, #tpu.memory_space<vmem>>
      %dma_start3A_96 = arith.constant 0 : i32
      %dma_start3A_97 = tpu.memref_slice %arg6[%scan3A_75, %dma_start3A_96] : memref<40x256xi32, #tpu.memory_space<vmem>> -> memref<1x256xi32, #tpu.memory_space<vmem>>
      %dma_start3A_98 = tpu.memref_squeeze %dma_start3A_97 : memref<1x256xi32, #tpu.memory_space<vmem>> -> memref<256xi32, #tpu.memory_space<vmem>>
      %dma_start3A_99 = arith.constant 0 : i32
      %dma_start3A_100 = arith.constant 0 : i32
      %dma_start3A_101 = tpu.memref_slice %arg2[%dma_start3A_99, %dma_start3A_100] : memref<10112x32xf32, #tpu.memory_space<hbm>> -> memref<10112x32xf32, #tpu.memory_space<hbm>>
      tpu.enqueue_indirect_dma source(%dma_start3A_101 : memref<10112x32xf32, #tpu.memory_space<hbm>>) target(%dma_start3A_95 : memref<256x32xf32, #tpu.memory_space<vmem>>) offsets(%dma_start3A_98 : memref<256xi32, #tpu.memory_space<vmem>>) semaphore(%arg12 : memref<!tpu.dma_semaphore, #tpu.memory_space<semaphore_mem>>)
      %dma_start3A_102 = arith.constant 256 : i32
      %dma_start3A_103 = arith.constant 0 : i32
      %dma_start3A_104 = tpu.memref_slice %arg8[%dma_start3A_102, %dma_start3A_103] : memref<512x32xf32, #tpu.memory_space<vmem>> -> memref<256x32xf32, #tpu.memory_space<vmem>>
      %dma_start3A_105 = arith.constant 0 : i32
      %dma_start3A_106 = tpu.memref_slice %arg6[%add3A_80, %dma_start3A_105] : memref<40x256xi32, #tpu.memory_space<vmem>> -> memref<1x256xi32, #tpu.memory_space<vmem>>
      %dma_start3A_107 = tpu.memref_squeeze %dma_start3A_106 : memref<1x256xi32, #tpu.memory_space<vmem>> -> memref<256xi32, #tpu.memory_space<vmem>>
      %dma_start3A_108 = arith.constant 0 : i32
      %dma_start3A_109 = arith.constant 0 : i32
      %dma_start3A_110 = tpu.memref_slice %arg10[%dma_start3A_108, %dma_start3A_109] : memref<10112x32xf32, #tpu.memory_space<vmem_shared>> -> memref<10112x32xf32, #tpu.memory_space<vmem_shared>>
      tpu.enqueue_indirect_dma source(%dma_start3A_110 : memref<10112x32xf32, #tpu.memory_space<vmem_shared>>) target(%dma_start3A_104 : memref<256x32xf32, #tpu.memory_space<vmem>>) offsets(%dma_start3A_107 : memref<256xi32, #tpu.memory_space<vmem>>) semaphore(%arg13 : memref<!tpu.dma_semaphore, #tpu.memory_space<semaphore_mem>>)
      %dma_start3A_111 = arith.constant 0 : i32
      %dma_start3A_112 = arith.constant 0 : i32
      %dma_start3A_113 = tpu.memref_slice %arg9[%dma_start3A_111, %dma_start3A_112] : memref<512x32xf32, #tpu.memory_space<vmem>> -> memref<256x32xf32, #tpu.memory_space<vmem>>
      %dma_start3A_114 = arith.constant 0 : i32
      %dma_start3A_115 = tpu.memref_slice %arg6[%add3A_86, %dma_start3A_114] : memref<40x256xi32, #tpu.memory_space<vmem>> -> memref<1x256xi32, #tpu.memory_space<vmem>>
      %dma_start3A_116 = tpu.memref_squeeze %dma_start3A_115 : memref<1x256xi32, #tpu.memory_space<vmem>> -> memref<256xi32, #tpu.memory_space<vmem>>
      %dma_start3A_117 = arith.constant 0 : i32
      %dma_start3A_118 = arith.constant 0 : i32
      %dma_start3A_119 = tpu.memref_slice %arg10[%dma_start3A_117, %dma_start3A_118] : memref<10112x32xf32, #tpu.memory_space<vmem_shared>> -> memref<10112x32xf32, #tpu.memory_space<vmem_shared>>
      tpu.enqueue_indirect_dma source(%dma_start3A_119 : memref<10112x32xf32, #tpu.memory_space<vmem_shared>>) target(%dma_start3A_113 : memref<256x32xf32, #tpu.memory_space<vmem>>) offsets(%dma_start3A_116 : memref<256xi32, #tpu.memory_space<vmem>>) semaphore(%arg14 : memref<!tpu.dma_semaphore, #tpu.memory_space<semaphore_mem>>)
      %dma_start3A_120 = arith.constant 256 : i32
      %dma_start3A_121 = arith.constant 0 : i32
      %dma_start3A_122 = tpu.memref_slice %arg9[%dma_start3A_120, %dma_start3A_121] : memref<512x32xf32, #tpu.memory_space<vmem>> -> memref<256x32xf32, #tpu.memory_space<vmem>>
      %dma_start3A_123 = arith.constant 0 : i32
      %dma_start3A_124 = tpu.memref_slice %arg6[%add3A_92, %dma_start3A_123] : memref<40x256xi32, #tpu.memory_space<vmem>> -> memref<1x256xi32, #tpu.memory_space<vmem>>
      %dma_start3A_125 = tpu.memref_squeeze %dma_start3A_124 : memref<1x256xi32, #tpu.memory_space<vmem>> -> memref<256xi32, #tpu.memory_space<vmem>>
      %dma_start3A_126 = arith.constant 0 : i32
      %dma_start3A_127 = arith.constant 0 : i32
      %dma_start3A_128 = tpu.memref_slice %arg10[%dma_start3A_126, %dma_start3A_127] : memref<10112x32xf32, #tpu.memory_space<vmem_shared>> -> memref<10112x32xf32, #tpu.memory_space<vmem_shared>>
      tpu.enqueue_indirect_dma source(%dma_start3A_128 : memref<10112x32xf32, #tpu.memory_space<vmem_shared>>) target(%dma_start3A_122 : memref<256x32xf32, #tpu.memory_space<vmem>>) offsets(%dma_start3A_125 : memref<256xi32, #tpu.memory_space<vmem>>) semaphore(%arg15 : memref<!tpu.dma_semaphore, #tpu.memory_space<semaphore_mem>>)
      %dma_wait3A_129 = arith.constant 256 : i32
      %dma_wait3A_130 = arith.constant 0 : i32
      %dma_wait3A_131 = tpu.memref_slice %arg8[%dma_wait3A_129, %dma_wait3A_130] : memref<512x32xf32, #tpu.memory_space<vmem>> -> memref<256x32xf32, #tpu.memory_space<vmem>>
      %dma_wait3A_132 = arith.constant 0 : i32
      %dma_wait3A_133 = tpu.memref_slice %arg6[%add3A_80, %dma_wait3A_132] : memref<40x256xi32, #tpu.memory_space<vmem>> -> memref<1x256xi32, #tpu.memory_space<vmem>>
      %dma_wait3A_134 = tpu.memref_squeeze %dma_wait3A_133 : memref<1x256xi32, #tpu.memory_space<vmem>> -> memref<256xi32, #tpu.memory_space<vmem>>
      %dma_wait3A_135 = arith.constant 0 : i32
      %dma_wait3A_136 = arith.constant 0 : i32
      %dma_wait3A_137 = tpu.memref_slice %arg10[%dma_wait3A_135, %dma_wait3A_136] : memref<10112x32xf32, #tpu.memory_space<vmem_shared>> -> memref<10112x32xf32, #tpu.memory_space<vmem_shared>>
      tpu.wait_indirect_dma semaphore(%arg13 : memref<!tpu.dma_semaphore, #tpu.memory_space<semaphore_mem>>) src(%dma_wait3A_137 : memref<10112x32xf32, #tpu.memory_space<vmem_shared>>) dst(%dma_wait3A_131 : memref<256x32xf32, #tpu.memory_space<vmem>>)
      %dma_start3A_138 = arith.constant 256 : i32
      %dma_start3A_139 = arith.constant 0 : i32
      %dma_start3A_140 = tpu.memref_slice %arg8[%dma_start3A_138, %dma_start3A_139] : memref<512x32xf32, #tpu.memory_space<vmem>> -> memref<256x32xf32, #tpu.memory_space<vmem>>
      %dma_start3A_141 = arith.constant 0 : i32
      %dma_start3A_142 = tpu.memref_slice %arg7[%add3A_80, %dma_start3A_141] : memref<40x256xi32, #tpu.memory_space<vmem>> -> memref<1x256xi32, #tpu.memory_space<vmem>>
      %dma_start3A_143 = tpu.memref_squeeze %dma_start3A_142 : memref<1x256xi32, #tpu.memory_space<vmem>> -> memref<256xi32, #tpu.memory_space<vmem>>
      %dma_start3A_144 = arith.constant 0 : i32
      %dma_start3A_145 = arith.constant 0 : i32
      %dma_start3A_146 = tpu.memref_slice %arg11[%dma_start3A_144, %dma_start3A_145] : memref<10112x32xf32, #tpu.memory_space<vmem_shared>> -> memref<10112x32xf32, #tpu.memory_space<vmem_shared>>
      tpu.enqueue_indirect_dma source(%dma_start3A_140 : memref<256x32xf32, #tpu.memory_space<vmem>>) target(%dma_start3A_146 : memref<10112x32xf32, #tpu.memory_space<vmem_shared>>) offsets(%dma_start3A_143 : memref<256xi32, #tpu.memory_space<vmem>>) semaphore(%arg13 : memref<!tpu.dma_semaphore, #tpu.memory_space<semaphore_mem>>) {add = true}
      %dma_wait3A_147 = arith.constant 0 : i32
      %dma_wait3A_148 = arith.constant 0 : i32
      %dma_wait3A_149 = tpu.memref_slice %arg9[%dma_wait3A_147, %dma_wait3A_148] : memref<512x32xf32, #tpu.memory_space<vmem>> -> memref<256x32xf32, #tpu.memory_space<vmem>>
      %dma_wait3A_150 = arith.constant 0 : i32
      %dma_wait3A_151 = tpu.memref_slice %arg6[%add3A_86, %dma_wait3A_150] : memref<40x256xi32, #tpu.memory_space<vmem>> -> memref<1x256xi32, #tpu.memory_space<vmem>>
      %dma_wait3A_152 = tpu.memref_squeeze %dma_wait3A_151 : memref<1x256xi32, #tpu.memory_space<vmem>> -> memref<256xi32, #tpu.memory_space<vmem>>
      %dma_wait3A_153 = arith.constant 0 : i32
      %dma_wait3A_154 = arith.constant 0 : i32
      %dma_wait3A_155 = tpu.memref_slice %arg10[%dma_wait3A_153, %dma_wait3A_154] : memref<10112x32xf32, #tpu.memory_space<vmem_shared>> -> memref<10112x32xf32, #tpu.memory_space<vmem_shared>>
      tpu.wait_indirect_dma semaphore(%arg14 : memref<!tpu.dma_semaphore, #tpu.memory_space<semaphore_mem>>) src(%dma_wait3A_155 : memref<10112x32xf32, #tpu.memory_space<vmem_shared>>) dst(%dma_wait3A_149 : memref<256x32xf32, #tpu.memory_space<vmem>>)
      %dma_start3A_156 = arith.constant 0 : i32
      %dma_start3A_157 = arith.constant 0 : i32
      %dma_start3A_158 = tpu.memref_slice %arg9[%dma_start3A_156, %dma_start3A_157] : memref<512x32xf32, #tpu.memory_space<vmem>> -> memref<256x32xf32, #tpu.memory_space<vmem>>
      %dma_start3A_159 = arith.constant 0 : i32
      %dma_start3A_160 = tpu.memref_slice %arg7[%add3A_86, %dma_start3A_159] : memref<40x256xi32, #tpu.memory_space<vmem>> -> memref<1x256xi32, #tpu.memory_space<vmem>>
      %dma_start3A_161 = tpu.memref_squeeze %dma_start3A_160 : memref<1x256xi32, #tpu.memory_space<vmem>> -> memref<256xi32, #tpu.memory_space<vmem>>
      %dma_start3A_162 = arith.constant 0 : i32
      %dma_start3A_163 = arith.constant 0 : i32
      %dma_start3A_164 = tpu.memref_slice %arg11[%dma_start3A_162, %dma_start3A_163] : memref<10112x32xf32, #tpu.memory_space<vmem_shared>> -> memref<10112x32xf32, #tpu.memory_space<vmem_shared>>
      tpu.enqueue_indirect_dma source(%dma_start3A_158 : memref<256x32xf32, #tpu.memory_space<vmem>>) target(%dma_start3A_164 : memref<10112x32xf32, #tpu.memory_space<vmem_shared>>) offsets(%dma_start3A_161 : memref<256xi32, #tpu.memory_space<vmem>>) semaphore(%arg14 : memref<!tpu.dma_semaphore, #tpu.memory_space<semaphore_mem>>) {add = true}
      %dma_wait3A_165 = arith.constant 256 : i32
      %dma_wait3A_166 = arith.constant 0 : i32
      %dma_wait3A_167 = tpu.memref_slice %arg9[%dma_wait3A_165, %dma_wait3A_166] : memref<512x32xf32, #tpu.memory_space<vmem>> -> memref<256x32xf32, #tpu.memory_space<vmem>>
      %dma_wait3A_168 = arith.constant 0 : i32
      %dma_wait3A_169 = tpu.memref_slice %arg6[%add3A_92, %dma_wait3A_168] : memref<40x256xi32, #tpu.memory_space<vmem>> -> memref<1x256xi32, #tpu.memory_space<vmem>>
      %dma_wait3A_170 = tpu.memref_squeeze %dma_wait3A_169 : memref<1x256xi32, #tpu.memory_space<vmem>> -> memref<256xi32, #tpu.memory_space<vmem>>
      %dma_wait3A_171 = arith.constant 0 : i32
      %dma_wait3A_172 = arith.constant 0 : i32
      %dma_wait3A_173 = tpu.memref_slice %arg10[%dma_wait3A_171, %dma_wait3A_172] : memref<10112x32xf32, #tpu.memory_space<vmem_shared>> -> memref<10112x32xf32, #tpu.memory_space<vmem_shared>>
      tpu.wait_indirect_dma semaphore(%arg15 : memref<!tpu.dma_semaphore, #tpu.memory_space<semaphore_mem>>) src(%dma_wait3A_173 : memref<10112x32xf32, #tpu.memory_space<vmem_shared>>) dst(%dma_wait3A_167 : memref<256x32xf32, #tpu.memory_space<vmem>>)
      %dma_start3A_174 = arith.constant 256 : i32
      %dma_start3A_175 = arith.constant 0 : i32
      %dma_start3A_176 = tpu.memref_slice %arg9[%dma_start3A_174, %dma_start3A_175] : memref<512x32xf32, #tpu.memory_space<vmem>> -> memref<256x32xf32, #tpu.memory_space<vmem>>
      %dma_start3A_177 = arith.constant 0 : i32
      %dma_start3A_178 = tpu.memref_slice %arg7[%add3A_92, %dma_start3A_177] : memref<40x256xi32, #tpu.memory_space<vmem>> -> memref<1x256xi32, #tpu.memory_space<vmem>>
      %dma_start3A_179 = tpu.memref_squeeze %dma_start3A_178 : memref<1x256xi32, #tpu.memory_space<vmem>> -> memref<256xi32, #tpu.memory_space<vmem>>
      %dma_start3A_180 = arith.constant 0 : i32
      %dma_start3A_181 = arith.constant 0 : i32
      %dma_start3A_182 = tpu.memref_slice %arg11[%dma_start3A_180, %dma_start3A_181] : memref<10112x32xf32, #tpu.memory_space<vmem_shared>> -> memref<10112x32xf32, #tpu.memory_space<vmem_shared>>
      tpu.enqueue_indirect_dma source(%dma_start3A_176 : memref<256x32xf32, #tpu.memory_space<vmem>>) target(%dma_start3A_182 : memref<10112x32xf32, #tpu.memory_space<vmem_shared>>) offsets(%dma_start3A_179 : memref<256xi32, #tpu.memory_space<vmem>>) semaphore(%arg15 : memref<!tpu.dma_semaphore, #tpu.memory_space<semaphore_mem>>) {add = true}
      %dma_wait3A_183 = arith.constant 0 : i32
      %dma_wait3A_184 = arith.constant 0 : i32
      %dma_wait3A_185 = tpu.memref_slice %arg8[%dma_wait3A_183, %dma_wait3A_184] : memref<512x32xf32, #tpu.memory_space<vmem>> -> memref<256x32xf32, #tpu.memory_space<vmem>>
      %dma_wait3A_186 = arith.constant 0 : i32
      %dma_wait3A_187 = tpu.memref_slice %arg6[%scan3A_75, %dma_wait3A_186] : memref<40x256xi32, #tpu.memory_space<vmem>> -> memref<1x256xi32, #tpu.memory_space<vmem>>
      %dma_wait3A_188 = tpu.memref_squeeze %dma_wait3A_187 : memref<1x256xi32, #tpu.memory_space<vmem>> -> memref<256xi32, #tpu.memory_space<vmem>>
      %dma_wait3A_189 = arith.constant 0 : i32
      %dma_wait3A_190 = arith.constant 0 : i32
      %dma_wait3A_191 = tpu.memref_slice %arg2[%dma_wait3A_189, %dma_wait3A_190] : memref<10112x32xf32, #tpu.memory_space<hbm>> -> memref<10112x32xf32, #tpu.memory_space<hbm>>
      tpu.wait_indirect_dma semaphore(%arg12 : memref<!tpu.dma_semaphore, #tpu.memory_space<semaphore_mem>>) src(%dma_wait3A_191 : memref<10112x32xf32, #tpu.memory_space<hbm>>) dst(%dma_wait3A_185 : memref<256x32xf32, #tpu.memory_space<vmem>>)
      %dma_start3A_192 = arith.constant 0 : i32
      %dma_start3A_193 = arith.constant 0 : i32
      %dma_start3A_194 = tpu.memref_slice %arg8[%dma_start3A_192, %dma_start3A_193] : memref<512x32xf32, #tpu.memory_space<vmem>> -> memref<256x32xf32, #tpu.memory_space<vmem>>
      %dma_start3A_195 = arith.constant 0 : i32
      %dma_start3A_196 = tpu.memref_slice %arg7[%scan3A_75, %dma_start3A_195] : memref<40x256xi32, #tpu.memory_space<vmem>> -> memref<1x256xi32, #tpu.memory_space<vmem>>
      %dma_start3A_197 = tpu.memref_squeeze %dma_start3A_196 : memref<1x256xi32, #tpu.memory_space<vmem>> -> memref<256xi32, #tpu.memory_space<vmem>>
      %dma_start3A_198 = arith.constant 0 : i32
      %dma_start3A_199 = arith.constant 0 : i32
      %dma_start3A_200 = tpu.memref_slice %arg11[%dma_start3A_198, %dma_start3A_199] : memref<10112x32xf32, #tpu.memory_space<vmem_shared>> -> memref<10112x32xf32, #tpu.memory_space<vmem_shared>>
      tpu.enqueue_indirect_dma source(%dma_start3A_194 : memref<256x32xf32, #tpu.memory_space<vmem>>) target(%dma_start3A_200 : memref<10112x32xf32, #tpu.memory_space<vmem_shared>>) offsets(%dma_start3A_197 : memref<256xi32, #tpu.memory_space<vmem>>) semaphore(%arg12 : memref<!tpu.dma_semaphore, #tpu.memory_space<semaphore_mem>>) {add = true}
      %dma_wait3A_201 = arith.constant 256 : i32
      %dma_wait3A_202 = arith.constant 0 : i32
      %dma_wait3A_203 = tpu.memref_slice %arg8[%dma_wait3A_201, %dma_wait3A_202] : memref<512x32xf32, #tpu.memory_space<vmem>> -> memref<256x32xf32, #tpu.memory_space<vmem>>
      %dma_wait3A_204 = arith.constant 0 : i32
      %dma_wait3A_205 = tpu.memref_slice %arg7[%add3A_80, %dma_wait3A_204] : memref<40x256xi32, #tpu.memory_space<vmem>> -> memref<1x256xi32, #tpu.memory_space<vmem>>
      %dma_wait3A_206 = tpu.memref_squeeze %dma_wait3A_205 : memref<1x256xi32, #tpu.memory_space<vmem>> -> memref<256xi32, #tpu.memory_space<vmem>>
      %dma_wait3A_207 = arith.constant 0 : i32
      %dma_wait3A_208 = arith.constant 0 : i32
      %dma_wait3A_209 = tpu.memref_slice %arg11[%dma_wait3A_207, %dma_wait3A_208] : memref<10112x32xf32, #tpu.memory_space<vmem_shared>> -> memref<10112x32xf32, #tpu.memory_space<vmem_shared>>
      tpu.wait_indirect_dma semaphore(%arg13 : memref<!tpu.dma_semaphore, #tpu.memory_space<semaphore_mem>>) src(%dma_wait3A_203 : memref<256x32xf32, #tpu.memory_space<vmem>>) dst(%dma_wait3A_209 : memref<10112x32xf32, #tpu.memory_space<vmem_shared>>)
      %dma_wait3A_210 = arith.constant 0 : i32
      %dma_wait3A_211 = arith.constant 0 : i32
      %dma_wait3A_212 = tpu.memref_slice %arg9[%dma_wait3A_210, %dma_wait3A_211] : memref<512x32xf32, #tpu.memory_space<vmem>> -> memref<256x32xf32, #tpu.memory_space<vmem>>
      %dma_wait3A_213 = arith.constant 0 : i32
      %dma_wait3A_214 = tpu.memref_slice %arg7[%add3A_86, %dma_wait3A_213] : memref<40x256xi32, #tpu.memory_space<vmem>> -> memref<1x256xi32, #tpu.memory_space<vmem>>
      %dma_wait3A_215 = tpu.memref_squeeze %dma_wait3A_214 : memref<1x256xi32, #tpu.memory_space<vmem>> -> memref<256xi32, #tpu.memory_space<vmem>>
      %dma_wait3A_216 = arith.constant 0 : i32
      %dma_wait3A_217 = arith.constant 0 : i32
      %dma_wait3A_218 = tpu.memref_slice %arg11[%dma_wait3A_216, %dma_wait3A_217] : memref<10112x32xf32, #tpu.memory_space<vmem_shared>> -> memref<10112x32xf32, #tpu.memory_space<vmem_shared>>
      tpu.wait_indirect_dma semaphore(%arg14 : memref<!tpu.dma_semaphore, #tpu.memory_space<semaphore_mem>>) src(%dma_wait3A_212 : memref<256x32xf32, #tpu.memory_space<vmem>>) dst(%dma_wait3A_218 : memref<10112x32xf32, #tpu.memory_space<vmem_shared>>)
      %dma_wait3A_219 = arith.constant 256 : i32
      %dma_wait3A_220 = arith.constant 0 : i32
      %dma_wait3A_221 = tpu.memref_slice %arg9[%dma_wait3A_219, %dma_wait3A_220] : memref<512x32xf32, #tpu.memory_space<vmem>> -> memref<256x32xf32, #tpu.memory_space<vmem>>
      %dma_wait3A_222 = arith.constant 0 : i32
      %dma_wait3A_223 = tpu.memref_slice %arg7[%add3A_92, %dma_wait3A_222] : memref<40x256xi32, #tpu.memory_space<vmem>> -> memref<1x256xi32, #tpu.memory_space<vmem>>
      %dma_wait3A_224 = tpu.memref_squeeze %dma_wait3A_223 : memref<1x256xi32, #tpu.memory_space<vmem>> -> memref<256xi32, #tpu.memory_space<vmem>>
      %dma_wait3A_225 = arith.constant 0 : i32
      %dma_wait3A_226 = arith.constant 0 : i32
      %dma_wait3A_227 = tpu.memref_slice %arg11[%dma_wait3A_225, %dma_wait3A_226] : memref<10112x32xf32, #tpu.memory_space<vmem_shared>> -> memref<10112x32xf32, #tpu.memory_space<vmem_shared>>
      tpu.wait_indirect_dma semaphore(%arg15 : memref<!tpu.dma_semaphore, #tpu.memory_space<semaphore_mem>>) src(%dma_wait3A_221 : memref<256x32xf32, #tpu.memory_space<vmem>>) dst(%dma_wait3A_227 : memref<10112x32xf32, #tpu.memory_space<vmem_shared>>)
      %dma_wait3A_228 = arith.constant 0 : i32
      %dma_wait3A_229 = arith.constant 0 : i32
      %dma_wait3A_230 = tpu.memref_slice %arg8[%dma_wait3A_228, %dma_wait3A_229] : memref<512x32xf32, #tpu.memory_space<vmem>> -> memref<256x32xf32, #tpu.memory_space<vmem>>
      %dma_wait3A_231 = arith.constant 0 : i32
      %dma_wait3A_232 = tpu.memref_slice %arg7[%scan3A_75, %dma_wait3A_231] : memref<40x256xi32, #tpu.memory_space<vmem>> -> memref<1x256xi32, #tpu.memory_space<vmem>>
      %dma_wait3A_233 = tpu.memref_squeeze %dma_wait3A_232 : memref<1x256xi32, #tpu.memory_space<vmem>> -> memref<256xi32, #tpu.memory_space<vmem>>
      %dma_wait3A_234 = arith.constant 0 : i32
      %dma_wait3A_235 = arith.constant 0 : i32
      %dma_wait3A_236 = tpu.memref_slice %arg11[%dma_wait3A_234, %dma_wait3A_235] : memref<10112x32xf32, #tpu.memory_space<vmem_shared>> -> memref<10112x32xf32, #tpu.memory_space<vmem_shared>>
      tpu.wait_indirect_dma semaphore(%arg12 : memref<!tpu.dma_semaphore, #tpu.memory_space<semaphore_mem>>) src(%dma_wait3A_230 : memref<256x32xf32, #tpu.memory_space<vmem>>) dst(%dma_wait3A_236 : memref<10112x32xf32, #tpu.memory_space<vmem_shared>>)
      %scan3A_237 = arith.constant 0 : i32
      scf.yield %scan3A_237 : i32
    }
    %scan3A_69 = arith.constant 10 : i32
    %barrier3A_70 = arith.constant 0 : index
    tpu.barrier barrier_id(%barrier3A_70)
    %mul3A_71 = arith.constant 632 : i32
    %mul3A_72 = arith.muli %arg1, %mul3A_71 : i32
    %mul3A_73 = arith.constant 632 : i32
    %mul3A_74 = arith.muli %arg1, %mul3A_73 : i32
    "tpu.region"() ({
      %run_scoped3A = tpu.sem_alloc : memref<!tpu.dma_semaphore, #tpu.memory_space<semaphore_mem>>
      %dma_start3A_75 = arith.constant 0 : i32
      %dma_start3A_76 = tpu.memref_slice %arg5[%arg0, %mul3A_74, %dma_start3A_75] : memref<2x10112x32xf32, #tpu.memory_space<hbm>> -> memref<1x632x32xf32, #tpu.memory_space<hbm>>
      %dma_start3A_77 = tpu.memref_squeeze %dma_start3A_76 : memref<1x632x32xf32, #tpu.memory_space<hbm>> -> memref<632x32xf32, #tpu.memory_space<hbm>>
      %dma_start3A_78 = arith.constant 0 : i32
      %dma_start3A_79 = tpu.memref_slice %arg11[%mul3A_72, %dma_start3A_78] : memref<10112x32xf32, #tpu.memory_space<vmem_shared>> -> memref<632x32xf32, #tpu.memory_space<vmem_shared>>
      tpu.enqueue_dma source(%dma_start3A_79 : memref<632x32xf32, #tpu.memory_space<vmem_shared>>) target(%dma_start3A_77 : memref<632x32xf32, #tpu.memory_space<hbm>>) target_semaphore(%run_scoped3A : memref<!tpu.dma_semaphore, #tpu.memory_space<semaphore_mem>>)
      %dma_wait3A_80 = arith.constant 0 : i32
      %dma_wait3A_81 = tpu.memref_slice %arg5[%arg0, %mul3A_74, %dma_wait3A_80] : memref<2x10112x32xf32, #tpu.memory_space<hbm>> -> memref<1x632x32xf32, #tpu.memory_space<hbm>>
      %dma_wait3A_82 = tpu.memref_squeeze %dma_wait3A_81 : memref<1x632x32xf32, #tpu.memory_space<hbm>> -> memref<632x32xf32, #tpu.memory_space<hbm>>
      %dma_wait3A_83 = arith.constant 0 : i32
      %dma_wait3A_84 = tpu.memref_slice %arg11[%mul3A_72, %dma_wait3A_83] : memref<10112x32xf32, #tpu.memory_space<vmem_shared>> -> memref<632x32xf32, #tpu.memory_space<vmem_shared>>
      tpu.wait_dma2 semaphore(%run_scoped3A : memref<!tpu.dma_semaphore, #tpu.memory_space<semaphore_mem>>) src(%dma_wait3A_84 : memref<632x32xf32, #tpu.memory_space<vmem_shared>>) dst(%dma_wait3A_82 : memref<632x32xf32, #tpu.memory_space<hbm>>)
      tpu.yield
    }) : () -> ()
    return
  }
}

#map = affine_map<(d0, d1) -> (0, 0)>
#map1 = affine_map<(d0, d1) -> (0, 0, 0)>
module attributes {stable_mosaic.version = 14 : i64} {
  func.func @_sc_edge_sum(%arg0: i32, %arg1: i32, %arg2: memref<10112x32xf32, #tpu.memory_space<hbm>>, %arg3: memref<32x40x256xi32, #tpu.memory_space<hbm>>, %arg4: memref<32x40x256xi32, #tpu.memory_space<hbm>>, %arg5: memref<2x10112x32xf32, #tpu.memory_space<hbm>>, %arg6: memref<40x256xi32, #tpu.memory_space<vmem>>, %arg7: memref<40x256xi32, #tpu.memory_space<vmem>>, %arg8: memref<512x32xf32, #tpu.memory_space<vmem>>, %arg9: memref<512x32xf32, #tpu.memory_space<vmem>>, %arg10: memref<10112x32xf32, #tpu.memory_space<vmem_shared>>, %arg11: memref<10112x32xf32, #tpu.memory_space<vmem_shared>>, %arg12: memref<!tpu.dma_semaphore, #tpu.memory_space<semaphore_mem>>, %arg13: memref<!tpu.dma_semaphore, #tpu.memory_space<semaphore_mem>>, %arg14: memref<!tpu.dma_semaphore, #tpu.memory_space<semaphore_mem>>, %arg15: memref<!tpu.dma_semaphore, #tpu.memory_space<semaphore_mem>>) attributes {dimension_semantics = [#tpu.dimension_semantics<core_parallel>, #tpu.dimension_semantics<subcore_parallel>], iteration_bounds = array<i64: 2, 16>, scalar_prefetch = 0 : i64, scratch_operands = 10 : i64, tpu.core_type = #tpu.core_type<sc_vector_subcore>, window_params = [{transform_indices = #map}, {transform_indices = #map1}, {transform_indices = #map1}, {transform_indices = #map1}]} {
    %mul3A = arith.constant 16 : i32
    %mul3A_0 = arith.muli %arg0, %mul3A : i32
    %add3A = arith.addi %mul3A_0, %arg1 : i32
    %dma_start3A = arith.constant 0 : i32
    %dma_start3A_1 = arith.constant 0 : i32
    %dma_start3A_2 = tpu.memref_slice %arg3[%add3A, %dma_start3A, %dma_start3A_1] : memref<32x40x256xi32, #tpu.memory_space<hbm>> -> memref<1x40x256xi32, #tpu.memory_space<hbm>>
    %dma_start3A_3 = tpu.memref_squeeze %dma_start3A_2 : memref<1x40x256xi32, #tpu.memory_space<hbm>> -> memref<40x256xi32, #tpu.memory_space<hbm>>
    %dma_start3A_4 = arith.constant 0 : i32
    %dma_start3A_5 = arith.constant 0 : i32
    %dma_start3A_6 = tpu.memref_slice %arg3[%add3A, %dma_start3A_4, %dma_start3A_5] : memref<32x40x256xi32, #tpu.memory_space<hbm>> -> memref<1x40x256xi32, #tpu.memory_space<hbm>>
    %dma_start3A_7 = tpu.memref_squeeze %dma_start3A_6 : memref<1x40x256xi32, #tpu.memory_space<hbm>> -> memref<40x256xi32, #tpu.memory_space<hbm>>
    tpu.enqueue_dma source(%dma_start3A_7 : memref<40x256xi32, #tpu.memory_space<hbm>>) target(%arg6 : memref<40x256xi32, #tpu.memory_space<vmem>>) target_semaphore(%arg12 : memref<!tpu.dma_semaphore, #tpu.memory_space<semaphore_mem>>)
    %dma_start3A_8 = arith.constant 0 : i32
    %dma_start3A_9 = arith.constant 0 : i32
    %dma_start3A_10 = tpu.memref_slice %arg4[%add3A, %dma_start3A_8, %dma_start3A_9] : memref<32x40x256xi32, #tpu.memory_space<hbm>> -> memref<1x40x256xi32, #tpu.memory_space<hbm>>
    %dma_start3A_11 = tpu.memref_squeeze %dma_start3A_10 : memref<1x40x256xi32, #tpu.memory_space<hbm>> -> memref<40x256xi32, #tpu.memory_space<hbm>>
    %dma_start3A_12 = arith.constant 0 : i32
    %dma_start3A_13 = arith.constant 0 : i32
    %dma_start3A_14 = tpu.memref_slice %arg4[%add3A, %dma_start3A_12, %dma_start3A_13] : memref<32x40x256xi32, #tpu.memory_space<hbm>> -> memref<1x40x256xi32, #tpu.memory_space<hbm>>
    %dma_start3A_15 = tpu.memref_squeeze %dma_start3A_14 : memref<1x40x256xi32, #tpu.memory_space<hbm>> -> memref<40x256xi32, #tpu.memory_space<hbm>>
    tpu.enqueue_dma source(%dma_start3A_15 : memref<40x256xi32, #tpu.memory_space<hbm>>) target(%arg7 : memref<40x256xi32, #tpu.memory_space<vmem>>) target_semaphore(%arg12 : memref<!tpu.dma_semaphore, #tpu.memory_space<semaphore_mem>>)
    %mul3A_16 = arith.constant 632 : i32
    %mul3A_17 = arith.muli %arg1, %mul3A_16 : i32
    %mul3A_18 = arith.constant 632 : i32
    %mul3A_19 = arith.muli %arg1, %mul3A_18 : i32
    %dma_start3A_20 = arith.constant 0 : i32
    %dma_start3A_21 = tpu.memref_slice %arg10[%mul3A_19, %dma_start3A_20] : memref<10112x32xf32, #tpu.memory_space<vmem_shared>> -> memref<632x32xf32, #tpu.memory_space<vmem_shared>>
    %dma_start3A_22 = arith.constant 0 : i32
    %dma_start3A_23 = tpu.memref_slice %arg2[%mul3A_17, %dma_start3A_22] : memref<10112x32xf32, #tpu.memory_space<hbm>> -> memref<632x32xf32, #tpu.memory_space<hbm>>
    tpu.enqueue_dma source(%dma_start3A_23 : memref<632x32xf32, #tpu.memory_space<hbm>>) target(%dma_start3A_21 : memref<632x32xf32, #tpu.memory_space<vmem_shared>>) target_semaphore(%arg13 : memref<!tpu.dma_semaphore, #tpu.memory_space<semaphore_mem>>)
    %broadcast_in_dim3A = arith.constant 0.000000e+00 : f32
    %broadcast_in_dim3A_24 = vector.broadcast %broadcast_in_dim3A : f32 to vector<16xf32>
    %scan3A = arith.constant 0 : i32
    %scan3A_25 = arith.constant 0 : i32
    %scan3A_26 = arith.constant 512 : i32
    %scan3A_27 = arith.addi %scan3A_25, %scan3A_26 : i32
    %scan3A_28 = arith.constant 1 : i32
    %scan3A_29 = scf.for %scan3A_75 = %scan3A_25 to %scan3A_27 step %scan3A_28 iter_args(%scan3A_76 = %scan3A) -> (i32)  : i32 {
      %swap3A = arith.index_cast %scan3A_75 : i32 to index
      %swap3A_77 = arith.constant 0 : index
      %swap3A_78 = tpu.vector_load %arg8[%swap3A, %swap3A_77] {strides = array<i32>} : memref<512x32xf32, #tpu.memory_space<vmem>>, vector<1x16xf32>,
      %swap3A_79 = vector.shape_cast %swap3A_78 : vector<1x16xf32> to vector<16xf32>
      %swap3A_80 = vector.shape_cast %broadcast_in_dim3A_24 : vector<16xf32> to vector<1x16xf32>
      tpu.vector_store %arg8[%swap3A, %swap3A_77], %swap3A_80 {strides = array<i32>} : memref<512x32xf32, #tpu.memory_space<vmem>>, vector<1x16xf32>,
      %swap3A_81 = arith.index_cast %scan3A_75 : i32 to index
      %swap3A_82 = arith.constant 16 : index
      %swap3A_83 = tpu.vector_load %arg8[%swap3A_81, %swap3A_82] {strides = array<i32>} : memref<512x32xf32, #tpu.memory_space<vmem>>, vector<1x16xf32>,
      %swap3A_84 = vector.shape_cast %swap3A_83 : vector<1x16xf32> to vector<16xf32>
      %swap3A_85 = vector.shape_cast %broadcast_in_dim3A_24 : vector<16xf32> to vector<1x16xf32>
      tpu.vector_store %arg8[%swap3A_81, %swap3A_82], %swap3A_85 {strides = array<i32>} : memref<512x32xf32, #tpu.memory_space<vmem>>, vector<1x16xf32>,
      %scan3A_86 = arith.constant 0 : i32
      scf.yield %scan3A_86 : i32
    }
    %scan3A_30 = arith.constant 512 : i32
    %scan3A_31 = arith.constant 0 : i32
    %scan3A_32 = arith.constant 0 : i32
    %scan3A_33 = arith.constant 120 : i32
    %scan3A_34 = arith.addi %scan3A_32, %scan3A_33 : i32
    %scan3A_35 = arith.constant 1 : i32
    %scan3A_36 = scf.for %scan3A_75 = %scan3A_32 to %scan3A_34 step %scan3A_35 iter_args(%scan3A_76 = %scan3A_31) -> (i32)  : i32 {
      %swap3A = arith.index_cast %scan3A_75 : i32 to index
      %swap3A_77 = arith.constant 0 : index
      %swap3A_78 = tpu.vector_load %arg9[%swap3A, %swap3A_77] {strides = array<i32>} : memref<512x32xf32, #tpu.memory_space<vmem>>, vector<1x16xf32>,
      %swap3A_79 = vector.shape_cast %swap3A_78 : vector<1x16xf32> to vector<16xf32>
      %swap3A_80 = vector.shape_cast %broadcast_in_dim3A_24 : vector<16xf32> to vector<1x16xf32>
      tpu.vector_store %arg9[%swap3A, %swap3A_77], %swap3A_80 {strides = array<i32>} : memref<512x32xf32, #tpu.memory_space<vmem>>, vector<1x16xf32>,
      %swap3A_81 = arith.index_cast %scan3A_75 : i32 to index
      %swap3A_82 = arith.constant 16 : index
      %swap3A_83 = tpu.vector_load %arg9[%swap3A_81, %swap3A_82] {strides = array<i32>} : memref<512x32xf32, #tpu.memory_space<vmem>>, vector<1x16xf32>,
      %swap3A_84 = vector.shape_cast %swap3A_83 : vector<1x16xf32> to vector<16xf32>
      %swap3A_85 = vector.shape_cast %broadcast_in_dim3A_24 : vector<16xf32> to vector<1x16xf32>
      tpu.vector_store %arg9[%swap3A_81, %swap3A_82], %swap3A_85 {strides = array<i32>} : memref<512x32xf32, #tpu.memory_space<vmem>>, vector<1x16xf32>,
      %scan3A_86 = arith.constant 0 : i32
      scf.yield %scan3A_86 : i32
    }
    %scan3A_37 = arith.constant 120 : i32
    %mul3A_38 = arith.constant 632 : i32
    %mul3A_39 = arith.muli %arg1, %mul3A_38 : i32
    "tpu.region"() ({
      %run_scoped3A = tpu.sem_alloc : memref<!tpu.dma_semaphore, #tpu.memory_space<semaphore_mem>>
      %dma_start3A_75 = arith.constant 0 : i32
      %dma_start3A_76 = tpu.memref_slice %arg11[%mul3A_39, %dma_start3A_75] : memref<10112x32xf32, #tpu.memory_space<vmem_shared>> -> memref<512x32xf32, #tpu.memory_space<vmem_shared>>
      %dma_start3A_77 = arith.constant 0 : i32
      %dma_start3A_78 = tpu.memref_slice %arg11[%mul3A_39, %dma_start3A_77] : memref<10112x32xf32, #tpu.memory_space<vmem_shared>> -> memref<512x32xf32, #tpu.memory_space<vmem_shared>>
      tpu.enqueue_dma source(%arg8 : memref<512x32xf32, #tpu.memory_space<vmem>>) target(%dma_start3A_78 : memref<512x32xf32, #tpu.memory_space<vmem_shared>>) target_semaphore(%run_scoped3A : memref<!tpu.dma_semaphore, #tpu.memory_space<semaphore_mem>>)
      %dma_wait3A_79 = arith.constant 0 : i32
      %dma_wait3A_80 = tpu.memref_slice %arg11[%mul3A_39, %dma_wait3A_79] : memref<10112x32xf32, #tpu.memory_space<vmem_shared>> -> memref<512x32xf32, #tpu.memory_space<vmem_shared>>
      %dma_wait3A_81 = arith.constant 0 : i32
      %dma_wait3A_82 = tpu.memref_slice %arg11[%mul3A_39, %dma_wait3A_81] : memref<10112x32xf32, #tpu.memory_space<vmem_shared>> -> memref<512x32xf32, #tpu.memory_space<vmem_shared>>
      tpu.wait_dma2 semaphore(%run_scoped3A : memref<!tpu.dma_semaphore, #tpu.memory_space<semaphore_mem>>) src(%arg8 : memref<512x32xf32, #tpu.memory_space<vmem>>) dst(%dma_wait3A_82 : memref<512x32xf32, #tpu.memory_space<vmem_shared>>)
      tpu.yield
    }) : () -> ()
    %mul3A_40 = arith.constant 632 : i32
    %mul3A_41 = arith.muli %arg1, %mul3A_40 : i32
    %add3A_42 = arith.constant 512 : i32
    %add3A_43 = arith.addi %mul3A_41, %add3A_42 : i32
    "tpu.region"() ({
      %run_scoped3A = tpu.sem_alloc : memref<!tpu.dma_semaphore, #tpu.memory_space<semaphore_mem>>
      %dma_start3A_75 = arith.constant 0 : i32
      %dma_start3A_76 = arith.constant 0 : i32
      %dma_start3A_77 = tpu.memref_slice %arg9[%dma_start3A_75, %dma_start3A_76] : memref<512x32xf32, #tpu.memory_space<vmem>> -> memref<120x32xf32, #tpu.memory_space<vmem>>
      %dma_start3A_78 = arith.constant 0 : i32
      %dma_start3A_79 = tpu.memref_slice %arg11[%add3A_43, %dma_start3A_78] : memref<10112x32xf32, #tpu.memory_space<vmem_shared>> -> memref<120x32xf32, #tpu.memory_space<vmem_shared>>
      %dma_start3A_80 = arith.constant 0 : i32
      %dma_start3A_81 = tpu.memref_slice %arg11[%add3A_43, %dma_start3A_80] : memref<10112x32xf32, #tpu.memory_space<vmem_shared>> -> memref<120x32xf32, #tpu.memory_space<vmem_shared>>
      %dma_start3A_82 = arith.constant 0 : i32
      %dma_start3A_83 = arith.constant 0 : i32
      %dma_start3A_84 = tpu.memref_slice %arg9[%dma_start3A_82, %dma_start3A_83] : memref<512x32xf32, #tpu.memory_space<vmem>> -> memref<120x32xf32, #tpu.memory_space<vmem>>
      tpu.enqueue_dma source(%dma_start3A_84 : memref<120x32xf32, #tpu.memory_space<vmem>>) target(%dma_start3A_81 : memref<120x32xf32, #tpu.memory_space<vmem_shared>>) target_semaphore(%run_scoped3A : memref<!tpu.dma_semaphore, #tpu.memory_space<semaphore_mem>>)
      %dma_wait3A_85 = arith.constant 0 : i32
      %dma_wait3A_86 = arith.constant 0 : i32
      %dma_wait3A_87 = tpu.memref_slice %arg9[%dma_wait3A_85, %dma_wait3A_86] : memref<512x32xf32, #tpu.memory_space<vmem>> -> memref<120x32xf32, #tpu.memory_space<vmem>>
      %dma_wait3A_88 = arith.constant 0 : i32
      %dma_wait3A_89 = tpu.memref_slice %arg11[%add3A_43, %dma_wait3A_88] : memref<10112x32xf32, #tpu.memory_space<vmem_shared>> -> memref<120x32xf32, #tpu.memory_space<vmem_shared>>
      %dma_wait3A_90 = arith.constant 0 : i32
      %dma_wait3A_91 = tpu.memref_slice %arg11[%add3A_43, %dma_wait3A_90] : memref<10112x32xf32, #tpu.memory_space<vmem_shared>> -> memref<120x32xf32, #tpu.memory_space<vmem_shared>>
      %dma_wait3A_92 = arith.constant 0 : i32
      %dma_wait3A_93 = arith.constant 0 : i32
      %dma_wait3A_94 = tpu.memref_slice %arg9[%dma_wait3A_92, %dma_wait3A_93] : memref<512x32xf32, #tpu.memory_space<vmem>> -> memref<120x32xf32, #tpu.memory_space<vmem>>
      tpu.wait_dma2 semaphore(%run_scoped3A : memref<!tpu.dma_semaphore, #tpu.memory_space<semaphore_mem>>) src(%dma_wait3A_94 : memref<120x32xf32, #tpu.memory_space<vmem>>) dst(%dma_wait3A_91 : memref<120x32xf32, #tpu.memory_space<vmem_shared>>)
      tpu.yield
    }) : () -> ()
    %dma_wait3A = arith.constant 0 : i32
    %dma_wait3A_44 = arith.constant 0 : i32
    %dma_wait3A_45 = tpu.memref_slice %arg3[%add3A, %dma_wait3A, %dma_wait3A_44] : memref<32x40x256xi32, #tpu.memory_space<hbm>> -> memref<1x40x256xi32, #tpu.memory_space<hbm>>
    %dma_wait3A_46 = tpu.memref_squeeze %dma_wait3A_45 : memref<1x40x256xi32, #tpu.memory_space<hbm>> -> memref<40x256xi32, #tpu.memory_space<hbm>>
    %dma_wait3A_47 = arith.constant 0 : i32
    %dma_wait3A_48 = arith.constant 0 : i32
    %dma_wait3A_49 = tpu.memref_slice %arg3[%add3A, %dma_wait3A_47, %dma_wait3A_48] : memref<32x40x256xi32, #tpu.memory_space<hbm>> -> memref<1x40x256xi32, #tpu.memory_space<hbm>>
    %dma_wait3A_50 = tpu.memref_squeeze %dma_wait3A_49 : memref<1x40x256xi32, #tpu.memory_space<hbm>> -> memref<40x256xi32, #tpu.memory_space<hbm>>
    tpu.wait_dma2 semaphore(%arg12 : memref<!tpu.dma_semaphore, #tpu.memory_space<semaphore_mem>>) src(%dma_wait3A_50 : memref<40x256xi32, #tpu.memory_space<hbm>>) dst(%arg6 : memref<40x256xi32, #tpu.memory_space<vmem>>)
    %dma_wait3A_51 = arith.constant 0 : i32
    %dma_wait3A_52 = arith.constant 0 : i32
    %dma_wait3A_53 = tpu.memref_slice %arg4[%add3A, %dma_wait3A_51, %dma_wait3A_52] : memref<32x40x256xi32, #tpu.memory_space<hbm>> -> memref<1x40x256xi32, #tpu.memory_space<hbm>>
    %dma_wait3A_54 = tpu.memref_squeeze %dma_wait3A_53 : memref<1x40x256xi32, #tpu.memory_space<hbm>> -> memref<40x256xi32, #tpu.memory_space<hbm>>
    %dma_wait3A_55 = arith.constant 0 : i32
    %dma_wait3A_56 = arith.constant 0 : i32
    %dma_wait3A_57 = tpu.memref_slice %arg4[%add3A, %dma_wait3A_55, %dma_wait3A_56] : memref<32x40x256xi32, #tpu.memory_space<hbm>> -> memref<1x40x256xi32, #tpu.memory_space<hbm>>
    %dma_wait3A_58 = tpu.memref_squeeze %dma_wait3A_57 : memref<1x40x256xi32, #tpu.memory_space<hbm>> -> memref<40x256xi32, #tpu.memory_space<hbm>>
    tpu.wait_dma2 semaphore(%arg12 : memref<!tpu.dma_semaphore, #tpu.memory_space<semaphore_mem>>) src(%dma_wait3A_58 : memref<40x256xi32, #tpu.memory_space<hbm>>) dst(%arg7 : memref<40x256xi32, #tpu.memory_space<vmem>>)
    %dma_wait3A_59 = arith.constant 0 : i32
    %dma_wait3A_60 = tpu.memref_slice %arg10[%mul3A_19, %dma_wait3A_59] : memref<10112x32xf32, #tpu.memory_space<vmem_shared>> -> memref<632x32xf32, #tpu.memory_space<vmem_shared>>
    %dma_wait3A_61 = arith.constant 0 : i32
    %dma_wait3A_62 = tpu.memref_slice %arg2[%mul3A_17, %dma_wait3A_61] : memref<10112x32xf32, #tpu.memory_space<hbm>> -> memref<632x32xf32, #tpu.memory_space<hbm>>
    tpu.wait_dma2 semaphore(%arg13 : memref<!tpu.dma_semaphore, #tpu.memory_space<semaphore_mem>>) src(%dma_wait3A_62 : memref<632x32xf32, #tpu.memory_space<hbm>>) dst(%dma_wait3A_60 : memref<632x32xf32, #tpu.memory_space<vmem_shared>>)
    %barrier3A = arith.constant 0 : index
    tpu.barrier barrier_id(%barrier3A)
    %scan3A_63 = arith.constant 0 : i32
    %scan3A_64 = arith.constant 0 : i32
    %scan3A_65 = arith.constant 10 : i32
    %scan3A_66 = arith.addi %scan3A_64, %scan3A_65 : i32
    %scan3A_67 = arith.constant 1 : i32
    %scan3A_68 = scf.for %scan3A_75 = %scan3A_64 to %scan3A_66 step %scan3A_67 iter_args(%scan3A_76 = %scan3A_63) -> (i32)  : i32 {
      %mul3A_77 = arith.constant 3 : i32
      %mul3A_78 = arith.muli %mul3A_77, %scan3A_75 : i32
      %add3A_79 = arith.constant 10 : i32
      %add3A_80 = arith.addi %add3A_79, %mul3A_78 : i32
      %mul3A_81 = arith.constant 3 : i32
      %mul3A_82 = arith.muli %mul3A_81, %scan3A_75 : i32
      %add3A_83 = arith.constant 10 : i32
      %add3A_84 = arith.addi %add3A_83, %mul3A_82 : i32
      %add3A_85 = arith.constant 1 : i32
      %add3A_86 = arith.addi %add3A_84, %add3A_85 : i32
      %mul3A_87 = arith.constant 3 : i32
      %mul3A_88 = arith.muli %mul3A_87, %scan3A_75 : i32
      %add3A_89 = arith.constant 10 : i32
      %add3A_90 = arith.addi %add3A_89, %mul3A_88 : i32
      %add3A_91 = arith.constant 2 : i32
      %add3A_92 = arith.addi %add3A_90, %add3A_91 : i32
      %dma_start3A_93 = arith.constant 0 : i32
      %dma_start3A_94 = arith.constant 0 : i32
      %dma_start3A_95 = tpu.memref_slice %arg8[%dma_start3A_93, %dma_start3A_94] : memref<512x32xf32, #tpu.memory_space<vmem>> -> memref<256x32xf32, #tpu.memory_space<vmem>>
      %dma_start3A_96 = arith.constant 0 : i32
      %dma_start3A_97 = tpu.memref_slice %arg6[%scan3A_75, %dma_start3A_96] : memref<40x256xi32, #tpu.memory_space<vmem>> -> memref<1x256xi32, #tpu.memory_space<vmem>>
      %dma_start3A_98 = tpu.memref_squeeze %dma_start3A_97 : memref<1x256xi32, #tpu.memory_space<vmem>> -> memref<256xi32, #tpu.memory_space<vmem>>
      %dma_start3A_99 = arith.constant 0 : i32
      %dma_start3A_100 = arith.constant 0 : i32
      %dma_start3A_101 = tpu.memref_slice %arg2[%dma_start3A_99, %dma_start3A_100] : memref<10112x32xf32, #tpu.memory_space<hbm>> -> memref<10112x32xf32, #tpu.memory_space<hbm>>
      tpu.enqueue_indirect_dma source(%dma_start3A_101 : memref<10112x32xf32, #tpu.memory_space<hbm>>) target(%dma_start3A_95 : memref<256x32xf32, #tpu.memory_space<vmem>>) offsets(%dma_start3A_98 : memref<256xi32, #tpu.memory_space<vmem>>) semaphore(%arg12 : memref<!tpu.dma_semaphore, #tpu.memory_space<semaphore_mem>>)
      %dma_start3A_102 = arith.constant 256 : i32
      %dma_start3A_103 = arith.constant 0 : i32
      %dma_start3A_104 = tpu.memref_slice %arg8[%dma_start3A_102, %dma_start3A_103] : memref<512x32xf32, #tpu.memory_space<vmem>> -> memref<256x32xf32, #tpu.memory_space<vmem>>
      %dma_start3A_105 = arith.constant 0 : i32
      %dma_start3A_106 = tpu.memref_slice %arg6[%add3A_80, %dma_start3A_105] : memref<40x256xi32, #tpu.memory_space<vmem>> -> memref<1x256xi32, #tpu.memory_space<vmem>>
      %dma_start3A_107 = tpu.memref_squeeze %dma_start3A_106 : memref<1x256xi32, #tpu.memory_space<vmem>> -> memref<256xi32, #tpu.memory_space<vmem>>
      %dma_start3A_108 = arith.constant 0 : i32
      %dma_start3A_109 = arith.constant 0 : i32
      %dma_start3A_110 = tpu.memref_slice %arg10[%dma_start3A_108, %dma_start3A_109] : memref<10112x32xf32, #tpu.memory_space<vmem_shared>> -> memref<10112x32xf32, #tpu.memory_space<vmem_shared>>
      tpu.enqueue_indirect_dma source(%dma_start3A_110 : memref<10112x32xf32, #tpu.memory_space<vmem_shared>>) target(%dma_start3A_104 : memref<256x32xf32, #tpu.memory_space<vmem>>) offsets(%dma_start3A_107 : memref<256xi32, #tpu.memory_space<vmem>>) semaphore(%arg13 : memref<!tpu.dma_semaphore, #tpu.memory_space<semaphore_mem>>)
      %dma_start3A_111 = arith.constant 0 : i32
      %dma_start3A_112 = arith.constant 0 : i32
      %dma_start3A_113 = tpu.memref_slice %arg9[%dma_start3A_111, %dma_start3A_112] : memref<512x32xf32, #tpu.memory_space<vmem>> -> memref<256x32xf32, #tpu.memory_space<vmem>>
      %dma_start3A_114 = arith.constant 0 : i32
      %dma_start3A_115 = tpu.memref_slice %arg6[%add3A_86, %dma_start3A_114] : memref<40x256xi32, #tpu.memory_space<vmem>> -> memref<1x256xi32, #tpu.memory_space<vmem>>
      %dma_start3A_116 = tpu.memref_squeeze %dma_start3A_115 : memref<1x256xi32, #tpu.memory_space<vmem>> -> memref<256xi32, #tpu.memory_space<vmem>>
      %dma_start3A_117 = arith.constant 0 : i32
      %dma_start3A_118 = arith.constant 0 : i32
      %dma_start3A_119 = tpu.memref_slice %arg10[%dma_start3A_117, %dma_start3A_118] : memref<10112x32xf32, #tpu.memory_space<vmem_shared>> -> memref<10112x32xf32, #tpu.memory_space<vmem_shared>>
      tpu.enqueue_indirect_dma source(%dma_start3A_119 : memref<10112x32xf32, #tpu.memory_space<vmem_shared>>) target(%dma_start3A_113 : memref<256x32xf32, #tpu.memory_space<vmem>>) offsets(%dma_start3A_116 : memref<256xi32, #tpu.memory_space<vmem>>) semaphore(%arg14 : memref<!tpu.dma_semaphore, #tpu.memory_space<semaphore_mem>>)
      %dma_start3A_120 = arith.constant 256 : i32
      %dma_start3A_121 = arith.constant 0 : i32
      %dma_start3A_122 = tpu.memref_slice %arg9[%dma_start3A_120, %dma_start3A_121] : memref<512x32xf32, #tpu.memory_space<vmem>> -> memref<256x32xf32, #tpu.memory_space<vmem>>
      %dma_start3A_123 = arith.constant 0 : i32
      %dma_start3A_124 = tpu.memref_slice %arg6[%add3A_92, %dma_start3A_123] : memref<40x256xi32, #tpu.memory_space<vmem>> -> memref<1x256xi32, #tpu.memory_space<vmem>>
      %dma_start3A_125 = tpu.memref_squeeze %dma_start3A_124 : memref<1x256xi32, #tpu.memory_space<vmem>> -> memref<256xi32, #tpu.memory_space<vmem>>
      %dma_start3A_126 = arith.constant 0 : i32
      %dma_start3A_127 = arith.constant 0 : i32
      %dma_start3A_128 = tpu.memref_slice %arg10[%dma_start3A_126, %dma_start3A_127] : memref<10112x32xf32, #tpu.memory_space<vmem_shared>> -> memref<10112x32xf32, #tpu.memory_space<vmem_shared>>
      tpu.enqueue_indirect_dma source(%dma_start3A_128 : memref<10112x32xf32, #tpu.memory_space<vmem_shared>>) target(%dma_start3A_122 : memref<256x32xf32, #tpu.memory_space<vmem>>) offsets(%dma_start3A_125 : memref<256xi32, #tpu.memory_space<vmem>>) semaphore(%arg15 : memref<!tpu.dma_semaphore, #tpu.memory_space<semaphore_mem>>)
      %dma_wait3A_129 = arith.constant 256 : i32
      %dma_wait3A_130 = arith.constant 0 : i32
      %dma_wait3A_131 = tpu.memref_slice %arg8[%dma_wait3A_129, %dma_wait3A_130] : memref<512x32xf32, #tpu.memory_space<vmem>> -> memref<256x32xf32, #tpu.memory_space<vmem>>
      %dma_wait3A_132 = arith.constant 0 : i32
      %dma_wait3A_133 = tpu.memref_slice %arg6[%add3A_80, %dma_wait3A_132] : memref<40x256xi32, #tpu.memory_space<vmem>> -> memref<1x256xi32, #tpu.memory_space<vmem>>
      %dma_wait3A_134 = tpu.memref_squeeze %dma_wait3A_133 : memref<1x256xi32, #tpu.memory_space<vmem>> -> memref<256xi32, #tpu.memory_space<vmem>>
      %dma_wait3A_135 = arith.constant 0 : i32
      %dma_wait3A_136 = arith.constant 0 : i32
      %dma_wait3A_137 = tpu.memref_slice %arg10[%dma_wait3A_135, %dma_wait3A_136] : memref<10112x32xf32, #tpu.memory_space<vmem_shared>> -> memref<10112x32xf32, #tpu.memory_space<vmem_shared>>
      tpu.wait_indirect_dma semaphore(%arg13 : memref<!tpu.dma_semaphore, #tpu.memory_space<semaphore_mem>>) src(%dma_wait3A_137 : memref<10112x32xf32, #tpu.memory_space<vmem_shared>>) dst(%dma_wait3A_131 : memref<256x32xf32, #tpu.memory_space<vmem>>)
      %dma_start3A_138 = arith.constant 256 : i32
      %dma_start3A_139 = arith.constant 0 : i32
      %dma_start3A_140 = tpu.memref_slice %arg8[%dma_start3A_138, %dma_start3A_139] : memref<512x32xf32, #tpu.memory_space<vmem>> -> memref<256x32xf32, #tpu.memory_space<vmem>>
      %dma_start3A_141 = arith.constant 0 : i32
      %dma_start3A_142 = tpu.memref_slice %arg7[%add3A_80, %dma_start3A_141] : memref<40x256xi32, #tpu.memory_space<vmem>> -> memref<1x256xi32, #tpu.memory_space<vmem>>
      %dma_start3A_143 = tpu.memref_squeeze %dma_start3A_142 : memref<1x256xi32, #tpu.memory_space<vmem>> -> memref<256xi32, #tpu.memory_space<vmem>>
      %dma_start3A_144 = arith.constant 0 : i32
      %dma_start3A_145 = arith.constant 0 : i32
      %dma_start3A_146 = tpu.memref_slice %arg11[%dma_start3A_144, %dma_start3A_145] : memref<10112x32xf32, #tpu.memory_space<vmem_shared>> -> memref<10112x32xf32, #tpu.memory_space<vmem_shared>>
      tpu.enqueue_indirect_dma source(%dma_start3A_140 : memref<256x32xf32, #tpu.memory_space<vmem>>) target(%dma_start3A_146 : memref<10112x32xf32, #tpu.memory_space<vmem_shared>>) offsets(%dma_start3A_143 : memref<256xi32, #tpu.memory_space<vmem>>) semaphore(%arg13 : memref<!tpu.dma_semaphore, #tpu.memory_space<semaphore_mem>>) {add = true}
      %dma_wait3A_147 = arith.constant 0 : i32
      %dma_wait3A_148 = arith.constant 0 : i32
      %dma_wait3A_149 = tpu.memref_slice %arg9[%dma_wait3A_147, %dma_wait3A_148] : memref<512x32xf32, #tpu.memory_space<vmem>> -> memref<256x32xf32, #tpu.memory_space<vmem>>
      %dma_wait3A_150 = arith.constant 0 : i32
      %dma_wait3A_151 = tpu.memref_slice %arg6[%add3A_86, %dma_wait3A_150] : memref<40x256xi32, #tpu.memory_space<vmem>> -> memref<1x256xi32, #tpu.memory_space<vmem>>
      %dma_wait3A_152 = tpu.memref_squeeze %dma_wait3A_151 : memref<1x256xi32, #tpu.memory_space<vmem>> -> memref<256xi32, #tpu.memory_space<vmem>>
      %dma_wait3A_153 = arith.constant 0 : i32
      %dma_wait3A_154 = arith.constant 0 : i32
      %dma_wait3A_155 = tpu.memref_slice %arg10[%dma_wait3A_153, %dma_wait3A_154] : memref<10112x32xf32, #tpu.memory_space<vmem_shared>> -> memref<10112x32xf32, #tpu.memory_space<vmem_shared>>
      tpu.wait_indirect_dma semaphore(%arg14 : memref<!tpu.dma_semaphore, #tpu.memory_space<semaphore_mem>>) src(%dma_wait3A_155 : memref<10112x32xf32, #tpu.memory_space<vmem_shared>>) dst(%dma_wait3A_149 : memref<256x32xf32, #tpu.memory_space<vmem>>)
      %dma_start3A_156 = arith.constant 0 : i32
      %dma_start3A_157 = arith.constant 0 : i32
      %dma_start3A_158 = tpu.memref_slice %arg9[%dma_start3A_156, %dma_start3A_157] : memref<512x32xf32, #tpu.memory_space<vmem>> -> memref<256x32xf32, #tpu.memory_space<vmem>>
      %dma_start3A_159 = arith.constant 0 : i32
      %dma_start3A_160 = tpu.memref_slice %arg7[%add3A_86, %dma_start3A_159] : memref<40x256xi32, #tpu.memory_space<vmem>> -> memref<1x256xi32, #tpu.memory_space<vmem>>
      %dma_start3A_161 = tpu.memref_squeeze %dma_start3A_160 : memref<1x256xi32, #tpu.memory_space<vmem>> -> memref<256xi32, #tpu.memory_space<vmem>>
      %dma_start3A_162 = arith.constant 0 : i32
      %dma_start3A_163 = arith.constant 0 : i32
      %dma_start3A_164 = tpu.memref_slice %arg11[%dma_start3A_162, %dma_start3A_163] : memref<10112x32xf32, #tpu.memory_space<vmem_shared>> -> memref<10112x32xf32, #tpu.memory_space<vmem_shared>>
      tpu.enqueue_indirect_dma source(%dma_start3A_158 : memref<256x32xf32, #tpu.memory_space<vmem>>) target(%dma_start3A_164 : memref<10112x32xf32, #tpu.memory_space<vmem_shared>>) offsets(%dma_start3A_161 : memref<256xi32, #tpu.memory_space<vmem>>) semaphore(%arg14 : memref<!tpu.dma_semaphore, #tpu.memory_space<semaphore_mem>>) {add = true}
      %dma_wait3A_165 = arith.constant 256 : i32
      %dma_wait3A_166 = arith.constant 0 : i32
      %dma_wait3A_167 = tpu.memref_slice %arg9[%dma_wait3A_165, %dma_wait3A_166] : memref<512x32xf32, #tpu.memory_space<vmem>> -> memref<256x32xf32, #tpu.memory_space<vmem>>
      %dma_wait3A_168 = arith.constant 0 : i32
      %dma_wait3A_169 = tpu.memref_slice %arg6[%add3A_92, %dma_wait3A_168] : memref<40x256xi32, #tpu.memory_space<vmem>> -> memref<1x256xi32, #tpu.memory_space<vmem>>
      %dma_wait3A_170 = tpu.memref_squeeze %dma_wait3A_169 : memref<1x256xi32, #tpu.memory_space<vmem>> -> memref<256xi32, #tpu.memory_space<vmem>>
      %dma_wait3A_171 = arith.constant 0 : i32
      %dma_wait3A_172 = arith.constant 0 : i32
      %dma_wait3A_173 = tpu.memref_slice %arg10[%dma_wait3A_171, %dma_wait3A_172] : memref<10112x32xf32, #tpu.memory_space<vmem_shared>> -> memref<10112x32xf32, #tpu.memory_space<vmem_shared>>
      tpu.wait_indirect_dma semaphore(%arg15 : memref<!tpu.dma_semaphore, #tpu.memory_space<semaphore_mem>>) src(%dma_wait3A_173 : memref<10112x32xf32, #tpu.memory_space<vmem_shared>>) dst(%dma_wait3A_167 : memref<256x32xf32, #tpu.memory_space<vmem>>)
      %dma_start3A_174 = arith.constant 256 : i32
      %dma_start3A_175 = arith.constant 0 : i32
      %dma_start3A_176 = tpu.memref_slice %arg9[%dma_start3A_174, %dma_start3A_175] : memref<512x32xf32, #tpu.memory_space<vmem>> -> memref<256x32xf32, #tpu.memory_space<vmem>>
      %dma_start3A_177 = arith.constant 0 : i32
      %dma_start3A_178 = tpu.memref_slice %arg7[%add3A_92, %dma_start3A_177] : memref<40x256xi32, #tpu.memory_space<vmem>> -> memref<1x256xi32, #tpu.memory_space<vmem>>
      %dma_start3A_179 = tpu.memref_squeeze %dma_start3A_178 : memref<1x256xi32, #tpu.memory_space<vmem>> -> memref<256xi32, #tpu.memory_space<vmem>>
      %dma_start3A_180 = arith.constant 0 : i32
      %dma_start3A_181 = arith.constant 0 : i32
      %dma_start3A_182 = tpu.memref_slice %arg11[%dma_start3A_180, %dma_start3A_181] : memref<10112x32xf32, #tpu.memory_space<vmem_shared>> -> memref<10112x32xf32, #tpu.memory_space<vmem_shared>>
      tpu.enqueue_indirect_dma source(%dma_start3A_176 : memref<256x32xf32, #tpu.memory_space<vmem>>) target(%dma_start3A_182 : memref<10112x32xf32, #tpu.memory_space<vmem_shared>>) offsets(%dma_start3A_179 : memref<256xi32, #tpu.memory_space<vmem>>) semaphore(%arg15 : memref<!tpu.dma_semaphore, #tpu.memory_space<semaphore_mem>>) {add = true}
      %dma_wait3A_183 = arith.constant 0 : i32
      %dma_wait3A_184 = arith.constant 0 : i32
      %dma_wait3A_185 = tpu.memref_slice %arg8[%dma_wait3A_183, %dma_wait3A_184] : memref<512x32xf32, #tpu.memory_space<vmem>> -> memref<256x32xf32, #tpu.memory_space<vmem>>
      %dma_wait3A_186 = arith.constant 0 : i32
      %dma_wait3A_187 = tpu.memref_slice %arg6[%scan3A_75, %dma_wait3A_186] : memref<40x256xi32, #tpu.memory_space<vmem>> -> memref<1x256xi32, #tpu.memory_space<vmem>>
      %dma_wait3A_188 = tpu.memref_squeeze %dma_wait3A_187 : memref<1x256xi32, #tpu.memory_space<vmem>> -> memref<256xi32, #tpu.memory_space<vmem>>
      %dma_wait3A_189 = arith.constant 0 : i32
      %dma_wait3A_190 = arith.constant 0 : i32
      %dma_wait3A_191 = tpu.memref_slice %arg2[%dma_wait3A_189, %dma_wait3A_190] : memref<10112x32xf32, #tpu.memory_space<hbm>> -> memref<10112x32xf32, #tpu.memory_space<hbm>>
      tpu.wait_indirect_dma semaphore(%arg12 : memref<!tpu.dma_semaphore, #tpu.memory_space<semaphore_mem>>) src(%dma_wait3A_191 : memref<10112x32xf32, #tpu.memory_space<hbm>>) dst(%dma_wait3A_185 : memref<256x32xf32, #tpu.memory_space<vmem>>)
      %dma_start3A_192 = arith.constant 0 : i32
      %dma_start3A_193 = arith.constant 0 : i32
      %dma_start3A_194 = tpu.memref_slice %arg8[%dma_start3A_192, %dma_start3A_193] : memref<512x32xf32, #tpu.memory_space<vmem>> -> memref<256x32xf32, #tpu.memory_space<vmem>>
      %dma_start3A_195 = arith.constant 0 : i32
      %dma_start3A_196 = tpu.memref_slice %arg7[%scan3A_75, %dma_start3A_195] : memref<40x256xi32, #tpu.memory_space<vmem>> -> memref<1x256xi32, #tpu.memory_space<vmem>>
      %dma_start3A_197 = tpu.memref_squeeze %dma_start3A_196 : memref<1x256xi32, #tpu.memory_space<vmem>> -> memref<256xi32, #tpu.memory_space<vmem>>
      %dma_start3A_198 = arith.constant 0 : i32
      %dma_start3A_199 = arith.constant 0 : i32
      %dma_start3A_200 = tpu.memref_slice %arg11[%dma_start3A_198, %dma_start3A_199] : memref<10112x32xf32, #tpu.memory_space<vmem_shared>> -> memref<10112x32xf32, #tpu.memory_space<vmem_shared>>
      tpu.enqueue_indirect_dma source(%dma_start3A_194 : memref<256x32xf32, #tpu.memory_space<vmem>>) target(%dma_start3A_200 : memref<10112x32xf32, #tpu.memory_space<vmem_shared>>) offsets(%dma_start3A_197 : memref<256xi32, #tpu.memory_space<vmem>>) semaphore(%arg12 : memref<!tpu.dma_semaphore, #tpu.memory_space<semaphore_mem>>) {add = true}
      %dma_wait3A_201 = arith.constant 256 : i32
      %dma_wait3A_202 = arith.constant 0 : i32
      %dma_wait3A_203 = tpu.memref_slice %arg8[%dma_wait3A_201, %dma_wait3A_202] : memref<512x32xf32, #tpu.memory_space<vmem>> -> memref<256x32xf32, #tpu.memory_space<vmem>>
      %dma_wait3A_204 = arith.constant 0 : i32
      %dma_wait3A_205 = tpu.memref_slice %arg7[%add3A_80, %dma_wait3A_204] : memref<40x256xi32, #tpu.memory_space<vmem>> -> memref<1x256xi32, #tpu.memory_space<vmem>>
      %dma_wait3A_206 = tpu.memref_squeeze %dma_wait3A_205 : memref<1x256xi32, #tpu.memory_space<vmem>> -> memref<256xi32, #tpu.memory_space<vmem>>
      %dma_wait3A_207 = arith.constant 0 : i32
      %dma_wait3A_208 = arith.constant 0 : i32
      %dma_wait3A_209 = tpu.memref_slice %arg11[%dma_wait3A_207, %dma_wait3A_208] : memref<10112x32xf32, #tpu.memory_space<vmem_shared>> -> memref<10112x32xf32, #tpu.memory_space<vmem_shared>>
      tpu.wait_indirect_dma semaphore(%arg13 : memref<!tpu.dma_semaphore, #tpu.memory_space<semaphore_mem>>) src(%dma_wait3A_203 : memref<256x32xf32, #tpu.memory_space<vmem>>) dst(%dma_wait3A_209 : memref<10112x32xf32, #tpu.memory_space<vmem_shared>>)
      %dma_wait3A_210 = arith.constant 0 : i32
      %dma_wait3A_211 = arith.constant 0 : i32
      %dma_wait3A_212 = tpu.memref_slice %arg9[%dma_wait3A_210, %dma_wait3A_211] : memref<512x32xf32, #tpu.memory_space<vmem>> -> memref<256x32xf32, #tpu.memory_space<vmem>>
      %dma_wait3A_213 = arith.constant 0 : i32
      %dma_wait3A_214 = tpu.memref_slice %arg7[%add3A_86, %dma_wait3A_213] : memref<40x256xi32, #tpu.memory_space<vmem>> -> memref<1x256xi32, #tpu.memory_space<vmem>>
      %dma_wait3A_215 = tpu.memref_squeeze %dma_wait3A_214 : memref<1x256xi32, #tpu.memory_space<vmem>> -> memref<256xi32, #tpu.memory_space<vmem>>
      %dma_wait3A_216 = arith.constant 0 : i32
      %dma_wait3A_217 = arith.constant 0 : i32
      %dma_wait3A_218 = tpu.memref_slice %arg11[%dma_wait3A_216, %dma_wait3A_217] : memref<10112x32xf32, #tpu.memory_space<vmem_shared>> -> memref<10112x32xf32, #tpu.memory_space<vmem_shared>>
      tpu.wait_indirect_dma semaphore(%arg14 : memref<!tpu.dma_semaphore, #tpu.memory_space<semaphore_mem>>) src(%dma_wait3A_212 : memref<256x32xf32, #tpu.memory_space<vmem>>) dst(%dma_wait3A_218 : memref<10112x32xf32, #tpu.memory_space<vmem_shared>>)
      %dma_wait3A_219 = arith.constant 256 : i32
      %dma_wait3A_220 = arith.constant 0 : i32
      %dma_wait3A_221 = tpu.memref_slice %arg9[%dma_wait3A_219, %dma_wait3A_220] : memref<512x32xf32, #tpu.memory_space<vmem>> -> memref<256x32xf32, #tpu.memory_space<vmem>>
      %dma_wait3A_222 = arith.constant 0 : i32
      %dma_wait3A_223 = tpu.memref_slice %arg7[%add3A_92, %dma_wait3A_222] : memref<40x256xi32, #tpu.memory_space<vmem>> -> memref<1x256xi32, #tpu.memory_space<vmem>>
      %dma_wait3A_224 = tpu.memref_squeeze %dma_wait3A_223 : memref<1x256xi32, #tpu.memory_space<vmem>> -> memref<256xi32, #tpu.memory_space<vmem>>
      %dma_wait3A_225 = arith.constant 0 : i32
      %dma_wait3A_226 = arith.constant 0 : i32
      %dma_wait3A_227 = tpu.memref_slice %arg11[%dma_wait3A_225, %dma_wait3A_226] : memref<10112x32xf32, #tpu.memory_space<vmem_shared>> -> memref<10112x32xf32, #tpu.memory_space<vmem_shared>>
      tpu.wait_indirect_dma semaphore(%arg15 : memref<!tpu.dma_semaphore, #tpu.memory_space<semaphore_mem>>) src(%dma_wait3A_221 : memref<256x32xf32, #tpu.memory_space<vmem>>) dst(%dma_wait3A_227 : memref<10112x32xf32, #tpu.memory_space<vmem_shared>>)
      %dma_wait3A_228 = arith.constant 0 : i32
      %dma_wait3A_229 = arith.constant 0 : i32
      %dma_wait3A_230 = tpu.memref_slice %arg8[%dma_wait3A_228, %dma_wait3A_229] : memref<512x32xf32, #tpu.memory_space<vmem>> -> memref<256x32xf32, #tpu.memory_space<vmem>>
      %dma_wait3A_231 = arith.constant 0 : i32
      %dma_wait3A_232 = tpu.memref_slice %arg7[%scan3A_75, %dma_wait3A_231] : memref<40x256xi32, #tpu.memory_space<vmem>> -> memref<1x256xi32, #tpu.memory_space<vmem>>
      %dma_wait3A_233 = tpu.memref_squeeze %dma_wait3A_232 : memref<1x256xi32, #tpu.memory_space<vmem>> -> memref<256xi32, #tpu.memory_space<vmem>>
      %dma_wait3A_234 = arith.constant 0 : i32
      %dma_wait3A_235 = arith.constant 0 : i32
      %dma_wait3A_236 = tpu.memref_slice %arg11[%dma_wait3A_234, %dma_wait3A_235] : memref<10112x32xf32, #tpu.memory_space<vmem_shared>> -> memref<10112x32xf32, #tpu.memory_space<vmem_shared>>
      tpu.wait_indirect_dma semaphore(%arg12 : memref<!tpu.dma_semaphore, #tpu.memory_space<semaphore_mem>>) src(%dma_wait3A_230 : memref<256x32xf32, #tpu.memory_space<vmem>>) dst(%dma_wait3A_236 : memref<10112x32xf32, #tpu.memory_space<vmem_shared>>)
      %scan3A_237 = arith.constant 0 : i32
      scf.yield %scan3A_237 : i32
    }
    %scan3A_69 = arith.constant 10 : i32
    %barrier3A_70 = arith.constant 0 : index
    tpu.barrier barrier_id(%barrier3A_70)
    %mul3A_71 = arith.constant 632 : i32
    %mul3A_72 = arith.muli %arg1, %mul3A_71 : i32
    %mul3A_73 = arith.constant 632 : i32
    %mul3A_74 = arith.muli %arg1, %mul3A_73 : i32
    "tpu.region"() ({
      %run_scoped3A = tpu.sem_alloc : memref<!tpu.dma_semaphore, #tpu.memory_space<semaphore_mem>>
      %dma_start3A_75 = arith.constant 0 : i32
      %dma_start3A_76 = tpu.memref_slice %arg5[%arg0, %mul3A_74, %dma_start3A_75] : memref<2x10112x32xf32, #tpu.memory_space<hbm>> -> memref<1x632x32xf32, #tpu.memory_space<hbm>>
      %dma_start3A_77 = tpu.memref_squeeze %dma_start3A_76 : memref<1x632x32xf32, #tpu.memory_space<hbm>> -> memref<632x32xf32, #tpu.memory_space<hbm>>
      %dma_start3A_78 = arith.constant 0 : i32
      %dma_start3A_79 = tpu.memref_slice %arg11[%mul3A_72, %dma_start3A_78] : memref<10112x32xf32, #tpu.memory_space<vmem_shared>> -> memref<632x32xf32, #tpu.memory_space<vmem_shared>>
      tpu.enqueue_dma source(%dma_start3A_79 : memref<632x32xf32, #tpu.memory_space<vmem_shared>>) target(%dma_start3A_77 : memref<632x32xf32, #tpu.memory_space<hbm>>) target_semaphore(%run_scoped3A : memref<!tpu.dma_semaphore, #tpu.memory_space<semaphore_mem>>)
      %dma_wait3A_80 = arith.constant 0 : i32
      %dma_wait3A_81 = tpu.memref_slice %arg5[%arg0, %mul3A_74, %dma_wait3A_80] : memref<2x10112x32xf32, #tpu.memory_space<hbm>> -> memref<1x632x32xf32, #tpu.memory_space<hbm>>
      %dma_wait3A_82 = tpu.memref_squeeze %dma_wait3A_81 : memref<1x632x32xf32, #tpu.memory_space<hbm>> -> memref<632x32xf32, #tpu.memory_space<hbm>>
      %dma_wait3A_83 = arith.constant 0 : i32
      %dma_wait3A_84 = tpu.memref_slice %arg11[%mul3A_72, %dma_wait3A_83] : memref<10112x32xf32, #tpu.memory_space<vmem_shared>> -> memref<632x32xf32, #tpu.memory_space<vmem_shared>>
      tpu.wait_dma2 semaphore(%run_scoped3A : memref<!tpu.dma_semaphore, #tpu.memory_space<semaphore_mem>>) src(%dma_wait3A_84 : memref<632x32xf32, #tpu.memory_space<vmem_shared>>) dst(%dma_wait3A_82 : memref<632x32xf32, #tpu.memory_space<hbm>>)
      tpu.yield
    }) : () -> ()
    return
  }
}

#map = affine_map<(d0, d1) -> (0, 0)>
#map1 = affine_map<(d0, d1) -> (0, 0, 0)>
module attributes {stable_mosaic.version = 14 : i64} {
  func.func @_sc_edge_sum(%arg0: i32, %arg1: i32, %arg2: memref<10112x32xf32, #tpu.memory_space<hbm>>, %arg3: memref<32x40x256xi32, #tpu.memory_space<hbm>>, %arg4: memref<32x40x256xi32, #tpu.memory_space<hbm>>, %arg5: memref<2x10112x32xf32, #tpu.memory_space<hbm>>, %arg6: memref<40x256xi32, #tpu.memory_space<vmem>>, %arg7: memref<40x256xi32, #tpu.memory_space<vmem>>, %arg8: memref<512x32xf32, #tpu.memory_space<vmem>>, %arg9: memref<512x32xf32, #tpu.memory_space<vmem>>, %arg10: memref<10112x32xf32, #tpu.memory_space<vmem_shared>>, %arg11: memref<10112x32xf32, #tpu.memory_space<vmem_shared>>, %arg12: memref<!tpu.dma_semaphore, #tpu.memory_space<semaphore_mem>>, %arg13: memref<!tpu.dma_semaphore, #tpu.memory_space<semaphore_mem>>, %arg14: memref<!tpu.dma_semaphore, #tpu.memory_space<semaphore_mem>>, %arg15: memref<!tpu.dma_semaphore, #tpu.memory_space<semaphore_mem>>) attributes {dimension_semantics = [#tpu.dimension_semantics<core_parallel>, #tpu.dimension_semantics<subcore_parallel>], iteration_bounds = array<i64: 2, 16>, scalar_prefetch = 0 : i64, scratch_operands = 10 : i64, tpu.core_type = #tpu.core_type<sc_vector_subcore>, window_params = [{transform_indices = #map}, {transform_indices = #map1}, {transform_indices = #map1}, {transform_indices = #map1}]} {
    %mul3A = arith.constant 16 : i32
    %mul3A_0 = arith.muli %arg0, %mul3A : i32
    %add3A = arith.addi %mul3A_0, %arg1 : i32
    %dma_start3A = arith.constant 0 : i32
    %dma_start3A_1 = arith.constant 0 : i32
    %dma_start3A_2 = tpu.memref_slice %arg3[%add3A, %dma_start3A, %dma_start3A_1] : memref<32x40x256xi32, #tpu.memory_space<hbm>> -> memref<1x40x256xi32, #tpu.memory_space<hbm>>
    %dma_start3A_3 = tpu.memref_squeeze %dma_start3A_2 : memref<1x40x256xi32, #tpu.memory_space<hbm>> -> memref<40x256xi32, #tpu.memory_space<hbm>>
    %dma_start3A_4 = arith.constant 0 : i32
    %dma_start3A_5 = arith.constant 0 : i32
    %dma_start3A_6 = tpu.memref_slice %arg3[%add3A, %dma_start3A_4, %dma_start3A_5] : memref<32x40x256xi32, #tpu.memory_space<hbm>> -> memref<1x40x256xi32, #tpu.memory_space<hbm>>
    %dma_start3A_7 = tpu.memref_squeeze %dma_start3A_6 : memref<1x40x256xi32, #tpu.memory_space<hbm>> -> memref<40x256xi32, #tpu.memory_space<hbm>>
    tpu.enqueue_dma source(%dma_start3A_7 : memref<40x256xi32, #tpu.memory_space<hbm>>) target(%arg6 : memref<40x256xi32, #tpu.memory_space<vmem>>) target_semaphore(%arg12 : memref<!tpu.dma_semaphore, #tpu.memory_space<semaphore_mem>>)
    %dma_start3A_8 = arith.constant 0 : i32
    %dma_start3A_9 = arith.constant 0 : i32
    %dma_start3A_10 = tpu.memref_slice %arg4[%add3A, %dma_start3A_8, %dma_start3A_9] : memref<32x40x256xi32, #tpu.memory_space<hbm>> -> memref<1x40x256xi32, #tpu.memory_space<hbm>>
    %dma_start3A_11 = tpu.memref_squeeze %dma_start3A_10 : memref<1x40x256xi32, #tpu.memory_space<hbm>> -> memref<40x256xi32, #tpu.memory_space<hbm>>
    %dma_start3A_12 = arith.constant 0 : i32
    %dma_start3A_13 = arith.constant 0 : i32
    %dma_start3A_14 = tpu.memref_slice %arg4[%add3A, %dma_start3A_12, %dma_start3A_13] : memref<32x40x256xi32, #tpu.memory_space<hbm>> -> memref<1x40x256xi32, #tpu.memory_space<hbm>>
    %dma_start3A_15 = tpu.memref_squeeze %dma_start3A_14 : memref<1x40x256xi32, #tpu.memory_space<hbm>> -> memref<40x256xi32, #tpu.memory_space<hbm>>
    tpu.enqueue_dma source(%dma_start3A_15 : memref<40x256xi32, #tpu.memory_space<hbm>>) target(%arg7 : memref<40x256xi32, #tpu.memory_space<vmem>>) target_semaphore(%arg12 : memref<!tpu.dma_semaphore, #tpu.memory_space<semaphore_mem>>)
    %mul3A_16 = arith.constant 632 : i32
    %mul3A_17 = arith.muli %arg1, %mul3A_16 : i32
    %mul3A_18 = arith.constant 632 : i32
    %mul3A_19 = arith.muli %arg1, %mul3A_18 : i32
    %dma_start3A_20 = arith.constant 0 : i32
    %dma_start3A_21 = tpu.memref_slice %arg10[%mul3A_19, %dma_start3A_20] : memref<10112x32xf32, #tpu.memory_space<vmem_shared>> -> memref<632x32xf32, #tpu.memory_space<vmem_shared>>
    %dma_start3A_22 = arith.constant 0 : i32
    %dma_start3A_23 = tpu.memref_slice %arg2[%mul3A_17, %dma_start3A_22] : memref<10112x32xf32, #tpu.memory_space<hbm>> -> memref<632x32xf32, #tpu.memory_space<hbm>>
    tpu.enqueue_dma source(%dma_start3A_23 : memref<632x32xf32, #tpu.memory_space<hbm>>) target(%dma_start3A_21 : memref<632x32xf32, #tpu.memory_space<vmem_shared>>) target_semaphore(%arg13 : memref<!tpu.dma_semaphore, #tpu.memory_space<semaphore_mem>>)
    %broadcast_in_dim3A = arith.constant 0.000000e+00 : f32
    %broadcast_in_dim3A_24 = vector.broadcast %broadcast_in_dim3A : f32 to vector<16xf32>
    %scan3A = arith.constant 0 : i32
    %scan3A_25 = arith.constant 0 : i32
    %scan3A_26 = arith.constant 512 : i32
    %scan3A_27 = arith.addi %scan3A_25, %scan3A_26 : i32
    %scan3A_28 = arith.constant 1 : i32
    %scan3A_29 = scf.for %scan3A_75 = %scan3A_25 to %scan3A_27 step %scan3A_28 iter_args(%scan3A_76 = %scan3A) -> (i32)  : i32 {
      %swap3A = arith.index_cast %scan3A_75 : i32 to index
      %swap3A_77 = arith.constant 0 : index
      %swap3A_78 = tpu.vector_load %arg8[%swap3A, %swap3A_77] {strides = array<i32>} : memref<512x32xf32, #tpu.memory_space<vmem>>, vector<1x16xf32>,
      %swap3A_79 = vector.shape_cast %swap3A_78 : vector<1x16xf32> to vector<16xf32>
      %swap3A_80 = vector.shape_cast %broadcast_in_dim3A_24 : vector<16xf32> to vector<1x16xf32>
      tpu.vector_store %arg8[%swap3A, %swap3A_77], %swap3A_80 {strides = array<i32>} : memref<512x32xf32, #tpu.memory_space<vmem>>, vector<1x16xf32>,
      %swap3A_81 = arith.index_cast %scan3A_75 : i32 to index
      %swap3A_82 = arith.constant 16 : index
      %swap3A_83 = tpu.vector_load %arg8[%swap3A_81, %swap3A_82] {strides = array<i32>} : memref<512x32xf32, #tpu.memory_space<vmem>>, vector<1x16xf32>,
      %swap3A_84 = vector.shape_cast %swap3A_83 : vector<1x16xf32> to vector<16xf32>
      %swap3A_85 = vector.shape_cast %broadcast_in_dim3A_24 : vector<16xf32> to vector<1x16xf32>
      tpu.vector_store %arg8[%swap3A_81, %swap3A_82], %swap3A_85 {strides = array<i32>} : memref<512x32xf32, #tpu.memory_space<vmem>>, vector<1x16xf32>,
      %scan3A_86 = arith.constant 0 : i32
      scf.yield %scan3A_86 : i32
    }
    %scan3A_30 = arith.constant 512 : i32
    %scan3A_31 = arith.constant 0 : i32
    %scan3A_32 = arith.constant 0 : i32
    %scan3A_33 = arith.constant 120 : i32
    %scan3A_34 = arith.addi %scan3A_32, %scan3A_33 : i32
    %scan3A_35 = arith.constant 1 : i32
    %scan3A_36 = scf.for %scan3A_75 = %scan3A_32 to %scan3A_34 step %scan3A_35 iter_args(%scan3A_76 = %scan3A_31) -> (i32)  : i32 {
      %swap3A = arith.index_cast %scan3A_75 : i32 to index
      %swap3A_77 = arith.constant 0 : index
      %swap3A_78 = tpu.vector_load %arg9[%swap3A, %swap3A_77] {strides = array<i32>} : memref<512x32xf32, #tpu.memory_space<vmem>>, vector<1x16xf32>,
      %swap3A_79 = vector.shape_cast %swap3A_78 : vector<1x16xf32> to vector<16xf32>
      %swap3A_80 = vector.shape_cast %broadcast_in_dim3A_24 : vector<16xf32> to vector<1x16xf32>
      tpu.vector_store %arg9[%swap3A, %swap3A_77], %swap3A_80 {strides = array<i32>} : memref<512x32xf32, #tpu.memory_space<vmem>>, vector<1x16xf32>,
      %swap3A_81 = arith.index_cast %scan3A_75 : i32 to index
      %swap3A_82 = arith.constant 16 : index
      %swap3A_83 = tpu.vector_load %arg9[%swap3A_81, %swap3A_82] {strides = array<i32>} : memref<512x32xf32, #tpu.memory_space<vmem>>, vector<1x16xf32>,
      %swap3A_84 = vector.shape_cast %swap3A_83 : vector<1x16xf32> to vector<16xf32>
      %swap3A_85 = vector.shape_cast %broadcast_in_dim3A_24 : vector<16xf32> to vector<1x16xf32>
      tpu.vector_store %arg9[%swap3A_81, %swap3A_82], %swap3A_85 {strides = array<i32>} : memref<512x32xf32, #tpu.memory_space<vmem>>, vector<1x16xf32>,
      %scan3A_86 = arith.constant 0 : i32
      scf.yield %scan3A_86 : i32
    }
    %scan3A_37 = arith.constant 120 : i32
    %mul3A_38 = arith.constant 632 : i32
    %mul3A_39 = arith.muli %arg1, %mul3A_38 : i32
    "tpu.region"() ({
      %run_scoped3A = tpu.sem_alloc : memref<!tpu.dma_semaphore, #tpu.memory_space<semaphore_mem>>
      %dma_start3A_75 = arith.constant 0 : i32
      %dma_start3A_76 = tpu.memref_slice %arg11[%mul3A_39, %dma_start3A_75] : memref<10112x32xf32, #tpu.memory_space<vmem_shared>> -> memref<512x32xf32, #tpu.memory_space<vmem_shared>>
      %dma_start3A_77 = arith.constant 0 : i32
      %dma_start3A_78 = tpu.memref_slice %arg11[%mul3A_39, %dma_start3A_77] : memref<10112x32xf32, #tpu.memory_space<vmem_shared>> -> memref<512x32xf32, #tpu.memory_space<vmem_shared>>
      tpu.enqueue_dma source(%arg8 : memref<512x32xf32, #tpu.memory_space<vmem>>) target(%dma_start3A_78 : memref<512x32xf32, #tpu.memory_space<vmem_shared>>) target_semaphore(%run_scoped3A : memref<!tpu.dma_semaphore, #tpu.memory_space<semaphore_mem>>)
      %dma_wait3A_79 = arith.constant 0 : i32
      %dma_wait3A_80 = tpu.memref_slice %arg11[%mul3A_39, %dma_wait3A_79] : memref<10112x32xf32, #tpu.memory_space<vmem_shared>> -> memref<512x32xf32, #tpu.memory_space<vmem_shared>>
      %dma_wait3A_81 = arith.constant 0 : i32
      %dma_wait3A_82 = tpu.memref_slice %arg11[%mul3A_39, %dma_wait3A_81] : memref<10112x32xf32, #tpu.memory_space<vmem_shared>> -> memref<512x32xf32, #tpu.memory_space<vmem_shared>>
      tpu.wait_dma2 semaphore(%run_scoped3A : memref<!tpu.dma_semaphore, #tpu.memory_space<semaphore_mem>>) src(%arg8 : memref<512x32xf32, #tpu.memory_space<vmem>>) dst(%dma_wait3A_82 : memref<512x32xf32, #tpu.memory_space<vmem_shared>>)
      tpu.yield
    }) : () -> ()
    %mul3A_40 = arith.constant 632 : i32
    %mul3A_41 = arith.muli %arg1, %mul3A_40 : i32
    %add3A_42 = arith.constant 512 : i32
    %add3A_43 = arith.addi %mul3A_41, %add3A_42 : i32
    "tpu.region"() ({
      %run_scoped3A = tpu.sem_alloc : memref<!tpu.dma_semaphore, #tpu.memory_space<semaphore_mem>>
      %dma_start3A_75 = arith.constant 0 : i32
      %dma_start3A_76 = arith.constant 0 : i32
      %dma_start3A_77 = tpu.memref_slice %arg9[%dma_start3A_75, %dma_start3A_76] : memref<512x32xf32, #tpu.memory_space<vmem>> -> memref<120x32xf32, #tpu.memory_space<vmem>>
      %dma_start3A_78 = arith.constant 0 : i32
      %dma_start3A_79 = tpu.memref_slice %arg11[%add3A_43, %dma_start3A_78] : memref<10112x32xf32, #tpu.memory_space<vmem_shared>> -> memref<120x32xf32, #tpu.memory_space<vmem_shared>>
      %dma_start3A_80 = arith.constant 0 : i32
      %dma_start3A_81 = tpu.memref_slice %arg11[%add3A_43, %dma_start3A_80] : memref<10112x32xf32, #tpu.memory_space<vmem_shared>> -> memref<120x32xf32, #tpu.memory_space<vmem_shared>>
      %dma_start3A_82 = arith.constant 0 : i32
      %dma_start3A_83 = arith.constant 0 : i32
      %dma_start3A_84 = tpu.memref_slice %arg9[%dma_start3A_82, %dma_start3A_83] : memref<512x32xf32, #tpu.memory_space<vmem>> -> memref<120x32xf32, #tpu.memory_space<vmem>>
      tpu.enqueue_dma source(%dma_start3A_84 : memref<120x32xf32, #tpu.memory_space<vmem>>) target(%dma_start3A_81 : memref<120x32xf32, #tpu.memory_space<vmem_shared>>) target_semaphore(%run_scoped3A : memref<!tpu.dma_semaphore, #tpu.memory_space<semaphore_mem>>)
      %dma_wait3A_85 = arith.constant 0 : i32
      %dma_wait3A_86 = arith.constant 0 : i32
      %dma_wait3A_87 = tpu.memref_slice %arg9[%dma_wait3A_85, %dma_wait3A_86] : memref<512x32xf32, #tpu.memory_space<vmem>> -> memref<120x32xf32, #tpu.memory_space<vmem>>
      %dma_wait3A_88 = arith.constant 0 : i32
      %dma_wait3A_89 = tpu.memref_slice %arg11[%add3A_43, %dma_wait3A_88] : memref<10112x32xf32, #tpu.memory_space<vmem_shared>> -> memref<120x32xf32, #tpu.memory_space<vmem_shared>>
      %dma_wait3A_90 = arith.constant 0 : i32
      %dma_wait3A_91 = tpu.memref_slice %arg11[%add3A_43, %dma_wait3A_90] : memref<10112x32xf32, #tpu.memory_space<vmem_shared>> -> memref<120x32xf32, #tpu.memory_space<vmem_shared>>
      %dma_wait3A_92 = arith.constant 0 : i32
      %dma_wait3A_93 = arith.constant 0 : i32
      %dma_wait3A_94 = tpu.memref_slice %arg9[%dma_wait3A_92, %dma_wait3A_93] : memref<512x32xf32, #tpu.memory_space<vmem>> -> memref<120x32xf32, #tpu.memory_space<vmem>>
      tpu.wait_dma2 semaphore(%run_scoped3A : memref<!tpu.dma_semaphore, #tpu.memory_space<semaphore_mem>>) src(%dma_wait3A_94 : memref<120x32xf32, #tpu.memory_space<vmem>>) dst(%dma_wait3A_91 : memref<120x32xf32, #tpu.memory_space<vmem_shared>>)
      tpu.yield
    }) : () -> ()
    %dma_wait3A = arith.constant 0 : i32
    %dma_wait3A_44 = arith.constant 0 : i32
    %dma_wait3A_45 = tpu.memref_slice %arg3[%add3A, %dma_wait3A, %dma_wait3A_44] : memref<32x40x256xi32, #tpu.memory_space<hbm>> -> memref<1x40x256xi32, #tpu.memory_space<hbm>>
    %dma_wait3A_46 = tpu.memref_squeeze %dma_wait3A_45 : memref<1x40x256xi32, #tpu.memory_space<hbm>> -> memref<40x256xi32, #tpu.memory_space<hbm>>
    %dma_wait3A_47 = arith.constant 0 : i32
    %dma_wait3A_48 = arith.constant 0 : i32
    %dma_wait3A_49 = tpu.memref_slice %arg3[%add3A, %dma_wait3A_47, %dma_wait3A_48] : memref<32x40x256xi32, #tpu.memory_space<hbm>> -> memref<1x40x256xi32, #tpu.memory_space<hbm>>
    %dma_wait3A_50 = tpu.memref_squeeze %dma_wait3A_49 : memref<1x40x256xi32, #tpu.memory_space<hbm>> -> memref<40x256xi32, #tpu.memory_space<hbm>>
    tpu.wait_dma2 semaphore(%arg12 : memref<!tpu.dma_semaphore, #tpu.memory_space<semaphore_mem>>) src(%dma_wait3A_50 : memref<40x256xi32, #tpu.memory_space<hbm>>) dst(%arg6 : memref<40x256xi32, #tpu.memory_space<vmem>>)
    %dma_wait3A_51 = arith.constant 0 : i32
    %dma_wait3A_52 = arith.constant 0 : i32
    %dma_wait3A_53 = tpu.memref_slice %arg4[%add3A, %dma_wait3A_51, %dma_wait3A_52] : memref<32x40x256xi32, #tpu.memory_space<hbm>> -> memref<1x40x256xi32, #tpu.memory_space<hbm>>
    %dma_wait3A_54 = tpu.memref_squeeze %dma_wait3A_53 : memref<1x40x256xi32, #tpu.memory_space<hbm>> -> memref<40x256xi32, #tpu.memory_space<hbm>>
    %dma_wait3A_55 = arith.constant 0 : i32
    %dma_wait3A_56 = arith.constant 0 : i32
    %dma_wait3A_57 = tpu.memref_slice %arg4[%add3A, %dma_wait3A_55, %dma_wait3A_56] : memref<32x40x256xi32, #tpu.memory_space<hbm>> -> memref<1x40x256xi32, #tpu.memory_space<hbm>>
    %dma_wait3A_58 = tpu.memref_squeeze %dma_wait3A_57 : memref<1x40x256xi32, #tpu.memory_space<hbm>> -> memref<40x256xi32, #tpu.memory_space<hbm>>
    tpu.wait_dma2 semaphore(%arg12 : memref<!tpu.dma_semaphore, #tpu.memory_space<semaphore_mem>>) src(%dma_wait3A_58 : memref<40x256xi32, #tpu.memory_space<hbm>>) dst(%arg7 : memref<40x256xi32, #tpu.memory_space<vmem>>)
    %dma_wait3A_59 = arith.constant 0 : i32
    %dma_wait3A_60 = tpu.memref_slice %arg10[%mul3A_19, %dma_wait3A_59] : memref<10112x32xf32, #tpu.memory_space<vmem_shared>> -> memref<632x32xf32, #tpu.memory_space<vmem_shared>>
    %dma_wait3A_61 = arith.constant 0 : i32
    %dma_wait3A_62 = tpu.memref_slice %arg2[%mul3A_17, %dma_wait3A_61] : memref<10112x32xf32, #tpu.memory_space<hbm>> -> memref<632x32xf32, #tpu.memory_space<hbm>>
    tpu.wait_dma2 semaphore(%arg13 : memref<!tpu.dma_semaphore, #tpu.memory_space<semaphore_mem>>) src(%dma_wait3A_62 : memref<632x32xf32, #tpu.memory_space<hbm>>) dst(%dma_wait3A_60 : memref<632x32xf32, #tpu.memory_space<vmem_shared>>)
    %barrier3A = arith.constant 0 : index
    tpu.barrier barrier_id(%barrier3A)
    %scan3A_63 = arith.constant 0 : i32
    %scan3A_64 = arith.constant 0 : i32
    %scan3A_65 = arith.constant 10 : i32
    %scan3A_66 = arith.addi %scan3A_64, %scan3A_65 : i32
    %scan3A_67 = arith.constant 1 : i32
    %scan3A_68 = scf.for %scan3A_75 = %scan3A_64 to %scan3A_66 step %scan3A_67 iter_args(%scan3A_76 = %scan3A_63) -> (i32)  : i32 {
      %mul3A_77 = arith.constant 3 : i32
      %mul3A_78 = arith.muli %mul3A_77, %scan3A_75 : i32
      %add3A_79 = arith.constant 10 : i32
      %add3A_80 = arith.addi %add3A_79, %mul3A_78 : i32
      %mul3A_81 = arith.constant 3 : i32
      %mul3A_82 = arith.muli %mul3A_81, %scan3A_75 : i32
      %add3A_83 = arith.constant 10 : i32
      %add3A_84 = arith.addi %add3A_83, %mul3A_82 : i32
      %add3A_85 = arith.constant 1 : i32
      %add3A_86 = arith.addi %add3A_84, %add3A_85 : i32
      %mul3A_87 = arith.constant 3 : i32
      %mul3A_88 = arith.muli %mul3A_87, %scan3A_75 : i32
      %add3A_89 = arith.constant 10 : i32
      %add3A_90 = arith.addi %add3A_89, %mul3A_88 : i32
      %add3A_91 = arith.constant 2 : i32
      %add3A_92 = arith.addi %add3A_90, %add3A_91 : i32
      %dma_start3A_93 = arith.constant 0 : i32
      %dma_start3A_94 = arith.constant 0 : i32
      %dma_start3A_95 = tpu.memref_slice %arg8[%dma_start3A_93, %dma_start3A_94] : memref<512x32xf32, #tpu.memory_space<vmem>> -> memref<256x32xf32, #tpu.memory_space<vmem>>
      %dma_start3A_96 = arith.constant 0 : i32
      %dma_start3A_97 = tpu.memref_slice %arg6[%scan3A_75, %dma_start3A_96] : memref<40x256xi32, #tpu.memory_space<vmem>> -> memref<1x256xi32, #tpu.memory_space<vmem>>
      %dma_start3A_98 = tpu.memref_squeeze %dma_start3A_97 : memref<1x256xi32, #tpu.memory_space<vmem>> -> memref<256xi32, #tpu.memory_space<vmem>>
      %dma_start3A_99 = arith.constant 0 : i32
      %dma_start3A_100 = arith.constant 0 : i32
      %dma_start3A_101 = tpu.memref_slice %arg2[%dma_start3A_99, %dma_start3A_100] : memref<10112x32xf32, #tpu.memory_space<hbm>> -> memref<10112x32xf32, #tpu.memory_space<hbm>>
      tpu.enqueue_indirect_dma source(%dma_start3A_101 : memref<10112x32xf32, #tpu.memory_space<hbm>>) target(%dma_start3A_95 : memref<256x32xf32, #tpu.memory_space<vmem>>) offsets(%dma_start3A_98 : memref<256xi32, #tpu.memory_space<vmem>>) semaphore(%arg12 : memref<!tpu.dma_semaphore, #tpu.memory_space<semaphore_mem>>)
      %dma_start3A_102 = arith.constant 256 : i32
      %dma_start3A_103 = arith.constant 0 : i32
      %dma_start3A_104 = tpu.memref_slice %arg8[%dma_start3A_102, %dma_start3A_103] : memref<512x32xf32, #tpu.memory_space<vmem>> -> memref<256x32xf32, #tpu.memory_space<vmem>>
      %dma_start3A_105 = arith.constant 0 : i32
      %dma_start3A_106 = tpu.memref_slice %arg6[%add3A_80, %dma_start3A_105] : memref<40x256xi32, #tpu.memory_space<vmem>> -> memref<1x256xi32, #tpu.memory_space<vmem>>
      %dma_start3A_107 = tpu.memref_squeeze %dma_start3A_106 : memref<1x256xi32, #tpu.memory_space<vmem>> -> memref<256xi32, #tpu.memory_space<vmem>>
      %dma_start3A_108 = arith.constant 0 : i32
      %dma_start3A_109 = arith.constant 0 : i32
      %dma_start3A_110 = tpu.memref_slice %arg10[%dma_start3A_108, %dma_start3A_109] : memref<10112x32xf32, #tpu.memory_space<vmem_shared>> -> memref<10112x32xf32, #tpu.memory_space<vmem_shared>>
      tpu.enqueue_indirect_dma source(%dma_start3A_110 : memref<10112x32xf32, #tpu.memory_space<vmem_shared>>) target(%dma_start3A_104 : memref<256x32xf32, #tpu.memory_space<vmem>>) offsets(%dma_start3A_107 : memref<256xi32, #tpu.memory_space<vmem>>) semaphore(%arg13 : memref<!tpu.dma_semaphore, #tpu.memory_space<semaphore_mem>>)
      %dma_start3A_111 = arith.constant 0 : i32
      %dma_start3A_112 = arith.constant 0 : i32
      %dma_start3A_113 = tpu.memref_slice %arg9[%dma_start3A_111, %dma_start3A_112] : memref<512x32xf32, #tpu.memory_space<vmem>> -> memref<256x32xf32, #tpu.memory_space<vmem>>
      %dma_start3A_114 = arith.constant 0 : i32
      %dma_start3A_115 = tpu.memref_slice %arg6[%add3A_86, %dma_start3A_114] : memref<40x256xi32, #tpu.memory_space<vmem>> -> memref<1x256xi32, #tpu.memory_space<vmem>>
      %dma_start3A_116 = tpu.memref_squeeze %dma_start3A_115 : memref<1x256xi32, #tpu.memory_space<vmem>> -> memref<256xi32, #tpu.memory_space<vmem>>
      %dma_start3A_117 = arith.constant 0 : i32
      %dma_start3A_118 = arith.constant 0 : i32
      %dma_start3A_119 = tpu.memref_slice %arg10[%dma_start3A_117, %dma_start3A_118] : memref<10112x32xf32, #tpu.memory_space<vmem_shared>> -> memref<10112x32xf32, #tpu.memory_space<vmem_shared>>
      tpu.enqueue_indirect_dma source(%dma_start3A_119 : memref<10112x32xf32, #tpu.memory_space<vmem_shared>>) target(%dma_start3A_113 : memref<256x32xf32, #tpu.memory_space<vmem>>) offsets(%dma_start3A_116 : memref<256xi32, #tpu.memory_space<vmem>>) semaphore(%arg14 : memref<!tpu.dma_semaphore, #tpu.memory_space<semaphore_mem>>)
      %dma_start3A_120 = arith.constant 256 : i32
      %dma_start3A_121 = arith.constant 0 : i32
      %dma_start3A_122 = tpu.memref_slice %arg9[%dma_start3A_120, %dma_start3A_121] : memref<512x32xf32, #tpu.memory_space<vmem>> -> memref<256x32xf32, #tpu.memory_space<vmem>>
      %dma_start3A_123 = arith.constant 0 : i32
      %dma_start3A_124 = tpu.memref_slice %arg6[%add3A_92, %dma_start3A_123] : memref<40x256xi32, #tpu.memory_space<vmem>> -> memref<1x256xi32, #tpu.memory_space<vmem>>
      %dma_start3A_125 = tpu.memref_squeeze %dma_start3A_124 : memref<1x256xi32, #tpu.memory_space<vmem>> -> memref<256xi32, #tpu.memory_space<vmem>>
      %dma_start3A_126 = arith.constant 0 : i32
      %dma_start3A_127 = arith.constant 0 : i32
      %dma_start3A_128 = tpu.memref_slice %arg10[%dma_start3A_126, %dma_start3A_127] : memref<10112x32xf32, #tpu.memory_space<vmem_shared>> -> memref<10112x32xf32, #tpu.memory_space<vmem_shared>>
      tpu.enqueue_indirect_dma source(%dma_start3A_128 : memref<10112x32xf32, #tpu.memory_space<vmem_shared>>) target(%dma_start3A_122 : memref<256x32xf32, #tpu.memory_space<vmem>>) offsets(%dma_start3A_125 : memref<256xi32, #tpu.memory_space<vmem>>) semaphore(%arg15 : memref<!tpu.dma_semaphore, #tpu.memory_space<semaphore_mem>>)
      %dma_wait3A_129 = arith.constant 256 : i32
      %dma_wait3A_130 = arith.constant 0 : i32
      %dma_wait3A_131 = tpu.memref_slice %arg8[%dma_wait3A_129, %dma_wait3A_130] : memref<512x32xf32, #tpu.memory_space<vmem>> -> memref<256x32xf32, #tpu.memory_space<vmem>>
      %dma_wait3A_132 = arith.constant 0 : i32
      %dma_wait3A_133 = tpu.memref_slice %arg6[%add3A_80, %dma_wait3A_132] : memref<40x256xi32, #tpu.memory_space<vmem>> -> memref<1x256xi32, #tpu.memory_space<vmem>>
      %dma_wait3A_134 = tpu.memref_squeeze %dma_wait3A_133 : memref<1x256xi32, #tpu.memory_space<vmem>> -> memref<256xi32, #tpu.memory_space<vmem>>
      %dma_wait3A_135 = arith.constant 0 : i32
      %dma_wait3A_136 = arith.constant 0 : i32
      %dma_wait3A_137 = tpu.memref_slice %arg10[%dma_wait3A_135, %dma_wait3A_136] : memref<10112x32xf32, #tpu.memory_space<vmem_shared>> -> memref<10112x32xf32, #tpu.memory_space<vmem_shared>>
      tpu.wait_indirect_dma semaphore(%arg13 : memref<!tpu.dma_semaphore, #tpu.memory_space<semaphore_mem>>) src(%dma_wait3A_137 : memref<10112x32xf32, #tpu.memory_space<vmem_shared>>) dst(%dma_wait3A_131 : memref<256x32xf32, #tpu.memory_space<vmem>>)
      %dma_start3A_138 = arith.constant 256 : i32
      %dma_start3A_139 = arith.constant 0 : i32
      %dma_start3A_140 = tpu.memref_slice %arg8[%dma_start3A_138, %dma_start3A_139] : memref<512x32xf32, #tpu.memory_space<vmem>> -> memref<256x32xf32, #tpu.memory_space<vmem>>
      %dma_start3A_141 = arith.constant 0 : i32
      %dma_start3A_142 = tpu.memref_slice %arg7[%add3A_80, %dma_start3A_141] : memref<40x256xi32, #tpu.memory_space<vmem>> -> memref<1x256xi32, #tpu.memory_space<vmem>>
      %dma_start3A_143 = tpu.memref_squeeze %dma_start3A_142 : memref<1x256xi32, #tpu.memory_space<vmem>> -> memref<256xi32, #tpu.memory_space<vmem>>
      %dma_start3A_144 = arith.constant 0 : i32
      %dma_start3A_145 = arith.constant 0 : i32
      %dma_start3A_146 = tpu.memref_slice %arg11[%dma_start3A_144, %dma_start3A_145] : memref<10112x32xf32, #tpu.memory_space<vmem_shared>> -> memref<10112x32xf32, #tpu.memory_space<vmem_shared>>
      tpu.enqueue_indirect_dma source(%dma_start3A_140 : memref<256x32xf32, #tpu.memory_space<vmem>>) target(%dma_start3A_146 : memref<10112x32xf32, #tpu.memory_space<vmem_shared>>) offsets(%dma_start3A_143 : memref<256xi32, #tpu.memory_space<vmem>>) semaphore(%arg13 : memref<!tpu.dma_semaphore, #tpu.memory_space<semaphore_mem>>) {add = true}
      %dma_wait3A_147 = arith.constant 0 : i32
      %dma_wait3A_148 = arith.constant 0 : i32
      %dma_wait3A_149 = tpu.memref_slice %arg9[%dma_wait3A_147, %dma_wait3A_148] : memref<512x32xf32, #tpu.memory_space<vmem>> -> memref<256x32xf32, #tpu.memory_space<vmem>>
      %dma_wait3A_150 = arith.constant 0 : i32
      %dma_wait3A_151 = tpu.memref_slice %arg6[%add3A_86, %dma_wait3A_150] : memref<40x256xi32, #tpu.memory_space<vmem>> -> memref<1x256xi32, #tpu.memory_space<vmem>>
      %dma_wait3A_152 = tpu.memref_squeeze %dma_wait3A_151 : memref<1x256xi32, #tpu.memory_space<vmem>> -> memref<256xi32, #tpu.memory_space<vmem>>
      %dma_wait3A_153 = arith.constant 0 : i32
      %dma_wait3A_154 = arith.constant 0 : i32
      %dma_wait3A_155 = tpu.memref_slice %arg10[%dma_wait3A_153, %dma_wait3A_154] : memref<10112x32xf32, #tpu.memory_space<vmem_shared>> -> memref<10112x32xf32, #tpu.memory_space<vmem_shared>>
      tpu.wait_indirect_dma semaphore(%arg14 : memref<!tpu.dma_semaphore, #tpu.memory_space<semaphore_mem>>) src(%dma_wait3A_155 : memref<10112x32xf32, #tpu.memory_space<vmem_shared>>) dst(%dma_wait3A_149 : memref<256x32xf32, #tpu.memory_space<vmem>>)
      %dma_start3A_156 = arith.constant 0 : i32
      %dma_start3A_157 = arith.constant 0 : i32
      %dma_start3A_158 = tpu.memref_slice %arg9[%dma_start3A_156, %dma_start3A_157] : memref<512x32xf32, #tpu.memory_space<vmem>> -> memref<256x32xf32, #tpu.memory_space<vmem>>
      %dma_start3A_159 = arith.constant 0 : i32
      %dma_start3A_160 = tpu.memref_slice %arg7[%add3A_86, %dma_start3A_159] : memref<40x256xi32, #tpu.memory_space<vmem>> -> memref<1x256xi32, #tpu.memory_space<vmem>>
      %dma_start3A_161 = tpu.memref_squeeze %dma_start3A_160 : memref<1x256xi32, #tpu.memory_space<vmem>> -> memref<256xi32, #tpu.memory_space<vmem>>
      %dma_start3A_162 = arith.constant 0 : i32
      %dma_start3A_163 = arith.constant 0 : i32
      %dma_start3A_164 = tpu.memref_slice %arg11[%dma_start3A_162, %dma_start3A_163] : memref<10112x32xf32, #tpu.memory_space<vmem_shared>> -> memref<10112x32xf32, #tpu.memory_space<vmem_shared>>
      tpu.enqueue_indirect_dma source(%dma_start3A_158 : memref<256x32xf32, #tpu.memory_space<vmem>>) target(%dma_start3A_164 : memref<10112x32xf32, #tpu.memory_space<vmem_shared>>) offsets(%dma_start3A_161 : memref<256xi32, #tpu.memory_space<vmem>>) semaphore(%arg14 : memref<!tpu.dma_semaphore, #tpu.memory_space<semaphore_mem>>) {add = true}
      %dma_wait3A_165 = arith.constant 256 : i32
      %dma_wait3A_166 = arith.constant 0 : i32
      %dma_wait3A_167 = tpu.memref_slice %arg9[%dma_wait3A_165, %dma_wait3A_166] : memref<512x32xf32, #tpu.memory_space<vmem>> -> memref<256x32xf32, #tpu.memory_space<vmem>>
      %dma_wait3A_168 = arith.constant 0 : i32
      %dma_wait3A_169 = tpu.memref_slice %arg6[%add3A_92, %dma_wait3A_168] : memref<40x256xi32, #tpu.memory_space<vmem>> -> memref<1x256xi32, #tpu.memory_space<vmem>>
      %dma_wait3A_170 = tpu.memref_squeeze %dma_wait3A_169 : memref<1x256xi32, #tpu.memory_space<vmem>> -> memref<256xi32, #tpu.memory_space<vmem>>
      %dma_wait3A_171 = arith.constant 0 : i32
      %dma_wait3A_172 = arith.constant 0 : i32
      %dma_wait3A_173 = tpu.memref_slice %arg10[%dma_wait3A_171, %dma_wait3A_172] : memref<10112x32xf32, #tpu.memory_space<vmem_shared>> -> memref<10112x32xf32, #tpu.memory_space<vmem_shared>>
      tpu.wait_indirect_dma semaphore(%arg15 : memref<!tpu.dma_semaphore, #tpu.memory_space<semaphore_mem>>) src(%dma_wait3A_173 : memref<10112x32xf32, #tpu.memory_space<vmem_shared>>) dst(%dma_wait3A_167 : memref<256x32xf32, #tpu.memory_space<vmem>>)
      %dma_start3A_174 = arith.constant 256 : i32
      %dma_start3A_175 = arith.constant 0 : i32
      %dma_start3A_176 = tpu.memref_slice %arg9[%dma_start3A_174, %dma_start3A_175] : memref<512x32xf32, #tpu.memory_space<vmem>> -> memref<256x32xf32, #tpu.memory_space<vmem>>
      %dma_start3A_177 = arith.constant 0 : i32
      %dma_start3A_178 = tpu.memref_slice %arg7[%add3A_92, %dma_start3A_177] : memref<40x256xi32, #tpu.memory_space<vmem>> -> memref<1x256xi32, #tpu.memory_space<vmem>>
      %dma_start3A_179 = tpu.memref_squeeze %dma_start3A_178 : memref<1x256xi32, #tpu.memory_space<vmem>> -> memref<256xi32, #tpu.memory_space<vmem>>
      %dma_start3A_180 = arith.constant 0 : i32
      %dma_start3A_181 = arith.constant 0 : i32
      %dma_start3A_182 = tpu.memref_slice %arg11[%dma_start3A_180, %dma_start3A_181] : memref<10112x32xf32, #tpu.memory_space<vmem_shared>> -> memref<10112x32xf32, #tpu.memory_space<vmem_shared>>
      tpu.enqueue_indirect_dma source(%dma_start3A_176 : memref<256x32xf32, #tpu.memory_space<vmem>>) target(%dma_start3A_182 : memref<10112x32xf32, #tpu.memory_space<vmem_shared>>) offsets(%dma_start3A_179 : memref<256xi32, #tpu.memory_space<vmem>>) semaphore(%arg15 : memref<!tpu.dma_semaphore, #tpu.memory_space<semaphore_mem>>) {add = true}
      %dma_wait3A_183 = arith.constant 0 : i32
      %dma_wait3A_184 = arith.constant 0 : i32
      %dma_wait3A_185 = tpu.memref_slice %arg8[%dma_wait3A_183, %dma_wait3A_184] : memref<512x32xf32, #tpu.memory_space<vmem>> -> memref<256x32xf32, #tpu.memory_space<vmem>>
      %dma_wait3A_186 = arith.constant 0 : i32
      %dma_wait3A_187 = tpu.memref_slice %arg6[%scan3A_75, %dma_wait3A_186] : memref<40x256xi32, #tpu.memory_space<vmem>> -> memref<1x256xi32, #tpu.memory_space<vmem>>
      %dma_wait3A_188 = tpu.memref_squeeze %dma_wait3A_187 : memref<1x256xi32, #tpu.memory_space<vmem>> -> memref<256xi32, #tpu.memory_space<vmem>>
      %dma_wait3A_189 = arith.constant 0 : i32
      %dma_wait3A_190 = arith.constant 0 : i32
      %dma_wait3A_191 = tpu.memref_slice %arg2[%dma_wait3A_189, %dma_wait3A_190] : memref<10112x32xf32, #tpu.memory_space<hbm>> -> memref<10112x32xf32, #tpu.memory_space<hbm>>
      tpu.wait_indirect_dma semaphore(%arg12 : memref<!tpu.dma_semaphore, #tpu.memory_space<semaphore_mem>>) src(%dma_wait3A_191 : memref<10112x32xf32, #tpu.memory_space<hbm>>) dst(%dma_wait3A_185 : memref<256x32xf32, #tpu.memory_space<vmem>>)
      %dma_start3A_192 = arith.constant 0 : i32
      %dma_start3A_193 = arith.constant 0 : i32
      %dma_start3A_194 = tpu.memref_slice %arg8[%dma_start3A_192, %dma_start3A_193] : memref<512x32xf32, #tpu.memory_space<vmem>> -> memref<256x32xf32, #tpu.memory_space<vmem>>
      %dma_start3A_195 = arith.constant 0 : i32
      %dma_start3A_196 = tpu.memref_slice %arg7[%scan3A_75, %dma_start3A_195] : memref<40x256xi32, #tpu.memory_space<vmem>> -> memref<1x256xi32, #tpu.memory_space<vmem>>
      %dma_start3A_197 = tpu.memref_squeeze %dma_start3A_196 : memref<1x256xi32, #tpu.memory_space<vmem>> -> memref<256xi32, #tpu.memory_space<vmem>>
      %dma_start3A_198 = arith.constant 0 : i32
      %dma_start3A_199 = arith.constant 0 : i32
      %dma_start3A_200 = tpu.memref_slice %arg11[%dma_start3A_198, %dma_start3A_199] : memref<10112x32xf32, #tpu.memory_space<vmem_shared>> -> memref<10112x32xf32, #tpu.memory_space<vmem_shared>>
      tpu.enqueue_indirect_dma source(%dma_start3A_194 : memref<256x32xf32, #tpu.memory_space<vmem>>) target(%dma_start3A_200 : memref<10112x32xf32, #tpu.memory_space<vmem_shared>>) offsets(%dma_start3A_197 : memref<256xi32, #tpu.memory_space<vmem>>) semaphore(%arg12 : memref<!tpu.dma_semaphore, #tpu.memory_space<semaphore_mem>>) {add = true}
      %dma_wait3A_201 = arith.constant 256 : i32
      %dma_wait3A_202 = arith.constant 0 : i32
      %dma_wait3A_203 = tpu.memref_slice %arg8[%dma_wait3A_201, %dma_wait3A_202] : memref<512x32xf32, #tpu.memory_space<vmem>> -> memref<256x32xf32, #tpu.memory_space<vmem>>
      %dma_wait3A_204 = arith.constant 0 : i32
      %dma_wait3A_205 = tpu.memref_slice %arg7[%add3A_80, %dma_wait3A_204] : memref<40x256xi32, #tpu.memory_space<vmem>> -> memref<1x256xi32, #tpu.memory_space<vmem>>
      %dma_wait3A_206 = tpu.memref_squeeze %dma_wait3A_205 : memref<1x256xi32, #tpu.memory_space<vmem>> -> memref<256xi32, #tpu.memory_space<vmem>>
      %dma_wait3A_207 = arith.constant 0 : i32
      %dma_wait3A_208 = arith.constant 0 : i32
      %dma_wait3A_209 = tpu.memref_slice %arg11[%dma_wait3A_207, %dma_wait3A_208] : memref<10112x32xf32, #tpu.memory_space<vmem_shared>> -> memref<10112x32xf32, #tpu.memory_space<vmem_shared>>
      tpu.wait_indirect_dma semaphore(%arg13 : memref<!tpu.dma_semaphore, #tpu.memory_space<semaphore_mem>>) src(%dma_wait3A_203 : memref<256x32xf32, #tpu.memory_space<vmem>>) dst(%dma_wait3A_209 : memref<10112x32xf32, #tpu.memory_space<vmem_shared>>)
      %dma_wait3A_210 = arith.constant 0 : i32
      %dma_wait3A_211 = arith.constant 0 : i32
      %dma_wait3A_212 = tpu.memref_slice %arg9[%dma_wait3A_210, %dma_wait3A_211] : memref<512x32xf32, #tpu.memory_space<vmem>> -> memref<256x32xf32, #tpu.memory_space<vmem>>
      %dma_wait3A_213 = arith.constant 0 : i32
      %dma_wait3A_214 = tpu.memref_slice %arg7[%add3A_86, %dma_wait3A_213] : memref<40x256xi32, #tpu.memory_space<vmem>> -> memref<1x256xi32, #tpu.memory_space<vmem>>
      %dma_wait3A_215 = tpu.memref_squeeze %dma_wait3A_214 : memref<1x256xi32, #tpu.memory_space<vmem>> -> memref<256xi32, #tpu.memory_space<vmem>>
      %dma_wait3A_216 = arith.constant 0 : i32
      %dma_wait3A_217 = arith.constant 0 : i32
      %dma_wait3A_218 = tpu.memref_slice %arg11[%dma_wait3A_216, %dma_wait3A_217] : memref<10112x32xf32, #tpu.memory_space<vmem_shared>> -> memref<10112x32xf32, #tpu.memory_space<vmem_shared>>
      tpu.wait_indirect_dma semaphore(%arg14 : memref<!tpu.dma_semaphore, #tpu.memory_space<semaphore_mem>>) src(%dma_wait3A_212 : memref<256x32xf32, #tpu.memory_space<vmem>>) dst(%dma_wait3A_218 : memref<10112x32xf32, #tpu.memory_space<vmem_shared>>)
      %dma_wait3A_219 = arith.constant 256 : i32
      %dma_wait3A_220 = arith.constant 0 : i32
      %dma_wait3A_221 = tpu.memref_slice %arg9[%dma_wait3A_219, %dma_wait3A_220] : memref<512x32xf32, #tpu.memory_space<vmem>> -> memref<256x32xf32, #tpu.memory_space<vmem>>
      %dma_wait3A_222 = arith.constant 0 : i32
      %dma_wait3A_223 = tpu.memref_slice %arg7[%add3A_92, %dma_wait3A_222] : memref<40x256xi32, #tpu.memory_space<vmem>> -> memref<1x256xi32, #tpu.memory_space<vmem>>
      %dma_wait3A_224 = tpu.memref_squeeze %dma_wait3A_223 : memref<1x256xi32, #tpu.memory_space<vmem>> -> memref<256xi32, #tpu.memory_space<vmem>>
      %dma_wait3A_225 = arith.constant 0 : i32
      %dma_wait3A_226 = arith.constant 0 : i32
      %dma_wait3A_227 = tpu.memref_slice %arg11[%dma_wait3A_225, %dma_wait3A_226] : memref<10112x32xf32, #tpu.memory_space<vmem_shared>> -> memref<10112x32xf32, #tpu.memory_space<vmem_shared>>
      tpu.wait_indirect_dma semaphore(%arg15 : memref<!tpu.dma_semaphore, #tpu.memory_space<semaphore_mem>>) src(%dma_wait3A_221 : memref<256x32xf32, #tpu.memory_space<vmem>>) dst(%dma_wait3A_227 : memref<10112x32xf32, #tpu.memory_space<vmem_shared>>)
      %dma_wait3A_228 = arith.constant 0 : i32
      %dma_wait3A_229 = arith.constant 0 : i32
      %dma_wait3A_230 = tpu.memref_slice %arg8[%dma_wait3A_228, %dma_wait3A_229] : memref<512x32xf32, #tpu.memory_space<vmem>> -> memref<256x32xf32, #tpu.memory_space<vmem>>
      %dma_wait3A_231 = arith.constant 0 : i32
      %dma_wait3A_232 = tpu.memref_slice %arg7[%scan3A_75, %dma_wait3A_231] : memref<40x256xi32, #tpu.memory_space<vmem>> -> memref<1x256xi32, #tpu.memory_space<vmem>>
      %dma_wait3A_233 = tpu.memref_squeeze %dma_wait3A_232 : memref<1x256xi32, #tpu.memory_space<vmem>> -> memref<256xi32, #tpu.memory_space<vmem>>
      %dma_wait3A_234 = arith.constant 0 : i32
      %dma_wait3A_235 = arith.constant 0 : i32
      %dma_wait3A_236 = tpu.memref_slice %arg11[%dma_wait3A_234, %dma_wait3A_235] : memref<10112x32xf32, #tpu.memory_space<vmem_shared>> -> memref<10112x32xf32, #tpu.memory_space<vmem_shared>>
      tpu.wait_indirect_dma semaphore(%arg12 : memref<!tpu.dma_semaphore, #tpu.memory_space<semaphore_mem>>) src(%dma_wait3A_230 : memref<256x32xf32, #tpu.memory_space<vmem>>) dst(%dma_wait3A_236 : memref<10112x32xf32, #tpu.memory_space<vmem_shared>>)
      %scan3A_237 = arith.constant 0 : i32
      scf.yield %scan3A_237 : i32
    }
    %scan3A_69 = arith.constant 10 : i32
    %barrier3A_70 = arith.constant 0 : index
    tpu.barrier barrier_id(%barrier3A_70)
    %mul3A_71 = arith.constant 632 : i32
    %mul3A_72 = arith.muli %arg1, %mul3A_71 : i32
    %mul3A_73 = arith.constant 632 : i32
    %mul3A_74 = arith.muli %arg1, %mul3A_73 : i32
    "tpu.region"() ({
      %run_scoped3A = tpu.sem_alloc : memref<!tpu.dma_semaphore, #tpu.memory_space<semaphore_mem>>
      %dma_start3A_75 = arith.constant 0 : i32
      %dma_start3A_76 = tpu.memref_slice %arg5[%arg0, %mul3A_74, %dma_start3A_75] : memref<2x10112x32xf32, #tpu.memory_space<hbm>> -> memref<1x632x32xf32, #tpu.memory_space<hbm>>
      %dma_start3A_77 = tpu.memref_squeeze %dma_start3A_76 : memref<1x632x32xf32, #tpu.memory_space<hbm>> -> memref<632x32xf32, #tpu.memory_space<hbm>>
      %dma_start3A_78 = arith.constant 0 : i32
      %dma_start3A_79 = tpu.memref_slice %arg11[%mul3A_72, %dma_start3A_78] : memref<10112x32xf32, #tpu.memory_space<vmem_shared>> -> memref<632x32xf32, #tpu.memory_space<vmem_shared>>
      tpu.enqueue_dma source(%dma_start3A_79 : memref<632x32xf32, #tpu.memory_space<vmem_shared>>) target(%dma_start3A_77 : memref<632x32xf32, #tpu.memory_space<hbm>>) target_semaphore(%run_scoped3A : memref<!tpu.dma_semaphore, #tpu.memory_space<semaphore_mem>>)
      %dma_wait3A_80 = arith.constant 0 : i32
      %dma_wait3A_81 = tpu.memref_slice %arg5[%arg0, %mul3A_74, %dma_wait3A_80] : memref<2x10112x32xf32, #tpu.memory_space<hbm>> -> memref<1x632x32xf32, #tpu.memory_space<hbm>>
      %dma_wait3A_82 = tpu.memref_squeeze %dma_wait3A_81 : memref<1x632x32xf32, #tpu.memory_space<hbm>> -> memref<632x32xf32, #tpu.memory_space<hbm>>
      %dma_wait3A_83 = arith.constant 0 : i32
      %dma_wait3A_84 = tpu.memref_slice %arg11[%mul3A_72, %dma_wait3A_83] : memref<10112x32xf32, #tpu.memory_space<vmem_shared>> -> memref<632x32xf32, #tpu.memory_space<vmem_shared>>
      tpu.wait_dma2 semaphore(%run_scoped3A : memref<!tpu.dma_semaphore, #tpu.memory_space<semaphore_mem>>) src(%dma_wait3A_84 : memref<632x32xf32, #tpu.memory_space<vmem_shared>>) dst(%dma_wait3A_82 : memref<632x32xf32, #tpu.memory_space<hbm>>)
      tpu.yield
    }) : () -> ()
    return
  }
}

module attributes {stable_mosaic.version = 14 : i64} {
  func.func @_tc_pre_body(%arg0: memref<10112x128xf32, #tpu.memory_space<vmem>>, %arg1: memref<10112x16xf32, #tpu.memory_space<vmem>>, %arg2: memref<10112x16xf32, #tpu.memory_space<vmem>>, %arg3: memref<128x32xf32, #tpu.memory_space<vmem>>, %arg4: memref<1x32xf32, #tpu.memory_space<vmem>>, %arg5: memref<32x32xf32, #tpu.memory_space<vmem>>, %arg6: memref<1x32xf32, #tpu.memory_space<vmem>>, %arg7: memref<32x32xf32, #tpu.memory_space<vmem>>, %arg8: memref<1x32xf32, #tpu.memory_space<vmem>>, %arg9: memref<32x32xf32, #tpu.memory_space<vmem>>, %arg10: memref<10112x32xf32, #tpu.memory_space<vmem>>, %arg11: memref<10112x32xf32, #tpu.memory_space<vmem>>, %arg12: memref<10112x8xf32, #tpu.memory_space<vmem>>) attributes {dimension_semantics = [], scalar_prefetch = 0 : i64, scratch_operands = 0 : i64, tpu.core_type = #tpu.core_type<tc>} {
    %get3A = arith.constant 0 : index
    %get3A_0 = arith.constant 0 : index
    %get3A_1 = vector.load %arg1[%get3A, %get3A_0] : memref<10112x16xf32, #tpu.memory_space<vmem>>, vector<10112x1xf32>
    %get3A_2 = arith.constant 0 : index
    %get3A_3 = arith.constant 0 : index
    %get3A_4 = vector.load %arg2[%get3A_2, %get3A_3] : memref<10112x16xf32, #tpu.memory_space<vmem>>, vector<10112x1xf32>
    %add3A = arith.addf %get3A_1, %get3A_4 : vector<10112x1xf32>
    %add3A_5 = arith.constant 1.000000e+00 : f32
    %add3A_6 = vector.broadcast %add3A_5 : f32 to vector<10112x1xf32>
    %add3A_7 = arith.addf %add3A, %add3A_6 : vector<10112x1xf32>
    %rsqrt3A = math.rsqrt %add3A_7 : vector<10112x1xf32>
    %get3A_8 = arith.constant 0 : index
    %get3A_9 = arith.constant 0 : index
    %get3A_10 = vector.load %arg0[%get3A_8, %get3A_9] : memref<10112x128xf32, #tpu.memory_space<vmem>>, vector<10112x128xf32>
    %get3A_11 = arith.constant 0 : index
    %get3A_12 = arith.constant 0 : index
    %get3A_13 = vector.load %arg3[%get3A_11, %get3A_12] : memref<128x32xf32, #tpu.memory_space<vmem>>, vector<128x32xf32>
    %dot_general3A = arith.constant dense<0.000000e+00> : vector<10112x32xf32>
    %dot_general3A_14 = tpu.matmul %get3A_10, %get3A_13, %dot_general3A {dimension_numbers = #tpu.dot_dimension_numbers<[1], [0], [0], [1], [0, 0, 1, 1], [], []>, transpose_lhs_hint = false} : vector<10112x128xf32>, vector<128x32xf32>, vector<10112x32xf32> -> vector<10112x32xf32>
    %get3A_15 = arith.constant 0 : index
    %get3A_16 = arith.constant 0 : index
    %get3A_17 = vector.load %arg4[%get3A_15, %get3A_16] : memref<1x32xf32, #tpu.memory_space<vmem>>, vector<1x32xf32>
    %add3A_18 = vector.broadcast %get3A_17 : vector<1x32xf32> to vector<10112x32xf32>
    %add3A_19 = arith.addf %dot_general3A_14, %add3A_18 : vector<10112x32xf32>
    %max3A = arith.constant 0.000000e+00 : f32
    %max3A_20 = vector.broadcast %max3A : f32 to vector<10112x32xf32>
    %max3A_21 = arith.maximumf %add3A_19, %max3A_20 : vector<10112x32xf32>
    %get3A_22 = arith.constant 0 : index
    %get3A_23 = arith.constant 0 : index
    %get3A_24 = vector.load %arg5[%get3A_22, %get3A_23] : memref<32x32xf32, #tpu.memory_space<vmem>>, vector<32x32xf32>
    %dot_general3A_25 = arith.constant dense<0.000000e+00> : vector<10112x32xf32>
    %dot_general3A_26 = tpu.matmul %max3A_21, %get3A_24, %dot_general3A_25 {dimension_numbers = #tpu.dot_dimension_numbers<[1], [0], [0], [1], [0, 0, 1, 1], [], []>, transpose_lhs_hint = false} : vector<10112x32xf32>, vector<32x32xf32>, vector<10112x32xf32> -> vector<10112x32xf32>
    %get3A_27 = arith.constant 0 : index
    %get3A_28 = arith.constant 0 : index
    %get3A_29 = vector.load %arg6[%get3A_27, %get3A_28] : memref<1x32xf32, #tpu.memory_space<vmem>>, vector<1x32xf32>
    %add3A_30 = vector.broadcast %get3A_29 : vector<1x32xf32> to vector<10112x32xf32>
    %add3A_31 = arith.addf %dot_general3A_26, %add3A_30 : vector<10112x32xf32>
    %max3A_32 = arith.constant 0.000000e+00 : f32
    %max3A_33 = vector.broadcast %max3A_32 : f32 to vector<10112x32xf32>
    %max3A_34 = arith.maximumf %add3A_31, %max3A_33 : vector<10112x32xf32>
    %swap3A = arith.constant 0 : index
    %swap3A_35 = arith.constant 0 : index
    %swap3A_36 = vector.load %arg10[%swap3A, %swap3A_35] : memref<10112x32xf32, #tpu.memory_space<vmem>>, vector<10112x32xf32>
    tpu.vector_store %arg10[%swap3A, %swap3A_35], %max3A_34 {strides = array<i32>} : memref<10112x32xf32, #tpu.memory_space<vmem>>, vector<10112x32xf32>,
    %get3A_37 = arith.constant 0 : index
    %get3A_38 = arith.constant 0 : index
    %get3A_39 = vector.load %arg7[%get3A_37, %get3A_38] : memref<32x32xf32, #tpu.memory_space<vmem>>, vector<32x32xf32>
    %dot_general3A_40 = arith.constant dense<0.000000e+00> : vector<10112x32xf32>
    %dot_general3A_41 = tpu.matmul %max3A_21, %get3A_39, %dot_general3A_40 {dimension_numbers = #tpu.dot_dimension_numbers<[1], [0], [0], [1], [0, 0, 1, 1], [], []>, transpose_lhs_hint = false} : vector<10112x32xf32>, vector<32x32xf32>, vector<10112x32xf32> -> vector<10112x32xf32>
    %get3A_42 = arith.constant 0 : index
    %get3A_43 = arith.constant 0 : index
    %get3A_44 = vector.load %arg8[%get3A_42, %get3A_43] : memref<1x32xf32, #tpu.memory_space<vmem>>, vector<1x32xf32>
    %add3A_45 = vector.broadcast %get3A_44 : vector<1x32xf32> to vector<10112x32xf32>
    %add3A_46 = arith.addf %dot_general3A_41, %add3A_45 : vector<10112x32xf32>
    %max3A_47 = arith.constant 0.000000e+00 : f32
    %max3A_48 = vector.broadcast %max3A_47 : f32 to vector<10112x32xf32>
    %max3A_49 = arith.maximumf %add3A_46, %max3A_48 : vector<10112x32xf32>
    %get3A_50 = arith.constant 0 : index
    %get3A_51 = arith.constant 0 : index
    %get3A_52 = vector.load %arg9[%get3A_50, %get3A_51] : memref<32x32xf32, #tpu.memory_space<vmem>>, vector<32x32xf32>
    %dot_general3A_53 = arith.constant dense<0.000000e+00> : vector<10112x32xf32>
    %dot_general3A_54 = tpu.matmul %max3A_49, %get3A_52, %dot_general3A_53 {dimension_numbers = #tpu.dot_dimension_numbers<[1], [0], [0], [1], [0, 0, 1, 1], [], []>, transpose_lhs_hint = false} : vector<10112x32xf32>, vector<32x32xf32>, vector<10112x32xf32> -> vector<10112x32xf32>
    %mul3A = vector.broadcast %rsqrt3A : vector<10112x1xf32> to vector<10112x32xf32>
    %mul3A_55 = arith.mulf %dot_general3A_54, %mul3A : vector<10112x32xf32>
    %swap3A_56 = arith.constant 0 : index
    %swap3A_57 = arith.constant 0 : index
    %swap3A_58 = vector.load %arg11[%swap3A_56, %swap3A_57] : memref<10112x32xf32, #tpu.memory_space<vmem>>, vector<10112x32xf32>
    tpu.vector_store %arg11[%swap3A_56, %swap3A_57], %mul3A_55 {strides = array<i32>} : memref<10112x32xf32, #tpu.memory_space<vmem>>, vector<10112x32xf32>,
    %broadcast_in_dim3A = vector.shape_cast %rsqrt3A : vector<10112x1xf32> to vector<10112x1xf32>
    %broadcast_in_dim3A_59 = vector.broadcast %broadcast_in_dim3A : vector<10112x1xf32> to vector<10112x8xf32>
    %swap3A_60 = arith.constant 0 : index
    %swap3A_61 = arith.constant 0 : index
    %swap3A_62 = vector.load %arg12[%swap3A_60, %swap3A_61] : memref<10112x8xf32, #tpu.memory_space<vmem>>, vector<10112x8xf32>
    tpu.vector_store %arg12[%swap3A_60, %swap3A_61], %broadcast_in_dim3A_59 {strides = array<i32>} : memref<10112x8xf32, #tpu.memory_space<vmem>>, vector<10112x8xf32>,
    return
  }
}

module attributes {stable_mosaic.version = 14 : i64} {
  func.func @_tc_mid_body(%arg0: memref<2x10112x32xf32, #tpu.memory_space<vmem>>, %arg1: memref<10112x32xf32, #tpu.memory_space<vmem>>, %arg2: memref<10112x8xf32, #tpu.memory_space<vmem>>, %arg3: memref<10112x32xf32, #tpu.memory_space<vmem>>, %arg4: memref<1x32xf32, #tpu.memory_space<vmem>>, %arg5: memref<32x32xf32, #tpu.memory_space<vmem>>, %arg6: memref<32x32xf32, #tpu.memory_space<vmem>>, %arg7: memref<1x32xf32, #tpu.memory_space<vmem>>, %arg8: memref<32x32xf32, #tpu.memory_space<vmem>>, %arg9: memref<10112x32xf32, #tpu.memory_space<vmem>>) attributes {dimension_semantics = [], scalar_prefetch = 0 : i64, scratch_operands = 0 : i64, tpu.core_type = #tpu.core_type<tc>} {
    %get3A = arith.constant 0 : index
    %get3A_0 = arith.constant 0 : index
    %get3A_1 = vector.load %arg2[%get3A, %get3A_0] : memref<10112x8xf32, #tpu.memory_space<vmem>>, vector<10112x1xf32>
    %get3A_2 = arith.constant 0 : index
    %get3A_3 = arith.constant 0 : index
    %get3A_4 = arith.constant 0 : index
    %get3A_5 = vector.load %arg0[%get3A_2, %get3A_3, %get3A_4] : memref<2x10112x32xf32, #tpu.memory_space<vmem>>, vector<1x10112x32xf32>
    %get3A_6 = vector.shape_cast %get3A_5 : vector<1x10112x32xf32> to vector<10112x32xf32>
    %get3A_7 = arith.constant 1 : index
    %get3A_8 = arith.constant 0 : index
    %get3A_9 = arith.constant 0 : index
    %get3A_10 = vector.load %arg0[%get3A_7, %get3A_8, %get3A_9] : memref<2x10112x32xf32, #tpu.memory_space<vmem>>, vector<1x10112x32xf32>
    %get3A_11 = vector.shape_cast %get3A_10 : vector<1x10112x32xf32> to vector<10112x32xf32>
    %add3A = arith.addf %get3A_6, %get3A_11 : vector<10112x32xf32>
    %get3A_12 = arith.constant 0 : index
    %get3A_13 = arith.constant 0 : index
    %get3A_14 = vector.load %arg1[%get3A_12, %get3A_13] : memref<10112x32xf32, #tpu.memory_space<vmem>>, vector<10112x32xf32>
    %add3A_15 = arith.addf %add3A, %get3A_14 : vector<10112x32xf32>
    %mul3A = vector.broadcast %get3A_1 : vector<10112x1xf32> to vector<10112x32xf32>
    %mul3A_16 = arith.mulf %add3A_15, %mul3A : vector<10112x32xf32>
    %get3A_17 = arith.constant 0 : index
    %get3A_18 = arith.constant 0 : index
    %get3A_19 = vector.load %arg4[%get3A_17, %get3A_18] : memref<1x32xf32, #tpu.memory_space<vmem>>, vector<1x32xf32>
    %add3A_20 = vector.broadcast %get3A_19 : vector<1x32xf32> to vector<10112x32xf32>
    %add3A_21 = arith.addf %mul3A_16, %add3A_20 : vector<10112x32xf32>
    %max3A = arith.constant 0.000000e+00 : f32
    %max3A_22 = vector.broadcast %max3A : f32 to vector<10112x32xf32>
    %max3A_23 = arith.maximumf %add3A_21, %max3A_22 : vector<10112x32xf32>
    %get3A_24 = arith.constant 0 : index
    %get3A_25 = arith.constant 0 : index
    %get3A_26 = vector.load %arg3[%get3A_24, %get3A_25] : memref<10112x32xf32, #tpu.memory_space<vmem>>, vector<10112x32xf32>
    %get3A_27 = arith.constant 0 : index
    %get3A_28 = arith.constant 0 : index
    %get3A_29 = vector.load %arg5[%get3A_27, %get3A_28] : memref<32x32xf32, #tpu.memory_space<vmem>>, vector<32x32xf32>
    %dot_general3A = arith.constant dense<0.000000e+00> : vector<10112x32xf32>
    %dot_general3A_30 = tpu.matmul %get3A_26, %get3A_29, %dot_general3A {dimension_numbers = #tpu.dot_dimension_numbers<[1], [0], [0], [1], [0, 0, 1, 1], [], []>, transpose_lhs_hint = false} : vector<10112x32xf32>, vector<32x32xf32>, vector<10112x32xf32> -> vector<10112x32xf32>
    %get3A_31 = arith.constant 0 : index
    %get3A_32 = arith.constant 0 : index
    %get3A_33 = vector.load %arg6[%get3A_31, %get3A_32] : memref<32x32xf32, #tpu.memory_space<vmem>>, vector<32x32xf32>
    %dot_general3A_34 = arith.constant dense<0.000000e+00> : vector<10112x32xf32>
    %dot_general3A_35 = tpu.matmul %max3A_23, %get3A_33, %dot_general3A_34 {dimension_numbers = #tpu.dot_dimension_numbers<[1], [0], [0], [1], [0, 0, 1, 1], [], []>, transpose_lhs_hint = false} : vector<10112x32xf32>, vector<32x32xf32>, vector<10112x32xf32> -> vector<10112x32xf32>
    %add3A_36 = arith.addf %dot_general3A_30, %dot_general3A_35 : vector<10112x32xf32>
    %get3A_37 = arith.constant 0 : index
    %get3A_38 = arith.constant 0 : index
    %get3A_39 = vector.load %arg7[%get3A_37, %get3A_38] : memref<1x32xf32, #tpu.memory_space<vmem>>, vector<1x32xf32>
    %add3A_40 = vector.broadcast %get3A_39 : vector<1x32xf32> to vector<10112x32xf32>
    %add3A_41 = arith.addf %add3A_36, %add3A_40 : vector<10112x32xf32>
    %max3A_42 = arith.constant 0.000000e+00 : f32
    %max3A_43 = vector.broadcast %max3A_42 : f32 to vector<10112x32xf32>
    %max3A_44 = arith.maximumf %add3A_41, %max3A_43 : vector<10112x32xf32>
    %get3A_45 = arith.constant 0 : index
    %get3A_46 = arith.constant 0 : index
    %get3A_47 = vector.load %arg8[%get3A_45, %get3A_46] : memref<32x32xf32, #tpu.memory_space<vmem>>, vector<32x32xf32>
    %dot_general3A_48 = arith.constant dense<0.000000e+00> : vector<10112x32xf32>
    %dot_general3A_49 = tpu.matmul %max3A_44, %get3A_47, %dot_general3A_48 {dimension_numbers = #tpu.dot_dimension_numbers<[1], [0], [0], [1], [0, 0, 1, 1], [], []>, transpose_lhs_hint = false} : vector<10112x32xf32>, vector<32x32xf32>, vector<10112x32xf32> -> vector<10112x32xf32>
    %mul3A_50 = vector.broadcast %get3A_1 : vector<10112x1xf32> to vector<10112x32xf32>
    %mul3A_51 = arith.mulf %dot_general3A_49, %mul3A_50 : vector<10112x32xf32>
    %swap3A = arith.constant 0 : index
    %swap3A_52 = arith.constant 0 : index
    %swap3A_53 = vector.load %arg9[%swap3A, %swap3A_52] : memref<10112x32xf32, #tpu.memory_space<vmem>>, vector<10112x32xf32>
    tpu.vector_store %arg9[%swap3A, %swap3A_52], %mul3A_51 {strides = array<i32>} : memref<10112x32xf32, #tpu.memory_space<vmem>>, vector<10112x32xf32>,
    return
  }
}

module attributes {stable_mosaic.version = 14 : i64} {
  func.func @_tc_fin_body(%arg0: memref<2x10112x32xf32, #tpu.memory_space<vmem>>, %arg1: memref<10112x32xf32, #tpu.memory_space<vmem>>, %arg2: memref<10112x8xf32, #tpu.memory_space<vmem>>, %arg3: memref<10112x32xf32, #tpu.memory_space<vmem>>, %arg4: memref<1x32xf32, #tpu.memory_space<vmem>>, %arg5: memref<32x32xf32, #tpu.memory_space<vmem>>, %arg6: memref<32x32xf32, #tpu.memory_space<vmem>>, %arg7: memref<1x32xf32, #tpu.memory_space<vmem>>, %arg8: memref<32x32xf32, #tpu.memory_space<vmem>>, %arg9: memref<32x32xf32, #tpu.memory_space<vmem>>, %arg10: memref<1x32xf32, #tpu.memory_space<vmem>>, %arg11: memref<32x2xf32, #tpu.memory_space<vmem>>, %arg12: memref<1x2xf32, #tpu.memory_space<vmem>>, %arg13: memref<10112x2xf32, #tpu.memory_space<vmem>>) attributes {dimension_semantics = [], scalar_prefetch = 0 : i64, scratch_operands = 0 : i64, tpu.core_type = #tpu.core_type<tc>} {
    %get3A = arith.constant 0 : index
    %get3A_0 = arith.constant 0 : index
    %get3A_1 = vector.load %arg2[%get3A, %get3A_0] : memref<10112x8xf32, #tpu.memory_space<vmem>>, vector<10112x1xf32>
    %get3A_2 = arith.constant 0 : index
    %get3A_3 = arith.constant 0 : index
    %get3A_4 = arith.constant 0 : index
    %get3A_5 = vector.load %arg0[%get3A_2, %get3A_3, %get3A_4] : memref<2x10112x32xf32, #tpu.memory_space<vmem>>, vector<1x10112x32xf32>
    %get3A_6 = vector.shape_cast %get3A_5 : vector<1x10112x32xf32> to vector<10112x32xf32>
    %get3A_7 = arith.constant 1 : index
    %get3A_8 = arith.constant 0 : index
    %get3A_9 = arith.constant 0 : index
    %get3A_10 = vector.load %arg0[%get3A_7, %get3A_8, %get3A_9] : memref<2x10112x32xf32, #tpu.memory_space<vmem>>, vector<1x10112x32xf32>
    %get3A_11 = vector.shape_cast %get3A_10 : vector<1x10112x32xf32> to vector<10112x32xf32>
    %add3A = arith.addf %get3A_6, %get3A_11 : vector<10112x32xf32>
    %get3A_12 = arith.constant 0 : index
    %get3A_13 = arith.constant 0 : index
    %get3A_14 = vector.load %arg1[%get3A_12, %get3A_13] : memref<10112x32xf32, #tpu.memory_space<vmem>>, vector<10112x32xf32>
    %add3A_15 = arith.addf %add3A, %get3A_14 : vector<10112x32xf32>
    %mul3A = vector.broadcast %get3A_1 : vector<10112x1xf32> to vector<10112x32xf32>
    %mul3A_16 = arith.mulf %add3A_15, %mul3A : vector<10112x32xf32>
    %get3A_17 = arith.constant 0 : index
    %get3A_18 = arith.constant 0 : index
    %get3A_19 = vector.load %arg4[%get3A_17, %get3A_18] : memref<1x32xf32, #tpu.memory_space<vmem>>, vector<1x32xf32>
    %add3A_20 = vector.broadcast %get3A_19 : vector<1x32xf32> to vector<10112x32xf32>
    %add3A_21 = arith.addf %mul3A_16, %add3A_20 : vector<10112x32xf32>
    %max3A = arith.constant 0.000000e+00 : f32
    %max3A_22 = vector.broadcast %max3A : f32 to vector<10112x32xf32>
    %max3A_23 = arith.maximumf %add3A_21, %max3A_22 : vector<10112x32xf32>
    %get3A_24 = arith.constant 0 : index
    %get3A_25 = arith.constant 0 : index
    %get3A_26 = vector.load %arg3[%get3A_24, %get3A_25] : memref<10112x32xf32, #tpu.memory_space<vmem>>, vector<10112x32xf32>
    %get3A_27 = arith.constant 0 : index
    %get3A_28 = arith.constant 0 : index
    %get3A_29 = vector.load %arg5[%get3A_27, %get3A_28] : memref<32x32xf32, #tpu.memory_space<vmem>>, vector<32x32xf32>
    %dot_general3A = arith.constant dense<0.000000e+00> : vector<10112x32xf32>
    %dot_general3A_30 = tpu.matmul %get3A_26, %get3A_29, %dot_general3A {dimension_numbers = #tpu.dot_dimension_numbers<[1], [0], [0], [1], [0, 0, 1, 1], [], []>, transpose_lhs_hint = false} : vector<10112x32xf32>, vector<32x32xf32>, vector<10112x32xf32> -> vector<10112x32xf32>
    %get3A_31 = arith.constant 0 : index
    %get3A_32 = arith.constant 0 : index
    %get3A_33 = vector.load %arg6[%get3A_31, %get3A_32] : memref<32x32xf32, #tpu.memory_space<vmem>>, vector<32x32xf32>
    %dot_general3A_34 = arith.constant dense<0.000000e+00> : vector<10112x32xf32>
    %dot_general3A_35 = tpu.matmul %max3A_23, %get3A_33, %dot_general3A_34 {dimension_numbers = #tpu.dot_dimension_numbers<[1], [0], [0], [1], [0, 0, 1, 1], [], []>, transpose_lhs_hint = false} : vector<10112x32xf32>, vector<32x32xf32>, vector<10112x32xf32> -> vector<10112x32xf32>
    %add3A_36 = arith.addf %dot_general3A_30, %dot_general3A_35 : vector<10112x32xf32>
    %get3A_37 = arith.constant 0 : index
    %get3A_38 = arith.constant 0 : index
    %get3A_39 = vector.load %arg7[%get3A_37, %get3A_38] : memref<1x32xf32, #tpu.memory_space<vmem>>, vector<1x32xf32>
    %add3A_40 = vector.broadcast %get3A_39 : vector<1x32xf32> to vector<10112x32xf32>
    %add3A_41 = arith.addf %add3A_36, %add3A_40 : vector<10112x32xf32>
    %max3A_42 = arith.constant 0.000000e+00 : f32
    %max3A_43 = vector.broadcast %max3A_42 : f32 to vector<10112x32xf32>
    %max3A_44 = arith.maximumf %add3A_41, %max3A_43 : vector<10112x32xf32>
    %get3A_45 = arith.constant 0 : index
    %get3A_46 = arith.constant 0 : index
    %get3A_47 = vector.load %arg3[%get3A_45, %get3A_46] : memref<10112x32xf32, #tpu.memory_space<vmem>>, vector<10112x32xf32>
    %get3A_48 = arith.constant 0 : index
    %get3A_49 = arith.constant 0 : index
    %get3A_50 = vector.load %arg8[%get3A_48, %get3A_49] : memref<32x32xf32, #tpu.memory_space<vmem>>, vector<32x32xf32>
    %dot_general3A_51 = arith.constant dense<0.000000e+00> : vector<10112x32xf32>
    %dot_general3A_52 = tpu.matmul %get3A_47, %get3A_50, %dot_general3A_51 {dimension_numbers = #tpu.dot_dimension_numbers<[1], [0], [0], [1], [0, 0, 1, 1], [], []>, transpose_lhs_hint = false} : vector<10112x32xf32>, vector<32x32xf32>, vector<10112x32xf32> -> vector<10112x32xf32>
    %get3A_53 = arith.constant 0 : index
    %get3A_54 = arith.constant 0 : index
    %get3A_55 = vector.load %arg9[%get3A_53, %get3A_54] : memref<32x32xf32, #tpu.memory_space<vmem>>, vector<32x32xf32>
    %dot_general3A_56 = arith.constant dense<0.000000e+00> : vector<10112x32xf32>
    %dot_general3A_57 = tpu.matmul %max3A_44, %get3A_55, %dot_general3A_56 {dimension_numbers = #tpu.dot_dimension_numbers<[1], [0], [0], [1], [0, 0, 1, 1], [], []>, transpose_lhs_hint = false} : vector<10112x32xf32>, vector<32x32xf32>, vector<10112x32xf32> -> vector<10112x32xf32>
    %add3A_58 = arith.addf %dot_general3A_52, %dot_general3A_57 : vector<10112x32xf32>
    %get3A_59 = arith.constant 0 : index
    %get3A_60 = arith.constant 0 : index
    %get3A_61 = vector.load %arg10[%get3A_59, %get3A_60] : memref<1x32xf32, #tpu.memory_space<vmem>>, vector<1x32xf32>
    %add3A_62 = vector.broadcast %get3A_61 : vector<1x32xf32> to vector<10112x32xf32>
    %add3A_63 = arith.addf %add3A_58, %add3A_62 : vector<10112x32xf32>
    %max3A_64 = arith.constant 0.000000e+00 : f32
    %max3A_65 = vector.broadcast %max3A_64 : f32 to vector<10112x32xf32>
    %max3A_66 = arith.maximumf %add3A_63, %max3A_65 : vector<10112x32xf32>
    %get3A_67 = arith.constant 0 : index
    %get3A_68 = arith.constant 0 : index
    %get3A_69 = vector.load %arg11[%get3A_67, %get3A_68] : memref<32x2xf32, #tpu.memory_space<vmem>>, vector<32x2xf32>
    %dot_general3A_70 = arith.constant dense<0.000000e+00> : vector<10112x2xf32>
    %dot_general3A_71 = tpu.matmul %max3A_66, %get3A_69, %dot_general3A_70 {dimension_numbers = #tpu.dot_dimension_numbers<[1], [0], [0], [1], [0, 0, 1, 1], [], []>, transpose_lhs_hint = false} : vector<10112x32xf32>, vector<32x2xf32>, vector<10112x2xf32> -> vector<10112x2xf32>
    %get3A_72 = arith.constant 0 : index
    %get3A_73 = arith.constant 0 : index
    %get3A_74 = vector.load %arg12[%get3A_72, %get3A_73] : memref<1x2xf32, #tpu.memory_space<vmem>>, vector<1x2xf32>
    %add3A_75 = vector.broadcast %get3A_74 : vector<1x2xf32> to vector<10112x2xf32>
    %add3A_76 = arith.addf %dot_general3A_71, %add3A_75 : vector<10112x2xf32>
    %reduce_max3A = arith.constant dense<0xFF800000> : vector<10112xf32>
    %reduce_max3A_77 = vector.multi_reduction <maximumf>, %add3A_76, %reduce_max3A [1] : vector<10112x2xf32> to vector<10112xf32>
    %broadcast_in_dim3A = vector.shape_cast %reduce_max3A_77 : vector<10112xf32> to vector<10112x1xf32>
    %sub3A = vector.broadcast %broadcast_in_dim3A : vector<10112x1xf32> to vector<10112x2xf32>
    %sub3A_78 = arith.subf %add3A_76, %sub3A : vector<10112x2xf32>
    %exp3A = math.exp %sub3A_78 : vector<10112x2xf32>
    %reduce_sum3A = arith.constant dense<0.000000e+00> : vector<10112xf32>
    %reduce_sum3A_79 = vector.multi_reduction <add>, %exp3A, %reduce_sum3A [1] : vector<10112x2xf32> to vector<10112xf32>
    %broadcast_in_dim3A_80 = vector.shape_cast %reduce_sum3A_79 : vector<10112xf32> to vector<10112x1xf32>
    %div3A = vector.broadcast %broadcast_in_dim3A_80 : vector<10112x1xf32> to vector<10112x2xf32>
    %div3A_81 = arith.divf %exp3A, %div3A : vector<10112x2xf32>
    %swap3A = arith.constant 0 : index
    %swap3A_82 = arith.constant 0 : index
    %swap3A_83 = vector.load %arg13[%swap3A, %swap3A_82] : memref<10112x2xf32, #tpu.memory_space<vmem>>, vector<10112x2xf32>
    tpu.vector_store %arg13[%swap3A, %swap3A_82], %div3A_81 {strides = array<i32>} : memref<10112x2xf32, #tpu.memory_space<vmem>>, vector<10112x2xf32>,
    return
  }
}

</mosaic_0001>

<sc_bundles>
// kernel: kernel.16.cloned.1.call-start
scs
__scs_entry_jumppad:
0x0: {  	(pc) =	sbr.rel $0x88, $3  }
0x1: {  	(tag) =	ssettag $0x0;
	lr =	simm.s32 $0x1  }
0x2: {  	[smem:$0x3F91] =	sst lr;
	_ =	strace $0xD0000000  }
0x3: {  	_ = 	snop  }
0x4: {  	_ = 	snop  }
0x5: {  	_ = 	snop  }
0x6: {  	_ = 	snop  }
0x7: {  	_ = 	snop  }
__scs_overlays_trampoline_lowered:
0x8: {  	[smem:$0x3FA0] =	sst s0  }
0x9: {  	[smem:$0x3FA1] =	sst s1  }
0xa: {  	[smem:$0x3FA2] =	sst s2  }
0xb: {  	[smem:$0x3FA3] =	sst s3  }
0xc: {  	[smem:$0x3FA4] =	sst s4  }
0xd: {  	[smem:$0x3FA5] =	sst s5  }
0xe: {  	[smem:$0x3FA6] =	sst s6  }
0xf: {  	[smem:$0x3FA7] =	sst s7  }
0x10: {  	[smem:$0x3FA8] =	sst s8  }
0x11: {  	[smem:$0x3FA9] =	sst s9;
	s0 =	simm.s32 @!p0 $0x0  }
0x12: {  	s1 =	sld [smem:$0x3F8F];
	s0 =	simm.s32 @p0 $0x1  }
0x13: {  	[smem:$0x3FAA] =	sst s0;
	s0 =	simm.s32 @!p1 $0x0  }
0x14: {  	s2 =	sld [smem:$0x3F8E];
	s0 =	simm.s32 @p1 $0x1  }
0x15: {  	[smem:$0x3FAB] =	sst s0;
	s0 =	simm.s32 @!p2 $0x0  }
0x16: {  	s3 =	sld [smem:$0x3FDB];
	s0 =	simm.s32 @p2 $0x1  }
0x17: {  	s4 =	simm.s32 $0x1BF5;
	[smem:$0x3FAD] =	sst s0  }
0x18: {  	s0 =	sld [smem:$0x3F90];
	_ =	swait.ge [sflag:s4], $0x0  }
0x19: {  	s7 =	sld [smem:$0x3F91]  }
0x1a: {  	s8 =	sadd.s32 $0xFFFFE003, lr  }
0x1b: {  	s9 =	sadd.s32 $0xFFFFFEF7, lr;
	s5 =	simm.s32 $0xFFFFFFFF;
	p2 =	slt.u32 s8, $0xFFFFF086  }
0x1c: {  	p1 =	slt.u32 s9, $0xF7A;
	s5 =	simm.s32 @!p2 $0x0  }
0x1d: {  	s5 =	simm.s32 @p1 $0x1;
	p0 =	seq.s32 s7, s2  }
0x1e: {  	s7 =	smul.u32 @!p0 $0xF7A, s2;
	p2 =	seq.s32 @!p0 s5, $0x0  }
0x1f: {  	s9 =	smul.u32 $0xF7A, s1;
	s8 =	simm.s32 @!p0 $0x1BF5;
	p2 =	por !p2, p0  }
0x20: {  	[sflag:s8] =	ssyncset.s32 @!p0 $0xFFFFF086;
	s6 =	sadd.s32 @!p0 s3, s7;
	s7 =	simm.s32 @!p0 $0x108  }
0x21: {  	s3 =	sadd.s32 s3, s9;
	s6 =	sadd.s32 @!p0 $0x88, s6;
	s7 =	simm.s32 @p2 $0x1082  }
0x22: {  	[simem:s7], [sflag:s8] =	dma.local @!p0 [hbm:s6], $0xF7A  }
0x23: {  	s9 =	sor.u32 $0xD0000000, s2;
	s6 =	simm.s32 $0x108;
	_ =	swait.ge @!p0 [sflag:s8], $0x0  }
0x24: {  	s3 =	sadd.s32 $0x88, s3;
	s6 =	simm.s32 @!p1 $0x1082;
	[sflag:s4] =	ssyncset.s32 $0xFFFFF086  }
0x25: {  	[simem:s6], [sflag:s4] =	dma.local [hbm:s3], $0xF7A  }
0x26: {  	[smem:$0x3F91] =	sst s1;
	(tag) =	ssettag s2;
	_ =	strace s9  }
0x27: {  	s1 =	sld [smem:$0x3FA1]  }
0x28: {  	s2 =	sld [smem:$0x3FA2]  }
0x29: {  	s4 =	sld [smem:$0x3FA4]  }
0x2a: {  	p0 =	seq.s32 s5, $0x0;
	s5 =	sld [smem:$0x3FA5]  }
0x2b: {  	s6 =	sld [smem:$0x3FA6]  }
0x2c: {  	s7 =	sld [smem:$0x3FA7]  }
0x2d: {  	s3 =	simm.s32 $0x108;
	s8 =	sld [smem:$0x3FA8]  }
0x2e: {  	s3 =	simm.s32 @!p0 $0x1082;
	s9 =	sld [smem:$0x3FA9]  }
0x2f: {  	lr =	sadd.s32 s0, s3;
	s0 =	sld [smem:$0x3FA0]  }
0x30: {  	s3 =	sld [smem:$0x3FA3]  }
0x31: {  	[smem:$0x3FAC] =	sst s10  }
0x32: {  	s10 =	sld [smem:$0x3FAA];
	_ =	sdelay $0x3  }
0x33: {  	p0 =	seq.s32 s10, $0x1;
	s10 =	sld [smem:$0x3FAC];
	_ =	sdelay $0x3  }
0x34: {  	[smem:$0x3FAC] =	sst s10  }
0x35: {  	s10 =	sld [smem:$0x3FAB];
	_ =	sdelay $0x3  }
0x36: {  	p1 =	seq.s32 s10, $0x1;
	s10 =	sld [smem:$0x3FAC];
	_ =	sdelay $0x3  }
0x37: {  	[smem:$0x3FAC] =	sst s10  }
0x38: {  	s10 =	sld [smem:$0x3FAD]  }
0x39: {  	_ = 	snop;
	(pc) =	sbr.ind lr, $3  }
0x3a: {  	_ = 	snop  }
0x3b: {  	_ = 	snop  }
0x3c: {  	p2 =	seq.s32 s10, $0x1;
	s10 =	sld [smem:$0x3FAC]  }
0x3d: {  	_ =	shalt  }
0x3e: {  	_ =	shalt  }
0x3f: {  	_ =	shalt  }
0x40: {  	_ =	shalt  }
0x41: {  	_ =	shalt  }
0x42: {  	_ =	shalt  }
0x43: {  	_ =	shalt  }
0x44: {  	_ =	shalt  }
0x45: {  	_ =	shalt  }
0x46: {  	_ =	shalt  }
0x47: {  	_ =	shalt  }
0x48: {  	_ =	shalt  }
0x49: {  	_ =	shalt  }
0x4a: {  	_ =	shalt  }
0x4b: {  	_ =	shalt  }
0x4c: {  	_ =	shalt  }
0x4d: {  	_ =	shalt  }
0x4e: {  	_ =	shalt  }
0x4f: {  	_ =	shalt  }
0x50: {  	_ =	shalt  }
0x51: {  	_ =	shalt  }
0x52: {  	_ =	shalt  }
0x53: {  	_ =	shalt  }
0x54: {  	_ =	shalt  }
0x55: {  	_ =	shalt  }
0x56: {  	_ =	shalt  }
0x57: {  	_ =	shalt  }
0x58: {  	_ =	shalt  }
0x59: {  	_ =	shalt  }
0x5a: {  	_ =	shalt  }
0x5b: {  	_ =	shalt  }
0x5c: {  	_ =	shalt  }
0x5d: {  	_ =	shalt  }
0x5e: {  	_ =	shalt  }
0x5f: {  	_ =	shalt  }
0x60: {  	_ =	shalt  }
0x61: {  	_ =	shalt  }
0x62: {  	_ =	shalt  }
0x63: {  	_ =	shalt  }
0x64: {  	_ =	shalt  }
0x65: {  	_ =	shalt  }
0x66: {  	_ =	shalt  }
0x67: {  	_ =	shalt  }
0x68: {  	_ =	shalt  }
0x69: {  	_ =	shalt  }
0x6a: {  	_ =	shalt  }
0x6b: {  	_ =	shalt  }
0x6c: {  	_ =	shalt  }
0x6d: {  	_ =	shalt  }
0x6e: {  	_ =	shalt  }
0x6f: {  	_ =	shalt  }
0x70: {  	_ =	shalt  }
0x71: {  	_ =	shalt  }
0x72: {  	_ =	shalt  }
0x73: {  	_ =	shalt  }
0x74: {  	_ =	shalt  }
0x75: {  	_ =	shalt  }
0x76: {  	_ =	shalt  }
0x77: {  	_ =	shalt  }
0x78: {  	_ =	shalt  }
0x79: {  	_ =	shalt  }
0x7a: {  	_ =	shalt  }
0x7b: {  	_ =	shalt  }
0x7c: {  	_ =	shalt  }
0x7d: {  	_ =	shalt  }
0x7e: {  	_ =	shalt  }
0x7f: {  	_ =	shalt  }
0x80: {  	_ =	shalt  }
0x81: {  	_ =	shalt  }
0x82: {  	_ =	shalt  }
0x83: {  	_ =	shalt  }
0x84: {  	_ =	shalt  }
0x85: {  	_ =	shalt  }
0x86: {  	_ =	shalt  }
0x87: {  	_ =	shalt  }
.Lfunc_end0:
.L_simem_size_0:
called_computation_lowered:
.L_overlay_start_0:
0x88: {  	s2 =	sld [smem:$0x3FD9]  }
0x89: {  	s3 =	sld [smem:$0x3FFE];
	_ =	sdelay $0x1  }
0x8a: {  	s1 =	srdreg.scid  }
0x8b: {  	s0 =	sand.u32 $0x1, s1  }
0x8c: {  	s16 =	sshll.u32 s0, $0xA;
	s2 =	sadd.s32 s3, s2  }
0x8d: {  	s2 =	sadd.s32 s2, s16  }
0x8e: {  	[smem:$0x3FB8] =	sst s2  }
0x8f: {  	_ = 	snop  }
0x90: {  	(tm) =	ssettm $0x1  }
0x91: {  	s17 =	sld [smem:$0x3FFB];
	_ =	sdelay $0x3  }
0x92: {  	_ =	strace s17  }
0x93: {  	s2 =	sld [smem:$0x3FFC];
	_ =	sdelay $0x3  }
0x94: {  	_ =	strace s2  }
0x95: {  	s2 =	sld [smem:$0x3FFD];
	_ =	sdelay $0x3  }
0x96: {  	_ =	strace s2  }
0x97: {  	_ =	strace $0x8FFFFFFF  }
0x98: {  	s18 =	sld [smem:$0x3FDB];
	_ =	sdelay $0x1  }
0x99: {  	s19 =	simm.s32 $_scs_section_size  }
0x9a: {  	s4 =	simm.s32 $_size__tile_overlayer_lowered;
	s5 =	simm.s32 $_tile_overlayer_lowered  }
0x9b: {  	s22 =	simm.s32 $0x1BFF;
	s21 =	sshll.u32 s5, $0x1;
	s2 =	sadd.s32 s19, s18  }
0x9c: {  	s6 =	simm.s32 $0x0;
	s20 =	sshll.u32 s4, $0x1;
	s4 =	sadd.s32 s21, s2  }
0x9d: {  	[timem:s6], [sflag:s22] =	dma.local [hbm:s4], s20  }
0x9e: {  	_ =	swait.ge [sflag:s22], s20  }
0x9f: {  	s3 =	ssub.s32 $0x0, s20;
	[sflag:s22] =	ssyncset.done $0x0  }
0xa0: {  	[sflag:s22] =	ssyncadd.s32 s3;
	_ =	sdelay $0x1  }
0xa1: {  	s23 =	simm.s32 $0x1B8B  }
0xa2: {  	_ =	swait.ge [sflag:s23], $0x1  }
0xa3: {  	[sflag:s23] =	ssyncset.done $0x0  }
0xa4: {  	s25 =	simm.s32 $0x1B8E;
	s24 =	sld [smem:$0x3FFE];
	[sflag:s23] =	ssyncadd.s32 $0xFFFFFFFF  }
0xa5: {  	s26 =	simm.s32 $execute0_lowered;
	[smem:$0x3FD2] =	sst s25  }
0xa6: {  	s4 =	sshll.u32 s26, $0x1;
	_ =	strace $0x80000046;
	[dreg:$0x1] =	wrdreg $0xFFFFFFFF  }
0xa7: {  	s28 =	simm.s32 $_size_execute0_lowered;
	s2 =	sadd.s32 s2, s4;
	[dreg:$0x0] =	wrdreg $0x0  }
0xa8: {  	s4 =	sshll.u32 s28, $0x1;
	[dreg:$0x2] =	wrdreg s2  }
0xa9: {  	[dreg:$0x3] =	wrdreg s4  }
0xaa: {  	[dreg:$0x4] =	wrdreg $0xC0  }
0xab: {  	_ =	task [dreg:s6], $0x5FFFF  }
0xac: {  	[dreg:$0x1] =	wrdreg $0xFFFFFFFF  }
0xad: {  	[dreg:$0x0] =	wrdreg $0x60  }
0xae: {  	[dreg:$0x2] =	wrdreg s24  }
0xaf: {  	[dreg:$0x3] =	wrdreg $0x5F800  }
0xb0: {  	[dreg:$0x4] =	wrdreg $0x9  }
0xb1: {  	_ =	task.clear_ibuf [dreg:s6], $0x5FFFF;
	_ =	strace $0x90000046  }
0xb2: {  	s29 =	simm.s32 $0x9;
	_ =	strace $0x80000048  }
0xb3: {  	_ =	swait.ge [sflag:s29], $0x1  }
0xb4: {  	[sflag:s29] =	ssyncadd.s32 $0xFFFFFFFF  }
0xb5: {  	_ =	strace $0x90000048  }
0xb6: {  	_ =	sfence  }
0xb7: {  	s30 =	sld [smem:$0x0];
	_ =	sdelay $0x2  }
0xb8: {  	s31 =	sshll.u32 s1, $0xD;
	s1 =	sshrl.u32 s1, $0x2  }
0xb9: {  	s3 =	sand.u32 $0x4000, s31;
	s1 =	sadd.s32 s1, s30  }
0xba: {  	s0 =	sor.u32 s3, s0;
	s1 =	sshll.u32 s1, $0x11  }
0xbb: {  	s0 =	sor.u32 s1, s0  }
0xbc: {  	s0 =	sadd.s32 $0x8F2B, s0  }
0xbd: {  	[sflag:s0] =	ssyncadd.remote.s32 $0x1  }
0xbe: {  	_ =	sfence.sel $0xFFFF  }
0xbf: {  	[dreg:$0x0] =	wrdreg $0xFFFFFFFF;
	(pc) =	sbr.abs _section_cstart, $3  }
0xc0: {  	[dreg:$0x1] =	wrdreg $0xFFFFFFFF  }
0xc1: {  	_ =	task.clear_ibuf [dreg:s6], $0x2FFFF;
	_ =	strace $0x9FFFFFFF  }
0xc2: {  	(tm) =	ssettm $0x7FFFFFFF  }
0xc3: {  	_ =	shalt  }
tec
execute0_lowered:
.L_overlay_start_1:
0x0: {  	(tag) =	ssettag $0x1  }
0x1: {  	s4 =	rddreg [dreg:$0x0];
	s0 =	srdreg.scid  }
0x2: {  	s2 =	rddreg [dreg:$0x1];
	s1 =	stileid.u32  }
0x3: {  	s3 =	simm.s32 $0x0;
	s10 =	simm.s32 $0x100;
	s11 =	simm.s32 $0x2800  }
0x4: {  	s12 =	simm.s32 $0x1;
	s5 =	sand.u32 $0x1, s0;
	s0 =	rddreg [dreg:$0x2]  }
0x5: {  	s15 =	simm.s32 $0x0;
	s7 =	smul.u32 $0x2780, s1;
	[smem:$0x7FF] =	sst s3  }
0x6: {  	s13 =	sshll.u32 s1, $0x6;
	s6 =	sshll.u32 s5, $0x4;
	s8 =	smul.u32 $0x27800, s5  }
0x7: {  	_ =	strace $0x80000047;
	s5 =	ssub.s32 $0x2, s5;
	s6 =	sor.u32 s1, s6  }
0x8: {  	s13 =	sor.u32 $0x1C02, s13;
	s9 =	sshrl.u32 s5, $0x1;
	s6 =	smul.u32 $0x500, s6  }
0x9: {  	s8 =	sadd.s32 s7, s8;
	s9 =	ssub.s32 s5, s9;
	s5 =	sadd.s32 s7, s2  }
0xa: {  	s8 =	sshrl.u32 s8, $0x3;
	s7 =	smax.u32 s9, $0x1;
	s9 =	simm.s32 $0x3800  }
0xb: {  	s14 =	sshrl.u32 s5, $0x3;
	s6 =	sadd.s32 s6, s4;
	s8 =	sadd.s32 s8, s4  }
0xc: {  	v0 =	vimm.f32 $1.000000000e+00;
	v1 =	vimm.f32 $0.0e+00;
	s4 =	sadd.s32 $0x4600, s6;
	s6 =	sadd.s32 $0xE600, s8;
	s8 =	simm.s32 $0x2  }
.LBB2_1:
0xd: {  	[tilespmem:s3], [sflag:$0x2] =	stream.linear.gather [hbm4b:s4+s3], $0x2800, $0x38;
	[tilespmem:$0x8700] =	vst v63  }
0xe: {  	_ =	swait.ge [sflag:s8], $0x2800  }
0xf: {  	[sflag:s8] =	ssyncset.done $0x0  }
0x10: {  	s16 =	simm.s32 $0x0;
	[sflag:s8] =	ssyncadd.s32 $0xFFFFD800  }
.LBB2_2:
0x11: {  	p0 =	sne.s32 s16, $0x3FC0  }
.Ltmp0:
0x12: {  	_ = 	snop;
	(pc) =	sbr.rel @p0 .LBB2_2-.Ltmp0, $3  }
0x13: {  	_ =	sdelay $0x1  }
0x14: {  	s17 =	sshra.s32 s16, $0x2  }
0x15: {  	s16 =	sadd.s32 $0x40, s16;
	[tilespmem:s17+$0x2800] =	vst v0  }
0x16: {  	s16 =	simm.s32 $0x40;
	s17 =	simm.s32 $0x0  }
.LBB2_4:
0x17: {  	p0 =	sne.s32 s16, $0x9DC0;
	[tilespmem:s17+$0x3800] =	vst v1;
	s17 =	smov.u32 s16;
	s16 =	sadd.s32 $0x40, s16  }
.Ltmp1:
0x18: {  	(pc) =	sbr.rel @p0 .LBB2_4-.Ltmp1, $2  }
0x19: {  	_ =	sdelay $0x2  }
0x1a: {  	s17 =	sshra.s32 s17, $0x2  }
0x1b: {  	[tilespmem:s17+$0x3800] =	vst v1  }
0x1c: {  	[spmem:s5] =	stream.linear.scatter [tilespmem:s9], [sflag:$0x2], $0x2780, $0x38;
	[tilespmem:$0x8700] =	vst v63  }
0x1d: {  	_ =	swait.ge [sflag:s8], $0x2780  }
0x1e: {  	[sflag:s8] =	ssyncset.done $0x0  }
0x1f: {  	[sflag:s8] =	ssyncadd.s32 $0xFFFFD880  }
0x20: {  	s16 =	simm.s32 $0x0;
	[bflag:$0x0] =	sbarrier.arrive $0xFFFF  }
0x21: {  	[spmem:s2] =	stream.indirect.scatter.add.f32 [tilespmem:s11], [sflag:$0x1], $0x10, s16, s10, $0xb8;
	[tilespmem:$0x8700] =	vst v63  }
0x22: {  	s31 =	simm.s32 $0x100  }
0x23: {  	[spmem:s2] =	stream.indirect.scatter.add.f32 [tilespmem:s11], [sflag:$0x1], $0x10, s31, s10, $0xb8;
	[tilespmem:$0x8700] =	vst v63  }
0x24: {  	_ =	swait.ge [sflag:s12], $0x1000  }
0x25: {  	[sflag:s12] =	ssyncset.done $0x0  }
0x26: {  	[sflag:s12] =	ssyncadd.s32 $0xFFFFF000  }
0x27: {  	_ =	swait.ge [sflag:s12], $0x1000  }
0x28: {  	s17 =	simm.s32 $0x1000;
	s16 =	simm.s32 $0x800;
	[sflag:s12] =	ssyncset.done $0x0  }
.LBB2_6:
0x29: {  	s18 =	sshra.s32 s16, $0x2  }
0x2a: {  	[sflag:s12] =	ssyncadd.s32 $0xFFFFF000;
	s16 =	smov.u32 s17;
	s19 =	sadd.s32 $0x800, s17  }
0x2b: {  	[spmem:s2] =	stream.indirect.scatter.add.f32 [tilespmem:s11], [sflag:$0x1], $0x10, s18, s10, $0xb8;
	[tilespmem:$0x8700] =	vst v63  }
0x2c: {  	p0 =	sne.s32 s17, $0x9800;
	s17 =	sadd.s32 $0x100, s18  }
0x2d: {  	[spmem:s2] =	stream.indirect.scatter.add.f32 [tilespmem:s11], [sflag:$0x1], $0x10, s17, s10, $0xb8;
	[tilespmem:$0x8700] =	vst v63  }
.Ltmp2:
0x2e: {  	_ =	swait.ge [sflag:s12], $0x1000;
	(pc) =	sbr.rel @p0 .LBB2_6-.Ltmp2, $4  }
0x2f: {  	[sflag:s12] =	ssyncset.done $0x0  }
0x30: {  	[sflag:s12] =	ssyncadd.s32 $0xFFFFF000  }
0x31: {  	_ =	swait.ge [sflag:s12], $0x1000  }
0x32: {  	s17 =	smov.u32 s19;
	[sflag:s12] =	ssyncset.done $0x0  }
0x33: {  	s16 =	sshra.s32 s16, $0x2;
	[sflag:s12] =	ssyncadd.s32 $0xFFFFF000  }
0x34: {  	[spmem:s2] =	stream.indirect.scatter.add.f32 [tilespmem:s11], [sflag:$0x1], $0x10, s16, s10, $0xb8;
	[tilespmem:$0x8700] =	vst v63  }
0x35: {  	s16 =	sadd.s32 $0x100, s16  }
0x36: {  	[spmem:s2] =	stream.indirect.scatter.add.f32 [tilespmem:s11], [sflag:$0x1], $0x10, s16, s10, $0xb8;
	[tilespmem:$0x8700] =	vst v63  }
0x37: {  	_ =	swait.ge [sflag:s12], $0x1000  }
0x38: {  	[sflag:s12] =	ssyncset.done $0x0  }
0x39: {  	[sflag:s12] =	ssyncadd.s32 $0xFFFFF000  }
0x3a: {  	_ =	swait.ge [sflag:s12], $0x1000  }
0x3b: {  	s15 =	sadd.s32 $0x1, s15;
	[sflag:s12] =	ssyncset.done $0x0  }
0x3c: {  	p0 =	sne.s32 s15, s7;
	[sflag:s12] =	ssyncadd.s32 $0xFFFFF000  }
.Ltmp3:
0x3d: {  	[bflag:$0x0] =	sbarrier.arrive $0xFFFF;
	(pc) =	sbr.rel @p0 .LBB2_1-.Ltmp3, $4  }
0x3e: {  	[hbm:s6], [sflag:s13] =	dma.local [spmem:s14], $0x4F0  }
0x3f: {  	_ =	swait.ge [sflag:s8], $0x4F0  }
0x40: {  	[sflag:s8] =	ssyncset.done $0x0  }
0x41: {  	[sflag:s8] =	ssyncadd.s32 $0xFFFFFB10  }
0x42: {  	_ =	sfence.sel $0x180000  }
0x43: {  	[bflag:$0x0] =	sbarrier.arrive $0xFFFF  }
0x44: {  	p0 =	sne.s32 s1, $0x0;
	_ =	strace $0x90000047  }
0x45: {  	s0 =	sadd.s32 @!p0 $0x100000, s0;
	[bflag:$0x2] =	sbarrier.arrive $0xFFFF  }
0x46: {  	[sflag:s0] =	ssyncadd.tile.s32 @!p0 $0x1;
	_ =	shalt  }
.Lfunc_end2:
_tile_overlayer_lowered:
.L_overlay_start_2:
0x47: {  	(tag) =	ssettag $0x2  }
0x48: {  	s0 =	rddreg [dreg:$0x0];
	s2 =	stileid.u32  }
0x49: {  	s1 =	rddreg [dreg:$0x1];
	p0 =	sne.s32 s2, $0x0  }
0x4a: {  	s3 =	rddreg [dreg:$0x2];
	[bflag:$0x3] =	sbarrier.arrive $0xFFFF;
	s2 =	simm.s32 @!p0 $0x1C02  }
0x4b: {  	[timem:s3], [sflag:s2] =	dma.local @!p0 [hbm:s0], s1  }
0x4c: {  	s0 =	simm.s32 @!p0 $0x2  }
0x4d: {  	_ =	swait.ge @!p0 [sflag:s0], s1  }
0x4e: {  	s1 =	ssub.s32 @!p0 $0x0, s1;
	[sflag:s0] =	ssyncset.done @!p0 $0x0  }
0x4f: {  	[sflag:s0] =	ssyncadd.s32 @!p0 s1  }
0x50: {  	[bflag:$0x3] =	sbarrier.arrive $0xFFFF  }
0x51: {  	_ =	shalt  }

// kernel: kernel.19.cloned.1.call-start
scs
__scs_entry_jumppad:
0x0: {  	(pc) =	sbr.rel $0x88, $3  }
0x1: {  	(tag) =	ssettag $0x0;
	lr =	simm.s32 $0x1  }
0x2: {  	[smem:$0x3F91] =	sst lr;
	_ =	strace $0xD0000000  }
0x3: {  	_ = 	snop  }
0x4: {  	_ = 	snop  }
0x5: {  	_ = 	snop  }
0x6: {  	_ = 	snop  }
0x7: {  	_ = 	snop  }
__scs_overlays_trampoline_lowered:
0x8: {  	[smem:$0x3FA0] =	sst s0  }
0x9: {  	[smem:$0x3FA1] =	sst s1  }
0xa: {  	[smem:$0x3FA2] =	sst s2  }
0xb: {  	[smem:$0x3FA3] =	sst s3  }
0xc: {  	[smem:$0x3FA4] =	sst s4  }
0xd: {  	[smem:$0x3FA5] =	sst s5  }
0xe: {  	[smem:$0x3FA6] =	sst s6  }
0xf: {  	[smem:$0x3FA7] =	sst s7  }
0x10: {  	[smem:$0x3FA8] =	sst s8  }
0x11: {  	[smem:$0x3FA9] =	sst s9;
	s0 =	simm.s32 @!p0 $0x0  }
0x12: {  	s1 =	sld [smem:$0x3F8F];
	s0 =	simm.s32 @p0 $0x1  }
0x13: {  	[smem:$0x3FAA] =	sst s0;
	s0 =	simm.s32 @!p1 $0x0  }
0x14: {  	s2 =	sld [smem:$0x3F8E];
	s0 =	simm.s32 @p1 $0x1  }
0x15: {  	[smem:$0x3FAB] =	sst s0;
	s0 =	simm.s32 @!p2 $0x0  }
0x16: {  	s3 =	sld [smem:$0x3FDB];
	s0 =	simm.s32 @p2 $0x1  }
0x17: {  	s4 =	simm.s32 $0x1BF5;
	[smem:$0x3FAD] =	sst s0  }
0x18: {  	s0 =	sld [smem:$0x3F90];
	_ =	swait.ge [sflag:s4], $0x0  }
0x19: {  	s7 =	sld [smem:$0x3F91]  }
0x1a: {  	s8 =	sadd.s32 $0xFFFFE003, lr  }
0x1b: {  	s9 =	sadd.s32 $0xFFFFFEF7, lr;
	s5 =	simm.s32 $0xFFFFFFFF;
	p2 =	slt.u32 s8, $0xFFFFF086  }
0x1c: {  	p1 =	slt.u32 s9, $0xF7A;
	s5 =	simm.s32 @!p2 $0x0  }
0x1d: {  	s5 =	simm.s32 @p1 $0x1;
	p0 =	seq.s32 s7, s2  }
0x1e: {  	s7 =	smul.u32 @!p0 $0xF7A, s2;
	p2 =	seq.s32 @!p0 s5, $0x0  }
0x1f: {  	s9 =	smul.u32 $0xF7A, s1;
	s8 =	simm.s32 @!p0 $0x1BF5;
	p2 =	por !p2, p0  }
0x20: {  	[sflag:s8] =	ssyncset.s32 @!p0 $0xFFFFF086;
	s6 =	sadd.s32 @!p0 s3, s7;
	s7 =	simm.s32 @!p0 $0x108  }
0x21: {  	s3 =	sadd.s32 s3, s9;
	s6 =	sadd.s32 @!p0 $0x88, s6;
	s7 =	simm.s32 @p2 $0x1082  }
0x22: {  	[simem:s7], [sflag:s8] =	dma.local @!p0 [hbm:s6], $0xF7A  }
0x23: {  	s9 =	sor.u32 $0xD0000000, s2;
	s6 =	simm.s32 $0x108;
	_ =	swait.ge @!p0 [sflag:s8], $0x0  }
0x24: {  	s3 =	sadd.s32 $0x88, s3;
	s6 =	simm.s32 @!p1 $0x1082;
	[sflag:s4] =	ssyncset.s32 $0xFFFFF086  }
0x25: {  	[simem:s6], [sflag:s4] =	dma.local [hbm:s3], $0xF7A  }
0x26: {  	[smem:$0x3F91] =	sst s1;
	(tag) =	ssettag s2;
	_ =	strace s9  }
0x27: {  	s1 =	sld [smem:$0x3FA1]  }
0x28: {  	s2 =	sld [smem:$0x3FA2]  }
0x29: {  	s4 =	sld [smem:$0x3FA4]  }
0x2a: {  	p0 =	seq.s32 s5, $0x0;
	s5 =	sld [smem:$0x3FA5]  }
0x2b: {  	s6 =	sld [smem:$0x3FA6]  }
0x2c: {  	s7 =	sld [smem:$0x3FA7]  }
0x2d: {  	s3 =	simm.s32 $0x108;
	s8 =	sld [smem:$0x3FA8]  }
0x2e: {  	s3 =	simm.s32 @!p0 $0x1082;
	s9 =	sld [smem:$0x3FA9]  }
0x2f: {  	lr =	sadd.s32 s0, s3;
	s0 =	sld [smem:$0x3FA0]  }
0x30: {  	s3 =	sld [smem:$0x3FA3]  }
0x31: {  	[smem:$0x3FAC] =	sst s10  }
0x32: {  	s10 =	sld [smem:$0x3FAA];
	_ =	sdelay $0x3  }
0x33: {  	p0 =	seq.s32 s10, $0x1;
	s10 =	sld [smem:$0x3FAC];
	_ =	sdelay $0x3  }
0x34: {  	[smem:$0x3FAC] =	sst s10  }
0x35: {  	s10 =	sld [smem:$0x3FAB];
	_ =	sdelay $0x3  }
0x36: {  	p1 =	seq.s32 s10, $0x1;
	s10 =	sld [smem:$0x3FAC];
	_ =	sdelay $0x3  }
0x37: {  	[smem:$0x3FAC] =	sst s10  }
0x38: {  	s10 =	sld [smem:$0x3FAD]  }
0x39: {  	_ = 	snop;
	(pc) =	sbr.ind lr, $3  }
0x3a: {  	_ = 	snop  }
0x3b: {  	_ = 	snop  }
0x3c: {  	p2 =	seq.s32 s10, $0x1;
	s10 =	sld [smem:$0x3FAC]  }
0x3d: {  	_ =	shalt  }
0x3e: {  	_ =	shalt  }
0x3f: {  	_ =	shalt  }
0x40: {  	_ =	shalt  }
0x41: {  	_ =	shalt  }
0x42: {  	_ =	shalt  }
0x43: {  	_ =	shalt  }
0x44: {  	_ =	shalt  }
0x45: {  	_ =	shalt  }
0x46: {  	_ =	shalt  }
0x47: {  	_ =	shalt  }
0x48: {  	_ =	shalt  }
0x49: {  	_ =	shalt  }
0x4a: {  	_ =	shalt  }
0x4b: {  	_ =	shalt  }
0x4c: {  	_ =	shalt  }
0x4d: {  	_ =	shalt  }
0x4e: {  	_ =	shalt  }
0x4f: {  	_ =	shalt  }
0x50: {  	_ =	shalt  }
0x51: {  	_ =	shalt  }
0x52: {  	_ =	shalt  }
0x53: {  	_ =	shalt  }
0x54: {  	_ =	shalt  }
0x55: {  	_ =	shalt  }
0x56: {  	_ =	shalt  }
0x57: {  	_ =	shalt  }
0x58: {  	_ =	shalt  }
0x59: {  	_ =	shalt  }
0x5a: {  	_ =	shalt  }
0x5b: {  	_ =	shalt  }
0x5c: {  	_ =	shalt  }
0x5d: {  	_ =	shalt  }
0x5e: {  	_ =	shalt  }
0x5f: {  	_ =	shalt  }
0x60: {  	_ =	shalt  }
0x61: {  	_ =	shalt  }
0x62: {  	_ =	shalt  }
0x63: {  	_ =	shalt  }
0x64: {  	_ =	shalt  }
0x65: {  	_ =	shalt  }
0x66: {  	_ =	shalt  }
0x67: {  	_ =	shalt  }
0x68: {  	_ =	shalt  }
0x69: {  	_ =	shalt  }
0x6a: {  	_ =	shalt  }
0x6b: {  	_ =	shalt  }
0x6c: {  	_ =	shalt  }
0x6d: {  	_ =	shalt  }
0x6e: {  	_ =	shalt  }
0x6f: {  	_ =	shalt  }
0x70: {  	_ =	shalt  }
0x71: {  	_ =	shalt  }
0x72: {  	_ =	shalt  }
0x73: {  	_ =	shalt  }
0x74: {  	_ =	shalt  }
0x75: {  	_ =	shalt  }
0x76: {  	_ =	shalt  }
0x77: {  	_ =	shalt  }
0x78: {  	_ =	shalt  }
0x79: {  	_ =	shalt  }
0x7a: {  	_ =	shalt  }
0x7b: {  	_ =	shalt  }
0x7c: {  	_ =	shalt  }
0x7d: {  	_ =	shalt  }
0x7e: {  	_ =	shalt  }
0x7f: {  	_ =	shalt  }
0x80: {  	_ =	shalt  }
0x81: {  	_ =	shalt  }
0x82: {  	_ =	shalt  }
0x83: {  	_ =	shalt  }
0x84: {  	_ =	shalt  }
0x85: {  	_ =	shalt  }
0x86: {  	_ =	shalt  }
0x87: {  	_ =	shalt  }
.Lfunc_end0:
.L_simem_size_0:
called_computation.1_lowered:
.L_overlay_start_0:
0x88: {  	s2 =	sld [smem:$0x3FD9]  }
0x89: {  	s3 =	sld [smem:$0x3FFE];
	_ =	sdelay $0x1  }
0x8a: {  	s1 =	srdreg.scid  }
0x8b: {  	s0 =	sand.u32 $0x1, s1  }
0x8c: {  	s16 =	sshll.u32 s0, $0xA;
	s2 =	sadd.s32 s3, s2  }
0x8d: {  	s2 =	sadd.s32 s2, s16  }
0x8e: {  	[smem:$0x3FB8] =	sst s2  }
0x8f: {  	_ = 	snop  }
0x90: {  	(tm) =	ssettm $0x1  }
0x91: {  	s17 =	sld [smem:$0x3FFB];
	_ =	sdelay $0x3  }
0x92: {  	_ =	strace s17  }
0x93: {  	s2 =	sld [smem:$0x3FFC];
	_ =	sdelay $0x3  }
0x94: {  	_ =	strace s2  }
0x95: {  	s2 =	sld [smem:$0x3FFD];
	_ =	sdelay $0x3  }
0x96: {  	_ =	strace s2  }
0x97: {  	_ =	strace $0x8FFFFFFF  }
0x98: {  	s18 =	sld [smem:$0x3FDB];
	_ =	sdelay $0x1  }
0x99: {  	s19 =	simm.s32 $_scs_section_size  }
0x9a: {  	s4 =	simm.s32 $_size__tile_overlayer_lowered;
	s5 =	simm.s32 $_tile_overlayer_lowered  }
0x9b: {  	s22 =	simm.s32 $0x1BFF;
	s21 =	sshll.u32 s5, $0x1;
	s2 =	sadd.s32 s19, s18  }
0x9c: {  	s6 =	simm.s32 $0x0;
	s20 =	sshll.u32 s4, $0x1;
	s4 =	sadd.s32 s21, s2  }
0x9d: {  	[timem:s6], [sflag:s22] =	dma.local [hbm:s4], s20  }
0x9e: {  	_ =	swait.ge [sflag:s22], s20  }
0x9f: {  	s3 =	ssub.s32 $0x0, s20;
	[sflag:s22] =	ssyncset.done $0x0  }
0xa0: {  	[sflag:s22] =	ssyncadd.s32 s3;
	_ =	sdelay $0x1  }
0xa1: {  	s23 =	simm.s32 $0x1B8B  }
0xa2: {  	_ =	swait.ge [sflag:s23], $0x1  }
0xa3: {  	[sflag:s23] =	ssyncset.done $0x0  }
0xa4: {  	s25 =	simm.s32 $0x1B8E;
	s24 =	sld [smem:$0x3FFE];
	[sflag:s23] =	ssyncadd.s32 $0xFFFFFFFF  }
0xa5: {  	s26 =	simm.s32 $execute0_lowered;
	[smem:$0x3FD2] =	sst s25  }
0xa6: {  	s4 =	sshll.u32 s26, $0x1;
	_ =	strace $0x80000049;
	[dreg:$0x1] =	wrdreg $0xFFFFFFFF  }
0xa7: {  	s28 =	simm.s32 $_size_execute0_lowered;
	s2 =	sadd.s32 s2, s4;
	[dreg:$0x0] =	wrdreg $0x0  }
0xa8: {  	s4 =	sshll.u32 s28, $0x1;
	[dreg:$0x2] =	wrdreg s2  }
0xa9: {  	[dreg:$0x3] =	wrdreg s4  }
0xaa: {  	[dreg:$0x4] =	wrdreg $0xC0  }
0xab: {  	_ =	task [dreg:s6], $0x5FFFF  }
0xac: {  	[dreg:$0x1] =	wrdreg $0xFFFFFFFF  }
0xad: {  	[dreg:$0x0] =	wrdreg $0x60  }
0xae: {  	[dreg:$0x2] =	wrdreg s24  }
0xaf: {  	[dreg:$0x3] =	wrdreg $0xD0000  }
0xb0: {  	[dreg:$0x4] =	wrdreg $0x11F000  }
0xb1: {  	[dreg:$0x5] =	wrdreg $0x9  }
0xb2: {  	_ =	task.clear_ibuf [dreg:s6], $0x6FFFF;
	_ =	strace $0x90000049  }
0xb3: {  	s29 =	simm.s32 $0x9;
	_ =	strace $0x8000004B  }
0xb4: {  	_ =	swait.ge [sflag:s29], $0x1  }
0xb5: {  	[sflag:s29] =	ssyncadd.s32 $0xFFFFFFFF  }
0xb6: {  	_ =	strace $0x9000004B  }
0xb7: {  	_ =	sfence  }
0xb8: {  	s30 =	sld [smem:$0x0];
	_ =	sdelay $0x2  }
0xb9: {  	s31 =	sshll.u32 s1, $0xD;
	s1 =	sshrl.u32 s1, $0x2  }
0xba: {  	s3 =	sand.u32 $0x4000, s31;
	s1 =	sadd.s32 s1, s30  }
0xbb: {  	s0 =	sor.u32 s3, s0;
	s1 =	sshll.u32 s1, $0x11  }
0xbc: {  	s0 =	sor.u32 s1, s0  }
0xbd: {  	s0 =	sadd.s32 $0x8F2B, s0  }
0xbe: {  	[sflag:s0] =	ssyncadd.remote.s32 $0x1  }
0xbf: {  	_ =	sfence.sel $0xFFFF  }
0xc0: {  	[dreg:$0x0] =	wrdreg $0xFFFFFFFF;
	(pc) =	sbr.abs _section_cstart, $3  }
0xc1: {  	[dreg:$0x1] =	wrdreg $0xFFFFFFFF  }
0xc2: {  	_ =	task.clear_ibuf [dreg:s6], $0x2FFFF;
	_ =	strace $0x9FFFFFFF  }
0xc3: {  	(tm) =	ssettm $0x7FFFFFFF  }
tec
execute0_lowered:
.L_overlay_start_1:
0x0: {  	(tag) =	ssettag $0x1  }
0x1: {  	s6 =	rddreg [dreg:$0x0]  }
0x2: {  	s2 =	rddreg [dreg:$0x1];
	s0 =	srdreg.scid  }
0x3: {  	s3 =	rddreg [dreg:$0x2];
	s1 =	stileid.u32;
	s4 =	simm.s32 $0x0  }
0x4: {  	s17 =	simm.s32 $0x5000;
	s18 =	simm.s32 $0x5;
	s19 =	simm.s32 $0x9000  }
0x5: {  	s20 =	simm.s32 $0x1;
	s21 =	simm.s32 $0x2;
	s22 =	simm.s32 $0x100  }
0x6: {  	s23 =	simm.s32 $0x7000;
	s24 =	simm.s32 $0xB000;
	s25 =	simm.s32 $0x3  }
0x7: {  	s26 =	simm.s32 $0x4;
	s28 =	simm.s32 $0x0;
	s11 =	smul.u32 $0x4F00, s1  }
0x8: {  	s7 =	sand.u32 $0x1, s0;
	[smem:$0x7FF] =	sst s4;
	s30 =	smul.u32 $0x13C00, s1  }
0x9: {  	s5 =	sshll.u32 s7, $0x4;
	s8 =	smul.u32 $0x4F000, s7;
	s7 =	ssub.s32 $0x2, s7  }
0xa: {  	_ =	strace $0x8000004A;
	s5 =	sor.u32 s1, s5;
	s29 =	sshrl.u32 s7, $0x1  }
0xb: {  	s16 =	sadd.s32 s11, s2;
	s31 =	sshrl.u32 s11, $0x3;
	s10 =	sshrl.u32 s30, $0x2  }
0xc: {  	s9 =	smul.u32 $0x500, s5;
	s5 =	sadd.s32 $0xE600, s6;
	s8 =	sadd.s32 s11, s8  }
0xd: {  	s14 =	ssub.s32 s7, s29;
	s12 =	sadd.s32 s10, s3;
	s11 =	sadd.s32 s11, s3  }
0xe: {  	s16 =	sshrl.u32 s16, $0x3;
	s8 =	sshrl.u32 s8, $0x3;
	s12 =	sadd.s32 $0x4000, s12  }
0xf: {  	s14 =	smax.u32 s14, $0x1;
	s9 =	sadd.s32 s9, s6;
	s13 =	sadd.s32 s8, s6  }
0x10: {  	s6 =	sadd.s32 $0x18400, s9;
	s7 =	sadd.s32 $0x4600, s9;
	s9 =	sshll.u32 s1, $0x6  }
0x11: {  	v0 =	vimm.f32 $0.0e+00;
	s8 =	sadd.s32 s5, s31;
	s13 =	sadd.s32 $0x22400, s13;
	s10 =	sor.u32 $0x1C02, s9  }
.LBB2_1:
0x12: {  	[tilespmem:s4], [sflag:$0x1] =	stream.linear.gather [hbm4b:s6+s4], $0x2800, $0x38;
	[tilespmem:$0x16E00] =	vst v63  }
0x13: {  	s0 =	simm.s32 $0x2800;
	s29 =	simm.s32 $0x0  }
0x14: {  	[tilespmem:s0], [sflag:$0x1] =	stream.linear.gather [hbm4b:s7+s4], $0x2800, $0x38;
	[tilespmem:$0x16E00] =	vst v63  }
0x15: {  	[spmem:s16], [sflag:s10] =	dma.local [hbm:s8], $0x9E0  }
.LBB2_2:
0x16: {  	p0 =	sne.s32 s29, $0xFF80  }
.Ltmp0:
0x17: {  	_ = 	snop;
	(pc) =	sbr.rel @p0 .LBB2_2-.Ltmp0, $4  }
0x18: {  	_ = 	snop  }
0x19: {  	s30 =	sshra.s32 s29, $0x2  }
0x1a: {  	[tilespmem:s30+$0x5000] =	vst v0  }
0x1b: {  	s29 =	sadd.s32 $0x80, s29;
	[tilespmem:s30+$0x5010] =	vst v0  }
0x1c: {  	s29 =	simm.s32 $0x80;
	s30 =	simm.s32 $0x0  }
.LBB2_4:
0x1d: {  	p0 =	sne.s32 s29, $0x3B80;
	[tilespmem:s30+$0x9000] =	vst v0;
	s31 =	smov.u32 s29;
	s29 =	sadd.s32 $0x80, s29  }
.Ltmp1:
0x1e: {  	[tilespmem:s30+$0x9010] =	vst v0;
	(pc) =	sbr.rel @p0 .LBB2_4-.Ltmp1, $2  }
0x1f: {  	_ =	sdelay $0x2  }
0x20: {  	s30 =	sshra.s32 s31, $0x2  }
0x21: {  	[tilespmem:s30+$0x9000] =	vst v0  }
0x22: {  	[tilespmem:s30+$0x9010] =	vst v0  }
0x23: {  	[spmem:s11] =	stream.linear.scatter [tilespmem:s17], [sflag:$0x5], $0x4000, $0x38;
	[tilespmem:$0x16E00] =	vst v63  }
0x24: {  	_ =	swait.ge [sflag:s18], $0x4000  }
0x25: {  	[sflag:s18] =	ssyncset.done $0x0  }
0x26: {  	[sflag:s18] =	ssyncadd.s32 $0xFFFFC000  }
0x27: {  	[spmem:s12] =	stream.linear.scatter [tilespmem:s19], [sflag:$0x5], $0xF00, $0x38;
	[tilespmem:$0x16E00] =	vst v63  }
0x28: {  	_ =	swait.ge [sflag:s18], $0xF00  }
0x29: {  	[sflag:s18] =	ssyncset.done $0x0  }
0x2a: {  	[sflag:s18] =	ssyncadd.s32 $0xFFFFF100  }
0x2b: {  	_ =	swait.ge [sflag:s20], $0x2800  }
0x2c: {  	[sflag:s20] =	ssyncset.done $0x0  }
0x2d: {  	[sflag:s20] =	ssyncadd.s32 $0xFFFFD800  }
0x2e: {  	_ =	swait.ge [sflag:s20], $0x2800  }
0x2f: {  	[sflag:s20] =	ssyncset.done $0x0  }
0x30: {  	[sflag:s20] =	ssyncadd.s32 $0xFFFFD800  }
0x31: {  	_ =	swait.ge [sflag:s21], $0x9E0  }
0x32: {  	[sflag:s21] =	ssyncset.done $0x0  }
0x33: {  	[sflag:s21] =	ssyncadd.s32 $0xFFFFF620  }
0x34: {  	s29 =	simm.s32 $0x0;
	[bflag:$0x0] =	sbarrier.arrive $0xFFFF  }
0x35: {  	[tilespmem:s17], [sflag:$0x1] =	stream.indirect.gather [hbm4b:s5+s22], $0x20, s29, s22, $0xb8;
	[tilespmem:$0x16E00] =	vst v63  }
0x36: {  	s29 =	simm.s32 $0xA00  }
0x37: {  	[tilespmem:s23], [sflag:$0x2] =	stream.indirect.gather [spmem:s2], $0x20, s29, s22, $0xb8;
	[tilespmem:$0x16E00] =	vst v63  }
0x38: {  	s29 =	simm.s32 $0xB00  }
0x39: {  	[tilespmem:s19], [sflag:$0x3] =	stream.indirect.gather [spmem:s2], $0x20, s29, s22, $0xb8;
	[tilespmem:$0x16E00] =	vst v63  }
0x3a: {  	s29 =	simm.s32 $0xC00  }
0x3b: {  	[tilespmem:s24], [sflag:$0x4] =	stream.indirect.gather [spmem:s2], $0x20, s29, s22, $0xb8;
	[tilespmem:$0x16E00] =	vst v63  }
0x3c: {  	_ =	swait.ge [sflag:s21], $0x2000  }
0x3d: {  	[sflag:s21] =	ssyncset.done $0x0  }
0x3e: {  	s29 =	simm.s32 $0x3200;
	[sflag:s21] =	ssyncadd.s32 $0xFFFFE000  }
0x3f: {  	[spmem:s3] =	stream.indirect.scatter.add.f32 [tilespmem:s23], [sflag:$0x2], $0x20, s29, s22, $0xb8;
	[tilespmem:$0x16E00] =	vst v63  }
0x40: {  	_ =	swait.ge [sflag:s25], $0x2000  }
0x41: {  	[sflag:s25] =	ssyncset.done $0x0  }
0x42: {  	s29 =	simm.s32 $0x3300;
	[sflag:s25] =	ssyncadd.s32 $0xFFFFE000  }
0x43: {  	[spmem:s3] =	stream.indirect.scatter.add.f32 [tilespmem:s19], [sflag:$0x3], $0x20, s29, s22, $0xb8;
	[tilespmem:$0x16E00] =	vst v63  }
0x44: {  	_ =	swait.ge [sflag:s26], $0x2000  }
0x45: {  	[sflag:s26] =	ssyncset.done $0x0  }
0x46: {  	s29 =	simm.s32 $0x3400;
	[sflag:s26] =	ssyncadd.s32 $0xFFFFE000  }
0x47: {  	[spmem:s3] =	stream.indirect.scatter.add.f32 [tilespmem:s24], [sflag:$0x4], $0x20, s29, s22, $0xb8;
	[tilespmem:$0x16E00] =	vst v63  }
0x48: {  	_ =	swait.ge [sflag:s20], $0x2000  }
0x49: {  	[sflag:s20] =	ssyncset.done $0x0  }
0x4a: {  	s29 =	simm.s32 $0x2800;
	[sflag:s20] =	ssyncadd.s32 $0xFFFFE000  }
0x4b: {  	[spmem:s3] =	stream.indirect.scatter.add.f32 [tilespmem:s17], [sflag:$0x1], $0x20, s29, s22, $0xb8;
	[tilespmem:$0x16E00] =	vst v63  }
0x4c: {  	_ =	swait.ge [sflag:s21], $0x2000  }
0x4d: {  	[sflag:s21] =	ssyncset.done $0x0  }
0x4e: {  	[sflag:s21] =	ssyncadd.s32 $0xFFFFE000  }
0x4f: {  	_ =	swait.ge [sflag:s25], $0x2000  }
0x50: {  	[sflag:s25] =	ssyncset.done $0x0  }
0x51: {  	[sflag:s25] =	ssyncadd.s32 $0xFFFFE000  }
0x52: {  	_ =	swait.ge [sflag:s26], $0x2000  }
0x53: {  	[sflag:s26] =	ssyncset.done $0x0  }
0x54: {  	[sflag:s26] =	ssyncadd.s32 $0xFFFFE000  }
0x55: {  	s30 =	simm.s32 $0x1800;
	_ =	swait.ge [sflag:s20], $0x2000  }
0x56: {  	s31 =	simm.s32 $0x400;
	s29 =	simm.s32 $0xC00;
	[sflag:s20] =	ssyncset.done $0x0  }
.LBB2_6:
0x57: {  	s0 =	sshra.s32 s31, $0x2  }
0x58: {  	s1 =	sshra.s32 s29, $0x2;
	[sflag:s20] =	ssyncadd.s32 $0xFFFFE000;
	s29 =	smov.u32 s30  }
0x59: {  	[tilespmem:s17], [sflag:$0x1] =	stream.indirect.gather [hbm4b:s5+s22], $0x20, s0, s22, $0xb8;
	[tilespmem:$0x16E00] =	vst v63  }
0x5a: {  	p0 =	sne.s32 s30, $0x6C00;
	s30 =	sadd.s32 $0xC00, s30;
	s15 =	sadd.s32 $0xA00, s1  }
0x5b: {  	[tilespmem:s23], [sflag:$0x2] =	stream.indirect.gather [spmem:s2], $0x20, s15, s22, $0xb8;
	[tilespmem:$0x16E00] =	vst v63  }
0x5c: {  	s15 =	sadd.s32 $0xB00, s1  }
0x5d: {  	[tilespmem:s19], [sflag:$0x3] =	stream.indirect.gather [spmem:s2], $0x20, s15, s22, $0xb8;
	[tilespmem:$0x16E00] =	vst v63  }
0x5e: {  	s15 =	sadd.s32 $0xC00, s1  }
0x5f: {  	[tilespmem:s24], [sflag:$0x4] =	stream.indirect.gather [spmem:s2], $0x20, s15, s22, $0xb8;
	[tilespmem:$0x16E00] =	vst v63  }
0x60: {  	_ =	swait.ge [sflag:s21], $0x2000  }
0x61: {  	[sflag:s21] =	ssyncset.done $0x0  }
0x62: {  	s15 =	sadd.s32 $0x3200, s1;
	[sflag:s21] =	ssyncadd.s32 $0xFFFFE000  }
0x63: {  	[spmem:s3] =	stream.indirect.scatter.add.f32 [tilespmem:s23], [sflag:$0x2], $0x20, s15, s22, $0xb8;
	[tilespmem:$0x16E00] =	vst v63  }
0x64: {  	_ =	swait.ge [sflag:s25], $0x2000  }
0x65: {  	[sflag:s25] =	ssyncset.done $0x0  }
0x66: {  	s15 =	sadd.s32 $0x3300, s1;
	[sflag:s25] =	ssyncadd.s32 $0xFFFFE000  }
0x67: {  	[spmem:s3] =	stream.indirect.scatter.add.f32 [tilespmem:s19], [sflag:$0x3], $0x20, s15, s22, $0xb8;
	[tilespmem:$0x16E00] =	vst v63  }
0x68: {  	_ =	swait.ge [sflag:s26], $0x2000  }
0x69: {  	[sflag:s26] =	ssyncset.done $0x0  }
0x6a: {  	s1 =	sadd.s32 $0x3400, s1;
	[sflag:s26] =	ssyncadd.s32 $0xFFFFE000  }
0x6b: {  	[spmem:s3] =	stream.indirect.scatter.add.f32 [tilespmem:s24], [sflag:$0x4], $0x20, s1, s22, $0xb8;
	[tilespmem:$0x16E00] =	vst v63  }
0x6c: {  	_ =	swait.ge [sflag:s20], $0x2000  }
0x6d: {  	[sflag:s20] =	ssyncset.done $0x0  }
0x6e: {  	s0 =	sadd.s32 $0x2800, s0;
	[sflag:s20] =	ssyncadd.s32 $0xFFFFE000  }
0x6f: {  	[spmem:s3] =	stream.indirect.scatter.add.f32 [tilespmem:s17], [sflag:$0x1], $0x20, s0, s22, $0xb8;
	[tilespmem:$0x16E00] =	vst v63  }
0x70: {  	_ =	swait.ge [sflag:s21], $0x2000  }
0x71: {  	[sflag:s21] =	ssyncset.done $0x0  }
0x72: {  	[sflag:s21] =	ssyncadd.s32 $0xFFFFE000  }
0x73: {  	_ =	swait.ge [sflag:s25], $0x2000  }
0x74: {  	[sflag:s25] =	ssyncset.done $0x0  }
0x75: {  	[sflag:s25] =	ssyncadd.s32 $0xFFFFE000  }
.Ltmp2:
0x76: {  	_ =	swait.ge [sflag:s26], $0x2000;
	(pc) =	sbr.rel @p0 .LBB2_6-.Ltmp2, $4  }
0x77: {  	[sflag:s26] =	ssyncset.done $0x0  }
0x78: {  	[sflag:s26] =	ssyncadd.s32 $0xFFFFE000  }
0x79: {  	_ =	swait.ge [sflag:s20], $0x2000  }
0x7a: {  	s31 =	sadd.s32 $0x400, s31;
	[sflag:s20] =	ssyncset.done $0x0  }
0x7b: {  	s0 =	sshra.s32 s31, $0x2;
	s1 =	sshra.s32 s29, $0x2;
	[sflag:s20] =	ssyncadd.s32 $0xFFFFE000  }
0x7c: {  	[tilespmem:s17], [sflag:$0x1] =	stream.indirect.gather [hbm4b:s5+s22], $0x20, s0, s22, $0xb8;
	[tilespmem:$0x16E00] =	vst v63  }
0x7d: {  	s15 =	sadd.s32 $0xA00, s1  }
0x7e: {  	[tilespmem:s23], [sflag:$0x2] =	stream.indirect.gather [spmem:s2], $0x20, s15, s22, $0xb8;
	[tilespmem:$0x16E00] =	vst v63  }
0x7f: {  	s29 =	sadd.s32 $0xB00, s1  }
0x80: {  	[tilespmem:s19], [sflag:$0x3] =	stream.indirect.gather [spmem:s2], $0x20, s29, s22, $0xb8;
	[tilespmem:$0x16E00] =	vst v63  }
0x81: {  	s30 =	sadd.s32 $0xC00, s1  }
0x82: {  	[tilespmem:s24], [sflag:$0x4] =	stream.indirect.gather [spmem:s2], $0x20, s30, s22, $0xb8;
	[tilespmem:$0x16E00] =	vst v63  }
0x83: {  	_ =	swait.ge [sflag:s21], $0x2000  }
0x84: {  	[sflag:s21] =	ssyncset.done $0x0  }
0x85: {  	s31 =	sadd.s32 $0x3200, s1;
	[sflag:s21] =	ssyncadd.s32 $0xFFFFE000  }
0x86: {  	[spmem:s3] =	stream.indirect.scatter.add.f32 [tilespmem:s23], [sflag:$0x2], $0x20, s31, s22, $0xb8;
	[tilespmem:$0x16E00] =	vst v63  }
0x87: {  	_ =	swait.ge [sflag:s25], $0x2000  }
0x88: {  	[sflag:s25] =	ssyncset.done $0x0  }
0x89: {  	s29 =	sadd.s32 $0x3300, s1;
	[sflag:s25] =	ssyncadd.s32 $0xFFFFE000  }
0x8a: {  	[spmem:s3] =	stream.indirect.scatter.add.f32 [tilespmem:s19], [sflag:$0x3], $0x20, s29, s22, $0xb8;
	[tilespmem:$0x16E00] =	vst v63  }
0x8b: {  	_ =	swait.ge [sflag:s26], $0x2000  }
0x8c: {  	[sflag:s26] =	ssyncset.done $0x0  }
0x8d: {  	s1 =	sadd.s32 $0x3400, s1;
	[sflag:s26] =	ssyncadd.s32 $0xFFFFE000  }
0x8e: {  	[spmem:s3] =	stream.indirect.scatter.add.f32 [tilespmem:s24], [sflag:$0x4], $0x20, s1, s22, $0xb8;
	[tilespmem:$0x16E00] =	vst v63  }
0x8f: {  	_ =	swait.ge [sflag:s20], $0x2000  }
0x90: {  	[sflag:s20] =	ssyncset.done $0x0  }
0x91: {  	s0 =	sadd.s32 $0x2800, s0;
	[sflag:s20] =	ssyncadd.s32 $0xFFFFE000  }
0x92: {  	[spmem:s3] =	stream.indirect.scatter.add.f32 [tilespmem:s17], [sflag:$0x1], $0x20, s0, s22, $0xb8;
	[tilespmem:$0x16E00] =	vst v63  }
0x93: {  	_ =	swait.ge [sflag:s21], $0x2000  }
0x94: {  	[sflag:s21] =	ssyncset.done $0x0  }
0x95: {  	[sflag:s21] =	ssyncadd.s32 $0xFFFFE000  }
0x96: {  	_ =	swait.ge [sflag:s25], $0x2000  }
0x97: {  	[sflag:s25] =	ssyncset.done $0x0  }
0x98: {  	[sflag:s25] =	ssyncadd.s32 $0xFFFFE000  }
0x99: {  	_ =	swait.ge [sflag:s26], $0x2000  }
0x9a: {  	[sflag:s26] =	ssyncset.done $0x0  }
0x9b: {  	[sflag:s26] =	ssyncadd.s32 $0xFFFFE000  }
0x9c: {  	_ =	swait.ge [sflag:s20], $0x2000  }
0x9d: {  	s28 =	sadd.s32 $0x1, s28;
	[sflag:s20] =	ssyncset.done $0x0  }
0x9e: {  	p0 =	sne.s32 s28, s14;
	s30 =	sor.u32 $0x1C05, s9;
	[sflag:s20] =	ssyncadd.s32 $0xFFFFE000  }
.Ltmp3:
0x9f: {  	s31 =	sshrl.u32 s11, $0x3;
	[bflag:$0x0] =	sbarrier.arrive $0xFFFF;
	(pc) =	sbr.rel @p0 .LBB2_1-.Ltmp3, $4  }
0xa0: {  	[hbm:s13], [sflag:s30] =	dma.local [spmem:s31], $0x9E0  }
0xa1: {  	_ =	swait.ge [sflag:s18], $0x9E0  }
0xa2: {  	[sflag:s18] =	ssyncset.done $0x0  }
0xa3: {  	[sflag:s18] =	ssyncadd.s32 $0xFFFFF620  }
0xa4: {  	_ =	sfence.sel $0x180000  }
0xa5: {  	[bflag:$0x0] =	sbarrier.arrive $0xFFFF  }
0xa6: {  	_ =	strace $0x9000004A  }
0xa7: {  	s0 =	stileid.u32;
	[bflag:$0x2] =	sbarrier.arrive $0xFFFF  }
0xa8: {  	p0 =	sne.s32 s0, $0x0;
	s0 =	rddreg [dreg:$0x3]  }
0xa9: {  	s0 =	sadd.s32 @!p0 $0x100000, s0  }
0xaa: {  	[sflag:s0] =	ssyncadd.tile.s32 @!p0 $0x1;
	_ =	shalt  }
.Lfunc_end2:
_tile_overlayer_lowered:
.L_overlay_start_2:
0xab: {  	(tag) =	ssettag $0x2  }
0xac: {  	s0 =	rddreg [dreg:$0x0];
	s2 =	stileid.u32  }
0xad: {  	s1 =	rddreg [dreg:$0x1];
	p0 =	sne.s32 s2, $0x0  }
0xae: {  	s3 =	rddreg [dreg:$0x2];
	[bflag:$0x3] =	sbarrier.arrive $0xFFFF;
	s2 =	simm.s32 @!p0 $0x1C05  }
0xaf: {  	[timem:s3], [sflag:s2] =	dma.local @!p0 [hbm:s0], s1  }
0xb0: {  	s0 =	simm.s32 @!p0 $0x5  }
0xb1: {  	_ =	swait.ge @!p0 [sflag:s0], s1  }
0xb2: {  	s1 =	ssub.s32 @!p0 $0x0, s1;
	[sflag:s0] =	ssyncset.done @!p0 $0x0  }
0xb3: {  	[sflag:s0] =	ssyncadd.s32 @!p0 s1  }
0xb4: {  	[bflag:$0x3] =	sbarrier.arrive $0xFFFF  }
0xb5: {  	_ =	shalt  }

// kernel: kernel.22.cloned.1.call-start
scs
__scs_entry_jumppad:
0x0: {  	(pc) =	sbr.rel $0x88, $3  }
0x1: {  	(tag) =	ssettag $0x0;
	lr =	simm.s32 $0x1  }
0x2: {  	[smem:$0x3F91] =	sst lr;
	_ =	strace $0xD0000000  }
0x3: {  	_ = 	snop  }
0x4: {  	_ = 	snop  }
0x5: {  	_ = 	snop  }
0x6: {  	_ = 	snop  }
0x7: {  	_ = 	snop  }
__scs_overlays_trampoline_lowered:
0x8: {  	[smem:$0x3FA0] =	sst s0  }
0x9: {  	[smem:$0x3FA1] =	sst s1  }
0xa: {  	[smem:$0x3FA2] =	sst s2  }
0xb: {  	[smem:$0x3FA3] =	sst s3  }
0xc: {  	[smem:$0x3FA4] =	sst s4  }
0xd: {  	[smem:$0x3FA5] =	sst s5  }
0xe: {  	[smem:$0x3FA6] =	sst s6  }
0xf: {  	[smem:$0x3FA7] =	sst s7  }
0x10: {  	[smem:$0x3FA8] =	sst s8  }
0x11: {  	[smem:$0x3FA9] =	sst s9;
	s0 =	simm.s32 @!p0 $0x0  }
0x12: {  	s1 =	sld [smem:$0x3F8F];
	s0 =	simm.s32 @p0 $0x1  }
0x13: {  	[smem:$0x3FAA] =	sst s0;
	s0 =	simm.s32 @!p1 $0x0  }
0x14: {  	s2 =	sld [smem:$0x3F8E];
	s0 =	simm.s32 @p1 $0x1  }
0x15: {  	[smem:$0x3FAB] =	sst s0;
	s0 =	simm.s32 @!p2 $0x0  }
0x16: {  	s3 =	sld [smem:$0x3FDB];
	s0 =	simm.s32 @p2 $0x1  }
0x17: {  	s4 =	simm.s32 $0x1BF5;
	[smem:$0x3FAD] =	sst s0  }
0x18: {  	s0 =	sld [smem:$0x3F90];
	_ =	swait.ge [sflag:s4], $0x0  }
0x19: {  	s7 =	sld [smem:$0x3F91]  }
0x1a: {  	s8 =	sadd.s32 $0xFFFFE003, lr  }
0x1b: {  	s9 =	sadd.s32 $0xFFFFFEF7, lr;
	s5 =	simm.s32 $0xFFFFFFFF;
	p2 =	slt.u32 s8, $0xFFFFF086  }
0x1c: {  	p1 =	slt.u32 s9, $0xF7A;
	s5 =	simm.s32 @!p2 $0x0  }
0x1d: {  	s5 =	simm.s32 @p1 $0x1;
	p0 =	seq.s32 s7, s2  }
0x1e: {  	s7 =	smul.u32 @!p0 $0xF7A, s2;
	p2 =	seq.s32 @!p0 s5, $0x0  }
0x1f: {  	s9 =	smul.u32 $0xF7A, s1;
	s8 =	simm.s32 @!p0 $0x1BF5;
	p2 =	por !p2, p0  }
0x20: {  	[sflag:s8] =	ssyncset.s32 @!p0 $0xFFFFF086;
	s6 =	sadd.s32 @!p0 s3, s7;
	s7 =	simm.s32 @!p0 $0x108  }
0x21: {  	s3 =	sadd.s32 s3, s9;
	s6 =	sadd.s32 @!p0 $0x88, s6;
	s7 =	simm.s32 @p2 $0x1082  }
0x22: {  	[simem:s7], [sflag:s8] =	dma.local @!p0 [hbm:s6], $0xF7A  }
0x23: {  	s9 =	sor.u32 $0xD0000000, s2;
	s6 =	simm.s32 $0x108;
	_ =	swait.ge @!p0 [sflag:s8], $0x0  }
0x24: {  	s3 =	sadd.s32 $0x88, s3;
	s6 =	simm.s32 @!p1 $0x1082;
	[sflag:s4] =	ssyncset.s32 $0xFFFFF086  }
0x25: {  	[simem:s6], [sflag:s4] =	dma.local [hbm:s3], $0xF7A  }
0x26: {  	[smem:$0x3F91] =	sst s1;
	(tag) =	ssettag s2;
	_ =	strace s9  }
0x27: {  	s1 =	sld [smem:$0x3FA1]  }
0x28: {  	s2 =	sld [smem:$0x3FA2]  }
0x29: {  	s4 =	sld [smem:$0x3FA4]  }
0x2a: {  	p0 =	seq.s32 s5, $0x0;
	s5 =	sld [smem:$0x3FA5]  }
0x2b: {  	s6 =	sld [smem:$0x3FA6]  }
0x2c: {  	s7 =	sld [smem:$0x3FA7]  }
0x2d: {  	s3 =	simm.s32 $0x108;
	s8 =	sld [smem:$0x3FA8]  }
0x2e: {  	s3 =	simm.s32 @!p0 $0x1082;
	s9 =	sld [smem:$0x3FA9]  }
0x2f: {  	lr =	sadd.s32 s0, s3;
	s0 =	sld [smem:$0x3FA0]  }
0x30: {  	s3 =	sld [smem:$0x3FA3]  }
0x31: {  	[smem:$0x3FAC] =	sst s10  }
0x32: {  	s10 =	sld [smem:$0x3FAA];
	_ =	sdelay $0x3  }
0x33: {  	p0 =	seq.s32 s10, $0x1;
	s10 =	sld [smem:$0x3FAC];
	_ =	sdelay $0x3  }
0x34: {  	[smem:$0x3FAC] =	sst s10  }
0x35: {  	s10 =	sld [smem:$0x3FAB];
	_ =	sdelay $0x3  }
0x36: {  	p1 =	seq.s32 s10, $0x1;
	s10 =	sld [smem:$0x3FAC];
	_ =	sdelay $0x3  }
0x37: {  	[smem:$0x3FAC] =	sst s10  }
0x38: {  	s10 =	sld [smem:$0x3FAD]  }
0x39: {  	_ = 	snop;
	(pc) =	sbr.ind lr, $3  }
0x3a: {  	_ = 	snop  }
0x3b: {  	_ = 	snop  }
0x3c: {  	p2 =	seq.s32 s10, $0x1;
	s10 =	sld [smem:$0x3FAC]  }
0x3d: {  	_ =	shalt  }
0x3e: {  	_ =	shalt  }
0x3f: {  	_ =	shalt  }
0x40: {  	_ =	shalt  }
0x41: {  	_ =	shalt  }
0x42: {  	_ =	shalt  }
0x43: {  	_ =	shalt  }
0x44: {  	_ =	shalt  }
0x45: {  	_ =	shalt  }
0x46: {  	_ =	shalt  }
0x47: {  	_ =	shalt  }
0x48: {  	_ =	shalt  }
0x49: {  	_ =	shalt  }
0x4a: {  	_ =	shalt  }
0x4b: {  	_ =	shalt  }
0x4c: {  	_ =	shalt  }
0x4d: {  	_ =	shalt  }
0x4e: {  	_ =	shalt  }
0x4f: {  	_ =	shalt  }
0x50: {  	_ =	shalt  }
0x51: {  	_ =	shalt  }
0x52: {  	_ =	shalt  }
0x53: {  	_ =	shalt  }
0x54: {  	_ =	shalt  }
0x55: {  	_ =	shalt  }
0x56: {  	_ =	shalt  }
0x57: {  	_ =	shalt  }
0x58: {  	_ =	shalt  }
0x59: {  	_ =	shalt  }
0x5a: {  	_ =	shalt  }
0x5b: {  	_ =	shalt  }
0x5c: {  	_ =	shalt  }
0x5d: {  	_ =	shalt  }
0x5e: {  	_ =	shalt  }
0x5f: {  	_ =	shalt  }
0x60: {  	_ =	shalt  }
0x61: {  	_ =	shalt  }
0x62: {  	_ =	shalt  }
0x63: {  	_ =	shalt  }
0x64: {  	_ =	shalt  }
0x65: {  	_ =	shalt  }
0x66: {  	_ =	shalt  }
0x67: {  	_ =	shalt  }
0x68: {  	_ =	shalt  }
0x69: {  	_ =	shalt  }
0x6a: {  	_ =	shalt  }
0x6b: {  	_ =	shalt  }
0x6c: {  	_ =	shalt  }
0x6d: {  	_ =	shalt  }
0x6e: {  	_ =	shalt  }
0x6f: {  	_ =	shalt  }
0x70: {  	_ =	shalt  }
0x71: {  	_ =	shalt  }
0x72: {  	_ =	shalt  }
0x73: {  	_ =	shalt  }
0x74: {  	_ =	shalt  }
0x75: {  	_ =	shalt  }
0x76: {  	_ =	shalt  }
0x77: {  	_ =	shalt  }
0x78: {  	_ =	shalt  }
0x79: {  	_ =	shalt  }
0x7a: {  	_ =	shalt  }
0x7b: {  	_ =	shalt  }
0x7c: {  	_ =	shalt  }
0x7d: {  	_ =	shalt  }
0x7e: {  	_ =	shalt  }
0x7f: {  	_ =	shalt  }
0x80: {  	_ =	shalt  }
0x81: {  	_ =	shalt  }
0x82: {  	_ =	shalt  }
0x83: {  	_ =	shalt  }
0x84: {  	_ =	shalt  }
0x85: {  	_ =	shalt  }
0x86: {  	_ =	shalt  }
0x87: {  	_ =	shalt  }
.Lfunc_end0:
.L_simem_size_0:
called_computation.2_lowered:
.L_overlay_start_0:
0x88: {  	s2 =	sld [smem:$0x3FD9]  }
0x89: {  	s3 =	sld [smem:$0x3FFE];
	_ =	sdelay $0x1  }
0x8a: {  	s1 =	srdreg.scid  }
0x8b: {  	s0 =	sand.u32 $0x1, s1  }
0x8c: {  	s16 =	sshll.u32 s0, $0xA;
	s2 =	sadd.s32 s3, s2  }
0x8d: {  	s2 =	sadd.s32 s2, s16  }
0x8e: {  	[smem:$0x3FB8] =	sst s2  }
0x8f: {  	_ = 	snop  }
0x90: {  	(tm) =	ssettm $0x1  }
0x91: {  	s17 =	sld [smem:$0x3FFB];
	_ =	sdelay $0x3  }
0x92: {  	_ =	strace s17  }
0x93: {  	s2 =	sld [smem:$0x3FFC];
	_ =	sdelay $0x3  }
0x94: {  	_ =	strace s2  }
0x95: {  	s2 =	sld [smem:$0x3FFD];
	_ =	sdelay $0x3  }
0x96: {  	_ =	strace s2  }
0x97: {  	_ =	strace $0x8FFFFFFF  }
0x98: {  	s18 =	sld [smem:$0x3FDB];
	_ =	sdelay $0x1  }
0x99: {  	s19 =	simm.s32 $_scs_section_size  }
0x9a: {  	s4 =	simm.s32 $_size__tile_overlayer_lowered;
	s5 =	simm.s32 $_tile_overlayer_lowered  }
0x9b: {  	s22 =	simm.s32 $0x1BFF;
	s21 =	sshll.u32 s5, $0x1;
	s2 =	sadd.s32 s19, s18  }
0x9c: {  	s6 =	simm.s32 $0x0;
	s20 =	sshll.u32 s4, $0x1;
	s4 =	sadd.s32 s21, s2  }
0x9d: {  	[timem:s6], [sflag:s22] =	dma.local [hbm:s4], s20  }
0x9e: {  	_ =	swait.ge [sflag:s22], s20  }
0x9f: {  	s3 =	ssub.s32 $0x0, s20;
	[sflag:s22] =	ssyncset.done $0x0  }
0xa0: {  	[sflag:s22] =	ssyncadd.s32 s3;
	_ =	sdelay $0x1  }
0xa1: {  	s23 =	simm.s32 $0x1B8B  }
0xa2: {  	_ =	swait.ge [sflag:s23], $0x1  }
0xa3: {  	[sflag:s23] =	ssyncset.done $0x0  }
0xa4: {  	s25 =	simm.s32 $0x1B8E;
	s24 =	sld [smem:$0x3FFE];
	[sflag:s23] =	ssyncadd.s32 $0xFFFFFFFF  }
0xa5: {  	s26 =	simm.s32 $execute0_lowered;
	[smem:$0x3FD2] =	sst s25  }
0xa6: {  	s4 =	sshll.u32 s26, $0x1;
	_ =	strace $0x8000004C;
	[dreg:$0x1] =	wrdreg $0xFFFFFFFF  }
0xa7: {  	s28 =	simm.s32 $_size_execute0_lowered;
	s2 =	sadd.s32 s2, s4;
	[dreg:$0x0] =	wrdreg $0x0  }
0xa8: {  	s4 =	sshll.u32 s28, $0x1;
	[dreg:$0x2] =	wrdreg s2  }
0xa9: {  	[dreg:$0x3] =	wrdreg s4  }
0xaa: {  	[dreg:$0x4] =	wrdreg $0xC0  }
0xab: {  	_ =	task [dreg:s6], $0x5FFFF  }
0xac: {  	[dreg:$0x1] =	wrdreg $0xFFFFFFFF  }
0xad: {  	[dreg:$0x0] =	wrdreg $0x60  }
0xae: {  	[dreg:$0x2] =	wrdreg s24  }
0xaf: {  	[dreg:$0x3] =	wrdreg $0xD0000  }
0xb0: {  	[dreg:$0x4] =	wrdreg $0x11F000  }
0xb1: {  	[dreg:$0x5] =	wrdreg $0x9  }
0xb2: {  	_ =	task.clear_ibuf [dreg:s6], $0x6FFFF;
	_ =	strace $0x9000004C  }
0xb3: {  	s29 =	simm.s32 $0x9;
	_ =	strace $0x8000004E  }
0xb4: {  	_ =	swait.ge [sflag:s29], $0x1  }
0xb5: {  	[sflag:s29] =	ssyncadd.s32 $0xFFFFFFFF  }
0xb6: {  	_ =	strace $0x9000004E  }
0xb7: {  	_ =	sfence  }
0xb8: {  	s30 =	sld [smem:$0x0];
	_ =	sdelay $0x2  }
0xb9: {  	s31 =	sshll.u32 s1, $0xD;
	s1 =	sshrl.u32 s1, $0x2  }
0xba: {  	s3 =	sand.u32 $0x4000, s31;
	s1 =	sadd.s32 s1, s30  }
0xbb: {  	s0 =	sor.u32 s3, s0;
	s1 =	sshll.u32 s1, $0x11  }
0xbc: {  	s0 =	sor.u32 s1, s0  }
0xbd: {  	s0 =	sadd.s32 $0x8F2B, s0  }
0xbe: {  	[sflag:s0] =	ssyncadd.remote.s32 $0x1  }
0xbf: {  	_ =	sfence.sel $0xFFFF  }
0xc0: {  	[dreg:$0x0] =	wrdreg $0xFFFFFFFF;
	(pc) =	sbr.abs _section_cstart, $3  }
0xc1: {  	[dreg:$0x1] =	wrdreg $0xFFFFFFFF  }
0xc2: {  	_ =	task.clear_ibuf [dreg:s6], $0x2FFFF;
	_ =	strace $0x9FFFFFFF  }
0xc3: {  	(tm) =	ssettm $0x7FFFFFFF  }
tec
execute0_lowered:
.L_overlay_start_1:
0x0: {  	(tag) =	ssettag $0x1  }
0x1: {  	s6 =	rddreg [dreg:$0x0]  }
0x2: {  	s2 =	rddreg [dreg:$0x1];
	s0 =	srdreg.scid  }
0x3: {  	s3 =	rddreg [dreg:$0x2];
	s1 =	stileid.u32;
	s4 =	simm.s32 $0x0  }
0x4: {  	s17 =	simm.s32 $0x5000;
	s18 =	simm.s32 $0x5;
	s19 =	simm.s32 $0x9000  }
0x5: {  	s20 =	simm.s32 $0x1;
	s21 =	simm.s32 $0x2;
	s22 =	simm.s32 $0x100  }
0x6: {  	s23 =	simm.s32 $0x7000;
	s24 =	simm.s32 $0xB000;
	s25 =	simm.s32 $0x3  }
0x7: {  	s26 =	simm.s32 $0x4;
	s28 =	simm.s32 $0x0;
	s11 =	smul.u32 $0x4F00, s1  }
0x8: {  	s7 =	sand.u32 $0x1, s0;
	[smem:$0x7FF] =	sst s4;
	s30 =	smul.u32 $0x13C00, s1  }
0x9: {  	s5 =	sshll.u32 s7, $0x4;
	s8 =	smul.u32 $0x4F000, s7;
	s7 =	ssub.s32 $0x2, s7  }
0xa: {  	_ =	strace $0x8000004D;
	s5 =	sor.u32 s1, s5;
	s29 =	sshrl.u32 s7, $0x1  }
0xb: {  	s16 =	sadd.s32 s11, s2;
	s31 =	sshrl.u32 s11, $0x3;
	s10 =	sshrl.u32 s30, $0x2  }
0xc: {  	s9 =	smul.u32 $0x500, s5;
	s5 =	sadd.s32 $0xE600, s6;
	s8 =	sadd.s32 s11, s8  }
0xd: {  	s14 =	ssub.s32 s7, s29;
	s12 =	sadd.s32 s10, s3;
	s11 =	sadd.s32 s11, s3  }
0xe: {  	s16 =	sshrl.u32 s16, $0x3;
	s8 =	sshrl.u32 s8, $0x3;
	s12 =	sadd.s32 $0x4000, s12  }
0xf: {  	s14 =	smax.u32 s14, $0x1;
	s9 =	sadd.s32 s9, s6;
	s13 =	sadd.s32 s8, s6  }
0x10: {  	s6 =	sadd.s32 $0x18400, s9;
	s7 =	sadd.s32 $0x4600, s9;
	s9 =	sshll.u32 s1, $0x6  }
0x11: {  	v0 =	vimm.f32 $0.0e+00;
	s8 =	sadd.s32 s5, s31;
	s13 =	sadd.s32 $0x22400, s13;
	s10 =	sor.u32 $0x1C02, s9  }
.LBB2_1:
0x12: {  	[tilespmem:s4], [sflag:$0x1] =	stream.linear.gather [hbm4b:s6+s4], $0x2800, $0x38;
	[tilespmem:$0x16E00] =	vst v63  }
0x13: {  	s0 =	simm.s32 $0x2800;
	s29 =	simm.s32 $0x0  }
0x14: {  	[tilespmem:s0], [sflag:$0x1] =	stream.linear.gather [hbm4b:s7+s4], $0x2800, $0x38;
	[tilespmem:$0x16E00] =	vst v63  }
0x15: {  	[spmem:s16], [sflag:s10] =	dma.local [hbm:s8], $0x9E0  }
.LBB2_2:
0x16: {  	p0 =	sne.s32 s29, $0xFF80  }
.Ltmp0:
0x17: {  	_ = 	snop;
	(pc) =	sbr.rel @p0 .LBB2_2-.Ltmp0, $4  }
0x18: {  	_ = 	snop  }
0x19: {  	s30 =	sshra.s32 s29, $0x2  }
0x1a: {  	[tilespmem:s30+$0x5000] =	vst v0  }
0x1b: {  	s29 =	sadd.s32 $0x80, s29;
	[tilespmem:s30+$0x5010] =	vst v0  }
0x1c: {  	s29 =	simm.s32 $0x80;
	s30 =	simm.s32 $0x0  }
.LBB2_4:
0x1d: {  	p0 =	sne.s32 s29, $0x3B80;
	[tilespmem:s30+$0x9000] =	vst v0;
	s31 =	smov.u32 s29;
	s29 =	sadd.s32 $0x80, s29  }
.Ltmp1:
0x1e: {  	[tilespmem:s30+$0x9010] =	vst v0;
	(pc) =	sbr.rel @p0 .LBB2_4-.Ltmp1, $2  }
0x1f: {  	_ =	sdelay $0x2  }
0x20: {  	s30 =	sshra.s32 s31, $0x2  }
0x21: {  	[tilespmem:s30+$0x9000] =	vst v0  }
0x22: {  	[tilespmem:s30+$0x9010] =	vst v0  }
0x23: {  	[spmem:s11] =	stream.linear.scatter [tilespmem:s17], [sflag:$0x5], $0x4000, $0x38;
	[tilespmem:$0x16E00] =	vst v63  }
0x24: {  	_ =	swait.ge [sflag:s18], $0x4000  }
0x25: {  	[sflag:s18] =	ssyncset.done $0x0  }
0x26: {  	[sflag:s18] =	ssyncadd.s32 $0xFFFFC000  }
0x27: {  	[spmem:s12] =	stream.linear.scatter [tilespmem:s19], [sflag:$0x5], $0xF00, $0x38;
	[tilespmem:$0x16E00] =	vst v63  }
0x28: {  	_ =	swait.ge [sflag:s18], $0xF00  }
0x29: {  	[sflag:s18] =	ssyncset.done $0x0  }
0x2a: {  	[sflag:s18] =	ssyncadd.s32 $0xFFFFF100  }
0x2b: {  	_ =	swait.ge [sflag:s20], $0x2800  }
0x2c: {  	[sflag:s20] =	ssyncset.done $0x0  }
0x2d: {  	[sflag:s20] =	ssyncadd.s32 $0xFFFFD800  }
0x2e: {  	_ =	swait.ge [sflag:s20], $0x2800  }
0x2f: {  	[sflag:s20] =	ssyncset.done $0x0  }
0x30: {  	[sflag:s20] =	ssyncadd.s32 $0xFFFFD800  }
0x31: {  	_ =	swait.ge [sflag:s21], $0x9E0  }
0x32: {  	[sflag:s21] =	ssyncset.done $0x0  }
0x33: {  	[sflag:s21] =	ssyncadd.s32 $0xFFFFF620  }
0x34: {  	s29 =	simm.s32 $0x0;
	[bflag:$0x0] =	sbarrier.arrive $0xFFFF  }
0x35: {  	[tilespmem:s17], [sflag:$0x1] =	stream.indirect.gather [hbm4b:s5+s22], $0x20, s29, s22, $0xb8;
	[tilespmem:$0x16E00] =	vst v63  }
0x36: {  	s29 =	simm.s32 $0xA00  }
0x37: {  	[tilespmem:s23], [sflag:$0x2] =	stream.indirect.gather [spmem:s2], $0x20, s29, s22, $0xb8;
	[tilespmem:$0x16E00] =	vst v63  }
0x38: {  	s29 =	simm.s32 $0xB00  }
0x39: {  	[tilespmem:s19], [sflag:$0x3] =	stream.indirect.gather [spmem:s2], $0x20, s29, s22, $0xb8;
	[tilespmem:$0x16E00] =	vst v63  }
0x3a: {  	s29 =	simm.s32 $0xC00  }
0x3b: {  	[tilespmem:s24], [sflag:$0x4] =	stream.indirect.gather [spmem:s2], $0x20, s29, s22, $0xb8;
	[tilespmem:$0x16E00] =	vst v63  }
0x3c: {  	_ =	swait.ge [sflag:s21], $0x2000  }
0x3d: {  	[sflag:s21] =	ssyncset.done $0x0  }
0x3e: {  	s29 =	simm.s32 $0x3200;
	[sflag:s21] =	ssyncadd.s32 $0xFFFFE000  }
0x3f: {  	[spmem:s3] =	stream.indirect.scatter.add.f32 [tilespmem:s23], [sflag:$0x2], $0x20, s29, s22, $0xb8;
	[tilespmem:$0x16E00] =	vst v63  }
0x40: {  	_ =	swait.ge [sflag:s25], $0x2000  }
0x41: {  	[sflag:s25] =	ssyncset.done $0x0  }
0x42: {  	s29 =	simm.s32 $0x3300;
	[sflag:s25] =	ssyncadd.s32 $0xFFFFE000  }
0x43: {  	[spmem:s3] =	stream.indirect.scatter.add.f32 [tilespmem:s19], [sflag:$0x3], $0x20, s29, s22, $0xb8;
	[tilespmem:$0x16E00] =	vst v63  }
0x44: {  	_ =	swait.ge [sflag:s26], $0x2000  }
0x45: {  	[sflag:s26] =	ssyncset.done $0x0  }
0x46: {  	s29 =	simm.s32 $0x3400;
	[sflag:s26] =	ssyncadd.s32 $0xFFFFE000  }
0x47: {  	[spmem:s3] =	stream.indirect.scatter.add.f32 [tilespmem:s24], [sflag:$0x4], $0x20, s29, s22, $0xb8;
	[tilespmem:$0x16E00] =	vst v63  }
0x48: {  	_ =	swait.ge [sflag:s20], $0x2000  }
0x49: {  	[sflag:s20] =	ssyncset.done $0x0  }
0x4a: {  	s29 =	simm.s32 $0x2800;
	[sflag:s20] =	ssyncadd.s32 $0xFFFFE000  }
0x4b: {  	[spmem:s3] =	stream.indirect.scatter.add.f32 [tilespmem:s17], [sflag:$0x1], $0x20, s29, s22, $0xb8;
	[tilespmem:$0x16E00] =	vst v63  }
0x4c: {  	_ =	swait.ge [sflag:s21], $0x2000  }
0x4d: {  	[sflag:s21] =	ssyncset.done $0x0  }
0x4e: {  	[sflag:s21] =	ssyncadd.s32 $0xFFFFE000  }
0x4f: {  	_ =	swait.ge [sflag:s25], $0x2000  }
0x50: {  	[sflag:s25] =	ssyncset.done $0x0  }
0x51: {  	[sflag:s25] =	ssyncadd.s32 $0xFFFFE000  }
0x52: {  	_ =	swait.ge [sflag:s26], $0x2000  }
0x53: {  	[sflag:s26] =	ssyncset.done $0x0  }
0x54: {  	[sflag:s26] =	ssyncadd.s32 $0xFFFFE000  }
0x55: {  	s30 =	simm.s32 $0x1800;
	_ =	swait.ge [sflag:s20], $0x2000  }
0x56: {  	s31 =	simm.s32 $0x400;
	s29 =	simm.s32 $0xC00;
	[sflag:s20] =	ssyncset.done $0x0  }
.LBB2_6:
0x57: {  	s0 =	sshra.s32 s31, $0x2  }
0x58: {  	s1 =	sshra.s32 s29, $0x2;
	[sflag:s20] =	ssyncadd.s32 $0xFFFFE000;
	s29 =	smov.u32 s30  }
0x59: {  	[tilespmem:s17], [sflag:$0x1] =	stream.indirect.gather [hbm4b:s5+s22], $0x20, s0, s22, $0xb8;
	[tilespmem:$0x16E00] =	vst v63  }
0x5a: {  	p0 =	sne.s32 s30, $0x6C00;
	s30 =	sadd.s32 $0xC00, s30;
	s15 =	sadd.s32 $0xA00, s1  }
0x5b: {  	[tilespmem:s23], [sflag:$0x2] =	stream.indirect.gather [spmem:s2], $0x20, s15, s22, $0xb8;
	[tilespmem:$0x16E00] =	vst v63  }
0x5c: {  	s15 =	sadd.s32 $0xB00, s1  }
0x5d: {  	[tilespmem:s19], [sflag:$0x3] =	stream.indirect.gather [spmem:s2], $0x20, s15, s22, $0xb8;
	[tilespmem:$0x16E00] =	vst v63  }
0x5e: {  	s15 =	sadd.s32 $0xC00, s1  }
0x5f: {  	[tilespmem:s24], [sflag:$0x4] =	stream.indirect.gather [spmem:s2], $0x20, s15, s22, $0xb8;
	[tilespmem:$0x16E00] =	vst v63  }
0x60: {  	_ =	swait.ge [sflag:s21], $0x2000  }
0x61: {  	[sflag:s21] =	ssyncset.done $0x0  }
0x62: {  	s15 =	sadd.s32 $0x3200, s1;
	[sflag:s21] =	ssyncadd.s32 $0xFFFFE000  }
0x63: {  	[spmem:s3] =	stream.indirect.scatter.add.f32 [tilespmem:s23], [sflag:$0x2], $0x20, s15, s22, $0xb8;
	[tilespmem:$0x16E00] =	vst v63  }
0x64: {  	_ =	swait.ge [sflag:s25], $0x2000  }
0x65: {  	[sflag:s25] =	ssyncset.done $0x0  }
0x66: {  	s15 =	sadd.s32 $0x3300, s1;
	[sflag:s25] =	ssyncadd.s32 $0xFFFFE000  }
0x67: {  	[spmem:s3] =	stream.indirect.scatter.add.f32 [tilespmem:s19], [sflag:$0x3], $0x20, s15, s22, $0xb8;
	[tilespmem:$0x16E00] =	vst v63  }
0x68: {  	_ =	swait.ge [sflag:s26], $0x2000  }
0x69: {  	[sflag:s26] =	ssyncset.done $0x0  }
0x6a: {  	s1 =	sadd.s32 $0x3400, s1;
	[sflag:s26] =	ssyncadd.s32 $0xFFFFE000  }
0x6b: {  	[spmem:s3] =	stream.indirect.scatter.add.f32 [tilespmem:s24], [sflag:$0x4], $0x20, s1, s22, $0xb8;
	[tilespmem:$0x16E00] =	vst v63  }
0x6c: {  	_ =	swait.ge [sflag:s20], $0x2000  }
0x6d: {  	[sflag:s20] =	ssyncset.done $0x0  }
0x6e: {  	s0 =	sadd.s32 $0x2800, s0;
	[sflag:s20] =	ssyncadd.s32 $0xFFFFE000  }
0x6f: {  	[spmem:s3] =	stream.indirect.scatter.add.f32 [tilespmem:s17], [sflag:$0x1], $0x20, s0, s22, $0xb8;
	[tilespmem:$0x16E00] =	vst v63  }
0x70: {  	_ =	swait.ge [sflag:s21], $0x2000  }
0x71: {  	[sflag:s21] =	ssyncset.done $0x0  }
0x72: {  	[sflag:s21] =	ssyncadd.s32 $0xFFFFE000  }
0x73: {  	_ =	swait.ge [sflag:s25], $0x2000  }
0x74: {  	[sflag:s25] =	ssyncset.done $0x0  }
0x75: {  	[sflag:s25] =	ssyncadd.s32 $0xFFFFE000  }
.Ltmp2:
0x76: {  	_ =	swait.ge [sflag:s26], $0x2000;
	(pc) =	sbr.rel @p0 .LBB2_6-.Ltmp2, $4  }
0x77: {  	[sflag:s26] =	ssyncset.done $0x0  }
0x78: {  	[sflag:s26] =	ssyncadd.s32 $0xFFFFE000  }
0x79: {  	_ =	swait.ge [sflag:s20], $0x2000  }
0x7a: {  	s31 =	sadd.s32 $0x400, s31;
	[sflag:s20] =	ssyncset.done $0x0  }
0x7b: {  	s0 =	sshra.s32 s31, $0x2;
	s1 =	sshra.s32 s29, $0x2;
	[sflag:s20] =	ssyncadd.s32 $0xFFFFE000  }
0x7c: {  	[tilespmem:s17], [sflag:$0x1] =	stream.indirect.gather [hbm4b:s5+s22], $0x20, s0, s22, $0xb8;
	[tilespmem:$0x16E00] =	vst v63  }
0x7d: {  	s15 =	sadd.s32 $0xA00, s1  }
0x7e: {  	[tilespmem:s23], [sflag:$0x2] =	stream.indirect.gather [spmem:s2], $0x20, s15, s22, $0xb8;
	[tilespmem:$0x16E00] =	vst v63  }
0x7f: {  	s29 =	sadd.s32 $0xB00, s1  }
0x80: {  	[tilespmem:s19], [sflag:$0x3] =	stream.indirect.gather [spmem:s2], $0x20, s29, s22, $0xb8;
	[tilespmem:$0x16E00] =	vst v63  }
0x81: {  	s30 =	sadd.s32 $0xC00, s1  }
0x82: {  	[tilespmem:s24], [sflag:$0x4] =	stream.indirect.gather [spmem:s2], $0x20, s30, s22, $0xb8;
	[tilespmem:$0x16E00] =	vst v63  }
0x83: {  	_ =	swait.ge [sflag:s21], $0x2000  }
0x84: {  	[sflag:s21] =	ssyncset.done $0x0  }
0x85: {  	s31 =	sadd.s32 $0x3200, s1;
	[sflag:s21] =	ssyncadd.s32 $0xFFFFE000  }
0x86: {  	[spmem:s3] =	stream.indirect.scatter.add.f32 [tilespmem:s23], [sflag:$0x2], $0x20, s31, s22, $0xb8;
	[tilespmem:$0x16E00] =	vst v63  }
0x87: {  	_ =	swait.ge [sflag:s25], $0x2000  }
0x88: {  	[sflag:s25] =	ssyncset.done $0x0  }
0x89: {  	s29 =	sadd.s32 $0x3300, s1;
	[sflag:s25] =	ssyncadd.s32 $0xFFFFE000  }
0x8a: {  	[spmem:s3] =	stream.indirect.scatter.add.f32 [tilespmem:s19], [sflag:$0x3], $0x20, s29, s22, $0xb8;
	[tilespmem:$0x16E00] =	vst v63  }
0x8b: {  	_ =	swait.ge [sflag:s26], $0x2000  }
0x8c: {  	[sflag:s26] =	ssyncset.done $0x0  }
0x8d: {  	s1 =	sadd.s32 $0x3400, s1;
	[sflag:s26] =	ssyncadd.s32 $0xFFFFE000  }
0x8e: {  	[spmem:s3] =	stream.indirect.scatter.add.f32 [tilespmem:s24], [sflag:$0x4], $0x20, s1, s22, $0xb8;
	[tilespmem:$0x16E00] =	vst v63  }
0x8f: {  	_ =	swait.ge [sflag:s20], $0x2000  }
0x90: {  	[sflag:s20] =	ssyncset.done $0x0  }
0x91: {  	s0 =	sadd.s32 $0x2800, s0;
	[sflag:s20] =	ssyncadd.s32 $0xFFFFE000  }
0x92: {  	[spmem:s3] =	stream.indirect.scatter.add.f32 [tilespmem:s17], [sflag:$0x1], $0x20, s0, s22, $0xb8;
	[tilespmem:$0x16E00] =	vst v63  }
0x93: {  	_ =	swait.ge [sflag:s21], $0x2000  }
0x94: {  	[sflag:s21] =	ssyncset.done $0x0  }
0x95: {  	[sflag:s21] =	ssyncadd.s32 $0xFFFFE000  }
0x96: {  	_ =	swait.ge [sflag:s25], $0x2000  }
0x97: {  	[sflag:s25] =	ssyncset.done $0x0  }
0x98: {  	[sflag:s25] =	ssyncadd.s32 $0xFFFFE000  }
0x99: {  	_ =	swait.ge [sflag:s26], $0x2000  }
0x9a: {  	[sflag:s26] =	ssyncset.done $0x0  }
0x9b: {  	[sflag:s26] =	ssyncadd.s32 $0xFFFFE000  }
0x9c: {  	_ =	swait.ge [sflag:s20], $0x2000  }
0x9d: {  	s28 =	sadd.s32 $0x1, s28;
	[sflag:s20] =	ssyncset.done $0x0  }
0x9e: {  	p0 =	sne.s32 s28, s14;
	s30 =	sor.u32 $0x1C05, s9;
	[sflag:s20] =	ssyncadd.s32 $0xFFFFE000  }
.Ltmp3:
0x9f: {  	s31 =	sshrl.u32 s11, $0x3;
	[bflag:$0x0] =	sbarrier.arrive $0xFFFF;
	(pc) =	sbr.rel @p0 .LBB2_1-.Ltmp3, $4  }
0xa0: {  	[hbm:s13], [sflag:s30] =	dma.local [spmem:s31], $0x9E0  }
0xa1: {  	_ =	swait.ge [sflag:s18], $0x9E0  }
0xa2: {  	[sflag:s18] =	ssyncset.done $0x0  }
0xa3: {  	[sflag:s18] =	ssyncadd.s32 $0xFFFFF620  }
0xa4: {  	_ =	sfence.sel $0x180000  }
0xa5: {  	[bflag:$0x0] =	sbarrier.arrive $0xFFFF  }
0xa6: {  	_ =	strace $0x9000004D  }
0xa7: {  	s0 =	stileid.u32;
	[bflag:$0x2] =	sbarrier.arrive $0xFFFF  }
0xa8: {  	p0 =	sne.s32 s0, $0x0;
	s0 =	rddreg [dreg:$0x3]  }
0xa9: {  	s0 =	sadd.s32 @!p0 $0x100000, s0  }
0xaa: {  	[sflag:s0] =	ssyncadd.tile.s32 @!p0 $0x1;
	_ =	shalt  }
.Lfunc_end2:
_tile_overlayer_lowered:
.L_overlay_start_2:
0xab: {  	(tag) =	ssettag $0x2  }
0xac: {  	s0 =	rddreg [dreg:$0x0];
	s2 =	stileid.u32  }
0xad: {  	s1 =	rddreg [dreg:$0x1];
	p0 =	sne.s32 s2, $0x0  }
0xae: {  	s3 =	rddreg [dreg:$0x2];
	[bflag:$0x3] =	sbarrier.arrive $0xFFFF;
	s2 =	simm.s32 @!p0 $0x1C05  }
0xaf: {  	[timem:s3], [sflag:s2] =	dma.local @!p0 [hbm:s0], s1  }
0xb0: {  	s0 =	simm.s32 @!p0 $0x5  }
0xb1: {  	_ =	swait.ge @!p0 [sflag:s0], s1  }
0xb2: {  	s1 =	ssub.s32 @!p0 $0x0, s1;
	[sflag:s0] =	ssyncset.done @!p0 $0x0  }
0xb3: {  	[sflag:s0] =	ssyncadd.s32 @!p0 s1  }
0xb4: {  	[bflag:$0x3] =	sbarrier.arrive $0xFFFF  }
0xb5: {  	_ =	shalt  }

// kernel: kernel.25.cloned.1.call-start
scs
__scs_entry_jumppad:
0x0: {  	(pc) =	sbr.rel $0x88, $3  }
0x1: {  	(tag) =	ssettag $0x0;
	lr =	simm.s32 $0x1  }
0x2: {  	[smem:$0x3F91] =	sst lr;
	_ =	strace $0xD0000000  }
0x3: {  	_ = 	snop  }
0x4: {  	_ = 	snop  }
0x5: {  	_ = 	snop  }
0x6: {  	_ = 	snop  }
0x7: {  	_ = 	snop  }
__scs_overlays_trampoline_lowered:
0x8: {  	[smem:$0x3FA0] =	sst s0  }
0x9: {  	[smem:$0x3FA1] =	sst s1  }
0xa: {  	[smem:$0x3FA2] =	sst s2  }
0xb: {  	[smem:$0x3FA3] =	sst s3  }
0xc: {  	[smem:$0x3FA4] =	sst s4  }
0xd: {  	[smem:$0x3FA5] =	sst s5  }
0xe: {  	[smem:$0x3FA6] =	sst s6  }
0xf: {  	[smem:$0x3FA7] =	sst s7  }
0x10: {  	[smem:$0x3FA8] =	sst s8  }
0x11: {  	[smem:$0x3FA9] =	sst s9;
	s0 =	simm.s32 @!p0 $0x0  }
0x12: {  	s1 =	sld [smem:$0x3F8F];
	s0 =	simm.s32 @p0 $0x1  }
0x13: {  	[smem:$0x3FAA] =	sst s0;
	s0 =	simm.s32 @!p1 $0x0  }
0x14: {  	s2 =	sld [smem:$0x3F8E];
	s0 =	simm.s32 @p1 $0x1  }
0x15: {  	[smem:$0x3FAB] =	sst s0;
	s0 =	simm.s32 @!p2 $0x0  }
0x16: {  	s3 =	sld [smem:$0x3FDB];
	s0 =	simm.s32 @p2 $0x1  }
0x17: {  	s4 =	simm.s32 $0x1BF5;
	[smem:$0x3FAD] =	sst s0  }
0x18: {  	s0 =	sld [smem:$0x3F90];
	_ =	swait.ge [sflag:s4], $0x0  }
0x19: {  	s7 =	sld [smem:$0x3F91]  }
0x1a: {  	s8 =	sadd.s32 $0xFFFFE003, lr  }
0x1b: {  	s9 =	sadd.s32 $0xFFFFFEF7, lr;
	s5 =	simm.s32 $0xFFFFFFFF;
	p2 =	slt.u32 s8, $0xFFFFF086  }
0x1c: {  	p1 =	slt.u32 s9, $0xF7A;
	s5 =	simm.s32 @!p2 $0x0  }
0x1d: {  	s5 =	simm.s32 @p1 $0x1;
	p0 =	seq.s32 s7, s2  }
0x1e: {  	s7 =	smul.u32 @!p0 $0xF7A, s2;
	p2 =	seq.s32 @!p0 s5, $0x0  }
0x1f: {  	s9 =	smul.u32 $0xF7A, s1;
	s8 =	simm.s32 @!p0 $0x1BF5;
	p2 =	por !p2, p0  }
0x20: {  	[sflag:s8] =	ssyncset.s32 @!p0 $0xFFFFF086;
	s6 =	sadd.s32 @!p0 s3, s7;
	s7 =	simm.s32 @!p0 $0x108  }
0x21: {  	s3 =	sadd.s32 s3, s9;
	s6 =	sadd.s32 @!p0 $0x88, s6;
	s7 =	simm.s32 @p2 $0x1082  }
0x22: {  	[simem:s7], [sflag:s8] =	dma.local @!p0 [hbm:s6], $0xF7A  }
0x23: {  	s9 =	sor.u32 $0xD0000000, s2;
	s6 =	simm.s32 $0x108;
	_ =	swait.ge @!p0 [sflag:s8], $0x0  }
0x24: {  	s3 =	sadd.s32 $0x88, s3;
	s6 =	simm.s32 @!p1 $0x1082;
	[sflag:s4] =	ssyncset.s32 $0xFFFFF086  }
0x25: {  	[simem:s6], [sflag:s4] =	dma.local [hbm:s3], $0xF7A  }
0x26: {  	[smem:$0x3F91] =	sst s1;
	(tag) =	ssettag s2;
	_ =	strace s9  }
0x27: {  	s1 =	sld [smem:$0x3FA1]  }
0x28: {  	s2 =	sld [smem:$0x3FA2]  }
0x29: {  	s4 =	sld [smem:$0x3FA4]  }
0x2a: {  	p0 =	seq.s32 s5, $0x0;
	s5 =	sld [smem:$0x3FA5]  }
0x2b: {  	s6 =	sld [smem:$0x3FA6]  }
0x2c: {  	s7 =	sld [smem:$0x3FA7]  }
0x2d: {  	s3 =	simm.s32 $0x108;
	s8 =	sld [smem:$0x3FA8]  }
0x2e: {  	s3 =	simm.s32 @!p0 $0x1082;
	s9 =	sld [smem:$0x3FA9]  }
0x2f: {  	lr =	sadd.s32 s0, s3;
	s0 =	sld [smem:$0x3FA0]  }
0x30: {  	s3 =	sld [smem:$0x3FA3]  }
0x31: {  	[smem:$0x3FAC] =	sst s10  }
0x32: {  	s10 =	sld [smem:$0x3FAA];
	_ =	sdelay $0x3  }
0x33: {  	p0 =	seq.s32 s10, $0x1;
	s10 =	sld [smem:$0x3FAC];
	_ =	sdelay $0x3  }
0x34: {  	[smem:$0x3FAC] =	sst s10  }
0x35: {  	s10 =	sld [smem:$0x3FAB];
	_ =	sdelay $0x3  }
0x36: {  	p1 =	seq.s32 s10, $0x1;
	s10 =	sld [smem:$0x3FAC];
	_ =	sdelay $0x3  }
0x37: {  	[smem:$0x3FAC] =	sst s10  }
0x38: {  	s10 =	sld [smem:$0x3FAD]  }
0x39: {  	_ = 	snop;
	(pc) =	sbr.ind lr, $3  }
0x3a: {  	_ = 	snop  }
0x3b: {  	_ = 	snop  }
0x3c: {  	p2 =	seq.s32 s10, $0x1;
	s10 =	sld [smem:$0x3FAC]  }
0x3d: {  	_ =	shalt  }
0x3e: {  	_ =	shalt  }
0x3f: {  	_ =	shalt  }
0x40: {  	_ =	shalt  }
0x41: {  	_ =	shalt  }
0x42: {  	_ =	shalt  }
0x43: {  	_ =	shalt  }
0x44: {  	_ =	shalt  }
0x45: {  	_ =	shalt  }
0x46: {  	_ =	shalt  }
0x47: {  	_ =	shalt  }
0x48: {  	_ =	shalt  }
0x49: {  	_ =	shalt  }
0x4a: {  	_ =	shalt  }
0x4b: {  	_ =	shalt  }
0x4c: {  	_ =	shalt  }
0x4d: {  	_ =	shalt  }
0x4e: {  	_ =	shalt  }
0x4f: {  	_ =	shalt  }
0x50: {  	_ =	shalt  }
0x51: {  	_ =	shalt  }
0x52: {  	_ =	shalt  }
0x53: {  	_ =	shalt  }
0x54: {  	_ =	shalt  }
0x55: {  	_ =	shalt  }
0x56: {  	_ =	shalt  }
0x57: {  	_ =	shalt  }
0x58: {  	_ =	shalt  }
0x59: {  	_ =	shalt  }
0x5a: {  	_ =	shalt  }
0x5b: {  	_ =	shalt  }
0x5c: {  	_ =	shalt  }
0x5d: {  	_ =	shalt  }
0x5e: {  	_ =	shalt  }
0x5f: {  	_ =	shalt  }
0x60: {  	_ =	shalt  }
0x61: {  	_ =	shalt  }
0x62: {  	_ =	shalt  }
0x63: {  	_ =	shalt  }
0x64: {  	_ =	shalt  }
0x65: {  	_ =	shalt  }
0x66: {  	_ =	shalt  }
0x67: {  	_ =	shalt  }
0x68: {  	_ =	shalt  }
0x69: {  	_ =	shalt  }
0x6a: {  	_ =	shalt  }
0x6b: {  	_ =	shalt  }
0x6c: {  	_ =	shalt  }
0x6d: {  	_ =	shalt  }
0x6e: {  	_ =	shalt  }
0x6f: {  	_ =	shalt  }
0x70: {  	_ =	shalt  }
0x71: {  	_ =	shalt  }
0x72: {  	_ =	shalt  }
0x73: {  	_ =	shalt  }
0x74: {  	_ =	shalt  }
0x75: {  	_ =	shalt  }
0x76: {  	_ =	shalt  }
0x77: {  	_ =	shalt  }
0x78: {  	_ =	shalt  }
0x79: {  	_ =	shalt  }
0x7a: {  	_ =	shalt  }
0x7b: {  	_ =	shalt  }
0x7c: {  	_ =	shalt  }
0x7d: {  	_ =	shalt  }
0x7e: {  	_ =	shalt  }
0x7f: {  	_ =	shalt  }
0x80: {  	_ =	shalt  }
0x81: {  	_ =	shalt  }
0x82: {  	_ =	shalt  }
0x83: {  	_ =	shalt  }
0x84: {  	_ =	shalt  }
0x85: {  	_ =	shalt  }
0x86: {  	_ =	shalt  }
0x87: {  	_ =	shalt  }
.Lfunc_end0:
.L_simem_size_0:
called_computation.3_lowered:
.L_overlay_start_0:
0x88: {  	s2 =	sld [smem:$0x3FD9]  }
0x89: {  	s3 =	sld [smem:$0x3FFE];
	_ =	sdelay $0x1  }
0x8a: {  	s1 =	srdreg.scid  }
0x8b: {  	s0 =	sand.u32 $0x1, s1  }
0x8c: {  	s16 =	sshll.u32 s0, $0xA;
	s2 =	sadd.s32 s3, s2  }
0x8d: {  	s2 =	sadd.s32 s2, s16  }
0x8e: {  	[smem:$0x3FB8] =	sst s2  }
0x8f: {  	_ = 	snop  }
0x90: {  	(tm) =	ssettm $0x1  }
0x91: {  	s17 =	sld [smem:$0x3FFB];
	_ =	sdelay $0x3  }
0x92: {  	_ =	strace s17  }
0x93: {  	s2 =	sld [smem:$0x3FFC];
	_ =	sdelay $0x3  }
0x94: {  	_ =	strace s2  }
0x95: {  	s2 =	sld [smem:$0x3FFD];
	_ =	sdelay $0x3  }
0x96: {  	_ =	strace s2  }
0x97: {  	_ =	strace $0x8FFFFFFF  }
0x98: {  	s18 =	sld [smem:$0x3FDB];
	_ =	sdelay $0x1  }
0x99: {  	s19 =	simm.s32 $_scs_section_size  }
0x9a: {  	s4 =	simm.s32 $_size__tile_overlayer_lowered;
	s5 =	simm.s32 $_tile_overlayer_lowered  }
0x9b: {  	s22 =	simm.s32 $0x1BFF;
	s21 =	sshll.u32 s5, $0x1;
	s2 =	sadd.s32 s19, s18  }
0x9c: {  	s6 =	simm.s32 $0x0;
	s20 =	sshll.u32 s4, $0x1;
	s4 =	sadd.s32 s21, s2  }
0x9d: {  	[timem:s6], [sflag:s22] =	dma.local [hbm:s4], s20  }
0x9e: {  	_ =	swait.ge [sflag:s22], s20  }
0x9f: {  	s3 =	ssub.s32 $0x0, s20;
	[sflag:s22] =	ssyncset.done $0x0  }
0xa0: {  	[sflag:s22] =	ssyncadd.s32 s3;
	_ =	sdelay $0x1  }
0xa1: {  	s23 =	simm.s32 $0x1B8B  }
0xa2: {  	_ =	swait.ge [sflag:s23], $0x1  }
0xa3: {  	[sflag:s23] =	ssyncset.done $0x0  }
0xa4: {  	s25 =	simm.s32 $0x1B8E;
	s24 =	sld [smem:$0x3FFE];
	[sflag:s23] =	ssyncadd.s32 $0xFFFFFFFF  }
0xa5: {  	s26 =	simm.s32 $execute0_lowered;
	[smem:$0x3FD2] =	sst s25  }
0xa6: {  	s4 =	sshll.u32 s26, $0x1;
	_ =	strace $0x8000004F;
	[dreg:$0x1] =	wrdreg $0xFFFFFFFF  }
0xa7: {  	s28 =	simm.s32 $_size_execute0_lowered;
	s2 =	sadd.s32 s2, s4;
	[dreg:$0x0] =	wrdreg $0x0  }
0xa8: {  	s4 =	sshll.u32 s28, $0x1;
	[dreg:$0x2] =	wrdreg s2  }
0xa9: {  	[dreg:$0x3] =	wrdreg s4  }
0xaa: {  	[dreg:$0x4] =	wrdreg $0xC0  }
0xab: {  	_ =	task [dreg:s6], $0x5FFFF  }
0xac: {  	[dreg:$0x1] =	wrdreg $0xFFFFFFFF  }
0xad: {  	[dreg:$0x0] =	wrdreg $0x60  }
0xae: {  	[dreg:$0x2] =	wrdreg s24  }
0xaf: {  	[dreg:$0x3] =	wrdreg $0xD0000  }
0xb0: {  	[dreg:$0x4] =	wrdreg $0x11F000  }
0xb1: {  	[dreg:$0x5] =	wrdreg $0x9  }
0xb2: {  	_ =	task.clear_ibuf [dreg:s6], $0x6FFFF;
	_ =	strace $0x9000004F  }
0xb3: {  	s29 =	simm.s32 $0x9;
	_ =	strace $0x80000051  }
0xb4: {  	_ =	swait.ge [sflag:s29], $0x1  }
0xb5: {  	[sflag:s29] =	ssyncadd.s32 $0xFFFFFFFF  }
0xb6: {  	_ =	strace $0x90000051  }
0xb7: {  	_ =	sfence  }
0xb8: {  	s30 =	sld [smem:$0x0];
	_ =	sdelay $0x2  }
0xb9: {  	s31 =	sshll.u32 s1, $0xD;
	s1 =	sshrl.u32 s1, $0x2  }
0xba: {  	s3 =	sand.u32 $0x4000, s31;
	s1 =	sadd.s32 s1, s30  }
0xbb: {  	s0 =	sor.u32 s3, s0;
	s1 =	sshll.u32 s1, $0x11  }
0xbc: {  	s0 =	sor.u32 s1, s0  }
0xbd: {  	s0 =	sadd.s32 $0x8F2B, s0  }
0xbe: {  	[sflag:s0] =	ssyncadd.remote.s32 $0x1  }
0xbf: {  	_ =	sfence.sel $0xFFFF  }
0xc0: {  	[dreg:$0x0] =	wrdreg $0xFFFFFFFF;
	(pc) =	sbr.abs _section_cstart, $3  }
0xc1: {  	[dreg:$0x1] =	wrdreg $0xFFFFFFFF  }
0xc2: {  	_ =	task.clear_ibuf [dreg:s6], $0x2FFFF;
	_ =	strace $0x9FFFFFFF  }
0xc3: {  	(tm) =	ssettm $0x7FFFFFFF  }
tec
execute0_lowered:
.L_overlay_start_1:
0x0: {  	(tag) =	ssettag $0x1  }
0x1: {  	s6 =	rddreg [dreg:$0x0]  }
0x2: {  	s2 =	rddreg [dreg:$0x1];
	s0 =	srdreg.scid  }
0x3: {  	s3 =	rddreg [dreg:$0x2];
	s1 =	stileid.u32;
	s4 =	simm.s32 $0x0  }
0x4: {  	s17 =	simm.s32 $0x5000;
	s18 =	simm.s32 $0x5;
	s19 =	simm.s32 $0x9000  }
0x5: {  	s20 =	simm.s32 $0x1;
	s21 =	simm.s32 $0x2;
	s22 =	simm.s32 $0x100  }
0x6: {  	s23 =	simm.s32 $0x7000;
	s24 =	simm.s32 $0xB000;
	s25 =	simm.s32 $0x3  }
0x7: {  	s26 =	simm.s32 $0x4;
	s28 =	simm.s32 $0x0;
	s11 =	smul.u32 $0x4F00, s1  }
0x8: {  	s7 =	sand.u32 $0x1, s0;
	[smem:$0x7FF] =	sst s4;
	s30 =	smul.u32 $0x13C00, s1  }
0x9: {  	s5 =	sshll.u32 s7, $0x4;
	s8 =	smul.u32 $0x4F000, s7;
	s7 =	ssub.s32 $0x2, s7  }
0xa: {  	_ =	strace $0x80000050;
	s5 =	sor.u32 s1, s5;
	s29 =	sshrl.u32 s7, $0x1  }
0xb: {  	s16 =	sadd.s32 s11, s2;
	s31 =	sshrl.u32 s11, $0x3;
	s10 =	sshrl.u32 s30, $0x2  }
0xc: {  	s9 =	smul.u32 $0x500, s5;
	s5 =	sadd.s32 $0xE600, s6;
	s8 =	sadd.s32 s11, s8  }
0xd: {  	s14 =	ssub.s32 s7, s29;
	s12 =	sadd.s32 s10, s3;
	s11 =	sadd.s32 s11, s3  }
0xe: {  	s16 =	sshrl.u32 s16, $0x3;
	s8 =	sshrl.u32 s8, $0x3;
	s12 =	sadd.s32 $0x4000, s12  }
0xf: {  	s14 =	smax.u32 s14, $0x1;
	s9 =	sadd.s32 s9, s6;
	s13 =	sadd.s32 s8, s6  }
0x10: {  	s6 =	sadd.s32 $0x18400, s9;
	s7 =	sadd.s32 $0x4600, s9;
	s9 =	sshll.u32 s1, $0x6  }
0x11: {  	v0 =	vimm.f32 $0.0e+00;
	s8 =	sadd.s32 s5, s31;
	s13 =	sadd.s32 $0x22400, s13;
	s10 =	sor.u32 $0x1C02, s9  }
.LBB2_1:
0x12: {  	[tilespmem:s4], [sflag:$0x1] =	stream.linear.gather [hbm4b:s6+s4], $0x2800, $0x38;
	[tilespmem:$0x16E00] =	vst v63  }
0x13: {  	s0 =	simm.s32 $0x2800;
	s29 =	simm.s32 $0x0  }
0x14: {  	[tilespmem:s0], [sflag:$0x1] =	stream.linear.gather [hbm4b:s7+s4], $0x2800, $0x38;
	[tilespmem:$0x16E00] =	vst v63  }
0x15: {  	[spmem:s16], [sflag:s10] =	dma.local [hbm:s8], $0x9E0  }
.LBB2_2:
0x16: {  	p0 =	sne.s32 s29, $0xFF80  }
.Ltmp0:
0x17: {  	_ = 	snop;
	(pc) =	sbr.rel @p0 .LBB2_2-.Ltmp0, $4  }
0x18: {  	_ = 	snop  }
0x19: {  	s30 =	sshra.s32 s29, $0x2  }
0x1a: {  	[tilespmem:s30+$0x5000] =	vst v0  }
0x1b: {  	s29 =	sadd.s32 $0x80, s29;
	[tilespmem:s30+$0x5010] =	vst v0  }
0x1c: {  	s29 =	simm.s32 $0x80;
	s30 =	simm.s32 $0x0  }
.LBB2_4:
0x1d: {  	p0 =	sne.s32 s29, $0x3B80;
	[tilespmem:s30+$0x9000] =	vst v0;
	s31 =	smov.u32 s29;
	s29 =	sadd.s32 $0x80, s29  }
.Ltmp1:
0x1e: {  	[tilespmem:s30+$0x9010] =	vst v0;
	(pc) =	sbr.rel @p0 .LBB2_4-.Ltmp1, $2  }
0x1f: {  	_ =	sdelay $0x2  }
0x20: {  	s30 =	sshra.s32 s31, $0x2  }
0x21: {  	[tilespmem:s30+$0x9000] =	vst v0  }
0x22: {  	[tilespmem:s30+$0x9010] =	vst v0  }
0x23: {  	[spmem:s11] =	stream.linear.scatter [tilespmem:s17], [sflag:$0x5], $0x4000, $0x38;
	[tilespmem:$0x16E00] =	vst v63  }
0x24: {  	_ =	swait.ge [sflag:s18], $0x4000  }
0x25: {  	[sflag:s18] =	ssyncset.done $0x0  }
0x26: {  	[sflag:s18] =	ssyncadd.s32 $0xFFFFC000  }
0x27: {  	[spmem:s12] =	stream.linear.scatter [tilespmem:s19], [sflag:$0x5], $0xF00, $0x38;
	[tilespmem:$0x16E00] =	vst v63  }
0x28: {  	_ =	swait.ge [sflag:s18], $0xF00  }
0x29: {  	[sflag:s18] =	ssyncset.done $0x0  }
0x2a: {  	[sflag:s18] =	ssyncadd.s32 $0xFFFFF100  }
0x2b: {  	_ =	swait.ge [sflag:s20], $0x2800  }
0x2c: {  	[sflag:s20] =	ssyncset.done $0x0  }
0x2d: {  	[sflag:s20] =	ssyncadd.s32 $0xFFFFD800  }
0x2e: {  	_ =	swait.ge [sflag:s20], $0x2800  }
0x2f: {  	[sflag:s20] =	ssyncset.done $0x0  }
0x30: {  	[sflag:s20] =	ssyncadd.s32 $0xFFFFD800  }
0x31: {  	_ =	swait.ge [sflag:s21], $0x9E0  }
0x32: {  	[sflag:s21] =	ssyncset.done $0x0  }
0x33: {  	[sflag:s21] =	ssyncadd.s32 $0xFFFFF620  }
0x34: {  	s29 =	simm.s32 $0x0;
	[bflag:$0x0] =	sbarrier.arrive $0xFFFF  }
0x35: {  	[tilespmem:s17], [sflag:$0x1] =	stream.indirect.gather [hbm4b:s5+s22], $0x20, s29, s22, $0xb8;
	[tilespmem:$0x16E00] =	vst v63  }
0x36: {  	s29 =	simm.s32 $0xA00  }
0x37: {  	[tilespmem:s23], [sflag:$0x2] =	stream.indirect.gather [spmem:s2], $0x20, s29, s22, $0xb8;
	[tilespmem:$0x16E00] =	vst v63  }
0x38: {  	s29 =	simm.s32 $0xB00  }
0x39: {  	[tilespmem:s19], [sflag:$0x3] =	stream.indirect.gather [spmem:s2], $0x20, s29, s22, $0xb8;
	[tilespmem:$0x16E00] =	vst v63  }
0x3a: {  	s29 =	simm.s32 $0xC00  }
0x3b: {  	[tilespmem:s24], [sflag:$0x4] =	stream.indirect.gather [spmem:s2], $0x20, s29, s22, $0xb8;
	[tilespmem:$0x16E00] =	vst v63  }
0x3c: {  	_ =	swait.ge [sflag:s21], $0x2000  }
0x3d: {  	[sflag:s21] =	ssyncset.done $0x0  }
0x3e: {  	s29 =	simm.s32 $0x3200;
	[sflag:s21] =	ssyncadd.s32 $0xFFFFE000  }
0x3f: {  	[spmem:s3] =	stream.indirect.scatter.add.f32 [tilespmem:s23], [sflag:$0x2], $0x20, s29, s22, $0xb8;
	[tilespmem:$0x16E00] =	vst v63  }
0x40: {  	_ =	swait.ge [sflag:s25], $0x2000  }
0x41: {  	[sflag:s25] =	ssyncset.done $0x0  }
0x42: {  	s29 =	simm.s32 $0x3300;
	[sflag:s25] =	ssyncadd.s32 $0xFFFFE000  }
0x43: {  	[spmem:s3] =	stream.indirect.scatter.add.f32 [tilespmem:s19], [sflag:$0x3], $0x20, s29, s22, $0xb8;
	[tilespmem:$0x16E00] =	vst v63  }
0x44: {  	_ =	swait.ge [sflag:s26], $0x2000  }
0x45: {  	[sflag:s26] =	ssyncset.done $0x0  }
0x46: {  	s29 =	simm.s32 $0x3400;
	[sflag:s26] =	ssyncadd.s32 $0xFFFFE000  }
0x47: {  	[spmem:s3] =	stream.indirect.scatter.add.f32 [tilespmem:s24], [sflag:$0x4], $0x20, s29, s22, $0xb8;
	[tilespmem:$0x16E00] =	vst v63  }
0x48: {  	_ =	swait.ge [sflag:s20], $0x2000  }
0x49: {  	[sflag:s20] =	ssyncset.done $0x0  }
0x4a: {  	s29 =	simm.s32 $0x2800;
	[sflag:s20] =	ssyncadd.s32 $0xFFFFE000  }
0x4b: {  	[spmem:s3] =	stream.indirect.scatter.add.f32 [tilespmem:s17], [sflag:$0x1], $0x20, s29, s22, $0xb8;
	[tilespmem:$0x16E00] =	vst v63  }
0x4c: {  	_ =	swait.ge [sflag:s21], $0x2000  }
0x4d: {  	[sflag:s21] =	ssyncset.done $0x0  }
0x4e: {  	[sflag:s21] =	ssyncadd.s32 $0xFFFFE000  }
0x4f: {  	_ =	swait.ge [sflag:s25], $0x2000  }
0x50: {  	[sflag:s25] =	ssyncset.done $0x0  }
0x51: {  	[sflag:s25] =	ssyncadd.s32 $0xFFFFE000  }
0x52: {  	_ =	swait.ge [sflag:s26], $0x2000  }
0x53: {  	[sflag:s26] =	ssyncset.done $0x0  }
0x54: {  	[sflag:s26] =	ssyncadd.s32 $0xFFFFE000  }
0x55: {  	s30 =	simm.s32 $0x1800;
	_ =	swait.ge [sflag:s20], $0x2000  }
0x56: {  	s31 =	simm.s32 $0x400;
	s29 =	simm.s32 $0xC00;
	[sflag:s20] =	ssyncset.done $0x0  }
.LBB2_6:
0x57: {  	s0 =	sshra.s32 s31, $0x2  }
0x58: {  	s1 =	sshra.s32 s29, $0x2;
	[sflag:s20] =	ssyncadd.s32 $0xFFFFE000;
	s29 =	smov.u32 s30  }
0x59: {  	[tilespmem:s17], [sflag:$0x1] =	stream.indirect.gather [hbm4b:s5+s22], $0x20, s0, s22, $0xb8;
	[tilespmem:$0x16E00] =	vst v63  }
0x5a: {  	p0 =	sne.s32 s30, $0x6C00;
	s30 =	sadd.s32 $0xC00, s30;
	s15 =	sadd.s32 $0xA00, s1  }
0x5b: {  	[tilespmem:s23], [sflag:$0x2] =	stream.indirect.gather [spmem:s2], $0x20, s15, s22, $0xb8;
	[tilespmem:$0x16E00] =	vst v63  }
0x5c: {  	s15 =	sadd.s32 $0xB00, s1  }
0x5d: {  	[tilespmem:s19], [sflag:$0x3] =	stream.indirect.gather [spmem:s2], $0x20, s15, s22, $0xb8;
	[tilespmem:$0x16E00] =	vst v63  }
0x5e: {  	s15 =	sadd.s32 $0xC00, s1  }
0x5f: {  	[tilespmem:s24], [sflag:$0x4] =	stream.indirect.gather [spmem:s2], $0x20, s15, s22, $0xb8;
	[tilespmem:$0x16E00] =	vst v63  }
0x60: {  	_ =	swait.ge [sflag:s21], $0x2000  }
0x61: {  	[sflag:s21] =	ssyncset.done $0x0  }
0x62: {  	s15 =	sadd.s32 $0x3200, s1;
	[sflag:s21] =	ssyncadd.s32 $0xFFFFE000  }
0x63: {  	[spmem:s3] =	stream.indirect.scatter.add.f32 [tilespmem:s23], [sflag:$0x2], $0x20, s15, s22, $0xb8;
	[tilespmem:$0x16E00] =	vst v63  }
0x64: {  	_ =	swait.ge [sflag:s25], $0x2000  }
0x65: {  	[sflag:s25] =	ssyncset.done $0x0  }
0x66: {  	s15 =	sadd.s32 $0x3300, s1;
	[sflag:s25] =	ssyncadd.s32 $0xFFFFE000  }
0x67: {  	[spmem:s3] =	stream.indirect.scatter.add.f32 [tilespmem:s19], [sflag:$0x3], $0x20, s15, s22, $0xb8;
	[tilespmem:$0x16E00] =	vst v63  }
0x68: {  	_ =	swait.ge [sflag:s26], $0x2000  }
0x69: {  	[sflag:s26] =	ssyncset.done $0x0  }
0x6a: {  	s1 =	sadd.s32 $0x3400, s1;
	[sflag:s26] =	ssyncadd.s32 $0xFFFFE000  }
0x6b: {  	[spmem:s3] =	stream.indirect.scatter.add.f32 [tilespmem:s24], [sflag:$0x4], $0x20, s1, s22, $0xb8;
	[tilespmem:$0x16E00] =	vst v63  }
0x6c: {  	_ =	swait.ge [sflag:s20], $0x2000  }
0x6d: {  	[sflag:s20] =	ssyncset.done $0x0  }
0x6e: {  	s0 =	sadd.s32 $0x2800, s0;
	[sflag:s20] =	ssyncadd.s32 $0xFFFFE000  }
0x6f: {  	[spmem:s3] =	stream.indirect.scatter.add.f32 [tilespmem:s17], [sflag:$0x1], $0x20, s0, s22, $0xb8;
	[tilespmem:$0x16E00] =	vst v63  }
0x70: {  	_ =	swait.ge [sflag:s21], $0x2000  }
0x71: {  	[sflag:s21] =	ssyncset.done $0x0  }
0x72: {  	[sflag:s21] =	ssyncadd.s32 $0xFFFFE000  }
0x73: {  	_ =	swait.ge [sflag:s25], $0x2000  }
0x74: {  	[sflag:s25] =	ssyncset.done $0x0  }
0x75: {  	[sflag:s25] =	ssyncadd.s32 $0xFFFFE000  }
.Ltmp2:
0x76: {  	_ =	swait.ge [sflag:s26], $0x2000;
	(pc) =	sbr.rel @p0 .LBB2_6-.Ltmp2, $4  }
0x77: {  	[sflag:s26] =	ssyncset.done $0x0  }
0x78: {  	[sflag:s26] =	ssyncadd.s32 $0xFFFFE000  }
0x79: {  	_ =	swait.ge [sflag:s20], $0x2000  }
0x7a: {  	s31 =	sadd.s32 $0x400, s31;
	[sflag:s20] =	ssyncset.done $0x0  }
0x7b: {  	s0 =	sshra.s32 s31, $0x2;
	s1 =	sshra.s32 s29, $0x2;
	[sflag:s20] =	ssyncadd.s32 $0xFFFFE000  }
0x7c: {  	[tilespmem:s17], [sflag:$0x1] =	stream.indirect.gather [hbm4b:s5+s22], $0x20, s0, s22, $0xb8;
	[tilespmem:$0x16E00] =	vst v63  }
0x7d: {  	s15 =	sadd.s32 $0xA00, s1  }
0x7e: {  	[tilespmem:s23], [sflag:$0x2] =	stream.indirect.gather [spmem:s2], $0x20, s15, s22, $0xb8;
	[tilespmem:$0x16E00] =	vst v63  }
0x7f: {  	s29 =	sadd.s32 $0xB00, s1  }
0x80: {  	[tilespmem:s19], [sflag:$0x3] =	stream.indirect.gather [spmem:s2], $0x20, s29, s22, $0xb8;
	[tilespmem:$0x16E00] =	vst v63  }
0x81: {  	s30 =	sadd.s32 $0xC00, s1  }
0x82: {  	[tilespmem:s24], [sflag:$0x4] =	stream.indirect.gather [spmem:s2], $0x20, s30, s22, $0xb8;
	[tilespmem:$0x16E00] =	vst v63  }
0x83: {  	_ =	swait.ge [sflag:s21], $0x2000  }
0x84: {  	[sflag:s21] =	ssyncset.done $0x0  }
0x85: {  	s31 =	sadd.s32 $0x3200, s1;
	[sflag:s21] =	ssyncadd.s32 $0xFFFFE000  }
0x86: {  	[spmem:s3] =	stream.indirect.scatter.add.f32 [tilespmem:s23], [sflag:$0x2], $0x20, s31, s22, $0xb8;
	[tilespmem:$0x16E00] =	vst v63  }
0x87: {  	_ =	swait.ge [sflag:s25], $0x2000  }
0x88: {  	[sflag:s25] =	ssyncset.done $0x0  }
0x89: {  	s29 =	sadd.s32 $0x3300, s1;
	[sflag:s25] =	ssyncadd.s32 $0xFFFFE000  }
0x8a: {  	[spmem:s3] =	stream.indirect.scatter.add.f32 [tilespmem:s19], [sflag:$0x3], $0x20, s29, s22, $0xb8;
	[tilespmem:$0x16E00] =	vst v63  }
0x8b: {  	_ =	swait.ge [sflag:s26], $0x2000  }
0x8c: {  	[sflag:s26] =	ssyncset.done $0x0  }
0x8d: {  	s1 =	sadd.s32 $0x3400, s1;
	[sflag:s26] =	ssyncadd.s32 $0xFFFFE000  }
0x8e: {  	[spmem:s3] =	stream.indirect.scatter.add.f32 [tilespmem:s24], [sflag:$0x4], $0x20, s1, s22, $0xb8;
	[tilespmem:$0x16E00] =	vst v63  }
0x8f: {  	_ =	swait.ge [sflag:s20], $0x2000  }
0x90: {  	[sflag:s20] =	ssyncset.done $0x0  }
0x91: {  	s0 =	sadd.s32 $0x2800, s0;
	[sflag:s20] =	ssyncadd.s32 $0xFFFFE000  }
0x92: {  	[spmem:s3] =	stream.indirect.scatter.add.f32 [tilespmem:s17], [sflag:$0x1], $0x20, s0, s22, $0xb8;
	[tilespmem:$0x16E00] =	vst v63  }
0x93: {  	_ =	swait.ge [sflag:s21], $0x2000  }
0x94: {  	[sflag:s21] =	ssyncset.done $0x0  }
0x95: {  	[sflag:s21] =	ssyncadd.s32 $0xFFFFE000  }
0x96: {  	_ =	swait.ge [sflag:s25], $0x2000  }
0x97: {  	[sflag:s25] =	ssyncset.done $0x0  }
0x98: {  	[sflag:s25] =	ssyncadd.s32 $0xFFFFE000  }
0x99: {  	_ =	swait.ge [sflag:s26], $0x2000  }
0x9a: {  	[sflag:s26] =	ssyncset.done $0x0  }
0x9b: {  	[sflag:s26] =	ssyncadd.s32 $0xFFFFE000  }
0x9c: {  	_ =	swait.ge [sflag:s20], $0x2000  }
0x9d: {  	s28 =	sadd.s32 $0x1, s28;
	[sflag:s20] =	ssyncset.done $0x0  }
0x9e: {  	p0 =	sne.s32 s28, s14;
	s30 =	sor.u32 $0x1C05, s9;
	[sflag:s20] =	ssyncadd.s32 $0xFFFFE000  }
.Ltmp3:
0x9f: {  	s31 =	sshrl.u32 s11, $0x3;
	[bflag:$0x0] =	sbarrier.arrive $0xFFFF;
	(pc) =	sbr.rel @p0 .LBB2_1-.Ltmp3, $4  }
0xa0: {  	[hbm:s13], [sflag:s30] =	dma.local [spmem:s31], $0x9E0  }
0xa1: {  	_ =	swait.ge [sflag:s18], $0x9E0  }
0xa2: {  	[sflag:s18] =	ssyncset.done $0x0  }
0xa3: {  	[sflag:s18] =	ssyncadd.s32 $0xFFFFF620  }
0xa4: {  	_ =	sfence.sel $0x180000  }
0xa5: {  	[bflag:$0x0] =	sbarrier.arrive $0xFFFF  }
0xa6: {  	_ =	strace $0x90000050  }
0xa7: {  	s0 =	stileid.u32;
	[bflag:$0x2] =	sbarrier.arrive $0xFFFF  }
0xa8: {  	p0 =	sne.s32 s0, $0x0;
	s0 =	rddreg [dreg:$0x3]  }
0xa9: {  	s0 =	sadd.s32 @!p0 $0x100000, s0  }
0xaa: {  	[sflag:s0] =	ssyncadd.tile.s32 @!p0 $0x1;
	_ =	shalt  }
.Lfunc_end2:
_tile_overlayer_lowered:
.L_overlay_start_2:
0xab: {  	(tag) =	ssettag $0x2  }
0xac: {  	s0 =	rddreg [dreg:$0x0];
	s2 =	stileid.u32  }
0xad: {  	s1 =	rddreg [dreg:$0x1];
	p0 =	sne.s32 s2, $0x0  }
0xae: {  	s3 =	rddreg [dreg:$0x2];
	[bflag:$0x3] =	sbarrier.arrive $0xFFFF;
	s2 =	simm.s32 @!p0 $0x1C05  }
0xaf: {  	[timem:s3], [sflag:s2] =	dma.local @!p0 [hbm:s0], s1  }
0xb0: {  	s0 =	simm.s32 @!p0 $0x5  }
0xb1: {  	_ =	swait.ge @!p0 [sflag:s0], s1  }
0xb2: {  	s1 =	ssub.s32 @!p0 $0x0, s1;
	[sflag:s0] =	ssyncset.done @!p0 $0x0  }
0xb3: {  	[sflag:s0] =	ssyncadd.s32 @!p0 s1  }
0xb4: {  	[bflag:$0x3] =	sbarrier.arrive $0xFFFF  }
0xb5: {  	_ =	shalt  }

// kernel: kernel.28.cloned.1.call-start
scs
__scs_entry_jumppad:
0x0: {  	(pc) =	sbr.rel $0x88, $3  }
0x1: {  	(tag) =	ssettag $0x0;
	lr =	simm.s32 $0x1  }
0x2: {  	[smem:$0x3F91] =	sst lr;
	_ =	strace $0xD0000000  }
0x3: {  	_ = 	snop  }
0x4: {  	_ = 	snop  }
0x5: {  	_ = 	snop  }
0x6: {  	_ = 	snop  }
0x7: {  	_ = 	snop  }
__scs_overlays_trampoline_lowered:
0x8: {  	[smem:$0x3FA0] =	sst s0  }
0x9: {  	[smem:$0x3FA1] =	sst s1  }
0xa: {  	[smem:$0x3FA2] =	sst s2  }
0xb: {  	[smem:$0x3FA3] =	sst s3  }
0xc: {  	[smem:$0x3FA4] =	sst s4  }
0xd: {  	[smem:$0x3FA5] =	sst s5  }
0xe: {  	[smem:$0x3FA6] =	sst s6  }
0xf: {  	[smem:$0x3FA7] =	sst s7  }
0x10: {  	[smem:$0x3FA8] =	sst s8  }
0x11: {  	[smem:$0x3FA9] =	sst s9;
	s0 =	simm.s32 @!p0 $0x0  }
0x12: {  	s1 =	sld [smem:$0x3F8F];
	s0 =	simm.s32 @p0 $0x1  }
0x13: {  	[smem:$0x3FAA] =	sst s0;
	s0 =	simm.s32 @!p1 $0x0  }
0x14: {  	s2 =	sld [smem:$0x3F8E];
	s0 =	simm.s32 @p1 $0x1  }
0x15: {  	[smem:$0x3FAB] =	sst s0;
	s0 =	simm.s32 @!p2 $0x0  }
0x16: {  	s3 =	sld [smem:$0x3FDB];
	s0 =	simm.s32 @p2 $0x1  }
0x17: {  	s4 =	simm.s32 $0x1BF5;
	[smem:$0x3FAD] =	sst s0  }
0x18: {  	s0 =	sld [smem:$0x3F90];
	_ =	swait.ge [sflag:s4], $0x0  }
0x19: {  	s7 =	sld [smem:$0x3F91]  }
0x1a: {  	s8 =	sadd.s32 $0xFFFFE003, lr  }
0x1b: {  	s9 =	sadd.s32 $0xFFFFFEF7, lr;
	s5 =	simm.s32 $0xFFFFFFFF;
	p2 =	slt.u32 s8, $0xFFFFF086  }
0x1c: {  	p1 =	slt.u32 s9, $0xF7A;
	s5 =	simm.s32 @!p2 $0x0  }
0x1d: {  	s5 =	simm.s32 @p1 $0x1;
	p0 =	seq.s32 s7, s2  }
0x1e: {  	s7 =	smul.u32 @!p0 $0xF7A, s2;
	p2 =	seq.s32 @!p0 s5, $0x0  }
0x1f: {  	s9 =	smul.u32 $0xF7A, s1;
	s8 =	simm.s32 @!p0 $0x1BF5;
	p2 =	por !p2, p0  }
0x20: {  	[sflag:s8] =	ssyncset.s32 @!p0 $0xFFFFF086;
	s6 =	sadd.s32 @!p0 s3, s7;
	s7 =	simm.s32 @!p0 $0x108  }
0x21: {  	s3 =	sadd.s32 s3, s9;
	s6 =	sadd.s32 @!p0 $0x88, s6;
	s7 =	simm.s32 @p2 $0x1082  }
0x22: {  	[simem:s7], [sflag:s8] =	dma.local @!p0 [hbm:s6], $0xF7A  }
0x23: {  	s9 =	sor.u32 $0xD0000000, s2;
	s6 =	simm.s32 $0x108;
	_ =	swait.ge @!p0 [sflag:s8], $0x0  }
0x24: {  	s3 =	sadd.s32 $0x88, s3;
	s6 =	simm.s32 @!p1 $0x1082;
	[sflag:s4] =	ssyncset.s32 $0xFFFFF086  }
0x25: {  	[simem:s6], [sflag:s4] =	dma.local [hbm:s3], $0xF7A  }
0x26: {  	[smem:$0x3F91] =	sst s1;
	(tag) =	ssettag s2;
	_ =	strace s9  }
0x27: {  	s1 =	sld [smem:$0x3FA1]  }
0x28: {  	s2 =	sld [smem:$0x3FA2]  }
0x29: {  	s4 =	sld [smem:$0x3FA4]  }
0x2a: {  	p0 =	seq.s32 s5, $0x0;
	s5 =	sld [smem:$0x3FA5]  }
0x2b: {  	s6 =	sld [smem:$0x3FA6]  }
0x2c: {  	s7 =	sld [smem:$0x3FA7]  }
0x2d: {  	s3 =	simm.s32 $0x108;
	s8 =	sld [smem:$0x3FA8]  }
0x2e: {  	s3 =	simm.s32 @!p0 $0x1082;
	s9 =	sld [smem:$0x3FA9]  }
0x2f: {  	lr =	sadd.s32 s0, s3;
	s0 =	sld [smem:$0x3FA0]  }
0x30: {  	s3 =	sld [smem:$0x3FA3]  }
0x31: {  	[smem:$0x3FAC] =	sst s10  }
0x32: {  	s10 =	sld [smem:$0x3FAA];
	_ =	sdelay $0x3  }
0x33: {  	p0 =	seq.s32 s10, $0x1;
	s10 =	sld [smem:$0x3FAC];
	_ =	sdelay $0x3  }
0x34: {  	[smem:$0x3FAC] =	sst s10  }
0x35: {  	s10 =	sld [smem:$0x3FAB];
	_ =	sdelay $0x3  }
0x36: {  	p1 =	seq.s32 s10, $0x1;
	s10 =	sld [smem:$0x3FAC];
	_ =	sdelay $0x3  }
0x37: {  	[smem:$0x3FAC] =	sst s10  }
0x38: {  	s10 =	sld [smem:$0x3FAD]  }
0x39: {  	_ = 	snop;
	(pc) =	sbr.ind lr, $3  }
0x3a: {  	_ = 	snop  }
0x3b: {  	_ = 	snop  }
0x3c: {  	p2 =	seq.s32 s10, $0x1;
	s10 =	sld [smem:$0x3FAC]  }
0x3d: {  	_ =	shalt  }
0x3e: {  	_ =	shalt  }
0x3f: {  	_ =	shalt  }
0x40: {  	_ =	shalt  }
0x41: {  	_ =	shalt  }
0x42: {  	_ =	shalt  }
0x43: {  	_ =	shalt  }
0x44: {  	_ =	shalt  }
0x45: {  	_ =	shalt  }
0x46: {  	_ =	shalt  }
0x47: {  	_ =	shalt  }
0x48: {  	_ =	shalt  }
0x49: {  	_ =	shalt  }
0x4a: {  	_ =	shalt  }
0x4b: {  	_ =	shalt  }
0x4c: {  	_ =	shalt  }
0x4d: {  	_ =	shalt  }
0x4e: {  	_ =	shalt  }
0x4f: {  	_ =	shalt  }
0x50: {  	_ =	shalt  }
0x51: {  	_ =	shalt  }
0x52: {  	_ =	shalt  }
0x53: {  	_ =	shalt  }
0x54: {  	_ =	shalt  }
0x55: {  	_ =	shalt  }
0x56: {  	_ =	shalt  }
0x57: {  	_ =	shalt  }
0x58: {  	_ =	shalt  }
0x59: {  	_ =	shalt  }
0x5a: {  	_ =	shalt  }
0x5b: {  	_ =	shalt  }
0x5c: {  	_ =	shalt  }
0x5d: {  	_ =	shalt  }
0x5e: {  	_ =	shalt  }
0x5f: {  	_ =	shalt  }
0x60: {  	_ =	shalt  }
0x61: {  	_ =	shalt  }
0x62: {  	_ =	shalt  }
0x63: {  	_ =	shalt  }
0x64: {  	_ =	shalt  }
0x65: {  	_ =	shalt  }
0x66: {  	_ =	shalt  }
0x67: {  	_ =	shalt  }
0x68: {  	_ =	shalt  }
0x69: {  	_ =	shalt  }
0x6a: {  	_ =	shalt  }
0x6b: {  	_ =	shalt  }
0x6c: {  	_ =	shalt  }
0x6d: {  	_ =	shalt  }
0x6e: {  	_ =	shalt  }
0x6f: {  	_ =	shalt  }
0x70: {  	_ =	shalt  }
0x71: {  	_ =	shalt  }
0x72: {  	_ =	shalt  }
0x73: {  	_ =	shalt  }
0x74: {  	_ =	shalt  }
0x75: {  	_ =	shalt  }
0x76: {  	_ =	shalt  }
0x77: {  	_ =	shalt  }
0x78: {  	_ =	shalt  }
0x79: {  	_ =	shalt  }
0x7a: {  	_ =	shalt  }
0x7b: {  	_ =	shalt  }
0x7c: {  	_ =	shalt  }
0x7d: {  	_ =	shalt  }
0x7e: {  	_ =	shalt  }
0x7f: {  	_ =	shalt  }
0x80: {  	_ =	shalt  }
0x81: {  	_ =	shalt  }
0x82: {  	_ =	shalt  }
0x83: {  	_ =	shalt  }
0x84: {  	_ =	shalt  }
0x85: {  	_ =	shalt  }
0x86: {  	_ =	shalt  }
0x87: {  	_ =	shalt  }
.Lfunc_end0:
.L_simem_size_0:
called_computation.4_lowered:
.L_overlay_start_0:
0x88: {  	s2 =	sld [smem:$0x3FD9]  }
0x89: {  	s3 =	sld [smem:$0x3FFE];
	_ =	sdelay $0x1  }
0x8a: {  	s1 =	srdreg.scid  }
0x8b: {  	s0 =	sand.u32 $0x1, s1  }
0x8c: {  	s16 =	sshll.u32 s0, $0xA;
	s2 =	sadd.s32 s3, s2  }
0x8d: {  	s2 =	sadd.s32 s2, s16  }
0x8e: {  	[smem:$0x3FB8] =	sst s2  }
0x8f: {  	_ = 	snop  }
0x90: {  	(tm) =	ssettm $0x1  }
0x91: {  	s17 =	sld [smem:$0x3FFB];
	_ =	sdelay $0x3  }
0x92: {  	_ =	strace s17  }
0x93: {  	s2 =	sld [smem:$0x3FFC];
	_ =	sdelay $0x3  }
0x94: {  	_ =	strace s2  }
0x95: {  	s2 =	sld [smem:$0x3FFD];
	_ =	sdelay $0x3  }
0x96: {  	_ =	strace s2  }
0x97: {  	_ =	strace $0x8FFFFFFF  }
0x98: {  	s18 =	sld [smem:$0x3FDB];
	_ =	sdelay $0x1  }
0x99: {  	s19 =	simm.s32 $_scs_section_size  }
0x9a: {  	s4 =	simm.s32 $_size__tile_overlayer_lowered;
	s5 =	simm.s32 $_tile_overlayer_lowered  }
0x9b: {  	s22 =	simm.s32 $0x1BFF;
	s21 =	sshll.u32 s5, $0x1;
	s2 =	sadd.s32 s19, s18  }
0x9c: {  	s6 =	simm.s32 $0x0;
	s20 =	sshll.u32 s4, $0x1;
	s4 =	sadd.s32 s21, s2  }
0x9d: {  	[timem:s6], [sflag:s22] =	dma.local [hbm:s4], s20  }
0x9e: {  	_ =	swait.ge [sflag:s22], s20  }
0x9f: {  	s3 =	ssub.s32 $0x0, s20;
	[sflag:s22] =	ssyncset.done $0x0  }
0xa0: {  	[sflag:s22] =	ssyncadd.s32 s3;
	_ =	sdelay $0x1  }
0xa1: {  	s23 =	simm.s32 $0x1B8B  }
0xa2: {  	_ =	swait.ge [sflag:s23], $0x1  }
0xa3: {  	[sflag:s23] =	ssyncset.done $0x0  }
0xa4: {  	s25 =	simm.s32 $0x1B8E;
	s24 =	sld [smem:$0x3FFE];
	[sflag:s23] =	ssyncadd.s32 $0xFFFFFFFF  }
0xa5: {  	s26 =	simm.s32 $execute0_lowered;
	[smem:$0x3FD2] =	sst s25  }
0xa6: {  	s4 =	sshll.u32 s26, $0x1;
	_ =	strace $0x80000052;
	[dreg:$0x1] =	wrdreg $0xFFFFFFFF  }
0xa7: {  	s28 =	simm.s32 $_size_execute0_lowered;
	s2 =	sadd.s32 s2, s4;
	[dreg:$0x0] =	wrdreg $0x0  }
0xa8: {  	s4 =	sshll.u32 s28, $0x1;
	[dreg:$0x2] =	wrdreg s2  }
0xa9: {  	[dreg:$0x3] =	wrdreg s4  }
0xaa: {  	[dreg:$0x4] =	wrdreg $0xC0  }
0xab: {  	_ =	task [dreg:s6], $0x5FFFF  }
0xac: {  	[dreg:$0x1] =	wrdreg $0xFFFFFFFF  }
0xad: {  	[dreg:$0x0] =	wrdreg $0x60  }
0xae: {  	[dreg:$0x2] =	wrdreg s24  }
0xaf: {  	[dreg:$0x3] =	wrdreg $0xD0000  }
0xb0: {  	[dreg:$0x4] =	wrdreg $0x11F000  }
0xb1: {  	[dreg:$0x5] =	wrdreg $0x9  }
0xb2: {  	_ =	task.clear_ibuf [dreg:s6], $0x6FFFF;
	_ =	strace $0x90000052  }
0xb3: {  	s29 =	simm.s32 $0x9;
	_ =	strace $0x80000054  }
0xb4: {  	_ =	swait.ge [sflag:s29], $0x1  }
0xb5: {  	[sflag:s29] =	ssyncadd.s32 $0xFFFFFFFF  }
0xb6: {  	_ =	strace $0x90000054  }
0xb7: {  	_ =	sfence  }
0xb8: {  	s30 =	sld [smem:$0x0];
	_ =	sdelay $0x2  }
0xb9: {  	s31 =	sshll.u32 s1, $0xD;
	s1 =	sshrl.u32 s1, $0x2  }
0xba: {  	s3 =	sand.u32 $0x4000, s31;
	s1 =	sadd.s32 s1, s30  }
0xbb: {  	s0 =	sor.u32 s3, s0;
	s1 =	sshll.u32 s1, $0x11  }
0xbc: {  	s0 =	sor.u32 s1, s0  }
0xbd: {  	s0 =	sadd.s32 $0x8F2B, s0  }
0xbe: {  	[sflag:s0] =	ssyncadd.remote.s32 $0x1  }
0xbf: {  	_ =	sfence.sel $0xFFFF  }
0xc0: {  	[dreg:$0x0] =	wrdreg $0xFFFFFFFF;
	(pc) =	sbr.abs _section_cstart, $3  }
0xc1: {  	[dreg:$0x1] =	wrdreg $0xFFFFFFFF  }
0xc2: {  	_ =	task.clear_ibuf [dreg:s6], $0x2FFFF;
	_ =	strace $0x9FFFFFFF  }
0xc3: {  	(tm) =	ssettm $0x7FFFFFFF  }
tec
execute0_lowered:
.L_overlay_start_1:
0x0: {  	(tag) =	ssettag $0x1  }
0x1: {  	s6 =	rddreg [dreg:$0x0]  }
0x2: {  	s2 =	rddreg [dreg:$0x1];
	s0 =	srdreg.scid  }
0x3: {  	s3 =	rddreg [dreg:$0x2];
	s1 =	stileid.u32;
	s4 =	simm.s32 $0x0  }
0x4: {  	s17 =	simm.s32 $0x5000;
	s18 =	simm.s32 $0x5;
	s19 =	simm.s32 $0x9000  }
0x5: {  	s20 =	simm.s32 $0x1;
	s21 =	simm.s32 $0x2;
	s22 =	simm.s32 $0x100  }
0x6: {  	s23 =	simm.s32 $0x7000;
	s24 =	simm.s32 $0xB000;
	s25 =	simm.s32 $0x3  }
0x7: {  	s26 =	simm.s32 $0x4;
	s28 =	simm.s32 $0x0;
	s11 =	smul.u32 $0x4F00, s1  }
0x8: {  	s7 =	sand.u32 $0x1, s0;
	[smem:$0x7FF] =	sst s4;
	s30 =	smul.u32 $0x13C00, s1  }
0x9: {  	s5 =	sshll.u32 s7, $0x4;
	s8 =	smul.u32 $0x4F000, s7;
	s7 =	ssub.s32 $0x2, s7  }
0xa: {  	_ =	strace $0x80000053;
	s5 =	sor.u32 s1, s5;
	s29 =	sshrl.u32 s7, $0x1  }
0xb: {  	s16 =	sadd.s32 s11, s2;
	s31 =	sshrl.u32 s11, $0x3;
	s10 =	sshrl.u32 s30, $0x2  }
0xc: {  	s9 =	smul.u32 $0x500, s5;
	s5 =	sadd.s32 $0xE600, s6;
	s8 =	sadd.s32 s11, s8  }
0xd: {  	s14 =	ssub.s32 s7, s29;
	s12 =	sadd.s32 s10, s3;
	s11 =	sadd.s32 s11, s3  }
0xe: {  	s16 =	sshrl.u32 s16, $0x3;
	s8 =	sshrl.u32 s8, $0x3;
	s12 =	sadd.s32 $0x4000, s12  }
0xf: {  	s14 =	smax.u32 s14, $0x1;
	s9 =	sadd.s32 s9, s6;
	s13 =	sadd.s32 s8, s6  }
0x10: {  	s6 =	sadd.s32 $0x18400, s9;
	s7 =	sadd.s32 $0x4600, s9;
	s9 =	sshll.u32 s1, $0x6  }
0x11: {  	v0 =	vimm.f32 $0.0e+00;
	s8 =	sadd.s32 s5, s31;
	s13 =	sadd.s32 $0x22400, s13;
	s10 =	sor.u32 $0x1C02, s9  }
.LBB2_1:
0x12: {  	[tilespmem:s4], [sflag:$0x1] =	stream.linear.gather [hbm4b:s6+s4], $0x2800, $0x38;
	[tilespmem:$0x16E00] =	vst v63  }
0x13: {  	s0 =	simm.s32 $0x2800;
	s29 =	simm.s32 $0x0  }
0x14: {  	[tilespmem:s0], [sflag:$0x1] =	stream.linear.gather [hbm4b:s7+s4], $0x2800, $0x38;
	[tilespmem:$0x16E00] =	vst v63  }
0x15: {  	[spmem:s16], [sflag:s10] =	dma.local [hbm:s8], $0x9E0  }
.LBB2_2:
0x16: {  	p0 =	sne.s32 s29, $0xFF80  }
.Ltmp0:
0x17: {  	_ = 	snop;
	(pc) =	sbr.rel @p0 .LBB2_2-.Ltmp0, $4  }
0x18: {  	_ = 	snop  }
0x19: {  	s30 =	sshra.s32 s29, $0x2  }
0x1a: {  	[tilespmem:s30+$0x5000] =	vst v0  }
0x1b: {  	s29 =	sadd.s32 $0x80, s29;
	[tilespmem:s30+$0x5010] =	vst v0  }
0x1c: {  	s29 =	simm.s32 $0x80;
	s30 =	simm.s32 $0x0  }
.LBB2_4:
0x1d: {  	p0 =	sne.s32 s29, $0x3B80;
	[tilespmem:s30+$0x9000] =	vst v0;
	s31 =	smov.u32 s29;
	s29 =	sadd.s32 $0x80, s29  }
.Ltmp1:
0x1e: {  	[tilespmem:s30+$0x9010] =	vst v0;
	(pc) =	sbr.rel @p0 .LBB2_4-.Ltmp1, $2  }
0x1f: {  	_ =	sdelay $0x2  }
0x20: {  	s30 =	sshra.s32 s31, $0x2  }
0x21: {  	[tilespmem:s30+$0x9000] =	vst v0  }
0x22: {  	[tilespmem:s30+$0x9010] =	vst v0  }
0x23: {  	[spmem:s11] =	stream.linear.scatter [tilespmem:s17], [sflag:$0x5], $0x4000, $0x38;
	[tilespmem:$0x16E00] =	vst v63  }
0x24: {  	_ =	swait.ge [sflag:s18], $0x4000  }
0x25: {  	[sflag:s18] =	ssyncset.done $0x0  }
0x26: {  	[sflag:s18] =	ssyncadd.s32 $0xFFFFC000  }
0x27: {  	[spmem:s12] =	stream.linear.scatter [tilespmem:s19], [sflag:$0x5], $0xF00, $0x38;
	[tilespmem:$0x16E00] =	vst v63  }
0x28: {  	_ =	swait.ge [sflag:s18], $0xF00  }
0x29: {  	[sflag:s18] =	ssyncset.done $0x0  }
0x2a: {  	[sflag:s18] =	ssyncadd.s32 $0xFFFFF100  }
0x2b: {  	_ =	swait.ge [sflag:s20], $0x2800  }
0x2c: {  	[sflag:s20] =	ssyncset.done $0x0  }
0x2d: {  	[sflag:s20] =	ssyncadd.s32 $0xFFFFD800  }
0x2e: {  	_ =	swait.ge [sflag:s20], $0x2800  }
0x2f: {  	[sflag:s20] =	ssyncset.done $0x0  }
0x30: {  	[sflag:s20] =	ssyncadd.s32 $0xFFFFD800  }
0x31: {  	_ =	swait.ge [sflag:s21], $0x9E0  }
0x32: {  	[sflag:s21] =	ssyncset.done $0x0  }
0x33: {  	[sflag:s21] =	ssyncadd.s32 $0xFFFFF620  }
0x34: {  	s29 =	simm.s32 $0x0;
	[bflag:$0x0] =	sbarrier.arrive $0xFFFF  }
0x35: {  	[tilespmem:s17], [sflag:$0x1] =	stream.indirect.gather [hbm4b:s5+s22], $0x20, s29, s22, $0xb8;
	[tilespmem:$0x16E00] =	vst v63  }
0x36: {  	s29 =	simm.s32 $0xA00  }
0x37: {  	[tilespmem:s23], [sflag:$0x2] =	stream.indirect.gather [spmem:s2], $0x20, s29, s22, $0xb8;
	[tilespmem:$0x16E00] =	vst v63  }
0x38: {  	s29 =	simm.s32 $0xB00  }
0x39: {  	[tilespmem:s19], [sflag:$0x3] =	stream.indirect.gather [spmem:s2], $0x20, s29, s22, $0xb8;
	[tilespmem:$0x16E00] =	vst v63  }
0x3a: {  	s29 =	simm.s32 $0xC00  }
0x3b: {  	[tilespmem:s24], [sflag:$0x4] =	stream.indirect.gather [spmem:s2], $0x20, s29, s22, $0xb8;
	[tilespmem:$0x16E00] =	vst v63  }
0x3c: {  	_ =	swait.ge [sflag:s21], $0x2000  }
0x3d: {  	[sflag:s21] =	ssyncset.done $0x0  }
0x3e: {  	s29 =	simm.s32 $0x3200;
	[sflag:s21] =	ssyncadd.s32 $0xFFFFE000  }
0x3f: {  	[spmem:s3] =	stream.indirect.scatter.add.f32 [tilespmem:s23], [sflag:$0x2], $0x20, s29, s22, $0xb8;
	[tilespmem:$0x16E00] =	vst v63  }
0x40: {  	_ =	swait.ge [sflag:s25], $0x2000  }
0x41: {  	[sflag:s25] =	ssyncset.done $0x0  }
0x42: {  	s29 =	simm.s32 $0x3300;
	[sflag:s25] =	ssyncadd.s32 $0xFFFFE000  }
0x43: {  	[spmem:s3] =	stream.indirect.scatter.add.f32 [tilespmem:s19], [sflag:$0x3], $0x20, s29, s22, $0xb8;
	[tilespmem:$0x16E00] =	vst v63  }
0x44: {  	_ =	swait.ge [sflag:s26], $0x2000  }
0x45: {  	[sflag:s26] =	ssyncset.done $0x0  }
0x46: {  	s29 =	simm.s32 $0x3400;
	[sflag:s26] =	ssyncadd.s32 $0xFFFFE000  }
0x47: {  	[spmem:s3] =	stream.indirect.scatter.add.f32 [tilespmem:s24], [sflag:$0x4], $0x20, s29, s22, $0xb8;
	[tilespmem:$0x16E00] =	vst v63  }
0x48: {  	_ =	swait.ge [sflag:s20], $0x2000  }
0x49: {  	[sflag:s20] =	ssyncset.done $0x0  }
0x4a: {  	s29 =	simm.s32 $0x2800;
	[sflag:s20] =	ssyncadd.s32 $0xFFFFE000  }
0x4b: {  	[spmem:s3] =	stream.indirect.scatter.add.f32 [tilespmem:s17], [sflag:$0x1], $0x20, s29, s22, $0xb8;
	[tilespmem:$0x16E00] =	vst v63  }
0x4c: {  	_ =	swait.ge [sflag:s21], $0x2000  }
0x4d: {  	[sflag:s21] =	ssyncset.done $0x0  }
0x4e: {  	[sflag:s21] =	ssyncadd.s32 $0xFFFFE000  }
0x4f: {  	_ =	swait.ge [sflag:s25], $0x2000  }
0x50: {  	[sflag:s25] =	ssyncset.done $0x0  }
0x51: {  	[sflag:s25] =	ssyncadd.s32 $0xFFFFE000  }
0x52: {  	_ =	swait.ge [sflag:s26], $0x2000  }
0x53: {  	[sflag:s26] =	ssyncset.done $0x0  }
0x54: {  	[sflag:s26] =	ssyncadd.s32 $0xFFFFE000  }
0x55: {  	s30 =	simm.s32 $0x1800;
	_ =	swait.ge [sflag:s20], $0x2000  }
0x56: {  	s31 =	simm.s32 $0x400;
	s29 =	simm.s32 $0xC00;
	[sflag:s20] =	ssyncset.done $0x0  }
.LBB2_6:
0x57: {  	s0 =	sshra.s32 s31, $0x2  }
0x58: {  	s1 =	sshra.s32 s29, $0x2;
	[sflag:s20] =	ssyncadd.s32 $0xFFFFE000;
	s29 =	smov.u32 s30  }
0x59: {  	[tilespmem:s17], [sflag:$0x1] =	stream.indirect.gather [hbm4b:s5+s22], $0x20, s0, s22, $0xb8;
	[tilespmem:$0x16E00] =	vst v63  }
0x5a: {  	p0 =	sne.s32 s30, $0x6C00;
	s30 =	sadd.s32 $0xC00, s30;
	s15 =	sadd.s32 $0xA00, s1  }
0x5b: {  	[tilespmem:s23], [sflag:$0x2] =	stream.indirect.gather [spmem:s2], $0x20, s15, s22, $0xb8;
	[tilespmem:$0x16E00] =	vst v63  }
0x5c: {  	s15 =	sadd.s32 $0xB00, s1  }
0x5d: {  	[tilespmem:s19], [sflag:$0x3] =	stream.indirect.gather [spmem:s2], $0x20, s15, s22, $0xb8;
	[tilespmem:$0x16E00] =	vst v63  }
0x5e: {  	s15 =	sadd.s32 $0xC00, s1  }
0x5f: {  	[tilespmem:s24], [sflag:$0x4] =	stream.indirect.gather [spmem:s2], $0x20, s15, s22, $0xb8;
	[tilespmem:$0x16E00] =	vst v63  }
0x60: {  	_ =	swait.ge [sflag:s21], $0x2000  }
0x61: {  	[sflag:s21] =	ssyncset.done $0x0  }
0x62: {  	s15 =	sadd.s32 $0x3200, s1;
	[sflag:s21] =	ssyncadd.s32 $0xFFFFE000  }
0x63: {  	[spmem:s3] =	stream.indirect.scatter.add.f32 [tilespmem:s23], [sflag:$0x2], $0x20, s15, s22, $0xb8;
	[tilespmem:$0x16E00] =	vst v63  }
0x64: {  	_ =	swait.ge [sflag:s25], $0x2000  }
0x65: {  	[sflag:s25] =	ssyncset.done $0x0  }
0x66: {  	s15 =	sadd.s32 $0x3300, s1;
	[sflag:s25] =	ssyncadd.s32 $0xFFFFE000  }
0x67: {  	[spmem:s3] =	stream.indirect.scatter.add.f32 [tilespmem:s19], [sflag:$0x3], $0x20, s15, s22, $0xb8;
	[tilespmem:$0x16E00] =	vst v63  }
0x68: {  	_ =	swait.ge [sflag:s26], $0x2000  }
0x69: {  	[sflag:s26] =	ssyncset.done $0x0  }
0x6a: {  	s1 =	sadd.s32 $0x3400, s1;
	[sflag:s26] =	ssyncadd.s32 $0xFFFFE000  }
0x6b: {  	[spmem:s3] =	stream.indirect.scatter.add.f32 [tilespmem:s24], [sflag:$0x4], $0x20, s1, s22, $0xb8;
	[tilespmem:$0x16E00] =	vst v63  }
0x6c: {  	_ =	swait.ge [sflag:s20], $0x2000  }
0x6d: {  	[sflag:s20] =	ssyncset.done $0x0  }
0x6e: {  	s0 =	sadd.s32 $0x2800, s0;
	[sflag:s20] =	ssyncadd.s32 $0xFFFFE000  }
0x6f: {  	[spmem:s3] =	stream.indirect.scatter.add.f32 [tilespmem:s17], [sflag:$0x1], $0x20, s0, s22, $0xb8;
	[tilespmem:$0x16E00] =	vst v63  }
0x70: {  	_ =	swait.ge [sflag:s21], $0x2000  }
0x71: {  	[sflag:s21] =	ssyncset.done $0x0  }
0x72: {  	[sflag:s21] =	ssyncadd.s32 $0xFFFFE000  }
0x73: {  	_ =	swait.ge [sflag:s25], $0x2000  }
0x74: {  	[sflag:s25] =	ssyncset.done $0x0  }
0x75: {  	[sflag:s25] =	ssyncadd.s32 $0xFFFFE000  }
.Ltmp2:
0x76: {  	_ =	swait.ge [sflag:s26], $0x2000;
	(pc) =	sbr.rel @p0 .LBB2_6-.Ltmp2, $4  }
0x77: {  	[sflag:s26] =	ssyncset.done $0x0  }
0x78: {  	[sflag:s26] =	ssyncadd.s32 $0xFFFFE000  }
0x79: {  	_ =	swait.ge [sflag:s20], $0x2000  }
0x7a: {  	s31 =	sadd.s32 $0x400, s31;
	[sflag:s20] =	ssyncset.done $0x0  }
0x7b: {  	s0 =	sshra.s32 s31, $0x2;
	s1 =	sshra.s32 s29, $0x2;
	[sflag:s20] =	ssyncadd.s32 $0xFFFFE000  }
0x7c: {  	[tilespmem:s17], [sflag:$0x1] =	stream.indirect.gather [hbm4b:s5+s22], $0x20, s0, s22, $0xb8;
	[tilespmem:$0x16E00] =	vst v63  }
0x7d: {  	s15 =	sadd.s32 $0xA00, s1  }
0x7e: {  	[tilespmem:s23], [sflag:$0x2] =	stream.indirect.gather [spmem:s2], $0x20, s15, s22, $0xb8;
	[tilespmem:$0x16E00] =	vst v63  }
0x7f: {  	s29 =	sadd.s32 $0xB00, s1  }
0x80: {  	[tilespmem:s19], [sflag:$0x3] =	stream.indirect.gather [spmem:s2], $0x20, s29, s22, $0xb8;
	[tilespmem:$0x16E00] =	vst v63  }
0x81: {  	s30 =	sadd.s32 $0xC00, s1  }
0x82: {  	[tilespmem:s24], [sflag:$0x4] =	stream.indirect.gather [spmem:s2], $0x20, s30, s22, $0xb8;
	[tilespmem:$0x16E00] =	vst v63  }
0x83: {  	_ =	swait.ge [sflag:s21], $0x2000  }
0x84: {  	[sflag:s21] =	ssyncset.done $0x0  }
0x85: {  	s31 =	sadd.s32 $0x3200, s1;
	[sflag:s21] =	ssyncadd.s32 $0xFFFFE000  }
0x86: {  	[spmem:s3] =	stream.indirect.scatter.add.f32 [tilespmem:s23], [sflag:$0x2], $0x20, s31, s22, $0xb8;
	[tilespmem:$0x16E00] =	vst v63  }
0x87: {  	_ =	swait.ge [sflag:s25], $0x2000  }
0x88: {  	[sflag:s25] =	ssyncset.done $0x0  }
0x89: {  	s29 =	sadd.s32 $0x3300, s1;
	[sflag:s25] =	ssyncadd.s32 $0xFFFFE000  }
0x8a: {  	[spmem:s3] =	stream.indirect.scatter.add.f32 [tilespmem:s19], [sflag:$0x3], $0x20, s29, s22, $0xb8;
	[tilespmem:$0x16E00] =	vst v63  }
0x8b: {  	_ =	swait.ge [sflag:s26], $0x2000  }
0x8c: {  	[sflag:s26] =	ssyncset.done $0x0  }
0x8d: {  	s1 =	sadd.s32 $0x3400, s1;
	[sflag:s26] =	ssyncadd.s32 $0xFFFFE000  }
0x8e: {  	[spmem:s3] =	stream.indirect.scatter.add.f32 [tilespmem:s24], [sflag:$0x4], $0x20, s1, s22, $0xb8;
	[tilespmem:$0x16E00] =	vst v63  }
0x8f: {  	_ =	swait.ge [sflag:s20], $0x2000  }
0x90: {  	[sflag:s20] =	ssyncset.done $0x0  }
0x91: {  	s0 =	sadd.s32 $0x2800, s0;
	[sflag:s20] =	ssyncadd.s32 $0xFFFFE000  }
0x92: {  	[spmem:s3] =	stream.indirect.scatter.add.f32 [tilespmem:s17], [sflag:$0x1], $0x20, s0, s22, $0xb8;
	[tilespmem:$0x16E00] =	vst v63  }
0x93: {  	_ =	swait.ge [sflag:s21], $0x2000  }
0x94: {  	[sflag:s21] =	ssyncset.done $0x0  }
0x95: {  	[sflag:s21] =	ssyncadd.s32 $0xFFFFE000  }
0x96: {  	_ =	swait.ge [sflag:s25], $0x2000  }
0x97: {  	[sflag:s25] =	ssyncset.done $0x0  }
0x98: {  	[sflag:s25] =	ssyncadd.s32 $0xFFFFE000  }
0x99: {  	_ =	swait.ge [sflag:s26], $0x2000  }
0x9a: {  	[sflag:s26] =	ssyncset.done $0x0  }
0x9b: {  	[sflag:s26] =	ssyncadd.s32 $0xFFFFE000  }
0x9c: {  	_ =	swait.ge [sflag:s20], $0x2000  }
0x9d: {  	s28 =	sadd.s32 $0x1, s28;
	[sflag:s20] =	ssyncset.done $0x0  }
0x9e: {  	p0 =	sne.s32 s28, s14;
	s30 =	sor.u32 $0x1C05, s9;
	[sflag:s20] =	ssyncadd.s32 $0xFFFFE000  }
.Ltmp3:
0x9f: {  	s31 =	sshrl.u32 s11, $0x3;
	[bflag:$0x0] =	sbarrier.arrive $0xFFFF;
	(pc) =	sbr.rel @p0 .LBB2_1-.Ltmp3, $4  }
0xa0: {  	[hbm:s13], [sflag:s30] =	dma.local [spmem:s31], $0x9E0  }
0xa1: {  	_ =	swait.ge [sflag:s18], $0x9E0  }
0xa2: {  	[sflag:s18] =	ssyncset.done $0x0  }
0xa3: {  	[sflag:s18] =	ssyncadd.s32 $0xFFFFF620  }
0xa4: {  	_ =	sfence.sel $0x180000  }
0xa5: {  	[bflag:$0x0] =	sbarrier.arrive $0xFFFF  }
0xa6: {  	_ =	strace $0x90000053  }
0xa7: {  	s0 =	stileid.u32;
	[bflag:$0x2] =	sbarrier.arrive $0xFFFF  }
0xa8: {  	p0 =	sne.s32 s0, $0x0;
	s0 =	rddreg [dreg:$0x3]  }
0xa9: {  	s0 =	sadd.s32 @!p0 $0x100000, s0  }
0xaa: {  	[sflag:s0] =	ssyncadd.tile.s32 @!p0 $0x1;
	_ =	shalt  }
.Lfunc_end2:
_tile_overlayer_lowered:
.L_overlay_start_2:
0xab: {  	(tag) =	ssettag $0x2  }
0xac: {  	s0 =	rddreg [dreg:$0x0];
	s2 =	stileid.u32  }
0xad: {  	s1 =	rddreg [dreg:$0x1];
	p0 =	sne.s32 s2, $0x0  }
0xae: {  	s3 =	rddreg [dreg:$0x2];
	[bflag:$0x3] =	sbarrier.arrive $0xFFFF;
	s2 =	simm.s32 @!p0 $0x1C05  }
0xaf: {  	[timem:s3], [sflag:s2] =	dma.local @!p0 [hbm:s0], s1  }
0xb0: {  	s0 =	simm.s32 @!p0 $0x5  }
0xb1: {  	_ =	swait.ge @!p0 [sflag:s0], s1  }
0xb2: {  	s1 =	ssub.s32 @!p0 $0x0, s1;
	[sflag:s0] =	ssyncset.done @!p0 $0x0  }
0xb3: {  	[sflag:s0] =	ssyncadd.s32 @!p0 s1  }
0xb4: {  	[bflag:$0x3] =	sbarrier.arrive $0xFFFF  }
0xb5: {  	_ =	shalt  }

// kernel: kernel.31.cloned.1.call-start
scs
__scs_entry_jumppad:
0x0: {  	(pc) =	sbr.rel $0x88, $3  }
0x1: {  	(tag) =	ssettag $0x0;
	lr =	simm.s32 $0x1  }
0x2: {  	[smem:$0x3F91] =	sst lr;
	_ =	strace $0xD0000000  }
0x3: {  	_ = 	snop  }
0x4: {  	_ = 	snop  }
0x5: {  	_ = 	snop  }
0x6: {  	_ = 	snop  }
0x7: {  	_ = 	snop  }
__scs_overlays_trampoline_lowered:
0x8: {  	[smem:$0x3FA0] =	sst s0  }
0x9: {  	[smem:$0x3FA1] =	sst s1  }
0xa: {  	[smem:$0x3FA2] =	sst s2  }
0xb: {  	[smem:$0x3FA3] =	sst s3  }
0xc: {  	[smem:$0x3FA4] =	sst s4  }
0xd: {  	[smem:$0x3FA5] =	sst s5  }
0xe: {  	[smem:$0x3FA6] =	sst s6  }
0xf: {  	[smem:$0x3FA7] =	sst s7  }
0x10: {  	[smem:$0x3FA8] =	sst s8  }
0x11: {  	[smem:$0x3FA9] =	sst s9;
	s0 =	simm.s32 @!p0 $0x0  }
0x12: {  	s1 =	sld [smem:$0x3F8F];
	s0 =	simm.s32 @p0 $0x1  }
0x13: {  	[smem:$0x3FAA] =	sst s0;
	s0 =	simm.s32 @!p1 $0x0  }
0x14: {  	s2 =	sld [smem:$0x3F8E];
	s0 =	simm.s32 @p1 $0x1  }
0x15: {  	[smem:$0x3FAB] =	sst s0;
	s0 =	simm.s32 @!p2 $0x0  }
0x16: {  	s3 =	sld [smem:$0x3FDB];
	s0 =	simm.s32 @p2 $0x1  }
0x17: {  	s4 =	simm.s32 $0x1BF5;
	[smem:$0x3FAD] =	sst s0  }
0x18: {  	s0 =	sld [smem:$0x3F90];
	_ =	swait.ge [sflag:s4], $0x0  }
0x19: {  	s7 =	sld [smem:$0x3F91]  }
0x1a: {  	s8 =	sadd.s32 $0xFFFFE003, lr  }
0x1b: {  	s9 =	sadd.s32 $0xFFFFFEF7, lr;
	s5 =	simm.s32 $0xFFFFFFFF;
	p2 =	slt.u32 s8, $0xFFFFF086  }
0x1c: {  	p1 =	slt.u32 s9, $0xF7A;
	s5 =	simm.s32 @!p2 $0x0  }
0x1d: {  	s5 =	simm.s32 @p1 $0x1;
	p0 =	seq.s32 s7, s2  }
0x1e: {  	s7 =	smul.u32 @!p0 $0xF7A, s2;
	p2 =	seq.s32 @!p0 s5, $0x0  }
0x1f: {  	s9 =	smul.u32 $0xF7A, s1;
	s8 =	simm.s32 @!p0 $0x1BF5;
	p2 =	por !p2, p0  }
0x20: {  	[sflag:s8] =	ssyncset.s32 @!p0 $0xFFFFF086;
	s6 =	sadd.s32 @!p0 s3, s7;
	s7 =	simm.s32 @!p0 $0x108  }
0x21: {  	s3 =	sadd.s32 s3, s9;
	s6 =	sadd.s32 @!p0 $0x88, s6;
	s7 =	simm.s32 @p2 $0x1082  }
0x22: {  	[simem:s7], [sflag:s8] =	dma.local @!p0 [hbm:s6], $0xF7A  }
0x23: {  	s9 =	sor.u32 $0xD0000000, s2;
	s6 =	simm.s32 $0x108;
	_ =	swait.ge @!p0 [sflag:s8], $0x0  }
0x24: {  	s3 =	sadd.s32 $0x88, s3;
	s6 =	simm.s32 @!p1 $0x1082;
	[sflag:s4] =	ssyncset.s32 $0xFFFFF086  }
0x25: {  	[simem:s6], [sflag:s4] =	dma.local [hbm:s3], $0xF7A  }
0x26: {  	[smem:$0x3F91] =	sst s1;
	(tag) =	ssettag s2;
	_ =	strace s9  }
0x27: {  	s1 =	sld [smem:$0x3FA1]  }
0x28: {  	s2 =	sld [smem:$0x3FA2]  }
0x29: {  	s4 =	sld [smem:$0x3FA4]  }
0x2a: {  	p0 =	seq.s32 s5, $0x0;
	s5 =	sld [smem:$0x3FA5]  }
0x2b: {  	s6 =	sld [smem:$0x3FA6]  }
0x2c: {  	s7 =	sld [smem:$0x3FA7]  }
0x2d: {  	s3 =	simm.s32 $0x108;
	s8 =	sld [smem:$0x3FA8]  }
0x2e: {  	s3 =	simm.s32 @!p0 $0x1082;
	s9 =	sld [smem:$0x3FA9]  }
0x2f: {  	lr =	sadd.s32 s0, s3;
	s0 =	sld [smem:$0x3FA0]  }
0x30: {  	s3 =	sld [smem:$0x3FA3]  }
0x31: {  	[smem:$0x3FAC] =	sst s10  }
0x32: {  	s10 =	sld [smem:$0x3FAA];
	_ =	sdelay $0x3  }
0x33: {  	p0 =	seq.s32 s10, $0x1;
	s10 =	sld [smem:$0x3FAC];
	_ =	sdelay $0x3  }
0x34: {  	[smem:$0x3FAC] =	sst s10  }
0x35: {  	s10 =	sld [smem:$0x3FAB];
	_ =	sdelay $0x3  }
0x36: {  	p1 =	seq.s32 s10, $0x1;
	s10 =	sld [smem:$0x3FAC];
	_ =	sdelay $0x3  }
0x37: {  	[smem:$0x3FAC] =	sst s10  }
0x38: {  	s10 =	sld [smem:$0x3FAD]  }
0x39: {  	_ = 	snop;
	(pc) =	sbr.ind lr, $3  }
0x3a: {  	_ = 	snop  }
0x3b: {  	_ = 	snop  }
0x3c: {  	p2 =	seq.s32 s10, $0x1;
	s10 =	sld [smem:$0x3FAC]  }
0x3d: {  	_ =	shalt  }
0x3e: {  	_ =	shalt  }
0x3f: {  	_ =	shalt  }
0x40: {  	_ =	shalt  }
0x41: {  	_ =	shalt  }
0x42: {  	_ =	shalt  }
0x43: {  	_ =	shalt  }
0x44: {  	_ =	shalt  }
0x45: {  	_ =	shalt  }
0x46: {  	_ =	shalt  }
0x47: {  	_ =	shalt  }
0x48: {  	_ =	shalt  }
0x49: {  	_ =	shalt  }
0x4a: {  	_ =	shalt  }
0x4b: {  	_ =	shalt  }
0x4c: {  	_ =	shalt  }
0x4d: {  	_ =	shalt  }
0x4e: {  	_ =	shalt  }
0x4f: {  	_ =	shalt  }
0x50: {  	_ =	shalt  }
0x51: {  	_ =	shalt  }
0x52: {  	_ =	shalt  }
0x53: {  	_ =	shalt  }
0x54: {  	_ =	shalt  }
0x55: {  	_ =	shalt  }
0x56: {  	_ =	shalt  }
0x57: {  	_ =	shalt  }
0x58: {  	_ =	shalt  }
0x59: {  	_ =	shalt  }
0x5a: {  	_ =	shalt  }
0x5b: {  	_ =	shalt  }
0x5c: {  	_ =	shalt  }
0x5d: {  	_ =	shalt  }
0x5e: {  	_ =	shalt  }
0x5f: {  	_ =	shalt  }
0x60: {  	_ =	shalt  }
0x61: {  	_ =	shalt  }
0x62: {  	_ =	shalt  }
0x63: {  	_ =	shalt  }
0x64: {  	_ =	shalt  }
0x65: {  	_ =	shalt  }
0x66: {  	_ =	shalt  }
0x67: {  	_ =	shalt  }
0x68: {  	_ =	shalt  }
0x69: {  	_ =	shalt  }
0x6a: {  	_ =	shalt  }
0x6b: {  	_ =	shalt  }
0x6c: {  	_ =	shalt  }
0x6d: {  	_ =	shalt  }
0x6e: {  	_ =	shalt  }
0x6f: {  	_ =	shalt  }
0x70: {  	_ =	shalt  }
0x71: {  	_ =	shalt  }
0x72: {  	_ =	shalt  }
0x73: {  	_ =	shalt  }
0x74: {  	_ =	shalt  }
0x75: {  	_ =	shalt  }
0x76: {  	_ =	shalt  }
0x77: {  	_ =	shalt  }
0x78: {  	_ =	shalt  }
0x79: {  	_ =	shalt  }
0x7a: {  	_ =	shalt  }
0x7b: {  	_ =	shalt  }
0x7c: {  	_ =	shalt  }
0x7d: {  	_ =	shalt  }
0x7e: {  	_ =	shalt  }
0x7f: {  	_ =	shalt  }
0x80: {  	_ =	shalt  }
0x81: {  	_ =	shalt  }
0x82: {  	_ =	shalt  }
0x83: {  	_ =	shalt  }
0x84: {  	_ =	shalt  }
0x85: {  	_ =	shalt  }
0x86: {  	_ =	shalt  }
0x87: {  	_ =	shalt  }
.Lfunc_end0:
.L_simem_size_0:
called_computation.5_lowered:
.L_overlay_start_0:
0x88: {  	s2 =	sld [smem:$0x3FD9]  }
0x89: {  	s3 =	sld [smem:$0x3FFE];
	_ =	sdelay $0x1  }
0x8a: {  	s1 =	srdreg.scid  }
0x8b: {  	s0 =	sand.u32 $0x1, s1  }
0x8c: {  	s16 =	sshll.u32 s0, $0xA;
	s2 =	sadd.s32 s3, s2  }
0x8d: {  	s2 =	sadd.s32 s2, s16  }
0x8e: {  	[smem:$0x3FB8] =	sst s2  }
0x8f: {  	_ = 	snop  }
0x90: {  	(tm) =	ssettm $0x1  }
0x91: {  	s17 =	sld [smem:$0x3FFB];
	_ =	sdelay $0x3  }
0x92: {  	_ =	strace s17  }
0x93: {  	s2 =	sld [smem:$0x3FFC];
	_ =	sdelay $0x3  }
0x94: {  	_ =	strace s2  }
0x95: {  	s2 =	sld [smem:$0x3FFD];
	_ =	sdelay $0x3  }
0x96: {  	_ =	strace s2  }
0x97: {  	_ =	strace $0x8FFFFFFF  }
0x98: {  	s18 =	sld [smem:$0x3FDB];
	_ =	sdelay $0x1  }
0x99: {  	s19 =	simm.s32 $_scs_section_size  }
0x9a: {  	s4 =	simm.s32 $_size__tile_overlayer_lowered;
	s5 =	simm.s32 $_tile_overlayer_lowered  }
0x9b: {  	s22 =	simm.s32 $0x1BFF;
	s21 =	sshll.u32 s5, $0x1;
	s2 =	sadd.s32 s19, s18  }
0x9c: {  	s6 =	simm.s32 $0x0;
	s20 =	sshll.u32 s4, $0x1;
	s4 =	sadd.s32 s21, s2  }
0x9d: {  	[timem:s6], [sflag:s22] =	dma.local [hbm:s4], s20  }
0x9e: {  	_ =	swait.ge [sflag:s22], s20  }
0x9f: {  	s3 =	ssub.s32 $0x0, s20;
	[sflag:s22] =	ssyncset.done $0x0  }
0xa0: {  	[sflag:s22] =	ssyncadd.s32 s3;
	_ =	sdelay $0x1  }
0xa1: {  	s23 =	simm.s32 $0x1B8B  }
0xa2: {  	_ =	swait.ge [sflag:s23], $0x1  }
0xa3: {  	[sflag:s23] =	ssyncset.done $0x0  }
0xa4: {  	s25 =	simm.s32 $0x1B8E;
	s24 =	sld [smem:$0x3FFE];
	[sflag:s23] =	ssyncadd.s32 $0xFFFFFFFF  }
0xa5: {  	s26 =	simm.s32 $execute0_lowered;
	[smem:$0x3FD2] =	sst s25  }
0xa6: {  	s4 =	sshll.u32 s26, $0x1;
	_ =	strace $0x80000055;
	[dreg:$0x1] =	wrdreg $0xFFFFFFFF  }
0xa7: {  	s28 =	simm.s32 $_size_execute0_lowered;
	s2 =	sadd.s32 s2, s4;
	[dreg:$0x0] =	wrdreg $0x0  }
0xa8: {  	s4 =	sshll.u32 s28, $0x1;
	[dreg:$0x2] =	wrdreg s2  }
0xa9: {  	[dreg:$0x3] =	wrdreg s4  }
0xaa: {  	[dreg:$0x4] =	wrdreg $0xC0  }
0xab: {  	_ =	task [dreg:s6], $0x5FFFF  }
0xac: {  	[dreg:$0x1] =	wrdreg $0xFFFFFFFF  }
0xad: {  	[dreg:$0x0] =	wrdreg $0x60  }
0xae: {  	[dreg:$0x2] =	wrdreg s24  }
0xaf: {  	[dreg:$0x3] =	wrdreg $0xD0000  }
0xb0: {  	[dreg:$0x4] =	wrdreg $0x11F000  }
0xb1: {  	[dreg:$0x5] =	wrdreg $0x9  }
0xb2: {  	_ =	task.clear_ibuf [dreg:s6], $0x6FFFF;
	_ =	strace $0x90000055  }
0xb3: {  	s29 =	simm.s32 $0x9;
	_ =	strace $0x80000057  }
0xb4: {  	_ =	swait.ge [sflag:s29], $0x1  }
0xb5: {  	[sflag:s29] =	ssyncadd.s32 $0xFFFFFFFF  }
0xb6: {  	_ =	strace $0x90000057  }
0xb7: {  	_ =	sfence  }
0xb8: {  	s30 =	sld [smem:$0x0];
	_ =	sdelay $0x2  }
0xb9: {  	s31 =	sshll.u32 s1, $0xD;
	s1 =	sshrl.u32 s1, $0x2  }
0xba: {  	s3 =	sand.u32 $0x4000, s31;
	s1 =	sadd.s32 s1, s30  }
0xbb: {  	s0 =	sor.u32 s3, s0;
	s1 =	sshll.u32 s1, $0x11  }
0xbc: {  	s0 =	sor.u32 s1, s0  }
0xbd: {  	s0 =	sadd.s32 $0x8F2B, s0  }
0xbe: {  	[sflag:s0] =	ssyncadd.remote.s32 $0x1  }
0xbf: {  	_ =	sfence.sel $0xFFFF  }
0xc0: {  	[dreg:$0x0] =	wrdreg $0xFFFFFFFF;
	(pc) =	sbr.abs _section_cstart, $3  }
0xc1: {  	[dreg:$0x1] =	wrdreg $0xFFFFFFFF  }
0xc2: {  	_ =	task.clear_ibuf [dreg:s6], $0x2FFFF;
	_ =	strace $0x9FFFFFFF  }
0xc3: {  	(tm) =	ssettm $0x7FFFFFFF  }
tec
execute0_lowered:
.L_overlay_start_1:
0x0: {  	(tag) =	ssettag $0x1  }
0x1: {  	s6 =	rddreg [dreg:$0x0]  }
0x2: {  	s2 =	rddreg [dreg:$0x1];
	s0 =	srdreg.scid  }
0x3: {  	s3 =	rddreg [dreg:$0x2];
	s1 =	stileid.u32;
	s4 =	simm.s32 $0x0  }
0x4: {  	s17 =	simm.s32 $0x5000;
	s18 =	simm.s32 $0x5;
	s19 =	simm.s32 $0x9000  }
0x5: {  	s20 =	simm.s32 $0x1;
	s21 =	simm.s32 $0x2;
	s22 =	simm.s32 $0x100  }
0x6: {  	s23 =	simm.s32 $0x7000;
	s24 =	simm.s32 $0xB000;
	s25 =	simm.s32 $0x3  }
0x7: {  	s26 =	simm.s32 $0x4;
	s28 =	simm.s32 $0x0;
	s11 =	smul.u32 $0x4F00, s1  }
0x8: {  	s7 =	sand.u32 $0x1, s0;
	[smem:$0x7FF] =	sst s4;
	s30 =	smul.u32 $0x13C00, s1  }
0x9: {  	s5 =	sshll.u32 s7, $0x4;
	s8 =	smul.u32 $0x4F000, s7;
	s7 =	ssub.s32 $0x2, s7  }
0xa: {  	_ =	strace $0x80000056;
	s5 =	sor.u32 s1, s5;
	s29 =	sshrl.u32 s7, $0x1  }
0xb: {  	s16 =	sadd.s32 s11, s2;
	s31 =	sshrl.u32 s11, $0x3;
	s10 =	sshrl.u32 s30, $0x2  }
0xc: {  	s9 =	smul.u32 $0x500, s5;
	s5 =	sadd.s32 $0xE600, s6;
	s8 =	sadd.s32 s11, s8  }
0xd: {  	s14 =	ssub.s32 s7, s29;
	s12 =	sadd.s32 s10, s3;
	s11 =	sadd.s32 s11, s3  }
0xe: {  	s16 =	sshrl.u32 s16, $0x3;
	s8 =	sshrl.u32 s8, $0x3;
	s12 =	sadd.s32 $0x4000, s12  }
0xf: {  	s14 =	smax.u32 s14, $0x1;
	s9 =	sadd.s32 s9, s6;
	s13 =	sadd.s32 s8, s6  }
0x10: {  	s6 =	sadd.s32 $0x18400, s9;
	s7 =	sadd.s32 $0x4600, s9;
	s9 =	sshll.u32 s1, $0x6  }
0x11: {  	v0 =	vimm.f32 $0.0e+00;
	s8 =	sadd.s32 s5, s31;
	s13 =	sadd.s32 $0x22400, s13;
	s10 =	sor.u32 $0x1C02, s9  }
.LBB2_1:
0x12: {  	[tilespmem:s4], [sflag:$0x1] =	stream.linear.gather [hbm4b:s6+s4], $0x2800, $0x38;
	[tilespmem:$0x16E00] =	vst v63  }
0x13: {  	s0 =	simm.s32 $0x2800;
	s29 =	simm.s32 $0x0  }
0x14: {  	[tilespmem:s0], [sflag:$0x1] =	stream.linear.gather [hbm4b:s7+s4], $0x2800, $0x38;
	[tilespmem:$0x16E00] =	vst v63  }
0x15: {  	[spmem:s16], [sflag:s10] =	dma.local [hbm:s8], $0x9E0  }
.LBB2_2:
0x16: {  	p0 =	sne.s32 s29, $0xFF80  }
.Ltmp0:
0x17: {  	_ = 	snop;
	(pc) =	sbr.rel @p0 .LBB2_2-.Ltmp0, $4  }
0x18: {  	_ = 	snop  }
0x19: {  	s30 =	sshra.s32 s29, $0x2  }
0x1a: {  	[tilespmem:s30+$0x5000] =	vst v0  }
0x1b: {  	s29 =	sadd.s32 $0x80, s29;
	[tilespmem:s30+$0x5010] =	vst v0  }
0x1c: {  	s29 =	simm.s32 $0x80;
	s30 =	simm.s32 $0x0  }
.LBB2_4:
0x1d: {  	p0 =	sne.s32 s29, $0x3B80;
	[tilespmem:s30+$0x9000] =	vst v0;
	s31 =	smov.u32 s29;
	s29 =	sadd.s32 $0x80, s29  }
.Ltmp1:
0x1e: {  	[tilespmem:s30+$0x9010] =	vst v0;
	(pc) =	sbr.rel @p0 .LBB2_4-.Ltmp1, $2  }
0x1f: {  	_ =	sdelay $0x2  }
0x20: {  	s30 =	sshra.s32 s31, $0x2  }
0x21: {  	[tilespmem:s30+$0x9000] =	vst v0  }
0x22: {  	[tilespmem:s30+$0x9010] =	vst v0  }
0x23: {  	[spmem:s11] =	stream.linear.scatter [tilespmem:s17], [sflag:$0x5], $0x4000, $0x38;
	[tilespmem:$0x16E00] =	vst v63  }
0x24: {  	_ =	swait.ge [sflag:s18], $0x4000  }
0x25: {  	[sflag:s18] =	ssyncset.done $0x0  }
0x26: {  	[sflag:s18] =	ssyncadd.s32 $0xFFFFC000  }
0x27: {  	[spmem:s12] =	stream.linear.scatter [tilespmem:s19], [sflag:$0x5], $0xF00, $0x38;
	[tilespmem:$0x16E00] =	vst v63  }
0x28: {  	_ =	swait.ge [sflag:s18], $0xF00  }
0x29: {  	[sflag:s18] =	ssyncset.done $0x0  }
0x2a: {  	[sflag:s18] =	ssyncadd.s32 $0xFFFFF100  }
0x2b: {  	_ =	swait.ge [sflag:s20], $0x2800  }
0x2c: {  	[sflag:s20] =	ssyncset.done $0x0  }
0x2d: {  	[sflag:s20] =	ssyncadd.s32 $0xFFFFD800  }
0x2e: {  	_ =	swait.ge [sflag:s20], $0x2800  }
0x2f: {  	[sflag:s20] =	ssyncset.done $0x0  }
0x30: {  	[sflag:s20] =	ssyncadd.s32 $0xFFFFD800  }
0x31: {  	_ =	swait.ge [sflag:s21], $0x9E0  }
0x32: {  	[sflag:s21] =	ssyncset.done $0x0  }
0x33: {  	[sflag:s21] =	ssyncadd.s32 $0xFFFFF620  }
0x34: {  	s29 =	simm.s32 $0x0;
	[bflag:$0x0] =	sbarrier.arrive $0xFFFF  }
0x35: {  	[tilespmem:s17], [sflag:$0x1] =	stream.indirect.gather [hbm4b:s5+s22], $0x20, s29, s22, $0xb8;
	[tilespmem:$0x16E00] =	vst v63  }
0x36: {  	s29 =	simm.s32 $0xA00  }
0x37: {  	[tilespmem:s23], [sflag:$0x2] =	stream.indirect.gather [spmem:s2], $0x20, s29, s22, $0xb8;
	[tilespmem:$0x16E00] =	vst v63  }
0x38: {  	s29 =	simm.s32 $0xB00  }
0x39: {  	[tilespmem:s19], [sflag:$0x3] =	stream.indirect.gather [spmem:s2], $0x20, s29, s22, $0xb8;
	[tilespmem:$0x16E00] =	vst v63  }
0x3a: {  	s29 =	simm.s32 $0xC00  }
0x3b: {  	[tilespmem:s24], [sflag:$0x4] =	stream.indirect.gather [spmem:s2], $0x20, s29, s22, $0xb8;
	[tilespmem:$0x16E00] =	vst v63  }
0x3c: {  	_ =	swait.ge [sflag:s21], $0x2000  }
0x3d: {  	[sflag:s21] =	ssyncset.done $0x0  }
0x3e: {  	s29 =	simm.s32 $0x3200;
	[sflag:s21] =	ssyncadd.s32 $0xFFFFE000  }
0x3f: {  	[spmem:s3] =	stream.indirect.scatter.add.f32 [tilespmem:s23], [sflag:$0x2], $0x20, s29, s22, $0xb8;
	[tilespmem:$0x16E00] =	vst v63  }
0x40: {  	_ =	swait.ge [sflag:s25], $0x2000  }
0x41: {  	[sflag:s25] =	ssyncset.done $0x0  }
0x42: {  	s29 =	simm.s32 $0x3300;
	[sflag:s25] =	ssyncadd.s32 $0xFFFFE000  }
0x43: {  	[spmem:s3] =	stream.indirect.scatter.add.f32 [tilespmem:s19], [sflag:$0x3], $0x20, s29, s22, $0xb8;
	[tilespmem:$0x16E00] =	vst v63  }
0x44: {  	_ =	swait.ge [sflag:s26], $0x2000  }
0x45: {  	[sflag:s26] =	ssyncset.done $0x0  }
0x46: {  	s29 =	simm.s32 $0x3400;
	[sflag:s26] =	ssyncadd.s32 $0xFFFFE000  }
0x47: {  	[spmem:s3] =	stream.indirect.scatter.add.f32 [tilespmem:s24], [sflag:$0x4], $0x20, s29, s22, $0xb8;
	[tilespmem:$0x16E00] =	vst v63  }
0x48: {  	_ =	swait.ge [sflag:s20], $0x2000  }
0x49: {  	[sflag:s20] =	ssyncset.done $0x0  }
0x4a: {  	s29 =	simm.s32 $0x2800;
	[sflag:s20] =	ssyncadd.s32 $0xFFFFE000  }
0x4b: {  	[spmem:s3] =	stream.indirect.scatter.add.f32 [tilespmem:s17], [sflag:$0x1], $0x20, s29, s22, $0xb8;
	[tilespmem:$0x16E00] =	vst v63  }
0x4c: {  	_ =	swait.ge [sflag:s21], $0x2000  }
0x4d: {  	[sflag:s21] =	ssyncset.done $0x0  }
0x4e: {  	[sflag:s21] =	ssyncadd.s32 $0xFFFFE000  }
0x4f: {  	_ =	swait.ge [sflag:s25], $0x2000  }
0x50: {  	[sflag:s25] =	ssyncset.done $0x0  }
0x51: {  	[sflag:s25] =	ssyncadd.s32 $0xFFFFE000  }
0x52: {  	_ =	swait.ge [sflag:s26], $0x2000  }
0x53: {  	[sflag:s26] =	ssyncset.done $0x0  }
0x54: {  	[sflag:s26] =	ssyncadd.s32 $0xFFFFE000  }
0x55: {  	s30 =	simm.s32 $0x1800;
	_ =	swait.ge [sflag:s20], $0x2000  }
0x56: {  	s31 =	simm.s32 $0x400;
	s29 =	simm.s32 $0xC00;
	[sflag:s20] =	ssyncset.done $0x0  }
.LBB2_6:
0x57: {  	s0 =	sshra.s32 s31, $0x2  }
0x58: {  	s1 =	sshra.s32 s29, $0x2;
	[sflag:s20] =	ssyncadd.s32 $0xFFFFE000;
	s29 =	smov.u32 s30  }
0x59: {  	[tilespmem:s17], [sflag:$0x1] =	stream.indirect.gather [hbm4b:s5+s22], $0x20, s0, s22, $0xb8;
	[tilespmem:$0x16E00] =	vst v63  }
0x5a: {  	p0 =	sne.s32 s30, $0x6C00;
	s30 =	sadd.s32 $0xC00, s30;
	s15 =	sadd.s32 $0xA00, s1  }
0x5b: {  	[tilespmem:s23], [sflag:$0x2] =	stream.indirect.gather [spmem:s2], $0x20, s15, s22, $0xb8;
	[tilespmem:$0x16E00] =	vst v63  }
0x5c: {  	s15 =	sadd.s32 $0xB00, s1  }
0x5d: {  	[tilespmem:s19], [sflag:$0x3] =	stream.indirect.gather [spmem:s2], $0x20, s15, s22, $0xb8;
	[tilespmem:$0x16E00] =	vst v63  }
0x5e: {  	s15 =	sadd.s32 $0xC00, s1  }
0x5f: {  	[tilespmem:s24], [sflag:$0x4] =	stream.indirect.gather [spmem:s2], $0x20, s15, s22, $0xb8;
	[tilespmem:$0x16E00] =	vst v63  }
0x60: {  	_ =	swait.ge [sflag:s21], $0x2000  }
0x61: {  	[sflag:s21] =	ssyncset.done $0x0  }
0x62: {  	s15 =	sadd.s32 $0x3200, s1;
	[sflag:s21] =	ssyncadd.s32 $0xFFFFE000  }
0x63: {  	[spmem:s3] =	stream.indirect.scatter.add.f32 [tilespmem:s23], [sflag:$0x2], $0x20, s15, s22, $0xb8;
	[tilespmem:$0x16E00] =	vst v63  }
0x64: {  	_ =	swait.ge [sflag:s25], $0x2000  }
0x65: {  	[sflag:s25] =	ssyncset.done $0x0  }
0x66: {  	s15 =	sadd.s32 $0x3300, s1;
	[sflag:s25] =	ssyncadd.s32 $0xFFFFE000  }
0x67: {  	[spmem:s3] =	stream.indirect.scatter.add.f32 [tilespmem:s19], [sflag:$0x3], $0x20, s15, s22, $0xb8;
	[tilespmem:$0x16E00] =	vst v63  }
0x68: {  	_ =	swait.ge [sflag:s26], $0x2000  }
0x69: {  	[sflag:s26] =	ssyncset.done $0x0  }
0x6a: {  	s1 =	sadd.s32 $0x3400, s1;
	[sflag:s26] =	ssyncadd.s32 $0xFFFFE000  }
0x6b: {  	[spmem:s3] =	stream.indirect.scatter.add.f32 [tilespmem:s24], [sflag:$0x4], $0x20, s1, s22, $0xb8;
	[tilespmem:$0x16E00] =	vst v63  }
0x6c: {  	_ =	swait.ge [sflag:s20], $0x2000  }
0x6d: {  	[sflag:s20] =	ssyncset.done $0x0  }
0x6e: {  	s0 =	sadd.s32 $0x2800, s0;
	[sflag:s20] =	ssyncadd.s32 $0xFFFFE000  }
0x6f: {  	[spmem:s3] =	stream.indirect.scatter.add.f32 [tilespmem:s17], [sflag:$0x1], $0x20, s0, s22, $0xb8;
	[tilespmem:$0x16E00] =	vst v63  }
0x70: {  	_ =	swait.ge [sflag:s21], $0x2000  }
0x71: {  	[sflag:s21] =	ssyncset.done $0x0  }
0x72: {  	[sflag:s21] =	ssyncadd.s32 $0xFFFFE000  }
0x73: {  	_ =	swait.ge [sflag:s25], $0x2000  }
0x74: {  	[sflag:s25] =	ssyncset.done $0x0  }
0x75: {  	[sflag:s25] =	ssyncadd.s32 $0xFFFFE000  }
.Ltmp2:
0x76: {  	_ =	swait.ge [sflag:s26], $0x2000;
	(pc) =	sbr.rel @p0 .LBB2_6-.Ltmp2, $4  }
0x77: {  	[sflag:s26] =	ssyncset.done $0x0  }
0x78: {  	[sflag:s26] =	ssyncadd.s32 $0xFFFFE000  }
0x79: {  	_ =	swait.ge [sflag:s20], $0x2000  }
0x7a: {  	s31 =	sadd.s32 $0x400, s31;
	[sflag:s20] =	ssyncset.done $0x0  }
0x7b: {  	s0 =	sshra.s32 s31, $0x2;
	s1 =	sshra.s32 s29, $0x2;
	[sflag:s20] =	ssyncadd.s32 $0xFFFFE000  }
0x7c: {  	[tilespmem:s17], [sflag:$0x1] =	stream.indirect.gather [hbm4b:s5+s22], $0x20, s0, s22, $0xb8;
	[tilespmem:$0x16E00] =	vst v63  }
0x7d: {  	s15 =	sadd.s32 $0xA00, s1  }
0x7e: {  	[tilespmem:s23], [sflag:$0x2] =	stream.indirect.gather [spmem:s2], $0x20, s15, s22, $0xb8;
	[tilespmem:$0x16E00] =	vst v63  }
0x7f: {  	s29 =	sadd.s32 $0xB00, s1  }
0x80: {  	[tilespmem:s19], [sflag:$0x3] =	stream.indirect.gather [spmem:s2], $0x20, s29, s22, $0xb8;
	[tilespmem:$0x16E00] =	vst v63  }
0x81: {  	s30 =	sadd.s32 $0xC00, s1  }
0x82: {  	[tilespmem:s24], [sflag:$0x4] =	stream.indirect.gather [spmem:s2], $0x20, s30, s22, $0xb8;
	[tilespmem:$0x16E00] =	vst v63  }
0x83: {  	_ =	swait.ge [sflag:s21], $0x2000  }
0x84: {  	[sflag:s21] =	ssyncset.done $0x0  }
0x85: {  	s31 =	sadd.s32 $0x3200, s1;
	[sflag:s21] =	ssyncadd.s32 $0xFFFFE000  }
0x86: {  	[spmem:s3] =	stream.indirect.scatter.add.f32 [tilespmem:s23], [sflag:$0x2], $0x20, s31, s22, $0xb8;
	[tilespmem:$0x16E00] =	vst v63  }
0x87: {  	_ =	swait.ge [sflag:s25], $0x2000  }
0x88: {  	[sflag:s25] =	ssyncset.done $0x0  }
0x89: {  	s29 =	sadd.s32 $0x3300, s1;
	[sflag:s25] =	ssyncadd.s32 $0xFFFFE000  }
0x8a: {  	[spmem:s3] =	stream.indirect.scatter.add.f32 [tilespmem:s19], [sflag:$0x3], $0x20, s29, s22, $0xb8;
	[tilespmem:$0x16E00] =	vst v63  }
0x8b: {  	_ =	swait.ge [sflag:s26], $0x2000  }
0x8c: {  	[sflag:s26] =	ssyncset.done $0x0  }
0x8d: {  	s1 =	sadd.s32 $0x3400, s1;
	[sflag:s26] =	ssyncadd.s32 $0xFFFFE000  }
0x8e: {  	[spmem:s3] =	stream.indirect.scatter.add.f32 [tilespmem:s24], [sflag:$0x4], $0x20, s1, s22, $0xb8;
	[tilespmem:$0x16E00] =	vst v63  }
0x8f: {  	_ =	swait.ge [sflag:s20], $0x2000  }
0x90: {  	[sflag:s20] =	ssyncset.done $0x0  }
0x91: {  	s0 =	sadd.s32 $0x2800, s0;
	[sflag:s20] =	ssyncadd.s32 $0xFFFFE000  }
0x92: {  	[spmem:s3] =	stream.indirect.scatter.add.f32 [tilespmem:s17], [sflag:$0x1], $0x20, s0, s22, $0xb8;
	[tilespmem:$0x16E00] =	vst v63  }
0x93: {  	_ =	swait.ge [sflag:s21], $0x2000  }
0x94: {  	[sflag:s21] =	ssyncset.done $0x0  }
0x95: {  	[sflag:s21] =	ssyncadd.s32 $0xFFFFE000  }
0x96: {  	_ =	swait.ge [sflag:s25], $0x2000  }
0x97: {  	[sflag:s25] =	ssyncset.done $0x0  }
0x98: {  	[sflag:s25] =	ssyncadd.s32 $0xFFFFE000  }
0x99: {  	_ =	swait.ge [sflag:s26], $0x2000  }
0x9a: {  	[sflag:s26] =	ssyncset.done $0x0  }
0x9b: {  	[sflag:s26] =	ssyncadd.s32 $0xFFFFE000  }
0x9c: {  	_ =	swait.ge [sflag:s20], $0x2000  }
0x9d: {  	s28 =	sadd.s32 $0x1, s28;
	[sflag:s20] =	ssyncset.done $0x0  }
0x9e: {  	p0 =	sne.s32 s28, s14;
	s30 =	sor.u32 $0x1C05, s9;
	[sflag:s20] =	ssyncadd.s32 $0xFFFFE000  }
.Ltmp3:
0x9f: {  	s31 =	sshrl.u32 s11, $0x3;
	[bflag:$0x0] =	sbarrier.arrive $0xFFFF;
	(pc) =	sbr.rel @p0 .LBB2_1-.Ltmp3, $4  }
0xa0: {  	[hbm:s13], [sflag:s30] =	dma.local [spmem:s31], $0x9E0  }
0xa1: {  	_ =	swait.ge [sflag:s18], $0x9E0  }
0xa2: {  	[sflag:s18] =	ssyncset.done $0x0  }
0xa3: {  	[sflag:s18] =	ssyncadd.s32 $0xFFFFF620  }
0xa4: {  	_ =	sfence.sel $0x180000  }
0xa5: {  	[bflag:$0x0] =	sbarrier.arrive $0xFFFF  }
0xa6: {  	_ =	strace $0x90000056  }
0xa7: {  	s0 =	stileid.u32;
	[bflag:$0x2] =	sbarrier.arrive $0xFFFF  }
0xa8: {  	p0 =	sne.s32 s0, $0x0;
	s0 =	rddreg [dreg:$0x3]  }
0xa9: {  	s0 =	sadd.s32 @!p0 $0x100000, s0  }
0xaa: {  	[sflag:s0] =	ssyncadd.tile.s32 @!p0 $0x1;
	_ =	shalt  }
.Lfunc_end2:
_tile_overlayer_lowered:
.L_overlay_start_2:
0xab: {  	(tag) =	ssettag $0x2  }
0xac: {  	s0 =	rddreg [dreg:$0x0];
	s2 =	stileid.u32  }
0xad: {  	s1 =	rddreg [dreg:$0x1];
	p0 =	sne.s32 s2, $0x0  }
0xae: {  	s3 =	rddreg [dreg:$0x2];
	[bflag:$0x3] =	sbarrier.arrive $0xFFFF;
	s2 =	simm.s32 @!p0 $0x1C05  }
0xaf: {  	[timem:s3], [sflag:s2] =	dma.local @!p0 [hbm:s0], s1  }
0xb0: {  	s0 =	simm.s32 @!p0 $0x5  }
0xb1: {  	_ =	swait.ge @!p0 [sflag:s0], s1  }
0xb2: {  	s1 =	ssub.s32 @!p0 $0x0, s1;
	[sflag:s0] =	ssyncset.done @!p0 $0x0  }
0xb3: {  	[sflag:s0] =	ssyncadd.s32 @!p0 s1  }
0xb4: {  	[bflag:$0x3] =	sbarrier.arrive $0xFFFF  }
0xb5: {  	_ =	shalt  }

// kernel: kernel.34.cloned.1.call-start
scs
__scs_entry_jumppad:
0x0: {  	(pc) =	sbr.rel $0x88, $3  }
0x1: {  	(tag) =	ssettag $0x0;
	lr =	simm.s32 $0x1  }
0x2: {  	[smem:$0x3F91] =	sst lr;
	_ =	strace $0xD0000000  }
0x3: {  	_ = 	snop  }
0x4: {  	_ = 	snop  }
0x5: {  	_ = 	snop  }
0x6: {  	_ = 	snop  }
0x7: {  	_ = 	snop  }
__scs_overlays_trampoline_lowered:
0x8: {  	[smem:$0x3FA0] =	sst s0  }
0x9: {  	[smem:$0x3FA1] =	sst s1  }
0xa: {  	[smem:$0x3FA2] =	sst s2  }
0xb: {  	[smem:$0x3FA3] =	sst s3  }
0xc: {  	[smem:$0x3FA4] =	sst s4  }
0xd: {  	[smem:$0x3FA5] =	sst s5  }
0xe: {  	[smem:$0x3FA6] =	sst s6  }
0xf: {  	[smem:$0x3FA7] =	sst s7  }
0x10: {  	[smem:$0x3FA8] =	sst s8  }
0x11: {  	[smem:$0x3FA9] =	sst s9;
	s0 =	simm.s32 @!p0 $0x0  }
0x12: {  	s1 =	sld [smem:$0x3F8F];
	s0 =	simm.s32 @p0 $0x1  }
0x13: {  	[smem:$0x3FAA] =	sst s0;
	s0 =	simm.s32 @!p1 $0x0  }
0x14: {  	s2 =	sld [smem:$0x3F8E];
	s0 =	simm.s32 @p1 $0x1  }
0x15: {  	[smem:$0x3FAB] =	sst s0;
	s0 =	simm.s32 @!p2 $0x0  }
0x16: {  	s3 =	sld [smem:$0x3FDB];
	s0 =	simm.s32 @p2 $0x1  }
0x17: {  	s4 =	simm.s32 $0x1BF5;
	[smem:$0x3FAD] =	sst s0  }
0x18: {  	s0 =	sld [smem:$0x3F90];
	_ =	swait.ge [sflag:s4], $0x0  }
0x19: {  	s7 =	sld [smem:$0x3F91]  }
0x1a: {  	s8 =	sadd.s32 $0xFFFFE003, lr  }
0x1b: {  	s9 =	sadd.s32 $0xFFFFFEF7, lr;
	s5 =	simm.s32 $0xFFFFFFFF;
	p2 =	slt.u32 s8, $0xFFFFF086  }
0x1c: {  	p1 =	slt.u32 s9, $0xF7A;
	s5 =	simm.s32 @!p2 $0x0  }
0x1d: {  	s5 =	simm.s32 @p1 $0x1;
	p0 =	seq.s32 s7, s2  }
0x1e: {  	s7 =	smul.u32 @!p0 $0xF7A, s2;
	p2 =	seq.s32 @!p0 s5, $0x0  }
0x1f: {  	s9 =	smul.u32 $0xF7A, s1;
	s8 =	simm.s32 @!p0 $0x1BF5;
	p2 =	por !p2, p0  }
0x20: {  	[sflag:s8] =	ssyncset.s32 @!p0 $0xFFFFF086;
	s6 =	sadd.s32 @!p0 s3, s7;
	s7 =	simm.s32 @!p0 $0x108  }
0x21: {  	s3 =	sadd.s32 s3, s9;
	s6 =	sadd.s32 @!p0 $0x88, s6;
	s7 =	simm.s32 @p2 $0x1082  }
0x22: {  	[simem:s7], [sflag:s8] =	dma.local @!p0 [hbm:s6], $0xF7A  }
0x23: {  	s9 =	sor.u32 $0xD0000000, s2;
	s6 =	simm.s32 $0x108;
	_ =	swait.ge @!p0 [sflag:s8], $0x0  }
0x24: {  	s3 =	sadd.s32 $0x88, s3;
	s6 =	simm.s32 @!p1 $0x1082;
	[sflag:s4] =	ssyncset.s32 $0xFFFFF086  }
0x25: {  	[simem:s6], [sflag:s4] =	dma.local [hbm:s3], $0xF7A  }
0x26: {  	[smem:$0x3F91] =	sst s1;
	(tag) =	ssettag s2;
	_ =	strace s9  }
0x27: {  	s1 =	sld [smem:$0x3FA1]  }
0x28: {  	s2 =	sld [smem:$0x3FA2]  }
0x29: {  	s4 =	sld [smem:$0x3FA4]  }
0x2a: {  	p0 =	seq.s32 s5, $0x0;
	s5 =	sld [smem:$0x3FA5]  }
0x2b: {  	s6 =	sld [smem:$0x3FA6]  }
0x2c: {  	s7 =	sld [smem:$0x3FA7]  }
0x2d: {  	s3 =	simm.s32 $0x108;
	s8 =	sld [smem:$0x3FA8]  }
0x2e: {  	s3 =	simm.s32 @!p0 $0x1082;
	s9 =	sld [smem:$0x3FA9]  }
0x2f: {  	lr =	sadd.s32 s0, s3;
	s0 =	sld [smem:$0x3FA0]  }
0x30: {  	s3 =	sld [smem:$0x3FA3]  }
0x31: {  	[smem:$0x3FAC] =	sst s10  }
0x32: {  	s10 =	sld [smem:$0x3FAA];
	_ =	sdelay $0x3  }
0x33: {  	p0 =	seq.s32 s10, $0x1;
	s10 =	sld [smem:$0x3FAC];
	_ =	sdelay $0x3  }
0x34: {  	[smem:$0x3FAC] =	sst s10  }
0x35: {  	s10 =	sld [smem:$0x3FAB];
	_ =	sdelay $0x3  }
0x36: {  	p1 =	seq.s32 s10, $0x1;
	s10 =	sld [smem:$0x3FAC];
	_ =	sdelay $0x3  }
0x37: {  	[smem:$0x3FAC] =	sst s10  }
0x38: {  	s10 =	sld [smem:$0x3FAD]  }
0x39: {  	_ = 	snop;
	(pc) =	sbr.ind lr, $3  }
0x3a: {  	_ = 	snop  }
0x3b: {  	_ = 	snop  }
0x3c: {  	p2 =	seq.s32 s10, $0x1;
	s10 =	sld [smem:$0x3FAC]  }
0x3d: {  	_ =	shalt  }
0x3e: {  	_ =	shalt  }
0x3f: {  	_ =	shalt  }
0x40: {  	_ =	shalt  }
0x41: {  	_ =	shalt  }
0x42: {  	_ =	shalt  }
0x43: {  	_ =	shalt  }
0x44: {  	_ =	shalt  }
0x45: {  	_ =	shalt  }
0x46: {  	_ =	shalt  }
0x47: {  	_ =	shalt  }
0x48: {  	_ =	shalt  }
0x49: {  	_ =	shalt  }
0x4a: {  	_ =	shalt  }
0x4b: {  	_ =	shalt  }
0x4c: {  	_ =	shalt  }
0x4d: {  	_ =	shalt  }
0x4e: {  	_ =	shalt  }
0x4f: {  	_ =	shalt  }
0x50: {  	_ =	shalt  }
0x51: {  	_ =	shalt  }
0x52: {  	_ =	shalt  }
0x53: {  	_ =	shalt  }
0x54: {  	_ =	shalt  }
0x55: {  	_ =	shalt  }
0x56: {  	_ =	shalt  }
0x57: {  	_ =	shalt  }
0x58: {  	_ =	shalt  }
0x59: {  	_ =	shalt  }
0x5a: {  	_ =	shalt  }
0x5b: {  	_ =	shalt  }
0x5c: {  	_ =	shalt  }
0x5d: {  	_ =	shalt  }
0x5e: {  	_ =	shalt  }
0x5f: {  	_ =	shalt  }
0x60: {  	_ =	shalt  }
0x61: {  	_ =	shalt  }
0x62: {  	_ =	shalt  }
0x63: {  	_ =	shalt  }
0x64: {  	_ =	shalt  }
0x65: {  	_ =	shalt  }
0x66: {  	_ =	shalt  }
0x67: {  	_ =	shalt  }
0x68: {  	_ =	shalt  }
0x69: {  	_ =	shalt  }
0x6a: {  	_ =	shalt  }
0x6b: {  	_ =	shalt  }
0x6c: {  	_ =	shalt  }
0x6d: {  	_ =	shalt  }
0x6e: {  	_ =	shalt  }
0x6f: {  	_ =	shalt  }
0x70: {  	_ =	shalt  }
0x71: {  	_ =	shalt  }
0x72: {  	_ =	shalt  }
0x73: {  	_ =	shalt  }
0x74: {  	_ =	shalt  }
0x75: {  	_ =	shalt  }
0x76: {  	_ =	shalt  }
0x77: {  	_ =	shalt  }
0x78: {  	_ =	shalt  }
0x79: {  	_ =	shalt  }
0x7a: {  	_ =	shalt  }
0x7b: {  	_ =	shalt  }
0x7c: {  	_ =	shalt  }
0x7d: {  	_ =	shalt  }
0x7e: {  	_ =	shalt  }
0x7f: {  	_ =	shalt  }
0x80: {  	_ =	shalt  }
0x81: {  	_ =	shalt  }
0x82: {  	_ =	shalt  }
0x83: {  	_ =	shalt  }
0x84: {  	_ =	shalt  }
0x85: {  	_ =	shalt  }
0x86: {  	_ =	shalt  }
0x87: {  	_ =	shalt  }
.Lfunc_end0:
.L_simem_size_0:
called_computation.6_lowered:
.L_overlay_start_0:
0x88: {  	s2 =	sld [smem:$0x3FD9]  }
0x89: {  	s3 =	sld [smem:$0x3FFE];
	_ =	sdelay $0x1  }
0x8a: {  	s1 =	srdreg.scid  }
0x8b: {  	s0 =	sand.u32 $0x1, s1  }
0x8c: {  	s16 =	sshll.u32 s0, $0xA;
	s2 =	sadd.s32 s3, s2  }
0x8d: {  	s2 =	sadd.s32 s2, s16  }
0x8e: {  	[smem:$0x3FB8] =	sst s2  }
0x8f: {  	_ = 	snop  }
0x90: {  	(tm) =	ssettm $0x1  }
0x91: {  	s17 =	sld [smem:$0x3FFB];
	_ =	sdelay $0x3  }
0x92: {  	_ =	strace s17  }
0x93: {  	s2 =	sld [smem:$0x3FFC];
	_ =	sdelay $0x3  }
0x94: {  	_ =	strace s2  }
0x95: {  	s2 =	sld [smem:$0x3FFD];
	_ =	sdelay $0x3  }
0x96: {  	_ =	strace s2  }
0x97: {  	_ =	strace $0x8FFFFFFF  }
0x98: {  	s18 =	sld [smem:$0x3FDB];
	_ =	sdelay $0x1  }
0x99: {  	s19 =	simm.s32 $_scs_section_size  }
0x9a: {  	s4 =	simm.s32 $_size__tile_overlayer_lowered;
	s5 =	simm.s32 $_tile_overlayer_lowered  }
0x9b: {  	s22 =	simm.s32 $0x1BFF;
	s21 =	sshll.u32 s5, $0x1;
	s2 =	sadd.s32 s19, s18  }
0x9c: {  	s6 =	simm.s32 $0x0;
	s20 =	sshll.u32 s4, $0x1;
	s4 =	sadd.s32 s21, s2  }
0x9d: {  	[timem:s6], [sflag:s22] =	dma.local [hbm:s4], s20  }
0x9e: {  	_ =	swait.ge [sflag:s22], s20  }
0x9f: {  	s3 =	ssub.s32 $0x0, s20;
	[sflag:s22] =	ssyncset.done $0x0  }
0xa0: {  	[sflag:s22] =	ssyncadd.s32 s3;
	_ =	sdelay $0x1  }
0xa1: {  	s23 =	simm.s32 $0x1B8B  }
0xa2: {  	_ =	swait.ge [sflag:s23], $0x1  }
0xa3: {  	[sflag:s23] =	ssyncset.done $0x0  }
0xa4: {  	s25 =	simm.s32 $0x1B8E;
	s24 =	sld [smem:$0x3FFE];
	[sflag:s23] =	ssyncadd.s32 $0xFFFFFFFF  }
0xa5: {  	s26 =	simm.s32 $execute0_lowered;
	[smem:$0x3FD2] =	sst s25  }
0xa6: {  	s4 =	sshll.u32 s26, $0x1;
	_ =	strace $0x80000058;
	[dreg:$0x1] =	wrdreg $0xFFFFFFFF  }
0xa7: {  	s28 =	simm.s32 $_size_execute0_lowered;
	s2 =	sadd.s32 s2, s4;
	[dreg:$0x0] =	wrdreg $0x0  }
0xa8: {  	s4 =	sshll.u32 s28, $0x1;
	[dreg:$0x2] =	wrdreg s2  }
0xa9: {  	[dreg:$0x3] =	wrdreg s4  }
0xaa: {  	[dreg:$0x4] =	wrdreg $0xC0  }
0xab: {  	_ =	task [dreg:s6], $0x5FFFF  }
0xac: {  	[dreg:$0x1] =	wrdreg $0xFFFFFFFF  }
0xad: {  	[dreg:$0x0] =	wrdreg $0x60  }
0xae: {  	[dreg:$0x2] =	wrdreg s24  }
0xaf: {  	[dreg:$0x3] =	wrdreg $0xD0000  }
0xb0: {  	[dreg:$0x4] =	wrdreg $0x11F000  }
0xb1: {  	[dreg:$0x5] =	wrdreg $0x9  }
0xb2: {  	_ =	task.clear_ibuf [dreg:s6], $0x6FFFF;
	_ =	strace $0x90000058  }
0xb3: {  	s29 =	simm.s32 $0x9;
	_ =	strace $0x8000005A  }
0xb4: {  	_ =	swait.ge [sflag:s29], $0x1  }
0xb5: {  	[sflag:s29] =	ssyncadd.s32 $0xFFFFFFFF  }
0xb6: {  	_ =	strace $0x9000005A  }
0xb7: {  	_ =	sfence  }
0xb8: {  	s30 =	sld [smem:$0x0];
	_ =	sdelay $0x2  }
0xb9: {  	s31 =	sshll.u32 s1, $0xD;
	s1 =	sshrl.u32 s1, $0x2  }
0xba: {  	s3 =	sand.u32 $0x4000, s31;
	s1 =	sadd.s32 s1, s30  }
0xbb: {  	s0 =	sor.u32 s3, s0;
	s1 =	sshll.u32 s1, $0x11  }
0xbc: {  	s0 =	sor.u32 s1, s0  }
0xbd: {  	s0 =	sadd.s32 $0x8F2B, s0  }
0xbe: {  	[sflag:s0] =	ssyncadd.remote.s32 $0x1  }
0xbf: {  	_ =	sfence.sel $0xFFFF  }
0xc0: {  	[dreg:$0x0] =	wrdreg $0xFFFFFFFF;
	(pc) =	sbr.abs _section_cstart, $3  }
0xc1: {  	[dreg:$0x1] =	wrdreg $0xFFFFFFFF  }
0xc2: {  	_ =	task.clear_ibuf [dreg:s6], $0x2FFFF;
	_ =	strace $0x9FFFFFFF  }
0xc3: {  	(tm) =	ssettm $0x7FFFFFFF  }
tec
execute0_lowered:
.L_overlay_start_1:
0x0: {  	(tag) =	ssettag $0x1  }
0x1: {  	s6 =	rddreg [dreg:$0x0]  }
0x2: {  	s2 =	rddreg [dreg:$0x1];
	s0 =	srdreg.scid  }
0x3: {  	s3 =	rddreg [dreg:$0x2];
	s1 =	stileid.u32;
	s4 =	simm.s32 $0x0  }
0x4: {  	s17 =	simm.s32 $0x5000;
	s18 =	simm.s32 $0x5;
	s19 =	simm.s32 $0x9000  }
0x5: {  	s20 =	simm.s32 $0x1;
	s21 =	simm.s32 $0x2;
	s22 =	simm.s32 $0x100  }
0x6: {  	s23 =	simm.s32 $0x7000;
	s24 =	simm.s32 $0xB000;
	s25 =	simm.s32 $0x3  }
0x7: {  	s26 =	simm.s32 $0x4;
	s28 =	simm.s32 $0x0;
	s11 =	smul.u32 $0x4F00, s1  }
0x8: {  	s7 =	sand.u32 $0x1, s0;
	[smem:$0x7FF] =	sst s4;
	s30 =	smul.u32 $0x13C00, s1  }
0x9: {  	s5 =	sshll.u32 s7, $0x4;
	s8 =	smul.u32 $0x4F000, s7;
	s7 =	ssub.s32 $0x2, s7  }
0xa: {  	_ =	strace $0x80000059;
	s5 =	sor.u32 s1, s5;
	s29 =	sshrl.u32 s7, $0x1  }
0xb: {  	s16 =	sadd.s32 s11, s2;
	s31 =	sshrl.u32 s11, $0x3;
	s10 =	sshrl.u32 s30, $0x2  }
0xc: {  	s9 =	smul.u32 $0x500, s5;
	s5 =	sadd.s32 $0xE600, s6;
	s8 =	sadd.s32 s11, s8  }
0xd: {  	s14 =	ssub.s32 s7, s29;
	s12 =	sadd.s32 s10, s3;
	s11 =	sadd.s32 s11, s3  }
0xe: {  	s16 =	sshrl.u32 s16, $0x3;
	s8 =	sshrl.u32 s8, $0x3;
	s12 =	sadd.s32 $0x4000, s12  }
0xf: {  	s14 =	smax.u32 s14, $0x1;
	s9 =	sadd.s32 s9, s6;
	s13 =	sadd.s32 s8, s6  }
0x10: {  	s6 =	sadd.s32 $0x18400, s9;
	s7 =	sadd.s32 $0x4600, s9;
	s9 =	sshll.u32 s1, $0x6  }
0x11: {  	v0 =	vimm.f32 $0.0e+00;
	s8 =	sadd.s32 s5, s31;
	s13 =	sadd.s32 $0x22400, s13;
	s10 =	sor.u32 $0x1C02, s9  }
.LBB2_1:
0x12: {  	[tilespmem:s4], [sflag:$0x1] =	stream.linear.gather [hbm4b:s6+s4], $0x2800, $0x38;
	[tilespmem:$0x16E00] =	vst v63  }
0x13: {  	s0 =	simm.s32 $0x2800;
	s29 =	simm.s32 $0x0  }
0x14: {  	[tilespmem:s0], [sflag:$0x1] =	stream.linear.gather [hbm4b:s7+s4], $0x2800, $0x38;
	[tilespmem:$0x16E00] =	vst v63  }
0x15: {  	[spmem:s16], [sflag:s10] =	dma.local [hbm:s8], $0x9E0  }
.LBB2_2:
0x16: {  	p0 =	sne.s32 s29, $0xFF80  }
.Ltmp0:
0x17: {  	_ = 	snop;
	(pc) =	sbr.rel @p0 .LBB2_2-.Ltmp0, $4  }
0x18: {  	_ = 	snop  }
0x19: {  	s30 =	sshra.s32 s29, $0x2  }
0x1a: {  	[tilespmem:s30+$0x5000] =	vst v0  }
0x1b: {  	s29 =	sadd.s32 $0x80, s29;
	[tilespmem:s30+$0x5010] =	vst v0  }
0x1c: {  	s29 =	simm.s32 $0x80;
	s30 =	simm.s32 $0x0  }
.LBB2_4:
0x1d: {  	p0 =	sne.s32 s29, $0x3B80;
	[tilespmem:s30+$0x9000] =	vst v0;
	s31 =	smov.u32 s29;
	s29 =	sadd.s32 $0x80, s29  }
.Ltmp1:
0x1e: {  	[tilespmem:s30+$0x9010] =	vst v0;
	(pc) =	sbr.rel @p0 .LBB2_4-.Ltmp1, $2  }
0x1f: {  	_ =	sdelay $0x2  }
0x20: {  	s30 =	sshra.s32 s31, $0x2  }
0x21: {  	[tilespmem:s30+$0x9000] =	vst v0  }
0x22: {  	[tilespmem:s30+$0x9010] =	vst v0  }
0x23: {  	[spmem:s11] =	stream.linear.scatter [tilespmem:s17], [sflag:$0x5], $0x4000, $0x38;
	[tilespmem:$0x16E00] =	vst v63  }
0x24: {  	_ =	swait.ge [sflag:s18], $0x4000  }
0x25: {  	[sflag:s18] =	ssyncset.done $0x0  }
0x26: {  	[sflag:s18] =	ssyncadd.s32 $0xFFFFC000  }
0x27: {  	[spmem:s12] =	stream.linear.scatter [tilespmem:s19], [sflag:$0x5], $0xF00, $0x38;
	[tilespmem:$0x16E00] =	vst v63  }
0x28: {  	_ =	swait.ge [sflag:s18], $0xF00  }
0x29: {  	[sflag:s18] =	ssyncset.done $0x0  }
0x2a: {  	[sflag:s18] =	ssyncadd.s32 $0xFFFFF100  }
0x2b: {  	_ =	swait.ge [sflag:s20], $0x2800  }
0x2c: {  	[sflag:s20] =	ssyncset.done $0x0  }
0x2d: {  	[sflag:s20] =	ssyncadd.s32 $0xFFFFD800  }
0x2e: {  	_ =	swait.ge [sflag:s20], $0x2800  }
0x2f: {  	[sflag:s20] =	ssyncset.done $0x0  }
0x30: {  	[sflag:s20] =	ssyncadd.s32 $0xFFFFD800  }
0x31: {  	_ =	swait.ge [sflag:s21], $0x9E0  }
0x32: {  	[sflag:s21] =	ssyncset.done $0x0  }
0x33: {  	[sflag:s21] =	ssyncadd.s32 $0xFFFFF620  }
0x34: {  	s29 =	simm.s32 $0x0;
	[bflag:$0x0] =	sbarrier.arrive $0xFFFF  }
0x35: {  	[tilespmem:s17], [sflag:$0x1] =	stream.indirect.gather [hbm4b:s5+s22], $0x20, s29, s22, $0xb8;
	[tilespmem:$0x16E00] =	vst v63  }
0x36: {  	s29 =	simm.s32 $0xA00  }
0x37: {  	[tilespmem:s23], [sflag:$0x2] =	stream.indirect.gather [spmem:s2], $0x20, s29, s22, $0xb8;
	[tilespmem:$0x16E00] =	vst v63  }
0x38: {  	s29 =	simm.s32 $0xB00  }
0x39: {  	[tilespmem:s19], [sflag:$0x3] =	stream.indirect.gather [spmem:s2], $0x20, s29, s22, $0xb8;
	[tilespmem:$0x16E00] =	vst v63  }
0x3a: {  	s29 =	simm.s32 $0xC00  }
0x3b: {  	[tilespmem:s24], [sflag:$0x4] =	stream.indirect.gather [spmem:s2], $0x20, s29, s22, $0xb8;
	[tilespmem:$0x16E00] =	vst v63  }
0x3c: {  	_ =	swait.ge [sflag:s21], $0x2000  }
0x3d: {  	[sflag:s21] =	ssyncset.done $0x0  }
0x3e: {  	s29 =	simm.s32 $0x3200;
	[sflag:s21] =	ssyncadd.s32 $0xFFFFE000  }
0x3f: {  	[spmem:s3] =	stream.indirect.scatter.add.f32 [tilespmem:s23], [sflag:$0x2], $0x20, s29, s22, $0xb8;
	[tilespmem:$0x16E00] =	vst v63  }
0x40: {  	_ =	swait.ge [sflag:s25], $0x2000  }
0x41: {  	[sflag:s25] =	ssyncset.done $0x0  }
0x42: {  	s29 =	simm.s32 $0x3300;
	[sflag:s25] =	ssyncadd.s32 $0xFFFFE000  }
0x43: {  	[spmem:s3] =	stream.indirect.scatter.add.f32 [tilespmem:s19], [sflag:$0x3], $0x20, s29, s22, $0xb8;
	[tilespmem:$0x16E00] =	vst v63  }
0x44: {  	_ =	swait.ge [sflag:s26], $0x2000  }
0x45: {  	[sflag:s26] =	ssyncset.done $0x0  }
0x46: {  	s29 =	simm.s32 $0x3400;
	[sflag:s26] =	ssyncadd.s32 $0xFFFFE000  }
0x47: {  	[spmem:s3] =	stream.indirect.scatter.add.f32 [tilespmem:s24], [sflag:$0x4], $0x20, s29, s22, $0xb8;
	[tilespmem:$0x16E00] =	vst v63  }
0x48: {  	_ =	swait.ge [sflag:s20], $0x2000  }
0x49: {  	[sflag:s20] =	ssyncset.done $0x0  }
0x4a: {  	s29 =	simm.s32 $0x2800;
	[sflag:s20] =	ssyncadd.s32 $0xFFFFE000  }
0x4b: {  	[spmem:s3] =	stream.indirect.scatter.add.f32 [tilespmem:s17], [sflag:$0x1], $0x20, s29, s22, $0xb8;
	[tilespmem:$0x16E00] =	vst v63  }
0x4c: {  	_ =	swait.ge [sflag:s21], $0x2000  }
0x4d: {  	[sflag:s21] =	ssyncset.done $0x0  }
0x4e: {  	[sflag:s21] =	ssyncadd.s32 $0xFFFFE000  }
0x4f: {  	_ =	swait.ge [sflag:s25], $0x2000  }
0x50: {  	[sflag:s25] =	ssyncset.done $0x0  }
0x51: {  	[sflag:s25] =	ssyncadd.s32 $0xFFFFE000  }
0x52: {  	_ =	swait.ge [sflag:s26], $0x2000  }
0x53: {  	[sflag:s26] =	ssyncset.done $0x0  }
0x54: {  	[sflag:s26] =	ssyncadd.s32 $0xFFFFE000  }
0x55: {  	s30 =	simm.s32 $0x1800;
	_ =	swait.ge [sflag:s20], $0x2000  }
0x56: {  	s31 =	simm.s32 $0x400;
	s29 =	simm.s32 $0xC00;
	[sflag:s20] =	ssyncset.done $0x0  }
.LBB2_6:
0x57: {  	s0 =	sshra.s32 s31, $0x2  }
0x58: {  	s1 =	sshra.s32 s29, $0x2;
	[sflag:s20] =	ssyncadd.s32 $0xFFFFE000;
	s29 =	smov.u32 s30  }
0x59: {  	[tilespmem:s17], [sflag:$0x1] =	stream.indirect.gather [hbm4b:s5+s22], $0x20, s0, s22, $0xb8;
	[tilespmem:$0x16E00] =	vst v63  }
0x5a: {  	p0 =	sne.s32 s30, $0x6C00;
	s30 =	sadd.s32 $0xC00, s30;
	s15 =	sadd.s32 $0xA00, s1  }
0x5b: {  	[tilespmem:s23], [sflag:$0x2] =	stream.indirect.gather [spmem:s2], $0x20, s15, s22, $0xb8;
	[tilespmem:$0x16E00] =	vst v63  }
0x5c: {  	s15 =	sadd.s32 $0xB00, s1  }
0x5d: {  	[tilespmem:s19], [sflag:$0x3] =	stream.indirect.gather [spmem:s2], $0x20, s15, s22, $0xb8;
	[tilespmem:$0x16E00] =	vst v63  }
0x5e: {  	s15 =	sadd.s32 $0xC00, s1  }
0x5f: {  	[tilespmem:s24], [sflag:$0x4] =	stream.indirect.gather [spmem:s2], $0x20, s15, s22, $0xb8;
	[tilespmem:$0x16E00] =	vst v63  }
0x60: {  	_ =	swait.ge [sflag:s21], $0x2000  }
0x61: {  	[sflag:s21] =	ssyncset.done $0x0  }
0x62: {  	s15 =	sadd.s32 $0x3200, s1;
	[sflag:s21] =	ssyncadd.s32 $0xFFFFE000  }
0x63: {  	[spmem:s3] =	stream.indirect.scatter.add.f32 [tilespmem:s23], [sflag:$0x2], $0x20, s15, s22, $0xb8;
	[tilespmem:$0x16E00] =	vst v63  }
0x64: {  	_ =	swait.ge [sflag:s25], $0x2000  }
0x65: {  	[sflag:s25] =	ssyncset.done $0x0  }
0x66: {  	s15 =	sadd.s32 $0x3300, s1;
	[sflag:s25] =	ssyncadd.s32 $0xFFFFE000  }
0x67: {  	[spmem:s3] =	stream.indirect.scatter.add.f32 [tilespmem:s19], [sflag:$0x3], $0x20, s15, s22, $0xb8;
	[tilespmem:$0x16E00] =	vst v63  }
0x68: {  	_ =	swait.ge [sflag:s26], $0x2000  }
0x69: {  	[sflag:s26] =	ssyncset.done $0x0  }
0x6a: {  	s1 =	sadd.s32 $0x3400, s1;
	[sflag:s26] =	ssyncadd.s32 $0xFFFFE000  }
0x6b: {  	[spmem:s3] =	stream.indirect.scatter.add.f32 [tilespmem:s24], [sflag:$0x4], $0x20, s1, s22, $0xb8;
	[tilespmem:$0x16E00] =	vst v63  }
0x6c: {  	_ =	swait.ge [sflag:s20], $0x2000  }
0x6d: {  	[sflag:s20] =	ssyncset.done $0x0  }
0x6e: {  	s0 =	sadd.s32 $0x2800, s0;
	[sflag:s20] =	ssyncadd.s32 $0xFFFFE000  }
0x6f: {  	[spmem:s3] =	stream.indirect.scatter.add.f32 [tilespmem:s17], [sflag:$0x1], $0x20, s0, s22, $0xb8;
	[tilespmem:$0x16E00] =	vst v63  }
0x70: {  	_ =	swait.ge [sflag:s21], $0x2000  }
0x71: {  	[sflag:s21] =	ssyncset.done $0x0  }
0x72: {  	[sflag:s21] =	ssyncadd.s32 $0xFFFFE000  }
0x73: {  	_ =	swait.ge [sflag:s25], $0x2000  }
0x74: {  	[sflag:s25] =	ssyncset.done $0x0  }
0x75: {  	[sflag:s25] =	ssyncadd.s32 $0xFFFFE000  }
.Ltmp2:
0x76: {  	_ =	swait.ge [sflag:s26], $0x2000;
	(pc) =	sbr.rel @p0 .LBB2_6-.Ltmp2, $4  }
0x77: {  	[sflag:s26] =	ssyncset.done $0x0  }
0x78: {  	[sflag:s26] =	ssyncadd.s32 $0xFFFFE000  }
0x79: {  	_ =	swait.ge [sflag:s20], $0x2000  }
0x7a: {  	s31 =	sadd.s32 $0x400, s31;
	[sflag:s20] =	ssyncset.done $0x0  }
0x7b: {  	s0 =	sshra.s32 s31, $0x2;
	s1 =	sshra.s32 s29, $0x2;
	[sflag:s20] =	ssyncadd.s32 $0xFFFFE000  }
0x7c: {  	[tilespmem:s17], [sflag:$0x1] =	stream.indirect.gather [hbm4b:s5+s22], $0x20, s0, s22, $0xb8;
	[tilespmem:$0x16E00] =	vst v63  }
0x7d: {  	s15 =	sadd.s32 $0xA00, s1  }
0x7e: {  	[tilespmem:s23], [sflag:$0x2] =	stream.indirect.gather [spmem:s2], $0x20, s15, s22, $0xb8;
	[tilespmem:$0x16E00] =	vst v63  }
0x7f: {  	s29 =	sadd.s32 $0xB00, s1  }
0x80: {  	[tilespmem:s19], [sflag:$0x3] =	stream.indirect.gather [spmem:s2], $0x20, s29, s22, $0xb8;
	[tilespmem:$0x16E00] =	vst v63  }
0x81: {  	s30 =	sadd.s32 $0xC00, s1  }
0x82: {  	[tilespmem:s24], [sflag:$0x4] =	stream.indirect.gather [spmem:s2], $0x20, s30, s22, $0xb8;
	[tilespmem:$0x16E00] =	vst v63  }
0x83: {  	_ =	swait.ge [sflag:s21], $0x2000  }
0x84: {  	[sflag:s21] =	ssyncset.done $0x0  }
0x85: {  	s31 =	sadd.s32 $0x3200, s1;
	[sflag:s21] =	ssyncadd.s32 $0xFFFFE000  }
0x86: {  	[spmem:s3] =	stream.indirect.scatter.add.f32 [tilespmem:s23], [sflag:$0x2], $0x20, s31, s22, $0xb8;
	[tilespmem:$0x16E00] =	vst v63  }
0x87: {  	_ =	swait.ge [sflag:s25], $0x2000  }
0x88: {  	[sflag:s25] =	ssyncset.done $0x0  }
0x89: {  	s29 =	sadd.s32 $0x3300, s1;
	[sflag:s25] =	ssyncadd.s32 $0xFFFFE000  }
0x8a: {  	[spmem:s3] =	stream.indirect.scatter.add.f32 [tilespmem:s19], [sflag:$0x3], $0x20, s29, s22, $0xb8;
	[tilespmem:$0x16E00] =	vst v63  }
0x8b: {  	_ =	swait.ge [sflag:s26], $0x2000  }
0x8c: {  	[sflag:s26] =	ssyncset.done $0x0  }
0x8d: {  	s1 =	sadd.s32 $0x3400, s1;
	[sflag:s26] =	ssyncadd.s32 $0xFFFFE000  }
0x8e: {  	[spmem:s3] =	stream.indirect.scatter.add.f32 [tilespmem:s24], [sflag:$0x4], $0x20, s1, s22, $0xb8;
	[tilespmem:$0x16E00] =	vst v63  }
0x8f: {  	_ =	swait.ge [sflag:s20], $0x2000  }
0x90: {  	[sflag:s20] =	ssyncset.done $0x0  }
0x91: {  	s0 =	sadd.s32 $0x2800, s0;
	[sflag:s20] =	ssyncadd.s32 $0xFFFFE000  }
0x92: {  	[spmem:s3] =	stream.indirect.scatter.add.f32 [tilespmem:s17], [sflag:$0x1], $0x20, s0, s22, $0xb8;
	[tilespmem:$0x16E00] =	vst v63  }
0x93: {  	_ =	swait.ge [sflag:s21], $0x2000  }
0x94: {  	[sflag:s21] =	ssyncset.done $0x0  }
0x95: {  	[sflag:s21] =	ssyncadd.s32 $0xFFFFE000  }
0x96: {  	_ =	swait.ge [sflag:s25], $0x2000  }
0x97: {  	[sflag:s25] =	ssyncset.done $0x0  }
0x98: {  	[sflag:s25] =	ssyncadd.s32 $0xFFFFE000  }
0x99: {  	_ =	swait.ge [sflag:s26], $0x2000  }
0x9a: {  	[sflag:s26] =	ssyncset.done $0x0  }
0x9b: {  	[sflag:s26] =	ssyncadd.s32 $0xFFFFE000  }
0x9c: {  	_ =	swait.ge [sflag:s20], $0x2000  }
0x9d: {  	s28 =	sadd.s32 $0x1, s28;
	[sflag:s20] =	ssyncset.done $0x0  }
0x9e: {  	p0 =	sne.s32 s28, s14;
	s30 =	sor.u32 $0x1C05, s9;
	[sflag:s20] =	ssyncadd.s32 $0xFFFFE000  }
.Ltmp3:
0x9f: {  	s31 =	sshrl.u32 s11, $0x3;
	[bflag:$0x0] =	sbarrier.arrive $0xFFFF;
	(pc) =	sbr.rel @p0 .LBB2_1-.Ltmp3, $4  }
0xa0: {  	[hbm:s13], [sflag:s30] =	dma.local [spmem:s31], $0x9E0  }
0xa1: {  	_ =	swait.ge [sflag:s18], $0x9E0  }
0xa2: {  	[sflag:s18] =	ssyncset.done $0x0  }
0xa3: {  	[sflag:s18] =	ssyncadd.s32 $0xFFFFF620  }
0xa4: {  	_ =	sfence.sel $0x180000  }
0xa5: {  	[bflag:$0x0] =	sbarrier.arrive $0xFFFF  }
0xa6: {  	_ =	strace $0x90000059  }
0xa7: {  	s0 =	stileid.u32;
	[bflag:$0x2] =	sbarrier.arrive $0xFFFF  }
0xa8: {  	p0 =	sne.s32 s0, $0x0;
	s0 =	rddreg [dreg:$0x3]  }
0xa9: {  	s0 =	sadd.s32 @!p0 $0x100000, s0  }
0xaa: {  	[sflag:s0] =	ssyncadd.tile.s32 @!p0 $0x1;
	_ =	shalt  }
.Lfunc_end2:
_tile_overlayer_lowered:
.L_overlay_start_2:
0xab: {  	(tag) =	ssettag $0x2  }
0xac: {  	s0 =	rddreg [dreg:$0x0];
	s2 =	stileid.u32  }
0xad: {  	s1 =	rddreg [dreg:$0x1];
	p0 =	sne.s32 s2, $0x0  }
0xae: {  	s3 =	rddreg [dreg:$0x2];
	[bflag:$0x3] =	sbarrier.arrive $0xFFFF;
	s2 =	simm.s32 @!p0 $0x1C05  }
0xaf: {  	[timem:s3], [sflag:s2] =	dma.local @!p0 [hbm:s0], s1  }
0xb0: {  	s0 =	simm.s32 @!p0 $0x5  }
0xb1: {  	_ =	swait.ge @!p0 [sflag:s0], s1  }
0xb2: {  	s1 =	ssub.s32 @!p0 $0x0, s1;
	[sflag:s0] =	ssyncset.done @!p0 $0x0  }
0xb3: {  	[sflag:s0] =	ssyncadd.s32 @!p0 s1  }
0xb4: {  	[bflag:$0x3] =	sbarrier.arrive $0xFFFF  }
0xb5: {  	_ =	shalt  }

</sc_bundles>
